<compile_context>
chip_gen: v7x
topology: tpu7x:2x2x1
jax: 0.10.2.dev20260603
libtpu: 0.0.44.dev20260713+nightly
codegen_flags: <defaults>
</compile_context>

<pallas_src>
import functools

import jax
import jax.numpy as jnp
from jax import lax
from jax.experimental import pallas as pl
from jax.experimental.pallas import tpu as pltpu
from jax.experimental.pallas import tpu_sc as plsc

NUM_ROWS = 128
N = 32768
RANK = 257
NC = 2
NS = 16
L = 16
NW = NC * NS
ROWS_PER_W = NUM_ROWS // NW
NV = N // L
NB = 256
ABS_MASK_I = 0x7FFFFFFF
SIGN_MASK_I = -0x80000000
UNROLL = 8


def _scan_level(hist, sref, r, nb):
    sref[pl.ds(nb, L)] = jnp.zeros((L,), jnp.int32)

    def scan_body(jj, carry):
        run, npos = carry
        j = (nb // L - 1) - jj
        tot = hist[pl.ds(j * L, L)]
        schunk = lax.rev(plsc.cumsum(lax.rev(tot, (0,))), (0,)) + run
        sref[pl.ds(j * L, L)] = schunk
        npos = npos + plsc.all_reduce_population_count(schunk >= r)
        return schunk[0], npos

    _, nposv = lax.fori_loop(
        0, nb // L, scan_body, (jnp.int32(0), jnp.zeros((L,), jnp.int32)))
    bstar = nposv[0] - 1
    s_above = plsc.load_gather(
        sref, [jnp.full((L,), bstar + 1, jnp.int32)])[0]
    return bstar, s_above


def _zero_hist(hist):
    for j in range(NB // L):
        hist[pl.ds(j * L, L)] = jnp.zeros((L,), jnp.int32)


def _row_quantile(data, cand, hist, sref):
    ABS_MASK = jnp.int32(ABS_MASK_I)
    lanes = lax.iota(jnp.int32, L)
    ones = jnp.ones((L,), jnp.int32)

    _zero_hist(hist)

    @plsc.parallel_loop(0, NV, unroll=UNROLL)
    def _(j):
        x = data[pl.ds(j * L, L)]
        b = lax.shift_right_logical(
            plsc.bitcast(x, jnp.int32), jnp.int32(23)) & jnp.int32(0xFF)
        plsc.addupdate_scatter(hist, [b], ones)

    b0, s_above = _scan_level(hist, sref, jnp.int32(RANK), NB)
    r = jnp.int32(RANK) - s_above

    t0 = b0 * jnp.int32(1 << 23)

    @plsc.parallel_loop(0, NV, unroll=UNROLL, carry=lanes)
    def off16(j, off):
        x = data[pl.ds(j * L, L)]
        u = plsc.bitcast(x, jnp.int32) & ABS_MASK
        m_ge = u >= t0
        plsc.store_scatter(cand, [off], u, mask=m_ge)
        return off + jnp.where(m_ge, jnp.int32(L), jnp.int32(0))

    off_vec = lax.shift_right_logical(off16 - lanes, jnp.int32(4))
    jmax = jnp.max(off_vec)

    prefix = b0
    for shift, width in ((15, 8), (7, 8), (0, 7)):
        nb = 1 << width
        _zero_hist(hist)

        @plsc.parallel_loop(0, jmax, unroll=2)
        def _(j, shift=shift, nb=nb, prefix=prefix, r=r):
            u = cand[pl.ds(j * L, L)]
            b = lax.shift_right_logical(u, jnp.int32(shift)) & jnp.int32(nb - 1)
            m = (off_vec > j) & (
                lax.shift_right_logical(u, jnp.int32(shift + width)) == prefix)
            plsc.addupdate_scatter(hist, [b], ones, mask=m)

        bl, s_above = _scan_level(hist, sref, r, nb)
        r = r - s_above
        prefix = prefix * jnp.int32(nb) + bl

    t = prefix

    @plsc.parallel_loop(0, jmax, unroll=2, carry=jnp.full((L,), ABS_MASK))
    def accv(j, acc):
        u = cand[pl.ds(j * L, L)]
        return jnp.minimum(acc, jnp.where((off_vec > j) & (u > t), u, ABS_MASK))

    v256b = jnp.where(r == jnp.int32(1), jnp.min(accv), t)

    v257f = plsc.bitcast(jnp.full((L,), t, jnp.int32), jnp.float32)
    v256f = plsc.bitcast(jnp.full((L,), v256b, jnp.int32), jnp.float32)
    return v257f + jnp.float32(0.0078125) * (v256f - v257f)


def _threshold_row(data, qv):
    ABS_MASK = jnp.int32(ABS_MASK_I)
    SIGN_MASK = jnp.int32(SIGN_MASK_I)

    @plsc.parallel_loop(0, NV, unroll=UNROLL)
    def _(j):
        x = data[pl.ds(j * L, L)]
        bits = plsc.bitcast(x, jnp.int32)
        af = plsc.bitcast(bits & ABS_MASK, jnp.float32)
        d = jnp.maximum(af - qv, jnp.float32(0.0))
        o = plsc.bitcast(d, jnp.int32) | (bits & SIGN_MASK)
        data[pl.ds(j * L, L)] = plsc.bitcast(o, jnp.float32)


def _sc_call(x):
    mesh = plsc.VectorSubcoreMesh(
        core_axis_name="c", subcore_axis_name="s",
        num_cores=NC, num_subcores=NS)

    @functools.partial(
        pl.kernel,
        out_type=jax.ShapeDtypeStruct((NUM_ROWS, N), jnp.float32),
        mesh=mesh,
        compiler_params=pltpu.CompilerParams(needs_layout_passes=False),
        scratch_types=[
            pltpu.VMEM((N,), jnp.float32),
            pltpu.VMEM((N,), jnp.float32),
            pltpu.VMEM((N,), jnp.int32),
            pltpu.VMEM((NB + L,), jnp.int32),
            pltpu.VMEM((NB + L,), jnp.int32),
            pltpu.SemaphoreType.DMA,
            pltpu.SemaphoreType.DMA,
            pltpu.SemaphoreType.DMA,
            pltpu.SemaphoreType.DMA,
        ],
    )
    def k(x_hbm, out_hbm, data0, data1, cand, hist, sref,
          lsem0, lsem1, ssem0, ssem1):
        wid = lax.axis_index("s") * NC + lax.axis_index("c")
        base = wid * ROWS_PER_W
        bufs = (data0, data1)
        lsems = (lsem0, lsem1)
        ssems = (ssem0, ssem1)

        loads = [pltpu.async_copy(x_hbm.at[base], data0, lsem0)]
        stores = [None, None]
        for i in range(ROWS_PER_W):
            cur = i % 2
            nxt = (i + 1) % 2
            if i + 1 < ROWS_PER_W:
                if stores[nxt] is not None:
                    stores[nxt].wait()
                    stores[nxt] = None
                loads.append(pltpu.async_copy(
                    x_hbm.at[base + i + 1], bufs[nxt], lsems[nxt]))
            loads[i].wait()
            data = bufs[cur]
            qv = _row_quantile(data, cand, hist, sref)
            _threshold_row(data, qv)
            stores[cur] = pltpu.async_copy(
                data, out_hbm.at[base + i], ssems[cur])
        for s in stores:
            if s is not None:
                s.wait()

    return k(x)


def kernel(X):
    return _sc_call(X)

# --- scband reference (transcript-rebuilt; emitter-appended) ---
"""Pipeline reference for scband-top-kcont-sparsifier-58394375357263 (READ-ONLY COPY).

The authoritative reference and input builder live on the scoring server;
editing this copy changes nothing except your own understanding.
"""

import jax, jax.numpy as jnp
import numpy as np

NUM_INPUTS = 32768
K = 256


def setup_inputs(seed: int = 0) -> dict:
    key = jax.random.key(seed)
    X = jax.random.normal(key, (128, NUM_INPUTS), dtype=jnp.float32)
    return {"X": X}


def reference(X):
    # Faithful translation of TopKContSparsifier.forward
    X_abs = jnp.abs(X)
    q = 1.0 - K / NUM_INPUTS
    # torch.quantile(dim=1, interpolation='linear') == jnp.quantile(axis=1, method='linear')
    Q = jnp.quantile(X_abs, q, axis=1)
    X_trunc = jnp.maximum(X_abs - Q[:, None], 0.0)
    out = jnp.sign(X) * X_trunc
    return out

if __name__ == "__main__":
    import jax
    _d = setup_inputs()
    print(jax.jit(kernel)(*tuple(_d.values())))

</pallas_src>

<mosaic_0001>
#map = affine_map<(d0, d1) -> (0, 0)>
module attributes {stable_mosaic.version = 14 : i64} {
  func.func @k(%arg0: i32, %arg1: i32, %arg2: memref<128x32768xf32, #tpu.memory_space<hbm>>, %arg3: memref<128x32768xf32, #tpu.memory_space<hbm>>, %arg4: memref<32768xf32, #tpu.memory_space<vmem>>, %arg5: memref<32768xf32, #tpu.memory_space<vmem>>, %arg6: memref<32768xi32, #tpu.memory_space<vmem>>, %arg7: memref<272xi32, #tpu.memory_space<vmem>>, %arg8: memref<272xi32, #tpu.memory_space<vmem>>, %arg9: memref<!tpu.dma_semaphore, #tpu.memory_space<semaphore_mem>>, %arg10: memref<!tpu.dma_semaphore, #tpu.memory_space<semaphore_mem>>, %arg11: memref<!tpu.dma_semaphore, #tpu.memory_space<semaphore_mem>>, %arg12: memref<!tpu.dma_semaphore, #tpu.memory_space<semaphore_mem>>) attributes {dimension_semantics = [#tpu.dimension_semantics<core_parallel>, #tpu.dimension_semantics<subcore_parallel>], iteration_bounds = array<i64: 2, 16>, scalar_prefetch = 0 : i64, scratch_operands = 9 : i64, tpu.core_type = #tpu.core_type<sc_vector_subcore>, window_params = [{transform_indices = #map}, {transform_indices = #map}]} {
    %mul3A = arith.constant 2 : i32
    %mul3A_0 = arith.muli %arg1, %mul3A : i32
    %add3A = arith.addi %mul3A_0, %arg0 : i32
    %mul3A_1 = arith.constant 4 : i32
    %mul3A_2 = arith.muli %add3A, %mul3A_1 : i32
    %dma_start3A = arith.constant 0 : i32
    %dma_start3A_3 = tpu.memref_slice %arg2[%mul3A_2, %dma_start3A] : memref<128x32768xf32, #tpu.memory_space<hbm>> -> memref<1x32768xf32, #tpu.memory_space<hbm>>
    %dma_start3A_4 = tpu.memref_squeeze %dma_start3A_3 : memref<1x32768xf32, #tpu.memory_space<hbm>> -> memref<32768xf32, #tpu.memory_space<hbm>>
    %dma_start3A_5 = arith.constant 0 : i32
    %dma_start3A_6 = tpu.memref_slice %arg2[%mul3A_2, %dma_start3A_5] : memref<128x32768xf32, #tpu.memory_space<hbm>> -> memref<1x32768xf32, #tpu.memory_space<hbm>>
    %dma_start3A_7 = tpu.memref_squeeze %dma_start3A_6 : memref<1x32768xf32, #tpu.memory_space<hbm>> -> memref<32768xf32, #tpu.memory_space<hbm>>
    tpu.enqueue_dma source(%dma_start3A_7 : memref<32768xf32, #tpu.memory_space<hbm>>) target(%arg4 : memref<32768xf32, #tpu.memory_space<vmem>>) target_semaphore(%arg9 : memref<!tpu.dma_semaphore, #tpu.memory_space<semaphore_mem>>)
    %add3A_8 = arith.constant 0 : i32
    %add3A_9 = arith.addi %mul3A_2, %add3A_8 : i32
    %add3A_10 = arith.constant 1 : i32
    %add3A_11 = arith.addi %add3A_9, %add3A_10 : i32
    %dma_start3A_12 = arith.constant 0 : i32
    %dma_start3A_13 = tpu.memref_slice %arg2[%add3A_11, %dma_start3A_12] : memref<128x32768xf32, #tpu.memory_space<hbm>> -> memref<1x32768xf32, #tpu.memory_space<hbm>>
    %dma_start3A_14 = tpu.memref_squeeze %dma_start3A_13 : memref<1x32768xf32, #tpu.memory_space<hbm>> -> memref<32768xf32, #tpu.memory_space<hbm>>
    %dma_start3A_15 = arith.constant 0 : i32
    %dma_start3A_16 = tpu.memref_slice %arg2[%add3A_11, %dma_start3A_15] : memref<128x32768xf32, #tpu.memory_space<hbm>> -> memref<1x32768xf32, #tpu.memory_space<hbm>>
    %dma_start3A_17 = tpu.memref_squeeze %dma_start3A_16 : memref<1x32768xf32, #tpu.memory_space<hbm>> -> memref<32768xf32, #tpu.memory_space<hbm>>
    tpu.enqueue_dma source(%dma_start3A_17 : memref<32768xf32, #tpu.memory_space<hbm>>) target(%arg5 : memref<32768xf32, #tpu.memory_space<vmem>>) target_semaphore(%arg10 : memref<!tpu.dma_semaphore, #tpu.memory_space<semaphore_mem>>)
    %dma_wait3A = arith.constant 0 : i32
    %dma_wait3A_18 = tpu.memref_slice %arg2[%mul3A_2, %dma_wait3A] : memref<128x32768xf32, #tpu.memory_space<hbm>> -> memref<1x32768xf32, #tpu.memory_space<hbm>>
    %dma_wait3A_19 = tpu.memref_squeeze %dma_wait3A_18 : memref<1x32768xf32, #tpu.memory_space<hbm>> -> memref<32768xf32, #tpu.memory_space<hbm>>
    %dma_wait3A_20 = arith.constant 0 : i32
    %dma_wait3A_21 = tpu.memref_slice %arg2[%mul3A_2, %dma_wait3A_20] : memref<128x32768xf32, #tpu.memory_space<hbm>> -> memref<1x32768xf32, #tpu.memory_space<hbm>>
    %dma_wait3A_22 = tpu.memref_squeeze %dma_wait3A_21 : memref<1x32768xf32, #tpu.memory_space<hbm>> -> memref<32768xf32, #tpu.memory_space<hbm>>
    tpu.wait_dma2 semaphore(%arg9 : memref<!tpu.dma_semaphore, #tpu.memory_space<semaphore_mem>>) src(%dma_wait3A_22 : memref<32768xf32, #tpu.memory_space<hbm>>) dst(%arg4 : memref<32768xf32, #tpu.memory_space<vmem>>)
    %iota3A = tpu.iota {dimensions = array<i32: 0>} : vector<16xi32>
    %broadcast_in_dim3A = arith.constant 1 : i32
    %broadcast_in_dim3A_23 = vector.broadcast %broadcast_in_dim3A : i32 to vector<16xi32>
    %broadcast_in_dim3A_24 = arith.constant 0 : i32
    %broadcast_in_dim3A_25 = vector.broadcast %broadcast_in_dim3A_24 : i32 to vector<16xi32>
    %swap3A = arith.constant 0 : index
    %swap3A_26 = tpu.vector_load %arg7[%swap3A] {strides = array<i32>} : memref<272xi32, #tpu.memory_space<vmem>>, vector<16xi32>,
    tpu.vector_store %arg7[%swap3A], %broadcast_in_dim3A_25 {strides = array<i32>} : memref<272xi32, #tpu.memory_space<vmem>>, vector<16xi32>,
    %broadcast_in_dim3A_27 = arith.constant 0 : i32
    %broadcast_in_dim3A_28 = vector.broadcast %broadcast_in_dim3A_27 : i32 to vector<16xi32>
    %swap3A_29 = arith.constant 16 : index
    %swap3A_30 = tpu.vector_load %arg7[%swap3A_29] {strides = array<i32>} : memref<272xi32, #tpu.memory_space<vmem>>, vector<16xi32>,
    tpu.vector_store %arg7[%swap3A_29], %broadcast_in_dim3A_28 {strides = array<i32>} : memref<272xi32, #tpu.memory_space<vmem>>, vector<16xi32>,
    %broadcast_in_dim3A_31 = arith.constant 0 : i32
    %broadcast_in_dim3A_32 = vector.broadcast %broadcast_in_dim3A_31 : i32 to vector<16xi32>
    %swap3A_33 = arith.constant 32 : index
    %swap3A_34 = tpu.vector_load %arg7[%swap3A_33] {strides = array<i32>} : memref<272xi32, #tpu.memory_space<vmem>>, vector<16xi32>,
    tpu.vector_store %arg7[%swap3A_33], %broadcast_in_dim3A_32 {strides = array<i32>} : memref<272xi32, #tpu.memory_space<vmem>>, vector<16xi32>,
    %broadcast_in_dim3A_35 = arith.constant 0 : i32
    %broadcast_in_dim3A_36 = vector.broadcast %broadcast_in_dim3A_35 : i32 to vector<16xi32>
    %swap3A_37 = arith.constant 48 : index
    %swap3A_38 = tpu.vector_load %arg7[%swap3A_37] {strides = array<i32>} : memref<272xi32, #tpu.memory_space<vmem>>, vector<16xi32>,
    tpu.vector_store %arg7[%swap3A_37], %broadcast_in_dim3A_36 {strides = array<i32>} : memref<272xi32, #tpu.memory_space<vmem>>, vector<16xi32>,
    %broadcast_in_dim3A_39 = arith.constant 0 : i32
    %broadcast_in_dim3A_40 = vector.broadcast %broadcast_in_dim3A_39 : i32 to vector<16xi32>
    %swap3A_41 = arith.constant 64 : index
    %swap3A_42 = tpu.vector_load %arg7[%swap3A_41] {strides = array<i32>} : memref<272xi32, #tpu.memory_space<vmem>>, vector<16xi32>,
    tpu.vector_store %arg7[%swap3A_41], %broadcast_in_dim3A_40 {strides = array<i32>} : memref<272xi32, #tpu.memory_space<vmem>>, vector<16xi32>,
    %broadcast_in_dim3A_43 = arith.constant 0 : i32
    %broadcast_in_dim3A_44 = vector.broadcast %broadcast_in_dim3A_43 : i32 to vector<16xi32>
    %swap3A_45 = arith.constant 80 : index
    %swap3A_46 = tpu.vector_load %arg7[%swap3A_45] {strides = array<i32>} : memref<272xi32, #tpu.memory_space<vmem>>, vector<16xi32>,
    tpu.vector_store %arg7[%swap3A_45], %broadcast_in_dim3A_44 {strides = array<i32>} : memref<272xi32, #tpu.memory_space<vmem>>, vector<16xi32>,
    %broadcast_in_dim3A_47 = arith.constant 0 : i32
    %broadcast_in_dim3A_48 = vector.broadcast %broadcast_in_dim3A_47 : i32 to vector<16xi32>
    %swap3A_49 = arith.constant 96 : index
    %swap3A_50 = tpu.vector_load %arg7[%swap3A_49] {strides = array<i32>} : memref<272xi32, #tpu.memory_space<vmem>>, vector<16xi32>,
    tpu.vector_store %arg7[%swap3A_49], %broadcast_in_dim3A_48 {strides = array<i32>} : memref<272xi32, #tpu.memory_space<vmem>>, vector<16xi32>,
    %broadcast_in_dim3A_51 = arith.constant 0 : i32
    %broadcast_in_dim3A_52 = vector.broadcast %broadcast_in_dim3A_51 : i32 to vector<16xi32>
    %swap3A_53 = arith.constant 112 : index
    %swap3A_54 = tpu.vector_load %arg7[%swap3A_53] {strides = array<i32>} : memref<272xi32, #tpu.memory_space<vmem>>, vector<16xi32>,
    tpu.vector_store %arg7[%swap3A_53], %broadcast_in_dim3A_52 {strides = array<i32>} : memref<272xi32, #tpu.memory_space<vmem>>, vector<16xi32>,
    %broadcast_in_dim3A_55 = arith.constant 0 : i32
    %broadcast_in_dim3A_56 = vector.broadcast %broadcast_in_dim3A_55 : i32 to vector<16xi32>
    %swap3A_57 = arith.constant 128 : index
    %swap3A_58 = tpu.vector_load %arg7[%swap3A_57] {strides = array<i32>} : memref<272xi32, #tpu.memory_space<vmem>>, vector<16xi32>,
    tpu.vector_store %arg7[%swap3A_57], %broadcast_in_dim3A_56 {strides = array<i32>} : memref<272xi32, #tpu.memory_space<vmem>>, vector<16xi32>,
    %broadcast_in_dim3A_59 = arith.constant 0 : i32
    %broadcast_in_dim3A_60 = vector.broadcast %broadcast_in_dim3A_59 : i32 to vector<16xi32>
    %swap3A_61 = arith.constant 144 : index
    %swap3A_62 = tpu.vector_load %arg7[%swap3A_61] {strides = array<i32>} : memref<272xi32, #tpu.memory_space<vmem>>, vector<16xi32>,
    tpu.vector_store %arg7[%swap3A_61], %broadcast_in_dim3A_60 {strides = array<i32>} : memref<272xi32, #tpu.memory_space<vmem>>, vector<16xi32>,
    %broadcast_in_dim3A_63 = arith.constant 0 : i32
    %broadcast_in_dim3A_64 = vector.broadcast %broadcast_in_dim3A_63 : i32 to vector<16xi32>
    %swap3A_65 = arith.constant 160 : index
    %swap3A_66 = tpu.vector_load %arg7[%swap3A_65] {strides = array<i32>} : memref<272xi32, #tpu.memory_space<vmem>>, vector<16xi32>,
    tpu.vector_store %arg7[%swap3A_65], %broadcast_in_dim3A_64 {strides = array<i32>} : memref<272xi32, #tpu.memory_space<vmem>>, vector<16xi32>,
    %broadcast_in_dim3A_67 = arith.constant 0 : i32
    %broadcast_in_dim3A_68 = vector.broadcast %broadcast_in_dim3A_67 : i32 to vector<16xi32>
    %swap3A_69 = arith.constant 176 : index
    %swap3A_70 = tpu.vector_load %arg7[%swap3A_69] {strides = array<i32>} : memref<272xi32, #tpu.memory_space<vmem>>, vector<16xi32>,
    tpu.vector_store %arg7[%swap3A_69], %broadcast_in_dim3A_68 {strides = array<i32>} : memref<272xi32, #tpu.memory_space<vmem>>, vector<16xi32>,
    %broadcast_in_dim3A_71 = arith.constant 0 : i32
    %broadcast_in_dim3A_72 = vector.broadcast %broadcast_in_dim3A_71 : i32 to vector<16xi32>
    %swap3A_73 = arith.constant 192 : index
    %swap3A_74 = tpu.vector_load %arg7[%swap3A_73] {strides = array<i32>} : memref<272xi32, #tpu.memory_space<vmem>>, vector<16xi32>,
    tpu.vector_store %arg7[%swap3A_73], %broadcast_in_dim3A_72 {strides = array<i32>} : memref<272xi32, #tpu.memory_space<vmem>>, vector<16xi32>,
    %broadcast_in_dim3A_75 = arith.constant 0 : i32
    %broadcast_in_dim3A_76 = vector.broadcast %broadcast_in_dim3A_75 : i32 to vector<16xi32>
    %swap3A_77 = arith.constant 208 : index
    %swap3A_78 = tpu.vector_load %arg7[%swap3A_77] {strides = array<i32>} : memref<272xi32, #tpu.memory_space<vmem>>, vector<16xi32>,
    tpu.vector_store %arg7[%swap3A_77], %broadcast_in_dim3A_76 {strides = array<i32>} : memref<272xi32, #tpu.memory_space<vmem>>, vector<16xi32>,
    %broadcast_in_dim3A_79 = arith.constant 0 : i32
    %broadcast_in_dim3A_80 = vector.broadcast %broadcast_in_dim3A_79 : i32 to vector<16xi32>
    %swap3A_81 = arith.constant 224 : index
    %swap3A_82 = tpu.vector_load %arg7[%swap3A_81] {strides = array<i32>} : memref<272xi32, #tpu.memory_space<vmem>>, vector<16xi32>,
    tpu.vector_store %arg7[%swap3A_81], %broadcast_in_dim3A_80 {strides = array<i32>} : memref<272xi32, #tpu.memory_space<vmem>>, vector<16xi32>,
    %broadcast_in_dim3A_83 = arith.constant 0 : i32
    %broadcast_in_dim3A_84 = vector.broadcast %broadcast_in_dim3A_83 : i32 to vector<16xi32>
    %swap3A_85 = arith.constant 240 : index
    %swap3A_86 = tpu.vector_load %arg7[%swap3A_85] {strides = array<i32>} : memref<272xi32, #tpu.memory_space<vmem>>, vector<16xi32>,
    tpu.vector_store %arg7[%swap3A_85], %broadcast_in_dim3A_84 {strides = array<i32>} : memref<272xi32, #tpu.memory_space<vmem>>, vector<16xi32>,
    %parallel_loop3A = arith.constant 0 : i32
    %parallel_loop3A_87 = arith.constant 2048 : i32
    %parallel_loop3A_88 = arith.constant 1 : i32
    scf.for %parallel_loop3A_1802 = %parallel_loop3A to %parallel_loop3A_87 step %parallel_loop3A_88  : i32 {
      %parallel_loop3A_1803 = arith.constant 16 : i32
      %parallel_loop3A_1804 = arith.muli %parallel_loop3A_1802, %parallel_loop3A_1803 : i32
      %parallel_loop3A_1805 = arith.index_cast %parallel_loop3A_1804 : i32 to index
      %parallel_loop3A_1806 = tpu.vector_load %arg4[%parallel_loop3A_1805] {strides = array<i32>} : memref<32768xf32, #tpu.memory_space<vmem>>, vector<16xf32>,
      %parallel_loop3A_1807 = vector.bitcast %parallel_loop3A_1806 : vector<16xf32> to vector<16xi32>
      %parallel_loop3A_1808 = arith.constant 23 : i32
      %parallel_loop3A_1809 = vector.broadcast %parallel_loop3A_1808 : i32 to vector<16xi32>
      %parallel_loop3A_1810 = arith.shrui %parallel_loop3A_1807, %parallel_loop3A_1809 : vector<16xi32>
      %parallel_loop3A_1811 = arith.constant 255 : i32
      %parallel_loop3A_1812 = vector.broadcast %parallel_loop3A_1811 : i32 to vector<16xi32>
      %parallel_loop3A_1813 = arith.andi %parallel_loop3A_1810, %parallel_loop3A_1812 : vector<16xi32>
      tpu.vector_store_idx %arg7[%parallel_loop3A_1813], %broadcast_in_dim3A_23 {add = true} : memref<272xi32, #tpu.memory_space<vmem>>[vector<16xi32>], vector<16xi32>,
    } {sc.loop_unroll_factor = 8 : i64, sc.parallel_access}
    %broadcast_in_dim3A_89 = arith.constant 0 : i32
    %broadcast_in_dim3A_90 = vector.broadcast %broadcast_in_dim3A_89 : i32 to vector<16xi32>
    %swap3A_91 = arith.constant 256 : index
    %swap3A_92 = tpu.vector_load %arg8[%swap3A_91] {strides = array<i32>} : memref<272xi32, #tpu.memory_space<vmem>>, vector<16xi32>,
    tpu.vector_store %arg8[%swap3A_91], %broadcast_in_dim3A_90 {strides = array<i32>} : memref<272xi32, #tpu.memory_space<vmem>>, vector<16xi32>,
    %broadcast_in_dim3A_93 = arith.constant 0 : i32
    %broadcast_in_dim3A_94 = vector.broadcast %broadcast_in_dim3A_93 : i32 to vector<16xi32>
    %scan3A = arith.constant 257 : i32
    %scan3A_95 = arith.constant 0 : i32
    %scan3A_96 = arith.constant 0 : i32
    %scan3A_97 = arith.constant 16 : i32
    %scan3A_98 = arith.addi %scan3A_96, %scan3A_97 : i32
    %scan3A_99 = arith.constant 1 : i32
    %scan3A_100:2 = scf.for %scan3A_1802 = %scan3A_96 to %scan3A_98 step %scan3A_99 iter_args(%scan3A_1803 = %scan3A_95, %scan3A_1804 = %broadcast_in_dim3A_94) -> (i32, vector<16xi32>)  : i32 {
      %sub3A_1805 = arith.constant 15 : i32
      %sub3A_1806 = arith.subi %sub3A_1805, %scan3A_1802 : i32
      %mul3A_1807 = arith.constant 16 : i32
      %mul3A_1808 = arith.muli %sub3A_1806, %mul3A_1807 : i32
      %get3A = arith.index_cast %mul3A_1808 : i32 to index
      %get3A_1809 = tpu.vector_load %arg7[%get3A] {strides = array<i32>} : memref<272xi32, #tpu.memory_space<vmem>>, vector<16xi32>,
      %rev3A = arith.constant 15 : i32
      %rev3A_1810 = vector.broadcast %rev3A : i32 to vector<16xi32>
      %rev3A_1811 = tpu.iota {dimensions = array<i32: 0>} : vector<16xi32>
      %rev3A_1812 = arith.subi %rev3A_1810, %rev3A_1811 : vector<16xi32>
      %rev3A_1813 = tpu.dynamic_gather %get3A_1809[%rev3A_1812] in [0] : vector<16xi32>, vector<16xi32> -> vector<16xi32>
      %broadcast_in_dim3A_1814 = arith.constant true
      %broadcast_in_dim3A_1815 = vector.broadcast %broadcast_in_dim3A_1814 : i1 to vector<16xi1>
      %masked_cumsum3A = tpu.scan <sum>, %rev3A_1813 masked %broadcast_in_dim3A_1815 : vector<16xi32>, vector<16xi1> -> vector<16xi32>
      %rev3A_1816 = arith.constant 15 : i32
      %rev3A_1817 = vector.broadcast %rev3A_1816 : i32 to vector<16xi32>
      %rev3A_1818 = tpu.iota {dimensions = array<i32: 0>} : vector<16xi32>
      %rev3A_1819 = arith.subi %rev3A_1817, %rev3A_1818 : vector<16xi32>
      %rev3A_1820 = tpu.dynamic_gather %masked_cumsum3A[%rev3A_1819] in [0] : vector<16xi32>, vector<16xi32> -> vector<16xi32>
      %add3A_1821 = vector.broadcast %scan3A_1803 : i32 to vector<16xi32>
      %add3A_1822 = arith.addi %rev3A_1820, %add3A_1821 : vector<16xi32>
      %mul3A_1823 = arith.constant 16 : i32
      %mul3A_1824 = arith.muli %sub3A_1806, %mul3A_1823 : i32
      %swap3A_1825 = arith.index_cast %mul3A_1824 : i32 to index
      %swap3A_1826 = tpu.vector_load %arg8[%swap3A_1825] {strides = array<i32>} : memref<272xi32, #tpu.memory_space<vmem>>, vector<16xi32>,
      tpu.vector_store %arg8[%swap3A_1825], %add3A_1822 {strides = array<i32>} : memref<272xi32, #tpu.memory_space<vmem>>, vector<16xi32>,
      %ge3A = vector.broadcast %scan3A : i32 to vector<16xi32>
      %ge3A_1827 = arith.cmpi sge, %add3A_1822, %ge3A : vector<16xi32>
      %all_reduce_population_count3A = tpu.all_reduce %ge3A_1827 {dim = 0 : i64, kind = #tpu.reduction_kind<sum>} : vector<16xi1> -> vector<16xi32>
      %add3A_1828 = arith.addi %scan3A_1804, %all_reduce_population_count3A : vector<16xi32>
      %slice3A_1829 = vector.extract_strided_slice %add3A_1822 {offsets = [0], sizes = [1], strides = [1]} : vector<16xi32> to vector<1xi32>
      %squeeze3A_1830 = vector.extract %slice3A_1829[0] : i32 from vector<1xi32>
      scf.yield %squeeze3A_1830, %add3A_1828 : i32, vector<16xi32>
    }
    %scan3A_101 = arith.constant 16 : i32
    %slice3A = vector.extract_strided_slice %scan3A_100#1 {offsets = [0], sizes = [1], strides = [1]} : vector<16xi32> to vector<1xi32>
    %squeeze3A = vector.extract %slice3A[0] : i32 from vector<1xi32>
    %sub3A = arith.constant 1 : i32
    %sub3A_102 = arith.subi %squeeze3A, %sub3A : i32
    %add3A_103 = arith.constant 1 : i32
    %add3A_104 = arith.addi %sub3A_102, %add3A_103 : i32
    %broadcast_in_dim3A_105 = vector.broadcast %add3A_104 : i32 to vector<16xi32>
    %gather3A = tpu.vector_load_idx %arg8[%broadcast_in_dim3A_105] : memref<272xi32, #tpu.memory_space<vmem>>[vector<16xi32>], vector<16xi32>,
    %slice3A_106 = vector.extract_strided_slice %gather3A {offsets = [0], sizes = [1], strides = [1]} : vector<16xi32> to vector<1xi32>
    %squeeze3A_107 = vector.extract %slice3A_106[0] : i32 from vector<1xi32>
    %sub3A_108 = arith.constant 257 : i32
    %sub3A_109 = arith.subi %sub3A_108, %squeeze3A_107 : i32
    %mul3A_110 = arith.constant 8388608 : i32
    %mul3A_111 = arith.muli %sub3A_102, %mul3A_110 : i32
    %parallel_loop3A_112 = arith.constant 0 : i32
    %parallel_loop3A_113 = arith.constant 2048 : i32
    %parallel_loop3A_114 = arith.constant 1 : i32
    %parallel_loop3A_115 = arith.constant 2147483647 : i32
    %parallel_loop3A_116 = scf.for %parallel_loop3A_1802 = %parallel_loop3A_112 to %parallel_loop3A_113 step %parallel_loop3A_114 iter_args(%parallel_loop3A_1803 = %iota3A) -> (vector<16xi32>)  : i32 {
      %parallel_loop3A_1804 = arith.constant 16 : i32
      %parallel_loop3A_1805 = arith.muli %parallel_loop3A_1802, %parallel_loop3A_1804 : i32
      %parallel_loop3A_1806 = arith.index_cast %parallel_loop3A_1805 : i32 to index
      %parallel_loop3A_1807 = tpu.vector_load %arg4[%parallel_loop3A_1806] {strides = array<i32>} : memref<32768xf32, #tpu.memory_space<vmem>>, vector<16xf32>,
      %parallel_loop3A_1808 = vector.bitcast %parallel_loop3A_1807 : vector<16xf32> to vector<16xi32>
      %parallel_loop3A_1809 = vector.broadcast %parallel_loop3A_115 : i32 to vector<16xi32>
      %parallel_loop3A_1810 = arith.andi %parallel_loop3A_1808, %parallel_loop3A_1809 : vector<16xi32>
      %parallel_loop3A_1811 = vector.broadcast %mul3A_111 : i32 to vector<16xi32>
      %parallel_loop3A_1812 = arith.cmpi sge, %parallel_loop3A_1810, %parallel_loop3A_1811 : vector<16xi32>
      tpu.vector_store_idx %arg6[%parallel_loop3A_1803], %parallel_loop3A_1810 masked %parallel_loop3A_1812 : memref<32768xi32, #tpu.memory_space<vmem>>[vector<16xi32>], vector<16xi32>, vector<16xi1>
      %parallel_loop3A_1813 = arith.constant 16 : i32
      %parallel_loop3A_1814 = arith.constant 0 : i32
      %parallel_loop3A_1815 = vector.broadcast %parallel_loop3A_1813 : i32 to vector<16xi32>
      %parallel_loop3A_1816 = vector.broadcast %parallel_loop3A_1814 : i32 to vector<16xi32>
      %parallel_loop3A_1817 = arith.select %parallel_loop3A_1812, %parallel_loop3A_1815, %parallel_loop3A_1816 : vector<16xi1>, vector<16xi32>
      %parallel_loop3A_1818 = arith.addi %parallel_loop3A_1803, %parallel_loop3A_1817 : vector<16xi32>
      scf.yield %parallel_loop3A_1818 : vector<16xi32>
    } {sc.loop_unroll_factor = 8 : i64, sc.parallel_access}
    %sub3A_117 = arith.subi %parallel_loop3A_116, %iota3A : vector<16xi32>
    %shift_right_logical3A = arith.constant 4 : i32
    %shift_right_logical3A_118 = vector.broadcast %shift_right_logical3A : i32 to vector<16xi32>
    %shift_right_logical3A_119 = arith.shrui %sub3A_117, %shift_right_logical3A_118 : vector<16xi32>
    %reduce_max3A = arith.constant true
    %reduce_max3A_120 = vector.broadcast %reduce_max3A : i1 to vector<16xi1>
    %reduce_max3A_121 = arith.constant -2147483648 : i32
    %reduce_max3A_122 = vector.broadcast %reduce_max3A_121 : i32 to vector<16xi32>
    %reduce_max3A_123 = arith.xori %shift_right_logical3A_119, %reduce_max3A_122 : vector<16xi32>
    %reduce_max3A_124 = tpu.scan <max>, %reduce_max3A_123 masked %reduce_max3A_120 : vector<16xi32>, vector<16xi1> -> vector<16xi32>
    %reduce_max3A_125 = arith.xori %reduce_max3A_124, %reduce_max3A_122 : vector<16xi32>
    %reduce_max3A_126 = vector.extract %reduce_max3A_125[15] : i32 from vector<16xi32>
    %broadcast_in_dim3A_127 = arith.constant 0 : i32
    %broadcast_in_dim3A_128 = vector.broadcast %broadcast_in_dim3A_127 : i32 to vector<16xi32>
    %swap3A_129 = arith.constant 0 : index
    %swap3A_130 = tpu.vector_load %arg7[%swap3A_129] {strides = array<i32>} : memref<272xi32, #tpu.memory_space<vmem>>, vector<16xi32>,
    tpu.vector_store %arg7[%swap3A_129], %broadcast_in_dim3A_128 {strides = array<i32>} : memref<272xi32, #tpu.memory_space<vmem>>, vector<16xi32>,
    %broadcast_in_dim3A_131 = arith.constant 0 : i32
    %broadcast_in_dim3A_132 = vector.broadcast %broadcast_in_dim3A_131 : i32 to vector<16xi32>
    %swap3A_133 = arith.constant 16 : index
    %swap3A_134 = tpu.vector_load %arg7[%swap3A_133] {strides = array<i32>} : memref<272xi32, #tpu.memory_space<vmem>>, vector<16xi32>,
    tpu.vector_store %arg7[%swap3A_133], %broadcast_in_dim3A_132 {strides = array<i32>} : memref<272xi32, #tpu.memory_space<vmem>>, vector<16xi32>,
    %broadcast_in_dim3A_135 = arith.constant 0 : i32
    %broadcast_in_dim3A_136 = vector.broadcast %broadcast_in_dim3A_135 : i32 to vector<16xi32>
    %swap3A_137 = arith.constant 32 : index
    %swap3A_138 = tpu.vector_load %arg7[%swap3A_137] {strides = array<i32>} : memref<272xi32, #tpu.memory_space<vmem>>, vector<16xi32>,
    tpu.vector_store %arg7[%swap3A_137], %broadcast_in_dim3A_136 {strides = array<i32>} : memref<272xi32, #tpu.memory_space<vmem>>, vector<16xi32>,
    %broadcast_in_dim3A_139 = arith.constant 0 : i32
    %broadcast_in_dim3A_140 = vector.broadcast %broadcast_in_dim3A_139 : i32 to vector<16xi32>
    %swap3A_141 = arith.constant 48 : index
    %swap3A_142 = tpu.vector_load %arg7[%swap3A_141] {strides = array<i32>} : memref<272xi32, #tpu.memory_space<vmem>>, vector<16xi32>,
    tpu.vector_store %arg7[%swap3A_141], %broadcast_in_dim3A_140 {strides = array<i32>} : memref<272xi32, #tpu.memory_space<vmem>>, vector<16xi32>,
    %broadcast_in_dim3A_143 = arith.constant 0 : i32
    %broadcast_in_dim3A_144 = vector.broadcast %broadcast_in_dim3A_143 : i32 to vector<16xi32>
    %swap3A_145 = arith.constant 64 : index
    %swap3A_146 = tpu.vector_load %arg7[%swap3A_145] {strides = array<i32>} : memref<272xi32, #tpu.memory_space<vmem>>, vector<16xi32>,
    tpu.vector_store %arg7[%swap3A_145], %broadcast_in_dim3A_144 {strides = array<i32>} : memref<272xi32, #tpu.memory_space<vmem>>, vector<16xi32>,
    %broadcast_in_dim3A_147 = arith.constant 0 : i32
    %broadcast_in_dim3A_148 = vector.broadcast %broadcast_in_dim3A_147 : i32 to vector<16xi32>
    %swap3A_149 = arith.constant 80 : index
    %swap3A_150 = tpu.vector_load %arg7[%swap3A_149] {strides = array<i32>} : memref<272xi32, #tpu.memory_space<vmem>>, vector<16xi32>,
    tpu.vector_store %arg7[%swap3A_149], %broadcast_in_dim3A_148 {strides = array<i32>} : memref<272xi32, #tpu.memory_space<vmem>>, vector<16xi32>,
    %broadcast_in_dim3A_151 = arith.constant 0 : i32
    %broadcast_in_dim3A_152 = vector.broadcast %broadcast_in_dim3A_151 : i32 to vector<16xi32>
    %swap3A_153 = arith.constant 96 : index
    %swap3A_154 = tpu.vector_load %arg7[%swap3A_153] {strides = array<i32>} : memref<272xi32, #tpu.memory_space<vmem>>, vector<16xi32>,
    tpu.vector_store %arg7[%swap3A_153], %broadcast_in_dim3A_152 {strides = array<i32>} : memref<272xi32, #tpu.memory_space<vmem>>, vector<16xi32>,
    %broadcast_in_dim3A_155 = arith.constant 0 : i32
    %broadcast_in_dim3A_156 = vector.broadcast %broadcast_in_dim3A_155 : i32 to vector<16xi32>
    %swap3A_157 = arith.constant 112 : index
    %swap3A_158 = tpu.vector_load %arg7[%swap3A_157] {strides = array<i32>} : memref<272xi32, #tpu.memory_space<vmem>>, vector<16xi32>,
    tpu.vector_store %arg7[%swap3A_157], %broadcast_in_dim3A_156 {strides = array<i32>} : memref<272xi32, #tpu.memory_space<vmem>>, vector<16xi32>,
    %broadcast_in_dim3A_159 = arith.constant 0 : i32
    %broadcast_in_dim3A_160 = vector.broadcast %broadcast_in_dim3A_159 : i32 to vector<16xi32>
    %swap3A_161 = arith.constant 128 : index
    %swap3A_162 = tpu.vector_load %arg7[%swap3A_161] {strides = array<i32>} : memref<272xi32, #tpu.memory_space<vmem>>, vector<16xi32>,
    tpu.vector_store %arg7[%swap3A_161], %broadcast_in_dim3A_160 {strides = array<i32>} : memref<272xi32, #tpu.memory_space<vmem>>, vector<16xi32>,
    %broadcast_in_dim3A_163 = arith.constant 0 : i32
    %broadcast_in_dim3A_164 = vector.broadcast %broadcast_in_dim3A_163 : i32 to vector<16xi32>
    %swap3A_165 = arith.constant 144 : index
    %swap3A_166 = tpu.vector_load %arg7[%swap3A_165] {strides = array<i32>} : memref<272xi32, #tpu.memory_space<vmem>>, vector<16xi32>,
    tpu.vector_store %arg7[%swap3A_165], %broadcast_in_dim3A_164 {strides = array<i32>} : memref<272xi32, #tpu.memory_space<vmem>>, vector<16xi32>,
    %broadcast_in_dim3A_167 = arith.constant 0 : i32
    %broadcast_in_dim3A_168 = vector.broadcast %broadcast_in_dim3A_167 : i32 to vector<16xi32>
    %swap3A_169 = arith.constant 160 : index
    %swap3A_170 = tpu.vector_load %arg7[%swap3A_169] {strides = array<i32>} : memref<272xi32, #tpu.memory_space<vmem>>, vector<16xi32>,
    tpu.vector_store %arg7[%swap3A_169], %broadcast_in_dim3A_168 {strides = array<i32>} : memref<272xi32, #tpu.memory_space<vmem>>, vector<16xi32>,
    %broadcast_in_dim3A_171 = arith.constant 0 : i32
    %broadcast_in_dim3A_172 = vector.broadcast %broadcast_in_dim3A_171 : i32 to vector<16xi32>
    %swap3A_173 = arith.constant 176 : index
    %swap3A_174 = tpu.vector_load %arg7[%swap3A_173] {strides = array<i32>} : memref<272xi32, #tpu.memory_space<vmem>>, vector<16xi32>,
    tpu.vector_store %arg7[%swap3A_173], %broadcast_in_dim3A_172 {strides = array<i32>} : memref<272xi32, #tpu.memory_space<vmem>>, vector<16xi32>,
    %broadcast_in_dim3A_175 = arith.constant 0 : i32
    %broadcast_in_dim3A_176 = vector.broadcast %broadcast_in_dim3A_175 : i32 to vector<16xi32>
    %swap3A_177 = arith.constant 192 : index
    %swap3A_178 = tpu.vector_load %arg7[%swap3A_177] {strides = array<i32>} : memref<272xi32, #tpu.memory_space<vmem>>, vector<16xi32>,
    tpu.vector_store %arg7[%swap3A_177], %broadcast_in_dim3A_176 {strides = array<i32>} : memref<272xi32, #tpu.memory_space<vmem>>, vector<16xi32>,
    %broadcast_in_dim3A_179 = arith.constant 0 : i32
    %broadcast_in_dim3A_180 = vector.broadcast %broadcast_in_dim3A_179 : i32 to vector<16xi32>
    %swap3A_181 = arith.constant 208 : index
    %swap3A_182 = tpu.vector_load %arg7[%swap3A_181] {strides = array<i32>} : memref<272xi32, #tpu.memory_space<vmem>>, vector<16xi32>,
    tpu.vector_store %arg7[%swap3A_181], %broadcast_in_dim3A_180 {strides = array<i32>} : memref<272xi32, #tpu.memory_space<vmem>>, vector<16xi32>,
    %broadcast_in_dim3A_183 = arith.constant 0 : i32
    %broadcast_in_dim3A_184 = vector.broadcast %broadcast_in_dim3A_183 : i32 to vector<16xi32>
    %swap3A_185 = arith.constant 224 : index
    %swap3A_186 = tpu.vector_load %arg7[%swap3A_185] {strides = array<i32>} : memref<272xi32, #tpu.memory_space<vmem>>, vector<16xi32>,
    tpu.vector_store %arg7[%swap3A_185], %broadcast_in_dim3A_184 {strides = array<i32>} : memref<272xi32, #tpu.memory_space<vmem>>, vector<16xi32>,
    %broadcast_in_dim3A_187 = arith.constant 0 : i32
    %broadcast_in_dim3A_188 = vector.broadcast %broadcast_in_dim3A_187 : i32 to vector<16xi32>
    %swap3A_189 = arith.constant 240 : index
    %swap3A_190 = tpu.vector_load %arg7[%swap3A_189] {strides = array<i32>} : memref<272xi32, #tpu.memory_space<vmem>>, vector<16xi32>,
    tpu.vector_store %arg7[%swap3A_189], %broadcast_in_dim3A_188 {strides = array<i32>} : memref<272xi32, #tpu.memory_space<vmem>>, vector<16xi32>,
    %parallel_loop3A_191 = arith.constant 0 : i32
    %parallel_loop3A_192 = arith.constant 1 : i32
    scf.for %parallel_loop3A_1802 = %parallel_loop3A_191 to %reduce_max3A_126 step %parallel_loop3A_192  : i32 {
      %parallel_loop3A_1803 = arith.constant 16 : i32
      %parallel_loop3A_1804 = arith.muli %parallel_loop3A_1802, %parallel_loop3A_1803 : i32
      %parallel_loop3A_1805 = arith.index_cast %parallel_loop3A_1804 : i32 to index
      %parallel_loop3A_1806 = tpu.vector_load %arg6[%parallel_loop3A_1805] {strides = array<i32>} : memref<32768xi32, #tpu.memory_space<vmem>>, vector<16xi32>,
      %parallel_loop3A_1807 = arith.constant 15 : i32
      %parallel_loop3A_1808 = vector.broadcast %parallel_loop3A_1807 : i32 to vector<16xi32>
      %parallel_loop3A_1809 = arith.shrui %parallel_loop3A_1806, %parallel_loop3A_1808 : vector<16xi32>
      %parallel_loop3A_1810 = arith.constant 255 : i32
      %parallel_loop3A_1811 = vector.broadcast %parallel_loop3A_1810 : i32 to vector<16xi32>
      %parallel_loop3A_1812 = arith.andi %parallel_loop3A_1809, %parallel_loop3A_1811 : vector<16xi32>
      %parallel_loop3A_1813 = vector.broadcast %parallel_loop3A_1802 : i32 to vector<16xi32>
      %parallel_loop3A_1814 = arith.cmpi sgt, %shift_right_logical3A_119, %parallel_loop3A_1813 : vector<16xi32>
      %parallel_loop3A_1815 = arith.constant 23 : i32
      %parallel_loop3A_1816 = vector.broadcast %parallel_loop3A_1815 : i32 to vector<16xi32>
      %parallel_loop3A_1817 = arith.shrui %parallel_loop3A_1806, %parallel_loop3A_1816 : vector<16xi32>
      %parallel_loop3A_1818 = vector.broadcast %sub3A_102 : i32 to vector<16xi32>
      %parallel_loop3A_1819 = arith.cmpi eq, %parallel_loop3A_1817, %parallel_loop3A_1818 : vector<16xi32>
      %parallel_loop3A_1820 = arith.andi %parallel_loop3A_1814, %parallel_loop3A_1819 : vector<16xi1>
      tpu.vector_store_idx %arg7[%parallel_loop3A_1812], %broadcast_in_dim3A_23 masked %parallel_loop3A_1820 {add = true} : memref<272xi32, #tpu.memory_space<vmem>>[vector<16xi32>], vector<16xi32>, vector<16xi1>
    } {sc.loop_unroll_factor = 2 : i64, sc.parallel_access}
    %broadcast_in_dim3A_193 = arith.constant 0 : i32
    %broadcast_in_dim3A_194 = vector.broadcast %broadcast_in_dim3A_193 : i32 to vector<16xi32>
    %swap3A_195 = arith.constant 256 : index
    %swap3A_196 = tpu.vector_load %arg8[%swap3A_195] {strides = array<i32>} : memref<272xi32, #tpu.memory_space<vmem>>, vector<16xi32>,
    tpu.vector_store %arg8[%swap3A_195], %broadcast_in_dim3A_194 {strides = array<i32>} : memref<272xi32, #tpu.memory_space<vmem>>, vector<16xi32>,
    %broadcast_in_dim3A_197 = arith.constant 0 : i32
    %broadcast_in_dim3A_198 = vector.broadcast %broadcast_in_dim3A_197 : i32 to vector<16xi32>
    %scan3A_199 = arith.constant 0 : i32
    %scan3A_200 = arith.constant 0 : i32
    %scan3A_201 = arith.constant 16 : i32
    %scan3A_202 = arith.addi %scan3A_200, %scan3A_201 : i32
    %scan3A_203 = arith.constant 1 : i32
    %scan3A_204:2 = scf.for %scan3A_1802 = %scan3A_200 to %scan3A_202 step %scan3A_203 iter_args(%scan3A_1803 = %scan3A_199, %scan3A_1804 = %broadcast_in_dim3A_198) -> (i32, vector<16xi32>)  : i32 {
      %sub3A_1805 = arith.constant 15 : i32
      %sub3A_1806 = arith.subi %sub3A_1805, %scan3A_1802 : i32
      %mul3A_1807 = arith.constant 16 : i32
      %mul3A_1808 = arith.muli %sub3A_1806, %mul3A_1807 : i32
      %get3A = arith.index_cast %mul3A_1808 : i32 to index
      %get3A_1809 = tpu.vector_load %arg7[%get3A] {strides = array<i32>} : memref<272xi32, #tpu.memory_space<vmem>>, vector<16xi32>,
      %rev3A = arith.constant 15 : i32
      %rev3A_1810 = vector.broadcast %rev3A : i32 to vector<16xi32>
      %rev3A_1811 = tpu.iota {dimensions = array<i32: 0>} : vector<16xi32>
      %rev3A_1812 = arith.subi %rev3A_1810, %rev3A_1811 : vector<16xi32>
      %rev3A_1813 = tpu.dynamic_gather %get3A_1809[%rev3A_1812] in [0] : vector<16xi32>, vector<16xi32> -> vector<16xi32>
      %broadcast_in_dim3A_1814 = arith.constant true
      %broadcast_in_dim3A_1815 = vector.broadcast %broadcast_in_dim3A_1814 : i1 to vector<16xi1>
      %masked_cumsum3A = tpu.scan <sum>, %rev3A_1813 masked %broadcast_in_dim3A_1815 : vector<16xi32>, vector<16xi1> -> vector<16xi32>
      %rev3A_1816 = arith.constant 15 : i32
      %rev3A_1817 = vector.broadcast %rev3A_1816 : i32 to vector<16xi32>
      %rev3A_1818 = tpu.iota {dimensions = array<i32: 0>} : vector<16xi32>
      %rev3A_1819 = arith.subi %rev3A_1817, %rev3A_1818 : vector<16xi32>
      %rev3A_1820 = tpu.dynamic_gather %masked_cumsum3A[%rev3A_1819] in [0] : vector<16xi32>, vector<16xi32> -> vector<16xi32>
      %add3A_1821 = vector.broadcast %scan3A_1803 : i32 to vector<16xi32>
      %add3A_1822 = arith.addi %rev3A_1820, %add3A_1821 : vector<16xi32>
      %mul3A_1823 = arith.constant 16 : i32
      %mul3A_1824 = arith.muli %sub3A_1806, %mul3A_1823 : i32
      %swap3A_1825 = arith.index_cast %mul3A_1824 : i32 to index
      %swap3A_1826 = tpu.vector_load %arg8[%swap3A_1825] {strides = array<i32>} : memref<272xi32, #tpu.memory_space<vmem>>, vector<16xi32>,
      tpu.vector_store %arg8[%swap3A_1825], %add3A_1822 {strides = array<i32>} : memref<272xi32, #tpu.memory_space<vmem>>, vector<16xi32>,
      %ge3A = vector.broadcast %sub3A_109 : i32 to vector<16xi32>
      %ge3A_1827 = arith.cmpi sge, %add3A_1822, %ge3A : vector<16xi32>
      %all_reduce_population_count3A = tpu.all_reduce %ge3A_1827 {dim = 0 : i64, kind = #tpu.reduction_kind<sum>} : vector<16xi1> -> vector<16xi32>
      %add3A_1828 = arith.addi %scan3A_1804, %all_reduce_population_count3A : vector<16xi32>
      %slice3A_1829 = vector.extract_strided_slice %add3A_1822 {offsets = [0], sizes = [1], strides = [1]} : vector<16xi32> to vector<1xi32>
      %squeeze3A_1830 = vector.extract %slice3A_1829[0] : i32 from vector<1xi32>
      scf.yield %squeeze3A_1830, %add3A_1828 : i32, vector<16xi32>
    }
    %scan3A_205 = arith.constant 16 : i32
    %slice3A_206 = vector.extract_strided_slice %scan3A_204#1 {offsets = [0], sizes = [1], strides = [1]} : vector<16xi32> to vector<1xi32>
    %squeeze3A_207 = vector.extract %slice3A_206[0] : i32 from vector<1xi32>
    %sub3A_208 = arith.constant 1 : i32
    %sub3A_209 = arith.subi %squeeze3A_207, %sub3A_208 : i32
    %add3A_210 = arith.constant 1 : i32
    %add3A_211 = arith.addi %sub3A_209, %add3A_210 : i32
    %broadcast_in_dim3A_212 = vector.broadcast %add3A_211 : i32 to vector<16xi32>
    %gather3A_213 = tpu.vector_load_idx %arg8[%broadcast_in_dim3A_212] : memref<272xi32, #tpu.memory_space<vmem>>[vector<16xi32>], vector<16xi32>,
    %slice3A_214 = vector.extract_strided_slice %gather3A_213 {offsets = [0], sizes = [1], strides = [1]} : vector<16xi32> to vector<1xi32>
    %squeeze3A_215 = vector.extract %slice3A_214[0] : i32 from vector<1xi32>
    %sub3A_216 = arith.subi %sub3A_109, %squeeze3A_215 : i32
    %mul3A_217 = arith.constant 256 : i32
    %mul3A_218 = arith.muli %sub3A_102, %mul3A_217 : i32
    %add3A_219 = arith.addi %mul3A_218, %sub3A_209 : i32
    %broadcast_in_dim3A_220 = arith.constant 0 : i32
    %broadcast_in_dim3A_221 = vector.broadcast %broadcast_in_dim3A_220 : i32 to vector<16xi32>
    %swap3A_222 = arith.constant 0 : index
    %swap3A_223 = tpu.vector_load %arg7[%swap3A_222] {strides = array<i32>} : memref<272xi32, #tpu.memory_space<vmem>>, vector<16xi32>,
    tpu.vector_store %arg7[%swap3A_222], %broadcast_in_dim3A_221 {strides = array<i32>} : memref<272xi32, #tpu.memory_space<vmem>>, vector<16xi32>,
    %broadcast_in_dim3A_224 = arith.constant 0 : i32
    %broadcast_in_dim3A_225 = vector.broadcast %broadcast_in_dim3A_224 : i32 to vector<16xi32>
    %swap3A_226 = arith.constant 16 : index
    %swap3A_227 = tpu.vector_load %arg7[%swap3A_226] {strides = array<i32>} : memref<272xi32, #tpu.memory_space<vmem>>, vector<16xi32>,
    tpu.vector_store %arg7[%swap3A_226], %broadcast_in_dim3A_225 {strides = array<i32>} : memref<272xi32, #tpu.memory_space<vmem>>, vector<16xi32>,
    %broadcast_in_dim3A_228 = arith.constant 0 : i32
    %broadcast_in_dim3A_229 = vector.broadcast %broadcast_in_dim3A_228 : i32 to vector<16xi32>
    %swap3A_230 = arith.constant 32 : index
    %swap3A_231 = tpu.vector_load %arg7[%swap3A_230] {strides = array<i32>} : memref<272xi32, #tpu.memory_space<vmem>>, vector<16xi32>,
    tpu.vector_store %arg7[%swap3A_230], %broadcast_in_dim3A_229 {strides = array<i32>} : memref<272xi32, #tpu.memory_space<vmem>>, vector<16xi32>,
    %broadcast_in_dim3A_232 = arith.constant 0 : i32
    %broadcast_in_dim3A_233 = vector.broadcast %broadcast_in_dim3A_232 : i32 to vector<16xi32>
    %swap3A_234 = arith.constant 48 : index
    %swap3A_235 = tpu.vector_load %arg7[%swap3A_234] {strides = array<i32>} : memref<272xi32, #tpu.memory_space<vmem>>, vector<16xi32>,
    tpu.vector_store %arg7[%swap3A_234], %broadcast_in_dim3A_233 {strides = array<i32>} : memref<272xi32, #tpu.memory_space<vmem>>, vector<16xi32>,
    %broadcast_in_dim3A_236 = arith.constant 0 : i32
    %broadcast_in_dim3A_237 = vector.broadcast %broadcast_in_dim3A_236 : i32 to vector<16xi32>
    %swap3A_238 = arith.constant 64 : index
    %swap3A_239 = tpu.vector_load %arg7[%swap3A_238] {strides = array<i32>} : memref<272xi32, #tpu.memory_space<vmem>>, vector<16xi32>,
    tpu.vector_store %arg7[%swap3A_238], %broadcast_in_dim3A_237 {strides = array<i32>} : memref<272xi32, #tpu.memory_space<vmem>>, vector<16xi32>,
    %broadcast_in_dim3A_240 = arith.constant 0 : i32
    %broadcast_in_dim3A_241 = vector.broadcast %broadcast_in_dim3A_240 : i32 to vector<16xi32>
    %swap3A_242 = arith.constant 80 : index
    %swap3A_243 = tpu.vector_load %arg7[%swap3A_242] {strides = array<i32>} : memref<272xi32, #tpu.memory_space<vmem>>, vector<16xi32>,
    tpu.vector_store %arg7[%swap3A_242], %broadcast_in_dim3A_241 {strides = array<i32>} : memref<272xi32, #tpu.memory_space<vmem>>, vector<16xi32>,
    %broadcast_in_dim3A_244 = arith.constant 0 : i32
    %broadcast_in_dim3A_245 = vector.broadcast %broadcast_in_dim3A_244 : i32 to vector<16xi32>
    %swap3A_246 = arith.constant 96 : index
    %swap3A_247 = tpu.vector_load %arg7[%swap3A_246] {strides = array<i32>} : memref<272xi32, #tpu.memory_space<vmem>>, vector<16xi32>,
    tpu.vector_store %arg7[%swap3A_246], %broadcast_in_dim3A_245 {strides = array<i32>} : memref<272xi32, #tpu.memory_space<vmem>>, vector<16xi32>,
    %broadcast_in_dim3A_248 = arith.constant 0 : i32
    %broadcast_in_dim3A_249 = vector.broadcast %broadcast_in_dim3A_248 : i32 to vector<16xi32>
    %swap3A_250 = arith.constant 112 : index
    %swap3A_251 = tpu.vector_load %arg7[%swap3A_250] {strides = array<i32>} : memref<272xi32, #tpu.memory_space<vmem>>, vector<16xi32>,
    tpu.vector_store %arg7[%swap3A_250], %broadcast_in_dim3A_249 {strides = array<i32>} : memref<272xi32, #tpu.memory_space<vmem>>, vector<16xi32>,
    %broadcast_in_dim3A_252 = arith.constant 0 : i32
    %broadcast_in_dim3A_253 = vector.broadcast %broadcast_in_dim3A_252 : i32 to vector<16xi32>
    %swap3A_254 = arith.constant 128 : index
    %swap3A_255 = tpu.vector_load %arg7[%swap3A_254] {strides = array<i32>} : memref<272xi32, #tpu.memory_space<vmem>>, vector<16xi32>,
    tpu.vector_store %arg7[%swap3A_254], %broadcast_in_dim3A_253 {strides = array<i32>} : memref<272xi32, #tpu.memory_space<vmem>>, vector<16xi32>,
    %broadcast_in_dim3A_256 = arith.constant 0 : i32
    %broadcast_in_dim3A_257 = vector.broadcast %broadcast_in_dim3A_256 : i32 to vector<16xi32>
    %swap3A_258 = arith.constant 144 : index
    %swap3A_259 = tpu.vector_load %arg7[%swap3A_258] {strides = array<i32>} : memref<272xi32, #tpu.memory_space<vmem>>, vector<16xi32>,
    tpu.vector_store %arg7[%swap3A_258], %broadcast_in_dim3A_257 {strides = array<i32>} : memref<272xi32, #tpu.memory_space<vmem>>, vector<16xi32>,
    %broadcast_in_dim3A_260 = arith.constant 0 : i32
    %broadcast_in_dim3A_261 = vector.broadcast %broadcast_in_dim3A_260 : i32 to vector<16xi32>
    %swap3A_262 = arith.constant 160 : index
    %swap3A_263 = tpu.vector_load %arg7[%swap3A_262] {strides = array<i32>} : memref<272xi32, #tpu.memory_space<vmem>>, vector<16xi32>,
    tpu.vector_store %arg7[%swap3A_262], %broadcast_in_dim3A_261 {strides = array<i32>} : memref<272xi32, #tpu.memory_space<vmem>>, vector<16xi32>,
    %broadcast_in_dim3A_264 = arith.constant 0 : i32
    %broadcast_in_dim3A_265 = vector.broadcast %broadcast_in_dim3A_264 : i32 to vector<16xi32>
    %swap3A_266 = arith.constant 176 : index
    %swap3A_267 = tpu.vector_load %arg7[%swap3A_266] {strides = array<i32>} : memref<272xi32, #tpu.memory_space<vmem>>, vector<16xi32>,
    tpu.vector_store %arg7[%swap3A_266], %broadcast_in_dim3A_265 {strides = array<i32>} : memref<272xi32, #tpu.memory_space<vmem>>, vector<16xi32>,
    %broadcast_in_dim3A_268 = arith.constant 0 : i32
    %broadcast_in_dim3A_269 = vector.broadcast %broadcast_in_dim3A_268 : i32 to vector<16xi32>
    %swap3A_270 = arith.constant 192 : index
    %swap3A_271 = tpu.vector_load %arg7[%swap3A_270] {strides = array<i32>} : memref<272xi32, #tpu.memory_space<vmem>>, vector<16xi32>,
    tpu.vector_store %arg7[%swap3A_270], %broadcast_in_dim3A_269 {strides = array<i32>} : memref<272xi32, #tpu.memory_space<vmem>>, vector<16xi32>,
    %broadcast_in_dim3A_272 = arith.constant 0 : i32
    %broadcast_in_dim3A_273 = vector.broadcast %broadcast_in_dim3A_272 : i32 to vector<16xi32>
    %swap3A_274 = arith.constant 208 : index
    %swap3A_275 = tpu.vector_load %arg7[%swap3A_274] {strides = array<i32>} : memref<272xi32, #tpu.memory_space<vmem>>, vector<16xi32>,
    tpu.vector_store %arg7[%swap3A_274], %broadcast_in_dim3A_273 {strides = array<i32>} : memref<272xi32, #tpu.memory_space<vmem>>, vector<16xi32>,
    %broadcast_in_dim3A_276 = arith.constant 0 : i32
    %broadcast_in_dim3A_277 = vector.broadcast %broadcast_in_dim3A_276 : i32 to vector<16xi32>
    %swap3A_278 = arith.constant 224 : index
    %swap3A_279 = tpu.vector_load %arg7[%swap3A_278] {strides = array<i32>} : memref<272xi32, #tpu.memory_space<vmem>>, vector<16xi32>,
    tpu.vector_store %arg7[%swap3A_278], %broadcast_in_dim3A_277 {strides = array<i32>} : memref<272xi32, #tpu.memory_space<vmem>>, vector<16xi32>,
    %broadcast_in_dim3A_280 = arith.constant 0 : i32
    %broadcast_in_dim3A_281 = vector.broadcast %broadcast_in_dim3A_280 : i32 to vector<16xi32>
    %swap3A_282 = arith.constant 240 : index
    %swap3A_283 = tpu.vector_load %arg7[%swap3A_282] {strides = array<i32>} : memref<272xi32, #tpu.memory_space<vmem>>, vector<16xi32>,
    tpu.vector_store %arg7[%swap3A_282], %broadcast_in_dim3A_281 {strides = array<i32>} : memref<272xi32, #tpu.memory_space<vmem>>, vector<16xi32>,
    %parallel_loop3A_284 = arith.constant 0 : i32
    %parallel_loop3A_285 = arith.constant 1 : i32
    scf.for %parallel_loop3A_1802 = %parallel_loop3A_284 to %reduce_max3A_126 step %parallel_loop3A_285  : i32 {
      %parallel_loop3A_1803 = arith.constant 16 : i32
      %parallel_loop3A_1804 = arith.muli %parallel_loop3A_1802, %parallel_loop3A_1803 : i32
      %parallel_loop3A_1805 = arith.index_cast %parallel_loop3A_1804 : i32 to index
      %parallel_loop3A_1806 = tpu.vector_load %arg6[%parallel_loop3A_1805] {strides = array<i32>} : memref<32768xi32, #tpu.memory_space<vmem>>, vector<16xi32>,
      %parallel_loop3A_1807 = arith.constant 7 : i32
      %parallel_loop3A_1808 = vector.broadcast %parallel_loop3A_1807 : i32 to vector<16xi32>
      %parallel_loop3A_1809 = arith.shrui %parallel_loop3A_1806, %parallel_loop3A_1808 : vector<16xi32>
      %parallel_loop3A_1810 = arith.constant 255 : i32
      %parallel_loop3A_1811 = vector.broadcast %parallel_loop3A_1810 : i32 to vector<16xi32>
      %parallel_loop3A_1812 = arith.andi %parallel_loop3A_1809, %parallel_loop3A_1811 : vector<16xi32>
      %parallel_loop3A_1813 = vector.broadcast %parallel_loop3A_1802 : i32 to vector<16xi32>
      %parallel_loop3A_1814 = arith.cmpi sgt, %shift_right_logical3A_119, %parallel_loop3A_1813 : vector<16xi32>
      %parallel_loop3A_1815 = arith.constant 15 : i32
      %parallel_loop3A_1816 = vector.broadcast %parallel_loop3A_1815 : i32 to vector<16xi32>
      %parallel_loop3A_1817 = arith.shrui %parallel_loop3A_1806, %parallel_loop3A_1816 : vector<16xi32>
      %parallel_loop3A_1818 = vector.broadcast %add3A_219 : i32 to vector<16xi32>
      %parallel_loop3A_1819 = arith.cmpi eq, %parallel_loop3A_1817, %parallel_loop3A_1818 : vector<16xi32>
      %parallel_loop3A_1820 = arith.andi %parallel_loop3A_1814, %parallel_loop3A_1819 : vector<16xi1>
      tpu.vector_store_idx %arg7[%parallel_loop3A_1812], %broadcast_in_dim3A_23 masked %parallel_loop3A_1820 {add = true} : memref<272xi32, #tpu.memory_space<vmem>>[vector<16xi32>], vector<16xi32>, vector<16xi1>
    } {sc.loop_unroll_factor = 2 : i64, sc.parallel_access}
    %broadcast_in_dim3A_286 = arith.constant 0 : i32
    %broadcast_in_dim3A_287 = vector.broadcast %broadcast_in_dim3A_286 : i32 to vector<16xi32>
    %swap3A_288 = arith.constant 256 : index
    %swap3A_289 = tpu.vector_load %arg8[%swap3A_288] {strides = array<i32>} : memref<272xi32, #tpu.memory_space<vmem>>, vector<16xi32>,
    tpu.vector_store %arg8[%swap3A_288], %broadcast_in_dim3A_287 {strides = array<i32>} : memref<272xi32, #tpu.memory_space<vmem>>, vector<16xi32>,
    %broadcast_in_dim3A_290 = arith.constant 0 : i32
    %broadcast_in_dim3A_291 = vector.broadcast %broadcast_in_dim3A_290 : i32 to vector<16xi32>
    %scan3A_292 = arith.constant 0 : i32
    %scan3A_293 = arith.constant 0 : i32
    %scan3A_294 = arith.constant 16 : i32
    %scan3A_295 = arith.addi %scan3A_293, %scan3A_294 : i32
    %scan3A_296 = arith.constant 1 : i32
    %scan3A_297:2 = scf.for %scan3A_1802 = %scan3A_293 to %scan3A_295 step %scan3A_296 iter_args(%scan3A_1803 = %scan3A_292, %scan3A_1804 = %broadcast_in_dim3A_291) -> (i32, vector<16xi32>)  : i32 {
      %sub3A_1805 = arith.constant 15 : i32
      %sub3A_1806 = arith.subi %sub3A_1805, %scan3A_1802 : i32
      %mul3A_1807 = arith.constant 16 : i32
      %mul3A_1808 = arith.muli %sub3A_1806, %mul3A_1807 : i32
      %get3A = arith.index_cast %mul3A_1808 : i32 to index
      %get3A_1809 = tpu.vector_load %arg7[%get3A] {strides = array<i32>} : memref<272xi32, #tpu.memory_space<vmem>>, vector<16xi32>,
      %rev3A = arith.constant 15 : i32
      %rev3A_1810 = vector.broadcast %rev3A : i32 to vector<16xi32>
      %rev3A_1811 = tpu.iota {dimensions = array<i32: 0>} : vector<16xi32>
      %rev3A_1812 = arith.subi %rev3A_1810, %rev3A_1811 : vector<16xi32>
      %rev3A_1813 = tpu.dynamic_gather %get3A_1809[%rev3A_1812] in [0] : vector<16xi32>, vector<16xi32> -> vector<16xi32>
      %broadcast_in_dim3A_1814 = arith.constant true
      %broadcast_in_dim3A_1815 = vector.broadcast %broadcast_in_dim3A_1814 : i1 to vector<16xi1>
      %masked_cumsum3A = tpu.scan <sum>, %rev3A_1813 masked %broadcast_in_dim3A_1815 : vector<16xi32>, vector<16xi1> -> vector<16xi32>
      %rev3A_1816 = arith.constant 15 : i32
      %rev3A_1817 = vector.broadcast %rev3A_1816 : i32 to vector<16xi32>
      %rev3A_1818 = tpu.iota {dimensions = array<i32: 0>} : vector<16xi32>
      %rev3A_1819 = arith.subi %rev3A_1817, %rev3A_1818 : vector<16xi32>
      %rev3A_1820 = tpu.dynamic_gather %masked_cumsum3A[%rev3A_1819] in [0] : vector<16xi32>, vector<16xi32> -> vector<16xi32>
      %add3A_1821 = vector.broadcast %scan3A_1803 : i32 to vector<16xi32>
      %add3A_1822 = arith.addi %rev3A_1820, %add3A_1821 : vector<16xi32>
      %mul3A_1823 = arith.constant 16 : i32
      %mul3A_1824 = arith.muli %sub3A_1806, %mul3A_1823 : i32
      %swap3A_1825 = arith.index_cast %mul3A_1824 : i32 to index
      %swap3A_1826 = tpu.vector_load %arg8[%swap3A_1825] {strides = array<i32>} : memref<272xi32, #tpu.memory_space<vmem>>, vector<16xi32>,
      tpu.vector_store %arg8[%swap3A_1825], %add3A_1822 {strides = array<i32>} : memref<272xi32, #tpu.memory_space<vmem>>, vector<16xi32>,
      %ge3A = vector.broadcast %sub3A_216 : i32 to vector<16xi32>
      %ge3A_1827 = arith.cmpi sge, %add3A_1822, %ge3A : vector<16xi32>
      %all_reduce_population_count3A = tpu.all_reduce %ge3A_1827 {dim = 0 : i64, kind = #tpu.reduction_kind<sum>} : vector<16xi1> -> vector<16xi32>
      %add3A_1828 = arith.addi %scan3A_1804, %all_reduce_population_count3A : vector<16xi32>
      %slice3A_1829 = vector.extract_strided_slice %add3A_1822 {offsets = [0], sizes = [1], strides = [1]} : vector<16xi32> to vector<1xi32>
      %squeeze3A_1830 = vector.extract %slice3A_1829[0] : i32 from vector<1xi32>
      scf.yield %squeeze3A_1830, %add3A_1828 : i32, vector<16xi32>
    }
    %scan3A_298 = arith.constant 16 : i32
    %slice3A_299 = vector.extract_strided_slice %scan3A_297#1 {offsets = [0], sizes = [1], strides = [1]} : vector<16xi32> to vector<1xi32>
    %squeeze3A_300 = vector.extract %slice3A_299[0] : i32 from vector<1xi32>
    %sub3A_301 = arith.constant 1 : i32
    %sub3A_302 = arith.subi %squeeze3A_300, %sub3A_301 : i32
    %add3A_303 = arith.constant 1 : i32
    %add3A_304 = arith.addi %sub3A_302, %add3A_303 : i32
    %broadcast_in_dim3A_305 = vector.broadcast %add3A_304 : i32 to vector<16xi32>
    %gather3A_306 = tpu.vector_load_idx %arg8[%broadcast_in_dim3A_305] : memref<272xi32, #tpu.memory_space<vmem>>[vector<16xi32>], vector<16xi32>,
    %slice3A_307 = vector.extract_strided_slice %gather3A_306 {offsets = [0], sizes = [1], strides = [1]} : vector<16xi32> to vector<1xi32>
    %squeeze3A_308 = vector.extract %slice3A_307[0] : i32 from vector<1xi32>
    %sub3A_309 = arith.subi %sub3A_216, %squeeze3A_308 : i32
    %mul3A_310 = arith.constant 256 : i32
    %mul3A_311 = arith.muli %add3A_219, %mul3A_310 : i32
    %add3A_312 = arith.addi %mul3A_311, %sub3A_302 : i32
    %broadcast_in_dim3A_313 = arith.constant 0 : i32
    %broadcast_in_dim3A_314 = vector.broadcast %broadcast_in_dim3A_313 : i32 to vector<16xi32>
    %swap3A_315 = arith.constant 0 : index
    %swap3A_316 = tpu.vector_load %arg7[%swap3A_315] {strides = array<i32>} : memref<272xi32, #tpu.memory_space<vmem>>, vector<16xi32>,
    tpu.vector_store %arg7[%swap3A_315], %broadcast_in_dim3A_314 {strides = array<i32>} : memref<272xi32, #tpu.memory_space<vmem>>, vector<16xi32>,
    %broadcast_in_dim3A_317 = arith.constant 0 : i32
    %broadcast_in_dim3A_318 = vector.broadcast %broadcast_in_dim3A_317 : i32 to vector<16xi32>
    %swap3A_319 = arith.constant 16 : index
    %swap3A_320 = tpu.vector_load %arg7[%swap3A_319] {strides = array<i32>} : memref<272xi32, #tpu.memory_space<vmem>>, vector<16xi32>,
    tpu.vector_store %arg7[%swap3A_319], %broadcast_in_dim3A_318 {strides = array<i32>} : memref<272xi32, #tpu.memory_space<vmem>>, vector<16xi32>,
    %broadcast_in_dim3A_321 = arith.constant 0 : i32
    %broadcast_in_dim3A_322 = vector.broadcast %broadcast_in_dim3A_321 : i32 to vector<16xi32>
    %swap3A_323 = arith.constant 32 : index
    %swap3A_324 = tpu.vector_load %arg7[%swap3A_323] {strides = array<i32>} : memref<272xi32, #tpu.memory_space<vmem>>, vector<16xi32>,
    tpu.vector_store %arg7[%swap3A_323], %broadcast_in_dim3A_322 {strides = array<i32>} : memref<272xi32, #tpu.memory_space<vmem>>, vector<16xi32>,
    %broadcast_in_dim3A_325 = arith.constant 0 : i32
    %broadcast_in_dim3A_326 = vector.broadcast %broadcast_in_dim3A_325 : i32 to vector<16xi32>
    %swap3A_327 = arith.constant 48 : index
    %swap3A_328 = tpu.vector_load %arg7[%swap3A_327] {strides = array<i32>} : memref<272xi32, #tpu.memory_space<vmem>>, vector<16xi32>,
    tpu.vector_store %arg7[%swap3A_327], %broadcast_in_dim3A_326 {strides = array<i32>} : memref<272xi32, #tpu.memory_space<vmem>>, vector<16xi32>,
    %broadcast_in_dim3A_329 = arith.constant 0 : i32
    %broadcast_in_dim3A_330 = vector.broadcast %broadcast_in_dim3A_329 : i32 to vector<16xi32>
    %swap3A_331 = arith.constant 64 : index
    %swap3A_332 = tpu.vector_load %arg7[%swap3A_331] {strides = array<i32>} : memref<272xi32, #tpu.memory_space<vmem>>, vector<16xi32>,
    tpu.vector_store %arg7[%swap3A_331], %broadcast_in_dim3A_330 {strides = array<i32>} : memref<272xi32, #tpu.memory_space<vmem>>, vector<16xi32>,
    %broadcast_in_dim3A_333 = arith.constant 0 : i32
    %broadcast_in_dim3A_334 = vector.broadcast %broadcast_in_dim3A_333 : i32 to vector<16xi32>
    %swap3A_335 = arith.constant 80 : index
    %swap3A_336 = tpu.vector_load %arg7[%swap3A_335] {strides = array<i32>} : memref<272xi32, #tpu.memory_space<vmem>>, vector<16xi32>,
    tpu.vector_store %arg7[%swap3A_335], %broadcast_in_dim3A_334 {strides = array<i32>} : memref<272xi32, #tpu.memory_space<vmem>>, vector<16xi32>,
    %broadcast_in_dim3A_337 = arith.constant 0 : i32
    %broadcast_in_dim3A_338 = vector.broadcast %broadcast_in_dim3A_337 : i32 to vector<16xi32>
    %swap3A_339 = arith.constant 96 : index
    %swap3A_340 = tpu.vector_load %arg7[%swap3A_339] {strides = array<i32>} : memref<272xi32, #tpu.memory_space<vmem>>, vector<16xi32>,
    tpu.vector_store %arg7[%swap3A_339], %broadcast_in_dim3A_338 {strides = array<i32>} : memref<272xi32, #tpu.memory_space<vmem>>, vector<16xi32>,
    %broadcast_in_dim3A_341 = arith.constant 0 : i32
    %broadcast_in_dim3A_342 = vector.broadcast %broadcast_in_dim3A_341 : i32 to vector<16xi32>
    %swap3A_343 = arith.constant 112 : index
    %swap3A_344 = tpu.vector_load %arg7[%swap3A_343] {strides = array<i32>} : memref<272xi32, #tpu.memory_space<vmem>>, vector<16xi32>,
    tpu.vector_store %arg7[%swap3A_343], %broadcast_in_dim3A_342 {strides = array<i32>} : memref<272xi32, #tpu.memory_space<vmem>>, vector<16xi32>,
    %broadcast_in_dim3A_345 = arith.constant 0 : i32
    %broadcast_in_dim3A_346 = vector.broadcast %broadcast_in_dim3A_345 : i32 to vector<16xi32>
    %swap3A_347 = arith.constant 128 : index
    %swap3A_348 = tpu.vector_load %arg7[%swap3A_347] {strides = array<i32>} : memref<272xi32, #tpu.memory_space<vmem>>, vector<16xi32>,
    tpu.vector_store %arg7[%swap3A_347], %broadcast_in_dim3A_346 {strides = array<i32>} : memref<272xi32, #tpu.memory_space<vmem>>, vector<16xi32>,
    %broadcast_in_dim3A_349 = arith.constant 0 : i32
    %broadcast_in_dim3A_350 = vector.broadcast %broadcast_in_dim3A_349 : i32 to vector<16xi32>
    %swap3A_351 = arith.constant 144 : index
    %swap3A_352 = tpu.vector_load %arg7[%swap3A_351] {strides = array<i32>} : memref<272xi32, #tpu.memory_space<vmem>>, vector<16xi32>,
    tpu.vector_store %arg7[%swap3A_351], %broadcast_in_dim3A_350 {strides = array<i32>} : memref<272xi32, #tpu.memory_space<vmem>>, vector<16xi32>,
    %broadcast_in_dim3A_353 = arith.constant 0 : i32
    %broadcast_in_dim3A_354 = vector.broadcast %broadcast_in_dim3A_353 : i32 to vector<16xi32>
    %swap3A_355 = arith.constant 160 : index
    %swap3A_356 = tpu.vector_load %arg7[%swap3A_355] {strides = array<i32>} : memref<272xi32, #tpu.memory_space<vmem>>, vector<16xi32>,
    tpu.vector_store %arg7[%swap3A_355], %broadcast_in_dim3A_354 {strides = array<i32>} : memref<272xi32, #tpu.memory_space<vmem>>, vector<16xi32>,
    %broadcast_in_dim3A_357 = arith.constant 0 : i32
    %broadcast_in_dim3A_358 = vector.broadcast %broadcast_in_dim3A_357 : i32 to vector<16xi32>
    %swap3A_359 = arith.constant 176 : index
    %swap3A_360 = tpu.vector_load %arg7[%swap3A_359] {strides = array<i32>} : memref<272xi32, #tpu.memory_space<vmem>>, vector<16xi32>,
    tpu.vector_store %arg7[%swap3A_359], %broadcast_in_dim3A_358 {strides = array<i32>} : memref<272xi32, #tpu.memory_space<vmem>>, vector<16xi32>,
    %broadcast_in_dim3A_361 = arith.constant 0 : i32
    %broadcast_in_dim3A_362 = vector.broadcast %broadcast_in_dim3A_361 : i32 to vector<16xi32>
    %swap3A_363 = arith.constant 192 : index
    %swap3A_364 = tpu.vector_load %arg7[%swap3A_363] {strides = array<i32>} : memref<272xi32, #tpu.memory_space<vmem>>, vector<16xi32>,
    tpu.vector_store %arg7[%swap3A_363], %broadcast_in_dim3A_362 {strides = array<i32>} : memref<272xi32, #tpu.memory_space<vmem>>, vector<16xi32>,
    %broadcast_in_dim3A_365 = arith.constant 0 : i32
    %broadcast_in_dim3A_366 = vector.broadcast %broadcast_in_dim3A_365 : i32 to vector<16xi32>
    %swap3A_367 = arith.constant 208 : index
    %swap3A_368 = tpu.vector_load %arg7[%swap3A_367] {strides = array<i32>} : memref<272xi32, #tpu.memory_space<vmem>>, vector<16xi32>,
    tpu.vector_store %arg7[%swap3A_367], %broadcast_in_dim3A_366 {strides = array<i32>} : memref<272xi32, #tpu.memory_space<vmem>>, vector<16xi32>,
    %broadcast_in_dim3A_369 = arith.constant 0 : i32
    %broadcast_in_dim3A_370 = vector.broadcast %broadcast_in_dim3A_369 : i32 to vector<16xi32>
    %swap3A_371 = arith.constant 224 : index
    %swap3A_372 = tpu.vector_load %arg7[%swap3A_371] {strides = array<i32>} : memref<272xi32, #tpu.memory_space<vmem>>, vector<16xi32>,
    tpu.vector_store %arg7[%swap3A_371], %broadcast_in_dim3A_370 {strides = array<i32>} : memref<272xi32, #tpu.memory_space<vmem>>, vector<16xi32>,
    %broadcast_in_dim3A_373 = arith.constant 0 : i32
    %broadcast_in_dim3A_374 = vector.broadcast %broadcast_in_dim3A_373 : i32 to vector<16xi32>
    %swap3A_375 = arith.constant 240 : index
    %swap3A_376 = tpu.vector_load %arg7[%swap3A_375] {strides = array<i32>} : memref<272xi32, #tpu.memory_space<vmem>>, vector<16xi32>,
    tpu.vector_store %arg7[%swap3A_375], %broadcast_in_dim3A_374 {strides = array<i32>} : memref<272xi32, #tpu.memory_space<vmem>>, vector<16xi32>,
    %parallel_loop3A_377 = arith.constant 0 : i32
    %parallel_loop3A_378 = arith.constant 1 : i32
    scf.for %parallel_loop3A_1802 = %parallel_loop3A_377 to %reduce_max3A_126 step %parallel_loop3A_378  : i32 {
      %parallel_loop3A_1803 = arith.constant 16 : i32
      %parallel_loop3A_1804 = arith.muli %parallel_loop3A_1802, %parallel_loop3A_1803 : i32
      %parallel_loop3A_1805 = arith.index_cast %parallel_loop3A_1804 : i32 to index
      %parallel_loop3A_1806 = tpu.vector_load %arg6[%parallel_loop3A_1805] {strides = array<i32>} : memref<32768xi32, #tpu.memory_space<vmem>>, vector<16xi32>,
      %parallel_loop3A_1807 = arith.constant 0 : i32
      %parallel_loop3A_1808 = vector.broadcast %parallel_loop3A_1807 : i32 to vector<16xi32>
      %parallel_loop3A_1809 = arith.shrui %parallel_loop3A_1806, %parallel_loop3A_1808 : vector<16xi32>
      %parallel_loop3A_1810 = arith.constant 127 : i32
      %parallel_loop3A_1811 = vector.broadcast %parallel_loop3A_1810 : i32 to vector<16xi32>
      %parallel_loop3A_1812 = arith.andi %parallel_loop3A_1809, %parallel_loop3A_1811 : vector<16xi32>
      %parallel_loop3A_1813 = vector.broadcast %parallel_loop3A_1802 : i32 to vector<16xi32>
      %parallel_loop3A_1814 = arith.cmpi sgt, %shift_right_logical3A_119, %parallel_loop3A_1813 : vector<16xi32>
      %parallel_loop3A_1815 = arith.constant 7 : i32
      %parallel_loop3A_1816 = vector.broadcast %parallel_loop3A_1815 : i32 to vector<16xi32>
      %parallel_loop3A_1817 = arith.shrui %parallel_loop3A_1806, %parallel_loop3A_1816 : vector<16xi32>
      %parallel_loop3A_1818 = vector.broadcast %add3A_312 : i32 to vector<16xi32>
      %parallel_loop3A_1819 = arith.cmpi eq, %parallel_loop3A_1817, %parallel_loop3A_1818 : vector<16xi32>
      %parallel_loop3A_1820 = arith.andi %parallel_loop3A_1814, %parallel_loop3A_1819 : vector<16xi1>
      tpu.vector_store_idx %arg7[%parallel_loop3A_1812], %broadcast_in_dim3A_23 masked %parallel_loop3A_1820 {add = true} : memref<272xi32, #tpu.memory_space<vmem>>[vector<16xi32>], vector<16xi32>, vector<16xi1>
    } {sc.loop_unroll_factor = 2 : i64, sc.parallel_access}
    %broadcast_in_dim3A_379 = arith.constant 0 : i32
    %broadcast_in_dim3A_380 = vector.broadcast %broadcast_in_dim3A_379 : i32 to vector<16xi32>
    %swap3A_381 = arith.constant 128 : index
    %swap3A_382 = tpu.vector_load %arg8[%swap3A_381] {strides = array<i32>} : memref<272xi32, #tpu.memory_space<vmem>>, vector<16xi32>,
    tpu.vector_store %arg8[%swap3A_381], %broadcast_in_dim3A_380 {strides = array<i32>} : memref<272xi32, #tpu.memory_space<vmem>>, vector<16xi32>,
    %broadcast_in_dim3A_383 = arith.constant 0 : i32
    %broadcast_in_dim3A_384 = vector.broadcast %broadcast_in_dim3A_383 : i32 to vector<16xi32>
    %scan3A_385 = arith.constant 0 : i32
    %scan3A_386 = arith.constant 0 : i32
    %scan3A_387 = arith.constant 8 : i32
    %scan3A_388 = arith.addi %scan3A_386, %scan3A_387 : i32
    %scan3A_389 = arith.constant 1 : i32
    %scan3A_390:2 = scf.for %scan3A_1802 = %scan3A_386 to %scan3A_388 step %scan3A_389 iter_args(%scan3A_1803 = %scan3A_385, %scan3A_1804 = %broadcast_in_dim3A_384) -> (i32, vector<16xi32>)  : i32 {
      %sub3A_1805 = arith.constant 7 : i32
      %sub3A_1806 = arith.subi %sub3A_1805, %scan3A_1802 : i32
      %mul3A_1807 = arith.constant 16 : i32
      %mul3A_1808 = arith.muli %sub3A_1806, %mul3A_1807 : i32
      %get3A = arith.index_cast %mul3A_1808 : i32 to index
      %get3A_1809 = tpu.vector_load %arg7[%get3A] {strides = array<i32>} : memref<272xi32, #tpu.memory_space<vmem>>, vector<16xi32>,
      %rev3A = arith.constant 15 : i32
      %rev3A_1810 = vector.broadcast %rev3A : i32 to vector<16xi32>
      %rev3A_1811 = tpu.iota {dimensions = array<i32: 0>} : vector<16xi32>
      %rev3A_1812 = arith.subi %rev3A_1810, %rev3A_1811 : vector<16xi32>
      %rev3A_1813 = tpu.dynamic_gather %get3A_1809[%rev3A_1812] in [0] : vector<16xi32>, vector<16xi32> -> vector<16xi32>
      %broadcast_in_dim3A_1814 = arith.constant true
      %broadcast_in_dim3A_1815 = vector.broadcast %broadcast_in_dim3A_1814 : i1 to vector<16xi1>
      %masked_cumsum3A = tpu.scan <sum>, %rev3A_1813 masked %broadcast_in_dim3A_1815 : vector<16xi32>, vector<16xi1> -> vector<16xi32>
      %rev3A_1816 = arith.constant 15 : i32
      %rev3A_1817 = vector.broadcast %rev3A_1816 : i32 to vector<16xi32>
      %rev3A_1818 = tpu.iota {dimensions = array<i32: 0>} : vector<16xi32>
      %rev3A_1819 = arith.subi %rev3A_1817, %rev3A_1818 : vector<16xi32>
      %rev3A_1820 = tpu.dynamic_gather %masked_cumsum3A[%rev3A_1819] in [0] : vector<16xi32>, vector<16xi32> -> vector<16xi32>
      %add3A_1821 = vector.broadcast %scan3A_1803 : i32 to vector<16xi32>
      %add3A_1822 = arith.addi %rev3A_1820, %add3A_1821 : vector<16xi32>
      %mul3A_1823 = arith.constant 16 : i32
      %mul3A_1824 = arith.muli %sub3A_1806, %mul3A_1823 : i32
      %swap3A_1825 = arith.index_cast %mul3A_1824 : i32 to index
      %swap3A_1826 = tpu.vector_load %arg8[%swap3A_1825] {strides = array<i32>} : memref<272xi32, #tpu.memory_space<vmem>>, vector<16xi32>,
      tpu.vector_store %arg8[%swap3A_1825], %add3A_1822 {strides = array<i32>} : memref<272xi32, #tpu.memory_space<vmem>>, vector<16xi32>,
      %ge3A = vector.broadcast %sub3A_309 : i32 to vector<16xi32>
      %ge3A_1827 = arith.cmpi sge, %add3A_1822, %ge3A : vector<16xi32>
      %all_reduce_population_count3A = tpu.all_reduce %ge3A_1827 {dim = 0 : i64, kind = #tpu.reduction_kind<sum>} : vector<16xi1> -> vector<16xi32>
      %add3A_1828 = arith.addi %scan3A_1804, %all_reduce_population_count3A : vector<16xi32>
      %slice3A_1829 = vector.extract_strided_slice %add3A_1822 {offsets = [0], sizes = [1], strides = [1]} : vector<16xi32> to vector<1xi32>
      %squeeze3A_1830 = vector.extract %slice3A_1829[0] : i32 from vector<1xi32>
      scf.yield %squeeze3A_1830, %add3A_1828 : i32, vector<16xi32>
    }
    %scan3A_391 = arith.constant 8 : i32
    %slice3A_392 = vector.extract_strided_slice %scan3A_390#1 {offsets = [0], sizes = [1], strides = [1]} : vector<16xi32> to vector<1xi32>
    %squeeze3A_393 = vector.extract %slice3A_392[0] : i32 from vector<1xi32>
    %sub3A_394 = arith.constant 1 : i32
    %sub3A_395 = arith.subi %squeeze3A_393, %sub3A_394 : i32
    %add3A_396 = arith.constant 1 : i32
    %add3A_397 = arith.addi %sub3A_395, %add3A_396 : i32
    %broadcast_in_dim3A_398 = vector.broadcast %add3A_397 : i32 to vector<16xi32>
    %gather3A_399 = tpu.vector_load_idx %arg8[%broadcast_in_dim3A_398] : memref<272xi32, #tpu.memory_space<vmem>>[vector<16xi32>], vector<16xi32>,
    %slice3A_400 = vector.extract_strided_slice %gather3A_399 {offsets = [0], sizes = [1], strides = [1]} : vector<16xi32> to vector<1xi32>
    %squeeze3A_401 = vector.extract %slice3A_400[0] : i32 from vector<1xi32>
    %sub3A_402 = arith.subi %sub3A_309, %squeeze3A_401 : i32
    %mul3A_403 = arith.constant 128 : i32
    %mul3A_404 = arith.muli %add3A_312, %mul3A_403 : i32
    %add3A_405 = arith.addi %mul3A_404, %sub3A_395 : i32
    %broadcast_in_dim3A_406 = arith.constant 2147483647 : i32
    %broadcast_in_dim3A_407 = vector.broadcast %broadcast_in_dim3A_406 : i32 to vector<16xi32>
    %parallel_loop3A_408 = arith.constant 0 : i32
    %parallel_loop3A_409 = arith.constant 1 : i32
    %parallel_loop3A_410 = arith.constant 2147483647 : i32
    %parallel_loop3A_411 = scf.for %parallel_loop3A_1802 = %parallel_loop3A_408 to %reduce_max3A_126 step %parallel_loop3A_409 iter_args(%parallel_loop3A_1803 = %broadcast_in_dim3A_407) -> (vector<16xi32>)  : i32 {
      %parallel_loop3A_1804 = arith.constant 16 : i32
      %parallel_loop3A_1805 = arith.muli %parallel_loop3A_1802, %parallel_loop3A_1804 : i32
      %parallel_loop3A_1806 = arith.index_cast %parallel_loop3A_1805 : i32 to index
      %parallel_loop3A_1807 = tpu.vector_load %arg6[%parallel_loop3A_1806] {strides = array<i32>} : memref<32768xi32, #tpu.memory_space<vmem>>, vector<16xi32>,
      %parallel_loop3A_1808 = vector.broadcast %parallel_loop3A_1802 : i32 to vector<16xi32>
      %parallel_loop3A_1809 = arith.cmpi sgt, %shift_right_logical3A_119, %parallel_loop3A_1808 : vector<16xi32>
      %parallel_loop3A_1810 = vector.broadcast %add3A_405 : i32 to vector<16xi32>
      %parallel_loop3A_1811 = arith.cmpi sgt, %parallel_loop3A_1807, %parallel_loop3A_1810 : vector<16xi32>
      %parallel_loop3A_1812 = arith.andi %parallel_loop3A_1809, %parallel_loop3A_1811 : vector<16xi1>
      %parallel_loop3A_1813 = vector.broadcast %parallel_loop3A_410 : i32 to vector<16xi32>
      %parallel_loop3A_1814 = arith.select %parallel_loop3A_1812, %parallel_loop3A_1807, %parallel_loop3A_1813 : vector<16xi1>, vector<16xi32>
      %parallel_loop3A_1815 = arith.minsi %parallel_loop3A_1803, %parallel_loop3A_1814 : vector<16xi32>
      scf.yield %parallel_loop3A_1815 : vector<16xi32>
    } {sc.loop_unroll_factor = 2 : i64, sc.parallel_access}
    %eq3A = arith.constant 1 : i32
    %eq3A_412 = arith.cmpi eq, %sub3A_402, %eq3A : i32
    %reduce_min3A = arith.constant true
    %reduce_min3A_413 = vector.broadcast %reduce_min3A : i1 to vector<16xi1>
    %reduce_min3A_414 = arith.constant -2147483648 : i32
    %reduce_min3A_415 = vector.broadcast %reduce_min3A_414 : i32 to vector<16xi32>
    %reduce_min3A_416 = arith.xori %parallel_loop3A_411, %reduce_min3A_415 : vector<16xi32>
    %reduce_min3A_417 = tpu.scan <min>, %reduce_min3A_416 masked %reduce_min3A_413 : vector<16xi32>, vector<16xi1> -> vector<16xi32>
    %reduce_min3A_418 = arith.xori %reduce_min3A_417, %reduce_min3A_415 : vector<16xi32>
    %reduce_min3A_419 = vector.extract %reduce_min3A_418[15] : i32 from vector<16xi32>
    %select_n3A = arith.select %eq3A_412, %reduce_min3A_419, %add3A_405 : i32
    %broadcast_in_dim3A_420 = vector.broadcast %add3A_405 : i32 to vector<16xi32>
    %bitcast3A = vector.bitcast %broadcast_in_dim3A_420 : vector<16xi32> to vector<16xf32>
    %broadcast_in_dim3A_421 = vector.broadcast %select_n3A : i32 to vector<16xi32>
    %bitcast3A_422 = vector.bitcast %broadcast_in_dim3A_421 : vector<16xi32> to vector<16xf32>
    %sub3A_423 = arith.subf %bitcast3A_422, %bitcast3A : vector<16xf32>
    %mul3A_424 = arith.constant 7.812500e-03 : f32
    %mul3A_425 = vector.broadcast %mul3A_424 : f32 to vector<16xf32>
    %mul3A_426 = arith.mulf %mul3A_425, %sub3A_423 : vector<16xf32>
    %add3A_427 = arith.addf %bitcast3A, %mul3A_426 : vector<16xf32>
    %parallel_loop3A_428 = arith.constant 0 : i32
    %parallel_loop3A_429 = arith.constant 2048 : i32
    %parallel_loop3A_430 = arith.constant 1 : i32
    %parallel_loop3A_431 = arith.constant 2147483647 : i32
    %parallel_loop3A_432 = arith.constant -2147483648 : i32
    scf.for %parallel_loop3A_1802 = %parallel_loop3A_428 to %parallel_loop3A_429 step %parallel_loop3A_430  : i32 {
      %parallel_loop3A_1803 = arith.constant 16 : i32
      %parallel_loop3A_1804 = arith.muli %parallel_loop3A_1802, %parallel_loop3A_1803 : i32
      %parallel_loop3A_1805 = arith.index_cast %parallel_loop3A_1804 : i32 to index
      %parallel_loop3A_1806 = tpu.vector_load %arg4[%parallel_loop3A_1805] {strides = array<i32>} : memref<32768xf32, #tpu.memory_space<vmem>>, vector<16xf32>,
      %parallel_loop3A_1807 = vector.bitcast %parallel_loop3A_1806 : vector<16xf32> to vector<16xi32>
      %parallel_loop3A_1808 = vector.broadcast %parallel_loop3A_431 : i32 to vector<16xi32>
      %parallel_loop3A_1809 = arith.andi %parallel_loop3A_1807, %parallel_loop3A_1808 : vector<16xi32>
      %parallel_loop3A_1810 = vector.bitcast %parallel_loop3A_1809 : vector<16xi32> to vector<16xf32>
      %parallel_loop3A_1811 = arith.subf %parallel_loop3A_1810, %add3A_427 : vector<16xf32>
      %parallel_loop3A_1812 = arith.constant 0.000000e+00 : f32
      %parallel_loop3A_1813 = vector.broadcast %parallel_loop3A_1812 : f32 to vector<16xf32>
      %parallel_loop3A_1814 = arith.maximumf %parallel_loop3A_1811, %parallel_loop3A_1813 : vector<16xf32>
      %parallel_loop3A_1815 = vector.bitcast %parallel_loop3A_1814 : vector<16xf32> to vector<16xi32>
      %parallel_loop3A_1816 = vector.broadcast %parallel_loop3A_432 : i32 to vector<16xi32>
      %parallel_loop3A_1817 = arith.andi %parallel_loop3A_1807, %parallel_loop3A_1816 : vector<16xi32>
      %parallel_loop3A_1818 = arith.ori %parallel_loop3A_1815, %parallel_loop3A_1817 : vector<16xi32>
      %parallel_loop3A_1819 = vector.bitcast %parallel_loop3A_1818 : vector<16xi32> to vector<16xf32>
      %parallel_loop3A_1820 = arith.constant 16 : i32
      %parallel_loop3A_1821 = arith.muli %parallel_loop3A_1802, %parallel_loop3A_1820 : i32
      %parallel_loop3A_1822 = arith.index_cast %parallel_loop3A_1821 : i32 to index
      %parallel_loop3A_1823 = tpu.vector_load %arg4[%parallel_loop3A_1822] {strides = array<i32>} : memref<32768xf32, #tpu.memory_space<vmem>>, vector<16xf32>,
      tpu.vector_store %arg4[%parallel_loop3A_1822], %parallel_loop3A_1819 {strides = array<i32>} : memref<32768xf32, #tpu.memory_space<vmem>>, vector<16xf32>,
    } {sc.loop_unroll_factor = 8 : i64, sc.parallel_access}
    %add3A_433 = arith.constant 0 : i32
    %add3A_434 = arith.addi %mul3A_2, %add3A_433 : i32
    %dma_start3A_435 = arith.constant 0 : i32
    %dma_start3A_436 = tpu.memref_slice %arg3[%add3A_434, %dma_start3A_435] : memref<128x32768xf32, #tpu.memory_space<hbm>> -> memref<1x32768xf32, #tpu.memory_space<hbm>>
    %dma_start3A_437 = tpu.memref_squeeze %dma_start3A_436 : memref<1x32768xf32, #tpu.memory_space<hbm>> -> memref<32768xf32, #tpu.memory_space<hbm>>
    %dma_start3A_438 = arith.constant 0 : i32
    %dma_start3A_439 = tpu.memref_slice %arg3[%add3A_434, %dma_start3A_438] : memref<128x32768xf32, #tpu.memory_space<hbm>> -> memref<1x32768xf32, #tpu.memory_space<hbm>>
    %dma_start3A_440 = tpu.memref_squeeze %dma_start3A_439 : memref<1x32768xf32, #tpu.memory_space<hbm>> -> memref<32768xf32, #tpu.memory_space<hbm>>
    tpu.enqueue_dma source(%arg4 : memref<32768xf32, #tpu.memory_space<vmem>>) target(%dma_start3A_440 : memref<32768xf32, #tpu.memory_space<hbm>>) target_semaphore(%arg11 : memref<!tpu.dma_semaphore, #tpu.memory_space<semaphore_mem>>)
    %dma_wait3A_441 = arith.constant 0 : i32
    %dma_wait3A_442 = tpu.memref_slice %arg3[%add3A_434, %dma_wait3A_441] : memref<128x32768xf32, #tpu.memory_space<hbm>> -> memref<1x32768xf32, #tpu.memory_space<hbm>>
    %dma_wait3A_443 = tpu.memref_squeeze %dma_wait3A_442 : memref<1x32768xf32, #tpu.memory_space<hbm>> -> memref<32768xf32, #tpu.memory_space<hbm>>
    %dma_wait3A_444 = arith.constant 0 : i32
    %dma_wait3A_445 = tpu.memref_slice %arg3[%add3A_434, %dma_wait3A_444] : memref<128x32768xf32, #tpu.memory_space<hbm>> -> memref<1x32768xf32, #tpu.memory_space<hbm>>
    %dma_wait3A_446 = tpu.memref_squeeze %dma_wait3A_445 : memref<1x32768xf32, #tpu.memory_space<hbm>> -> memref<32768xf32, #tpu.memory_space<hbm>>
    tpu.wait_dma2 semaphore(%arg11 : memref<!tpu.dma_semaphore, #tpu.memory_space<semaphore_mem>>) src(%arg4 : memref<32768xf32, #tpu.memory_space<vmem>>) dst(%dma_wait3A_446 : memref<32768xf32, #tpu.memory_space<hbm>>)
    %add3A_447 = arith.constant 1 : i32
    %add3A_448 = arith.addi %mul3A_2, %add3A_447 : i32
    %add3A_449 = arith.constant 1 : i32
    %add3A_450 = arith.addi %add3A_448, %add3A_449 : i32
    %dma_start3A_451 = arith.constant 0 : i32
    %dma_start3A_452 = tpu.memref_slice %arg2[%add3A_450, %dma_start3A_451] : memref<128x32768xf32, #tpu.memory_space<hbm>> -> memref<1x32768xf32, #tpu.memory_space<hbm>>
    %dma_start3A_453 = tpu.memref_squeeze %dma_start3A_452 : memref<1x32768xf32, #tpu.memory_space<hbm>> -> memref<32768xf32, #tpu.memory_space<hbm>>
    %dma_start3A_454 = arith.constant 0 : i32
    %dma_start3A_455 = tpu.memref_slice %arg2[%add3A_450, %dma_start3A_454] : memref<128x32768xf32, #tpu.memory_space<hbm>> -> memref<1x32768xf32, #tpu.memory_space<hbm>>
    %dma_start3A_456 = tpu.memref_squeeze %dma_start3A_455 : memref<1x32768xf32, #tpu.memory_space<hbm>> -> memref<32768xf32, #tpu.memory_space<hbm>>
    tpu.enqueue_dma source(%dma_start3A_456 : memref<32768xf32, #tpu.memory_space<hbm>>) target(%arg4 : memref<32768xf32, #tpu.memory_space<vmem>>) target_semaphore(%arg9 : memref<!tpu.dma_semaphore, #tpu.memory_space<semaphore_mem>>)
    %dma_wait3A_457 = arith.constant 0 : i32
    %dma_wait3A_458 = tpu.memref_slice %arg2[%add3A_11, %dma_wait3A_457] : memref<128x32768xf32, #tpu.memory_space<hbm>> -> memref<1x32768xf32, #tpu.memory_space<hbm>>
    %dma_wait3A_459 = tpu.memref_squeeze %dma_wait3A_458 : memref<1x32768xf32, #tpu.memory_space<hbm>> -> memref<32768xf32, #tpu.memory_space<hbm>>
    %dma_wait3A_460 = arith.constant 0 : i32
    %dma_wait3A_461 = tpu.memref_slice %arg2[%add3A_11, %dma_wait3A_460] : memref<128x32768xf32, #tpu.memory_space<hbm>> -> memref<1x32768xf32, #tpu.memory_space<hbm>>
    %dma_wait3A_462 = tpu.memref_squeeze %dma_wait3A_461 : memref<1x32768xf32, #tpu.memory_space<hbm>> -> memref<32768xf32, #tpu.memory_space<hbm>>
    tpu.wait_dma2 semaphore(%arg10 : memref<!tpu.dma_semaphore, #tpu.memory_space<semaphore_mem>>) src(%dma_wait3A_462 : memref<32768xf32, #tpu.memory_space<hbm>>) dst(%arg5 : memref<32768xf32, #tpu.memory_space<vmem>>)
    %iota3A_463 = tpu.iota {dimensions = array<i32: 0>} : vector<16xi32>
    %broadcast_in_dim3A_464 = arith.constant 1 : i32
    %broadcast_in_dim3A_465 = vector.broadcast %broadcast_in_dim3A_464 : i32 to vector<16xi32>
    %broadcast_in_dim3A_466 = arith.constant 0 : i32
    %broadcast_in_dim3A_467 = vector.broadcast %broadcast_in_dim3A_466 : i32 to vector<16xi32>
    %swap3A_468 = arith.constant 0 : index
    %swap3A_469 = tpu.vector_load %arg7[%swap3A_468] {strides = array<i32>} : memref<272xi32, #tpu.memory_space<vmem>>, vector<16xi32>,
    tpu.vector_store %arg7[%swap3A_468], %broadcast_in_dim3A_467 {strides = array<i32>} : memref<272xi32, #tpu.memory_space<vmem>>, vector<16xi32>,
    %broadcast_in_dim3A_470 = arith.constant 0 : i32
    %broadcast_in_dim3A_471 = vector.broadcast %broadcast_in_dim3A_470 : i32 to vector<16xi32>
    %swap3A_472 = arith.constant 16 : index
    %swap3A_473 = tpu.vector_load %arg7[%swap3A_472] {strides = array<i32>} : memref<272xi32, #tpu.memory_space<vmem>>, vector<16xi32>,
    tpu.vector_store %arg7[%swap3A_472], %broadcast_in_dim3A_471 {strides = array<i32>} : memref<272xi32, #tpu.memory_space<vmem>>, vector<16xi32>,
    %broadcast_in_dim3A_474 = arith.constant 0 : i32
    %broadcast_in_dim3A_475 = vector.broadcast %broadcast_in_dim3A_474 : i32 to vector<16xi32>
    %swap3A_476 = arith.constant 32 : index
    %swap3A_477 = tpu.vector_load %arg7[%swap3A_476] {strides = array<i32>} : memref<272xi32, #tpu.memory_space<vmem>>, vector<16xi32>,
    tpu.vector_store %arg7[%swap3A_476], %broadcast_in_dim3A_475 {strides = array<i32>} : memref<272xi32, #tpu.memory_space<vmem>>, vector<16xi32>,
    %broadcast_in_dim3A_478 = arith.constant 0 : i32
    %broadcast_in_dim3A_479 = vector.broadcast %broadcast_in_dim3A_478 : i32 to vector<16xi32>
    %swap3A_480 = arith.constant 48 : index
    %swap3A_481 = tpu.vector_load %arg7[%swap3A_480] {strides = array<i32>} : memref<272xi32, #tpu.memory_space<vmem>>, vector<16xi32>,
    tpu.vector_store %arg7[%swap3A_480], %broadcast_in_dim3A_479 {strides = array<i32>} : memref<272xi32, #tpu.memory_space<vmem>>, vector<16xi32>,
    %broadcast_in_dim3A_482 = arith.constant 0 : i32
    %broadcast_in_dim3A_483 = vector.broadcast %broadcast_in_dim3A_482 : i32 to vector<16xi32>
    %swap3A_484 = arith.constant 64 : index
    %swap3A_485 = tpu.vector_load %arg7[%swap3A_484] {strides = array<i32>} : memref<272xi32, #tpu.memory_space<vmem>>, vector<16xi32>,
    tpu.vector_store %arg7[%swap3A_484], %broadcast_in_dim3A_483 {strides = array<i32>} : memref<272xi32, #tpu.memory_space<vmem>>, vector<16xi32>,
    %broadcast_in_dim3A_486 = arith.constant 0 : i32
    %broadcast_in_dim3A_487 = vector.broadcast %broadcast_in_dim3A_486 : i32 to vector<16xi32>
    %swap3A_488 = arith.constant 80 : index
    %swap3A_489 = tpu.vector_load %arg7[%swap3A_488] {strides = array<i32>} : memref<272xi32, #tpu.memory_space<vmem>>, vector<16xi32>,
    tpu.vector_store %arg7[%swap3A_488], %broadcast_in_dim3A_487 {strides = array<i32>} : memref<272xi32, #tpu.memory_space<vmem>>, vector<16xi32>,
    %broadcast_in_dim3A_490 = arith.constant 0 : i32
    %broadcast_in_dim3A_491 = vector.broadcast %broadcast_in_dim3A_490 : i32 to vector<16xi32>
    %swap3A_492 = arith.constant 96 : index
    %swap3A_493 = tpu.vector_load %arg7[%swap3A_492] {strides = array<i32>} : memref<272xi32, #tpu.memory_space<vmem>>, vector<16xi32>,
    tpu.vector_store %arg7[%swap3A_492], %broadcast_in_dim3A_491 {strides = array<i32>} : memref<272xi32, #tpu.memory_space<vmem>>, vector<16xi32>,
    %broadcast_in_dim3A_494 = arith.constant 0 : i32
    %broadcast_in_dim3A_495 = vector.broadcast %broadcast_in_dim3A_494 : i32 to vector<16xi32>
    %swap3A_496 = arith.constant 112 : index
    %swap3A_497 = tpu.vector_load %arg7[%swap3A_496] {strides = array<i32>} : memref<272xi32, #tpu.memory_space<vmem>>, vector<16xi32>,
    tpu.vector_store %arg7[%swap3A_496], %broadcast_in_dim3A_495 {strides = array<i32>} : memref<272xi32, #tpu.memory_space<vmem>>, vector<16xi32>,
    %broadcast_in_dim3A_498 = arith.constant 0 : i32
    %broadcast_in_dim3A_499 = vector.broadcast %broadcast_in_dim3A_498 : i32 to vector<16xi32>
    %swap3A_500 = arith.constant 128 : index
    %swap3A_501 = tpu.vector_load %arg7[%swap3A_500] {strides = array<i32>} : memref<272xi32, #tpu.memory_space<vmem>>, vector<16xi32>,
    tpu.vector_store %arg7[%swap3A_500], %broadcast_in_dim3A_499 {strides = array<i32>} : memref<272xi32, #tpu.memory_space<vmem>>, vector<16xi32>,
    %broadcast_in_dim3A_502 = arith.constant 0 : i32
    %broadcast_in_dim3A_503 = vector.broadcast %broadcast_in_dim3A_502 : i32 to vector<16xi32>
    %swap3A_504 = arith.constant 144 : index
    %swap3A_505 = tpu.vector_load %arg7[%swap3A_504] {strides = array<i32>} : memref<272xi32, #tpu.memory_space<vmem>>, vector<16xi32>,
    tpu.vector_store %arg7[%swap3A_504], %broadcast_in_dim3A_503 {strides = array<i32>} : memref<272xi32, #tpu.memory_space<vmem>>, vector<16xi32>,
    %broadcast_in_dim3A_506 = arith.constant 0 : i32
    %broadcast_in_dim3A_507 = vector.broadcast %broadcast_in_dim3A_506 : i32 to vector<16xi32>
    %swap3A_508 = arith.constant 160 : index
    %swap3A_509 = tpu.vector_load %arg7[%swap3A_508] {strides = array<i32>} : memref<272xi32, #tpu.memory_space<vmem>>, vector<16xi32>,
    tpu.vector_store %arg7[%swap3A_508], %broadcast_in_dim3A_507 {strides = array<i32>} : memref<272xi32, #tpu.memory_space<vmem>>, vector<16xi32>,
    %broadcast_in_dim3A_510 = arith.constant 0 : i32
    %broadcast_in_dim3A_511 = vector.broadcast %broadcast_in_dim3A_510 : i32 to vector<16xi32>
    %swap3A_512 = arith.constant 176 : index
    %swap3A_513 = tpu.vector_load %arg7[%swap3A_512] {strides = array<i32>} : memref<272xi32, #tpu.memory_space<vmem>>, vector<16xi32>,
    tpu.vector_store %arg7[%swap3A_512], %broadcast_in_dim3A_511 {strides = array<i32>} : memref<272xi32, #tpu.memory_space<vmem>>, vector<16xi32>,
    %broadcast_in_dim3A_514 = arith.constant 0 : i32
    %broadcast_in_dim3A_515 = vector.broadcast %broadcast_in_dim3A_514 : i32 to vector<16xi32>
    %swap3A_516 = arith.constant 192 : index
    %swap3A_517 = tpu.vector_load %arg7[%swap3A_516] {strides = array<i32>} : memref<272xi32, #tpu.memory_space<vmem>>, vector<16xi32>,
    tpu.vector_store %arg7[%swap3A_516], %broadcast_in_dim3A_515 {strides = array<i32>} : memref<272xi32, #tpu.memory_space<vmem>>, vector<16xi32>,
    %broadcast_in_dim3A_518 = arith.constant 0 : i32
    %broadcast_in_dim3A_519 = vector.broadcast %broadcast_in_dim3A_518 : i32 to vector<16xi32>
    %swap3A_520 = arith.constant 208 : index
    %swap3A_521 = tpu.vector_load %arg7[%swap3A_520] {strides = array<i32>} : memref<272xi32, #tpu.memory_space<vmem>>, vector<16xi32>,
    tpu.vector_store %arg7[%swap3A_520], %broadcast_in_dim3A_519 {strides = array<i32>} : memref<272xi32, #tpu.memory_space<vmem>>, vector<16xi32>,
    %broadcast_in_dim3A_522 = arith.constant 0 : i32
    %broadcast_in_dim3A_523 = vector.broadcast %broadcast_in_dim3A_522 : i32 to vector<16xi32>
    %swap3A_524 = arith.constant 224 : index
    %swap3A_525 = tpu.vector_load %arg7[%swap3A_524] {strides = array<i32>} : memref<272xi32, #tpu.memory_space<vmem>>, vector<16xi32>,
    tpu.vector_store %arg7[%swap3A_524], %broadcast_in_dim3A_523 {strides = array<i32>} : memref<272xi32, #tpu.memory_space<vmem>>, vector<16xi32>,
    %broadcast_in_dim3A_526 = arith.constant 0 : i32
    %broadcast_in_dim3A_527 = vector.broadcast %broadcast_in_dim3A_526 : i32 to vector<16xi32>
    %swap3A_528 = arith.constant 240 : index
    %swap3A_529 = tpu.vector_load %arg7[%swap3A_528] {strides = array<i32>} : memref<272xi32, #tpu.memory_space<vmem>>, vector<16xi32>,
    tpu.vector_store %arg7[%swap3A_528], %broadcast_in_dim3A_527 {strides = array<i32>} : memref<272xi32, #tpu.memory_space<vmem>>, vector<16xi32>,
    %parallel_loop3A_530 = arith.constant 0 : i32
    %parallel_loop3A_531 = arith.constant 2048 : i32
    %parallel_loop3A_532 = arith.constant 1 : i32
    scf.for %parallel_loop3A_1802 = %parallel_loop3A_530 to %parallel_loop3A_531 step %parallel_loop3A_532  : i32 {
      %parallel_loop3A_1803 = arith.constant 16 : i32
      %parallel_loop3A_1804 = arith.muli %parallel_loop3A_1802, %parallel_loop3A_1803 : i32
      %parallel_loop3A_1805 = arith.index_cast %parallel_loop3A_1804 : i32 to index
      %parallel_loop3A_1806 = tpu.vector_load %arg5[%parallel_loop3A_1805] {strides = array<i32>} : memref<32768xf32, #tpu.memory_space<vmem>>, vector<16xf32>,
      %parallel_loop3A_1807 = vector.bitcast %parallel_loop3A_1806 : vector<16xf32> to vector<16xi32>
      %parallel_loop3A_1808 = arith.constant 23 : i32
      %parallel_loop3A_1809 = vector.broadcast %parallel_loop3A_1808 : i32 to vector<16xi32>
      %parallel_loop3A_1810 = arith.shrui %parallel_loop3A_1807, %parallel_loop3A_1809 : vector<16xi32>
      %parallel_loop3A_1811 = arith.constant 255 : i32
      %parallel_loop3A_1812 = vector.broadcast %parallel_loop3A_1811 : i32 to vector<16xi32>
      %parallel_loop3A_1813 = arith.andi %parallel_loop3A_1810, %parallel_loop3A_1812 : vector<16xi32>
      tpu.vector_store_idx %arg7[%parallel_loop3A_1813], %broadcast_in_dim3A_465 {add = true} : memref<272xi32, #tpu.memory_space<vmem>>[vector<16xi32>], vector<16xi32>,
    } {sc.loop_unroll_factor = 8 : i64, sc.parallel_access}
    %broadcast_in_dim3A_533 = arith.constant 0 : i32
    %broadcast_in_dim3A_534 = vector.broadcast %broadcast_in_dim3A_533 : i32 to vector<16xi32>
    %swap3A_535 = arith.constant 256 : index
    %swap3A_536 = tpu.vector_load %arg8[%swap3A_535] {strides = array<i32>} : memref<272xi32, #tpu.memory_space<vmem>>, vector<16xi32>,
    tpu.vector_store %arg8[%swap3A_535], %broadcast_in_dim3A_534 {strides = array<i32>} : memref<272xi32, #tpu.memory_space<vmem>>, vector<16xi32>,
    %broadcast_in_dim3A_537 = arith.constant 0 : i32
    %broadcast_in_dim3A_538 = vector.broadcast %broadcast_in_dim3A_537 : i32 to vector<16xi32>
    %scan3A_539 = arith.constant 257 : i32
    %scan3A_540 = arith.constant 0 : i32
    %scan3A_541 = arith.constant 0 : i32
    %scan3A_542 = arith.constant 16 : i32
    %scan3A_543 = arith.addi %scan3A_541, %scan3A_542 : i32
    %scan3A_544 = arith.constant 1 : i32
    %scan3A_545:2 = scf.for %scan3A_1802 = %scan3A_541 to %scan3A_543 step %scan3A_544 iter_args(%scan3A_1803 = %scan3A_540, %scan3A_1804 = %broadcast_in_dim3A_538) -> (i32, vector<16xi32>)  : i32 {
      %sub3A_1805 = arith.constant 15 : i32
      %sub3A_1806 = arith.subi %sub3A_1805, %scan3A_1802 : i32
      %mul3A_1807 = arith.constant 16 : i32
      %mul3A_1808 = arith.muli %sub3A_1806, %mul3A_1807 : i32
      %get3A = arith.index_cast %mul3A_1808 : i32 to index
      %get3A_1809 = tpu.vector_load %arg7[%get3A] {strides = array<i32>} : memref<272xi32, #tpu.memory_space<vmem>>, vector<16xi32>,
      %rev3A = arith.constant 15 : i32
      %rev3A_1810 = vector.broadcast %rev3A : i32 to vector<16xi32>
      %rev3A_1811 = tpu.iota {dimensions = array<i32: 0>} : vector<16xi32>
      %rev3A_1812 = arith.subi %rev3A_1810, %rev3A_1811 : vector<16xi32>
      %rev3A_1813 = tpu.dynamic_gather %get3A_1809[%rev3A_1812] in [0] : vector<16xi32>, vector<16xi32> -> vector<16xi32>
      %broadcast_in_dim3A_1814 = arith.constant true
      %broadcast_in_dim3A_1815 = vector.broadcast %broadcast_in_dim3A_1814 : i1 to vector<16xi1>
      %masked_cumsum3A = tpu.scan <sum>, %rev3A_1813 masked %broadcast_in_dim3A_1815 : vector<16xi32>, vector<16xi1> -> vector<16xi32>
      %rev3A_1816 = arith.constant 15 : i32
      %rev3A_1817 = vector.broadcast %rev3A_1816 : i32 to vector<16xi32>
      %rev3A_1818 = tpu.iota {dimensions = array<i32: 0>} : vector<16xi32>
      %rev3A_1819 = arith.subi %rev3A_1817, %rev3A_1818 : vector<16xi32>
      %rev3A_1820 = tpu.dynamic_gather %masked_cumsum3A[%rev3A_1819] in [0] : vector<16xi32>, vector<16xi32> -> vector<16xi32>
      %add3A_1821 = vector.broadcast %scan3A_1803 : i32 to vector<16xi32>
      %add3A_1822 = arith.addi %rev3A_1820, %add3A_1821 : vector<16xi32>
      %mul3A_1823 = arith.constant 16 : i32
      %mul3A_1824 = arith.muli %sub3A_1806, %mul3A_1823 : i32
      %swap3A_1825 = arith.index_cast %mul3A_1824 : i32 to index
      %swap3A_1826 = tpu.vector_load %arg8[%swap3A_1825] {strides = array<i32>} : memref<272xi32, #tpu.memory_space<vmem>>, vector<16xi32>,
      tpu.vector_store %arg8[%swap3A_1825], %add3A_1822 {strides = array<i32>} : memref<272xi32, #tpu.memory_space<vmem>>, vector<16xi32>,
      %ge3A = vector.broadcast %scan3A_539 : i32 to vector<16xi32>
      %ge3A_1827 = arith.cmpi sge, %add3A_1822, %ge3A : vector<16xi32>
      %all_reduce_population_count3A = tpu.all_reduce %ge3A_1827 {dim = 0 : i64, kind = #tpu.reduction_kind<sum>} : vector<16xi1> -> vector<16xi32>
      %add3A_1828 = arith.addi %scan3A_1804, %all_reduce_population_count3A : vector<16xi32>
      %slice3A_1829 = vector.extract_strided_slice %add3A_1822 {offsets = [0], sizes = [1], strides = [1]} : vector<16xi32> to vector<1xi32>
      %squeeze3A_1830 = vector.extract %slice3A_1829[0] : i32 from vector<1xi32>
      scf.yield %squeeze3A_1830, %add3A_1828 : i32, vector<16xi32>
    }
    %scan3A_546 = arith.constant 16 : i32
    %slice3A_547 = vector.extract_strided_slice %scan3A_545#1 {offsets = [0], sizes = [1], strides = [1]} : vector<16xi32> to vector<1xi32>
    %squeeze3A_548 = vector.extract %slice3A_547[0] : i32 from vector<1xi32>
    %sub3A_549 = arith.constant 1 : i32
    %sub3A_550 = arith.subi %squeeze3A_548, %sub3A_549 : i32
    %add3A_551 = arith.constant 1 : i32
    %add3A_552 = arith.addi %sub3A_550, %add3A_551 : i32
    %broadcast_in_dim3A_553 = vector.broadcast %add3A_552 : i32 to vector<16xi32>
    %gather3A_554 = tpu.vector_load_idx %arg8[%broadcast_in_dim3A_553] : memref<272xi32, #tpu.memory_space<vmem>>[vector<16xi32>], vector<16xi32>,
    %slice3A_555 = vector.extract_strided_slice %gather3A_554 {offsets = [0], sizes = [1], strides = [1]} : vector<16xi32> to vector<1xi32>
    %squeeze3A_556 = vector.extract %slice3A_555[0] : i32 from vector<1xi32>
    %sub3A_557 = arith.constant 257 : i32
    %sub3A_558 = arith.subi %sub3A_557, %squeeze3A_556 : i32
    %mul3A_559 = arith.constant 8388608 : i32
    %mul3A_560 = arith.muli %sub3A_550, %mul3A_559 : i32
    %parallel_loop3A_561 = arith.constant 0 : i32
    %parallel_loop3A_562 = arith.constant 2048 : i32
    %parallel_loop3A_563 = arith.constant 1 : i32
    %parallel_loop3A_564 = arith.constant 2147483647 : i32
    %parallel_loop3A_565 = scf.for %parallel_loop3A_1802 = %parallel_loop3A_561 to %parallel_loop3A_562 step %parallel_loop3A_563 iter_args(%parallel_loop3A_1803 = %iota3A_463) -> (vector<16xi32>)  : i32 {
      %parallel_loop3A_1804 = arith.constant 16 : i32
      %parallel_loop3A_1805 = arith.muli %parallel_loop3A_1802, %parallel_loop3A_1804 : i32
      %parallel_loop3A_1806 = arith.index_cast %parallel_loop3A_1805 : i32 to index
      %parallel_loop3A_1807 = tpu.vector_load %arg5[%parallel_loop3A_1806] {strides = array<i32>} : memref<32768xf32, #tpu.memory_space<vmem>>, vector<16xf32>,
      %parallel_loop3A_1808 = vector.bitcast %parallel_loop3A_1807 : vector<16xf32> to vector<16xi32>
      %parallel_loop3A_1809 = vector.broadcast %parallel_loop3A_564 : i32 to vector<16xi32>
      %parallel_loop3A_1810 = arith.andi %parallel_loop3A_1808, %parallel_loop3A_1809 : vector<16xi32>
      %parallel_loop3A_1811 = vector.broadcast %mul3A_560 : i32 to vector<16xi32>
      %parallel_loop3A_1812 = arith.cmpi sge, %parallel_loop3A_1810, %parallel_loop3A_1811 : vector<16xi32>
      tpu.vector_store_idx %arg6[%parallel_loop3A_1803], %parallel_loop3A_1810 masked %parallel_loop3A_1812 : memref<32768xi32, #tpu.memory_space<vmem>>[vector<16xi32>], vector<16xi32>, vector<16xi1>
      %parallel_loop3A_1813 = arith.constant 16 : i32
      %parallel_loop3A_1814 = arith.constant 0 : i32
      %parallel_loop3A_1815 = vector.broadcast %parallel_loop3A_1813 : i32 to vector<16xi32>
      %parallel_loop3A_1816 = vector.broadcast %parallel_loop3A_1814 : i32 to vector<16xi32>
      %parallel_loop3A_1817 = arith.select %parallel_loop3A_1812, %parallel_loop3A_1815, %parallel_loop3A_1816 : vector<16xi1>, vector<16xi32>
      %parallel_loop3A_1818 = arith.addi %parallel_loop3A_1803, %parallel_loop3A_1817 : vector<16xi32>
      scf.yield %parallel_loop3A_1818 : vector<16xi32>
    } {sc.loop_unroll_factor = 8 : i64, sc.parallel_access}
    %sub3A_566 = arith.subi %parallel_loop3A_565, %iota3A_463 : vector<16xi32>
    %shift_right_logical3A_567 = arith.constant 4 : i32
    %shift_right_logical3A_568 = vector.broadcast %shift_right_logical3A_567 : i32 to vector<16xi32>
    %shift_right_logical3A_569 = arith.shrui %sub3A_566, %shift_right_logical3A_568 : vector<16xi32>
    %reduce_max3A_570 = arith.constant true
    %reduce_max3A_571 = vector.broadcast %reduce_max3A_570 : i1 to vector<16xi1>
    %reduce_max3A_572 = arith.constant -2147483648 : i32
    %reduce_max3A_573 = vector.broadcast %reduce_max3A_572 : i32 to vector<16xi32>
    %reduce_max3A_574 = arith.xori %shift_right_logical3A_569, %reduce_max3A_573 : vector<16xi32>
    %reduce_max3A_575 = tpu.scan <max>, %reduce_max3A_574 masked %reduce_max3A_571 : vector<16xi32>, vector<16xi1> -> vector<16xi32>
    %reduce_max3A_576 = arith.xori %reduce_max3A_575, %reduce_max3A_573 : vector<16xi32>
    %reduce_max3A_577 = vector.extract %reduce_max3A_576[15] : i32 from vector<16xi32>
    %broadcast_in_dim3A_578 = arith.constant 0 : i32
    %broadcast_in_dim3A_579 = vector.broadcast %broadcast_in_dim3A_578 : i32 to vector<16xi32>
    %swap3A_580 = arith.constant 0 : index
    %swap3A_581 = tpu.vector_load %arg7[%swap3A_580] {strides = array<i32>} : memref<272xi32, #tpu.memory_space<vmem>>, vector<16xi32>,
    tpu.vector_store %arg7[%swap3A_580], %broadcast_in_dim3A_579 {strides = array<i32>} : memref<272xi32, #tpu.memory_space<vmem>>, vector<16xi32>,
    %broadcast_in_dim3A_582 = arith.constant 0 : i32
    %broadcast_in_dim3A_583 = vector.broadcast %broadcast_in_dim3A_582 : i32 to vector<16xi32>
    %swap3A_584 = arith.constant 16 : index
    %swap3A_585 = tpu.vector_load %arg7[%swap3A_584] {strides = array<i32>} : memref<272xi32, #tpu.memory_space<vmem>>, vector<16xi32>,
    tpu.vector_store %arg7[%swap3A_584], %broadcast_in_dim3A_583 {strides = array<i32>} : memref<272xi32, #tpu.memory_space<vmem>>, vector<16xi32>,
    %broadcast_in_dim3A_586 = arith.constant 0 : i32
    %broadcast_in_dim3A_587 = vector.broadcast %broadcast_in_dim3A_586 : i32 to vector<16xi32>
    %swap3A_588 = arith.constant 32 : index
    %swap3A_589 = tpu.vector_load %arg7[%swap3A_588] {strides = array<i32>} : memref<272xi32, #tpu.memory_space<vmem>>, vector<16xi32>,
    tpu.vector_store %arg7[%swap3A_588], %broadcast_in_dim3A_587 {strides = array<i32>} : memref<272xi32, #tpu.memory_space<vmem>>, vector<16xi32>,
    %broadcast_in_dim3A_590 = arith.constant 0 : i32
    %broadcast_in_dim3A_591 = vector.broadcast %broadcast_in_dim3A_590 : i32 to vector<16xi32>
    %swap3A_592 = arith.constant 48 : index
    %swap3A_593 = tpu.vector_load %arg7[%swap3A_592] {strides = array<i32>} : memref<272xi32, #tpu.memory_space<vmem>>, vector<16xi32>,
    tpu.vector_store %arg7[%swap3A_592], %broadcast_in_dim3A_591 {strides = array<i32>} : memref<272xi32, #tpu.memory_space<vmem>>, vector<16xi32>,
    %broadcast_in_dim3A_594 = arith.constant 0 : i32
    %broadcast_in_dim3A_595 = vector.broadcast %broadcast_in_dim3A_594 : i32 to vector<16xi32>
    %swap3A_596 = arith.constant 64 : index
    %swap3A_597 = tpu.vector_load %arg7[%swap3A_596] {strides = array<i32>} : memref<272xi32, #tpu.memory_space<vmem>>, vector<16xi32>,
    tpu.vector_store %arg7[%swap3A_596], %broadcast_in_dim3A_595 {strides = array<i32>} : memref<272xi32, #tpu.memory_space<vmem>>, vector<16xi32>,
    %broadcast_in_dim3A_598 = arith.constant 0 : i32
    %broadcast_in_dim3A_599 = vector.broadcast %broadcast_in_dim3A_598 : i32 to vector<16xi32>
    %swap3A_600 = arith.constant 80 : index
    %swap3A_601 = tpu.vector_load %arg7[%swap3A_600] {strides = array<i32>} : memref<272xi32, #tpu.memory_space<vmem>>, vector<16xi32>,
    tpu.vector_store %arg7[%swap3A_600], %broadcast_in_dim3A_599 {strides = array<i32>} : memref<272xi32, #tpu.memory_space<vmem>>, vector<16xi32>,
    %broadcast_in_dim3A_602 = arith.constant 0 : i32
    %broadcast_in_dim3A_603 = vector.broadcast %broadcast_in_dim3A_602 : i32 to vector<16xi32>
    %swap3A_604 = arith.constant 96 : index
    %swap3A_605 = tpu.vector_load %arg7[%swap3A_604] {strides = array<i32>} : memref<272xi32, #tpu.memory_space<vmem>>, vector<16xi32>,
    tpu.vector_store %arg7[%swap3A_604], %broadcast_in_dim3A_603 {strides = array<i32>} : memref<272xi32, #tpu.memory_space<vmem>>, vector<16xi32>,
    %broadcast_in_dim3A_606 = arith.constant 0 : i32
    %broadcast_in_dim3A_607 = vector.broadcast %broadcast_in_dim3A_606 : i32 to vector<16xi32>
    %swap3A_608 = arith.constant 112 : index
    %swap3A_609 = tpu.vector_load %arg7[%swap3A_608] {strides = array<i32>} : memref<272xi32, #tpu.memory_space<vmem>>, vector<16xi32>,
    tpu.vector_store %arg7[%swap3A_608], %broadcast_in_dim3A_607 {strides = array<i32>} : memref<272xi32, #tpu.memory_space<vmem>>, vector<16xi32>,
    %broadcast_in_dim3A_610 = arith.constant 0 : i32
    %broadcast_in_dim3A_611 = vector.broadcast %broadcast_in_dim3A_610 : i32 to vector<16xi32>
    %swap3A_612 = arith.constant 128 : index
    %swap3A_613 = tpu.vector_load %arg7[%swap3A_612] {strides = array<i32>} : memref<272xi32, #tpu.memory_space<vmem>>, vector<16xi32>,
    tpu.vector_store %arg7[%swap3A_612], %broadcast_in_dim3A_611 {strides = array<i32>} : memref<272xi32, #tpu.memory_space<vmem>>, vector<16xi32>,
    %broadcast_in_dim3A_614 = arith.constant 0 : i32
    %broadcast_in_dim3A_615 = vector.broadcast %broadcast_in_dim3A_614 : i32 to vector<16xi32>
    %swap3A_616 = arith.constant 144 : index
    %swap3A_617 = tpu.vector_load %arg7[%swap3A_616] {strides = array<i32>} : memref<272xi32, #tpu.memory_space<vmem>>, vector<16xi32>,
    tpu.vector_store %arg7[%swap3A_616], %broadcast_in_dim3A_615 {strides = array<i32>} : memref<272xi32, #tpu.memory_space<vmem>>, vector<16xi32>,
    %broadcast_in_dim3A_618 = arith.constant 0 : i32
    %broadcast_in_dim3A_619 = vector.broadcast %broadcast_in_dim3A_618 : i32 to vector<16xi32>
    %swap3A_620 = arith.constant 160 : index
    %swap3A_621 = tpu.vector_load %arg7[%swap3A_620] {strides = array<i32>} : memref<272xi32, #tpu.memory_space<vmem>>, vector<16xi32>,
    tpu.vector_store %arg7[%swap3A_620], %broadcast_in_dim3A_619 {strides = array<i32>} : memref<272xi32, #tpu.memory_space<vmem>>, vector<16xi32>,
    %broadcast_in_dim3A_622 = arith.constant 0 : i32
    %broadcast_in_dim3A_623 = vector.broadcast %broadcast_in_dim3A_622 : i32 to vector<16xi32>
    %swap3A_624 = arith.constant 176 : index
    %swap3A_625 = tpu.vector_load %arg7[%swap3A_624] {strides = array<i32>} : memref<272xi32, #tpu.memory_space<vmem>>, vector<16xi32>,
    tpu.vector_store %arg7[%swap3A_624], %broadcast_in_dim3A_623 {strides = array<i32>} : memref<272xi32, #tpu.memory_space<vmem>>, vector<16xi32>,
    %broadcast_in_dim3A_626 = arith.constant 0 : i32
    %broadcast_in_dim3A_627 = vector.broadcast %broadcast_in_dim3A_626 : i32 to vector<16xi32>
    %swap3A_628 = arith.constant 192 : index
    %swap3A_629 = tpu.vector_load %arg7[%swap3A_628] {strides = array<i32>} : memref<272xi32, #tpu.memory_space<vmem>>, vector<16xi32>,
    tpu.vector_store %arg7[%swap3A_628], %broadcast_in_dim3A_627 {strides = array<i32>} : memref<272xi32, #tpu.memory_space<vmem>>, vector<16xi32>,
    %broadcast_in_dim3A_630 = arith.constant 0 : i32
    %broadcast_in_dim3A_631 = vector.broadcast %broadcast_in_dim3A_630 : i32 to vector<16xi32>
    %swap3A_632 = arith.constant 208 : index
    %swap3A_633 = tpu.vector_load %arg7[%swap3A_632] {strides = array<i32>} : memref<272xi32, #tpu.memory_space<vmem>>, vector<16xi32>,
    tpu.vector_store %arg7[%swap3A_632], %broadcast_in_dim3A_631 {strides = array<i32>} : memref<272xi32, #tpu.memory_space<vmem>>, vector<16xi32>,
    %broadcast_in_dim3A_634 = arith.constant 0 : i32
    %broadcast_in_dim3A_635 = vector.broadcast %broadcast_in_dim3A_634 : i32 to vector<16xi32>
    %swap3A_636 = arith.constant 224 : index
    %swap3A_637 = tpu.vector_load %arg7[%swap3A_636] {strides = array<i32>} : memref<272xi32, #tpu.memory_space<vmem>>, vector<16xi32>,
    tpu.vector_store %arg7[%swap3A_636], %broadcast_in_dim3A_635 {strides = array<i32>} : memref<272xi32, #tpu.memory_space<vmem>>, vector<16xi32>,
    %broadcast_in_dim3A_638 = arith.constant 0 : i32
    %broadcast_in_dim3A_639 = vector.broadcast %broadcast_in_dim3A_638 : i32 to vector<16xi32>
    %swap3A_640 = arith.constant 240 : index
    %swap3A_641 = tpu.vector_load %arg7[%swap3A_640] {strides = array<i32>} : memref<272xi32, #tpu.memory_space<vmem>>, vector<16xi32>,
    tpu.vector_store %arg7[%swap3A_640], %broadcast_in_dim3A_639 {strides = array<i32>} : memref<272xi32, #tpu.memory_space<vmem>>, vector<16xi32>,
    %parallel_loop3A_642 = arith.constant 0 : i32
    %parallel_loop3A_643 = arith.constant 1 : i32
    scf.for %parallel_loop3A_1802 = %parallel_loop3A_642 to %reduce_max3A_577 step %parallel_loop3A_643  : i32 {
      %parallel_loop3A_1803 = arith.constant 16 : i32
      %parallel_loop3A_1804 = arith.muli %parallel_loop3A_1802, %parallel_loop3A_1803 : i32
      %parallel_loop3A_1805 = arith.index_cast %parallel_loop3A_1804 : i32 to index
      %parallel_loop3A_1806 = tpu.vector_load %arg6[%parallel_loop3A_1805] {strides = array<i32>} : memref<32768xi32, #tpu.memory_space<vmem>>, vector<16xi32>,
      %parallel_loop3A_1807 = arith.constant 15 : i32
      %parallel_loop3A_1808 = vector.broadcast %parallel_loop3A_1807 : i32 to vector<16xi32>
      %parallel_loop3A_1809 = arith.shrui %parallel_loop3A_1806, %parallel_loop3A_1808 : vector<16xi32>
      %parallel_loop3A_1810 = arith.constant 255 : i32
      %parallel_loop3A_1811 = vector.broadcast %parallel_loop3A_1810 : i32 to vector<16xi32>
      %parallel_loop3A_1812 = arith.andi %parallel_loop3A_1809, %parallel_loop3A_1811 : vector<16xi32>
      %parallel_loop3A_1813 = vector.broadcast %parallel_loop3A_1802 : i32 to vector<16xi32>
      %parallel_loop3A_1814 = arith.cmpi sgt, %shift_right_logical3A_569, %parallel_loop3A_1813 : vector<16xi32>
      %parallel_loop3A_1815 = arith.constant 23 : i32
      %parallel_loop3A_1816 = vector.broadcast %parallel_loop3A_1815 : i32 to vector<16xi32>
      %parallel_loop3A_1817 = arith.shrui %parallel_loop3A_1806, %parallel_loop3A_1816 : vector<16xi32>
      %parallel_loop3A_1818 = vector.broadcast %sub3A_550 : i32 to vector<16xi32>
      %parallel_loop3A_1819 = arith.cmpi eq, %parallel_loop3A_1817, %parallel_loop3A_1818 : vector<16xi32>
      %parallel_loop3A_1820 = arith.andi %parallel_loop3A_1814, %parallel_loop3A_1819 : vector<16xi1>
      tpu.vector_store_idx %arg7[%parallel_loop3A_1812], %broadcast_in_dim3A_465 masked %parallel_loop3A_1820 {add = true} : memref<272xi32, #tpu.memory_space<vmem>>[vector<16xi32>], vector<16xi32>, vector<16xi1>
    } {sc.loop_unroll_factor = 2 : i64, sc.parallel_access}
    %broadcast_in_dim3A_644 = arith.constant 0 : i32
    %broadcast_in_dim3A_645 = vector.broadcast %broadcast_in_dim3A_644 : i32 to vector<16xi32>
    %swap3A_646 = arith.constant 256 : index
    %swap3A_647 = tpu.vector_load %arg8[%swap3A_646] {strides = array<i32>} : memref<272xi32, #tpu.memory_space<vmem>>, vector<16xi32>,
    tpu.vector_store %arg8[%swap3A_646], %broadcast_in_dim3A_645 {strides = array<i32>} : memref<272xi32, #tpu.memory_space<vmem>>, vector<16xi32>,
    %broadcast_in_dim3A_648 = arith.constant 0 : i32
    %broadcast_in_dim3A_649 = vector.broadcast %broadcast_in_dim3A_648 : i32 to vector<16xi32>
    %scan3A_650 = arith.constant 0 : i32
    %scan3A_651 = arith.constant 0 : i32
    %scan3A_652 = arith.constant 16 : i32
    %scan3A_653 = arith.addi %scan3A_651, %scan3A_652 : i32
    %scan3A_654 = arith.constant 1 : i32
    %scan3A_655:2 = scf.for %scan3A_1802 = %scan3A_651 to %scan3A_653 step %scan3A_654 iter_args(%scan3A_1803 = %scan3A_650, %scan3A_1804 = %broadcast_in_dim3A_649) -> (i32, vector<16xi32>)  : i32 {
      %sub3A_1805 = arith.constant 15 : i32
      %sub3A_1806 = arith.subi %sub3A_1805, %scan3A_1802 : i32
      %mul3A_1807 = arith.constant 16 : i32
      %mul3A_1808 = arith.muli %sub3A_1806, %mul3A_1807 : i32
      %get3A = arith.index_cast %mul3A_1808 : i32 to index
      %get3A_1809 = tpu.vector_load %arg7[%get3A] {strides = array<i32>} : memref<272xi32, #tpu.memory_space<vmem>>, vector<16xi32>,
      %rev3A = arith.constant 15 : i32
      %rev3A_1810 = vector.broadcast %rev3A : i32 to vector<16xi32>
      %rev3A_1811 = tpu.iota {dimensions = array<i32: 0>} : vector<16xi32>
      %rev3A_1812 = arith.subi %rev3A_1810, %rev3A_1811 : vector<16xi32>
      %rev3A_1813 = tpu.dynamic_gather %get3A_1809[%rev3A_1812] in [0] : vector<16xi32>, vector<16xi32> -> vector<16xi32>
      %broadcast_in_dim3A_1814 = arith.constant true
      %broadcast_in_dim3A_1815 = vector.broadcast %broadcast_in_dim3A_1814 : i1 to vector<16xi1>
      %masked_cumsum3A = tpu.scan <sum>, %rev3A_1813 masked %broadcast_in_dim3A_1815 : vector<16xi32>, vector<16xi1> -> vector<16xi32>
      %rev3A_1816 = arith.constant 15 : i32
      %rev3A_1817 = vector.broadcast %rev3A_1816 : i32 to vector<16xi32>
      %rev3A_1818 = tpu.iota {dimensions = array<i32: 0>} : vector<16xi32>
      %rev3A_1819 = arith.subi %rev3A_1817, %rev3A_1818 : vector<16xi32>
      %rev3A_1820 = tpu.dynamic_gather %masked_cumsum3A[%rev3A_1819] in [0] : vector<16xi32>, vector<16xi32> -> vector<16xi32>
      %add3A_1821 = vector.broadcast %scan3A_1803 : i32 to vector<16xi32>
      %add3A_1822 = arith.addi %rev3A_1820, %add3A_1821 : vector<16xi32>
      %mul3A_1823 = arith.constant 16 : i32
      %mul3A_1824 = arith.muli %sub3A_1806, %mul3A_1823 : i32
      %swap3A_1825 = arith.index_cast %mul3A_1824 : i32 to index
      %swap3A_1826 = tpu.vector_load %arg8[%swap3A_1825] {strides = array<i32>} : memref<272xi32, #tpu.memory_space<vmem>>, vector<16xi32>,
      tpu.vector_store %arg8[%swap3A_1825], %add3A_1822 {strides = array<i32>} : memref<272xi32, #tpu.memory_space<vmem>>, vector<16xi32>,
      %ge3A = vector.broadcast %sub3A_558 : i32 to vector<16xi32>
      %ge3A_1827 = arith.cmpi sge, %add3A_1822, %ge3A : vector<16xi32>
      %all_reduce_population_count3A = tpu.all_reduce %ge3A_1827 {dim = 0 : i64, kind = #tpu.reduction_kind<sum>} : vector<16xi1> -> vector<16xi32>
      %add3A_1828 = arith.addi %scan3A_1804, %all_reduce_population_count3A : vector<16xi32>
      %slice3A_1829 = vector.extract_strided_slice %add3A_1822 {offsets = [0], sizes = [1], strides = [1]} : vector<16xi32> to vector<1xi32>
      %squeeze3A_1830 = vector.extract %slice3A_1829[0] : i32 from vector<1xi32>
      scf.yield %squeeze3A_1830, %add3A_1828 : i32, vector<16xi32>
    }
    %scan3A_656 = arith.constant 16 : i32
    %slice3A_657 = vector.extract_strided_slice %scan3A_655#1 {offsets = [0], sizes = [1], strides = [1]} : vector<16xi32> to vector<1xi32>
    %squeeze3A_658 = vector.extract %slice3A_657[0] : i32 from vector<1xi32>
    %sub3A_659 = arith.constant 1 : i32
    %sub3A_660 = arith.subi %squeeze3A_658, %sub3A_659 : i32
    %add3A_661 = arith.constant 1 : i32
    %add3A_662 = arith.addi %sub3A_660, %add3A_661 : i32
    %broadcast_in_dim3A_663 = vector.broadcast %add3A_662 : i32 to vector<16xi32>
    %gather3A_664 = tpu.vector_load_idx %arg8[%broadcast_in_dim3A_663] : memref<272xi32, #tpu.memory_space<vmem>>[vector<16xi32>], vector<16xi32>,
    %slice3A_665 = vector.extract_strided_slice %gather3A_664 {offsets = [0], sizes = [1], strides = [1]} : vector<16xi32> to vector<1xi32>
    %squeeze3A_666 = vector.extract %slice3A_665[0] : i32 from vector<1xi32>
    %sub3A_667 = arith.subi %sub3A_558, %squeeze3A_666 : i32
    %mul3A_668 = arith.constant 256 : i32
    %mul3A_669 = arith.muli %sub3A_550, %mul3A_668 : i32
    %add3A_670 = arith.addi %mul3A_669, %sub3A_660 : i32
    %broadcast_in_dim3A_671 = arith.constant 0 : i32
    %broadcast_in_dim3A_672 = vector.broadcast %broadcast_in_dim3A_671 : i32 to vector<16xi32>
    %swap3A_673 = arith.constant 0 : index
    %swap3A_674 = tpu.vector_load %arg7[%swap3A_673] {strides = array<i32>} : memref<272xi32, #tpu.memory_space<vmem>>, vector<16xi32>,
    tpu.vector_store %arg7[%swap3A_673], %broadcast_in_dim3A_672 {strides = array<i32>} : memref<272xi32, #tpu.memory_space<vmem>>, vector<16xi32>,
    %broadcast_in_dim3A_675 = arith.constant 0 : i32
    %broadcast_in_dim3A_676 = vector.broadcast %broadcast_in_dim3A_675 : i32 to vector<16xi32>
    %swap3A_677 = arith.constant 16 : index
    %swap3A_678 = tpu.vector_load %arg7[%swap3A_677] {strides = array<i32>} : memref<272xi32, #tpu.memory_space<vmem>>, vector<16xi32>,
    tpu.vector_store %arg7[%swap3A_677], %broadcast_in_dim3A_676 {strides = array<i32>} : memref<272xi32, #tpu.memory_space<vmem>>, vector<16xi32>,
    %broadcast_in_dim3A_679 = arith.constant 0 : i32
    %broadcast_in_dim3A_680 = vector.broadcast %broadcast_in_dim3A_679 : i32 to vector<16xi32>
    %swap3A_681 = arith.constant 32 : index
    %swap3A_682 = tpu.vector_load %arg7[%swap3A_681] {strides = array<i32>} : memref<272xi32, #tpu.memory_space<vmem>>, vector<16xi32>,
    tpu.vector_store %arg7[%swap3A_681], %broadcast_in_dim3A_680 {strides = array<i32>} : memref<272xi32, #tpu.memory_space<vmem>>, vector<16xi32>,
    %broadcast_in_dim3A_683 = arith.constant 0 : i32
    %broadcast_in_dim3A_684 = vector.broadcast %broadcast_in_dim3A_683 : i32 to vector<16xi32>
    %swap3A_685 = arith.constant 48 : index
    %swap3A_686 = tpu.vector_load %arg7[%swap3A_685] {strides = array<i32>} : memref<272xi32, #tpu.memory_space<vmem>>, vector<16xi32>,
    tpu.vector_store %arg7[%swap3A_685], %broadcast_in_dim3A_684 {strides = array<i32>} : memref<272xi32, #tpu.memory_space<vmem>>, vector<16xi32>,
    %broadcast_in_dim3A_687 = arith.constant 0 : i32
    %broadcast_in_dim3A_688 = vector.broadcast %broadcast_in_dim3A_687 : i32 to vector<16xi32>
    %swap3A_689 = arith.constant 64 : index
    %swap3A_690 = tpu.vector_load %arg7[%swap3A_689] {strides = array<i32>} : memref<272xi32, #tpu.memory_space<vmem>>, vector<16xi32>,
    tpu.vector_store %arg7[%swap3A_689], %broadcast_in_dim3A_688 {strides = array<i32>} : memref<272xi32, #tpu.memory_space<vmem>>, vector<16xi32>,
    %broadcast_in_dim3A_691 = arith.constant 0 : i32
    %broadcast_in_dim3A_692 = vector.broadcast %broadcast_in_dim3A_691 : i32 to vector<16xi32>
    %swap3A_693 = arith.constant 80 : index
    %swap3A_694 = tpu.vector_load %arg7[%swap3A_693] {strides = array<i32>} : memref<272xi32, #tpu.memory_space<vmem>>, vector<16xi32>,
    tpu.vector_store %arg7[%swap3A_693], %broadcast_in_dim3A_692 {strides = array<i32>} : memref<272xi32, #tpu.memory_space<vmem>>, vector<16xi32>,
    %broadcast_in_dim3A_695 = arith.constant 0 : i32
    %broadcast_in_dim3A_696 = vector.broadcast %broadcast_in_dim3A_695 : i32 to vector<16xi32>
    %swap3A_697 = arith.constant 96 : index
    %swap3A_698 = tpu.vector_load %arg7[%swap3A_697] {strides = array<i32>} : memref<272xi32, #tpu.memory_space<vmem>>, vector<16xi32>,
    tpu.vector_store %arg7[%swap3A_697], %broadcast_in_dim3A_696 {strides = array<i32>} : memref<272xi32, #tpu.memory_space<vmem>>, vector<16xi32>,
    %broadcast_in_dim3A_699 = arith.constant 0 : i32
    %broadcast_in_dim3A_700 = vector.broadcast %broadcast_in_dim3A_699 : i32 to vector<16xi32>
    %swap3A_701 = arith.constant 112 : index
    %swap3A_702 = tpu.vector_load %arg7[%swap3A_701] {strides = array<i32>} : memref<272xi32, #tpu.memory_space<vmem>>, vector<16xi32>,
    tpu.vector_store %arg7[%swap3A_701], %broadcast_in_dim3A_700 {strides = array<i32>} : memref<272xi32, #tpu.memory_space<vmem>>, vector<16xi32>,
    %broadcast_in_dim3A_703 = arith.constant 0 : i32
    %broadcast_in_dim3A_704 = vector.broadcast %broadcast_in_dim3A_703 : i32 to vector<16xi32>
    %swap3A_705 = arith.constant 128 : index
    %swap3A_706 = tpu.vector_load %arg7[%swap3A_705] {strides = array<i32>} : memref<272xi32, #tpu.memory_space<vmem>>, vector<16xi32>,
    tpu.vector_store %arg7[%swap3A_705], %broadcast_in_dim3A_704 {strides = array<i32>} : memref<272xi32, #tpu.memory_space<vmem>>, vector<16xi32>,
    %broadcast_in_dim3A_707 = arith.constant 0 : i32
    %broadcast_in_dim3A_708 = vector.broadcast %broadcast_in_dim3A_707 : i32 to vector<16xi32>
    %swap3A_709 = arith.constant 144 : index
    %swap3A_710 = tpu.vector_load %arg7[%swap3A_709] {strides = array<i32>} : memref<272xi32, #tpu.memory_space<vmem>>, vector<16xi32>,
    tpu.vector_store %arg7[%swap3A_709], %broadcast_in_dim3A_708 {strides = array<i32>} : memref<272xi32, #tpu.memory_space<vmem>>, vector<16xi32>,
    %broadcast_in_dim3A_711 = arith.constant 0 : i32
    %broadcast_in_dim3A_712 = vector.broadcast %broadcast_in_dim3A_711 : i32 to vector<16xi32>
    %swap3A_713 = arith.constant 160 : index
    %swap3A_714 = tpu.vector_load %arg7[%swap3A_713] {strides = array<i32>} : memref<272xi32, #tpu.memory_space<vmem>>, vector<16xi32>,
    tpu.vector_store %arg7[%swap3A_713], %broadcast_in_dim3A_712 {strides = array<i32>} : memref<272xi32, #tpu.memory_space<vmem>>, vector<16xi32>,
    %broadcast_in_dim3A_715 = arith.constant 0 : i32
    %broadcast_in_dim3A_716 = vector.broadcast %broadcast_in_dim3A_715 : i32 to vector<16xi32>
    %swap3A_717 = arith.constant 176 : index
    %swap3A_718 = tpu.vector_load %arg7[%swap3A_717] {strides = array<i32>} : memref<272xi32, #tpu.memory_space<vmem>>, vector<16xi32>,
    tpu.vector_store %arg7[%swap3A_717], %broadcast_in_dim3A_716 {strides = array<i32>} : memref<272xi32, #tpu.memory_space<vmem>>, vector<16xi32>,
    %broadcast_in_dim3A_719 = arith.constant 0 : i32
    %broadcast_in_dim3A_720 = vector.broadcast %broadcast_in_dim3A_719 : i32 to vector<16xi32>
    %swap3A_721 = arith.constant 192 : index
    %swap3A_722 = tpu.vector_load %arg7[%swap3A_721] {strides = array<i32>} : memref<272xi32, #tpu.memory_space<vmem>>, vector<16xi32>,
    tpu.vector_store %arg7[%swap3A_721], %broadcast_in_dim3A_720 {strides = array<i32>} : memref<272xi32, #tpu.memory_space<vmem>>, vector<16xi32>,
    %broadcast_in_dim3A_723 = arith.constant 0 : i32
    %broadcast_in_dim3A_724 = vector.broadcast %broadcast_in_dim3A_723 : i32 to vector<16xi32>
    %swap3A_725 = arith.constant 208 : index
    %swap3A_726 = tpu.vector_load %arg7[%swap3A_725] {strides = array<i32>} : memref<272xi32, #tpu.memory_space<vmem>>, vector<16xi32>,
    tpu.vector_store %arg7[%swap3A_725], %broadcast_in_dim3A_724 {strides = array<i32>} : memref<272xi32, #tpu.memory_space<vmem>>, vector<16xi32>,
    %broadcast_in_dim3A_727 = arith.constant 0 : i32
    %broadcast_in_dim3A_728 = vector.broadcast %broadcast_in_dim3A_727 : i32 to vector<16xi32>
    %swap3A_729 = arith.constant 224 : index
    %swap3A_730 = tpu.vector_load %arg7[%swap3A_729] {strides = array<i32>} : memref<272xi32, #tpu.memory_space<vmem>>, vector<16xi32>,
    tpu.vector_store %arg7[%swap3A_729], %broadcast_in_dim3A_728 {strides = array<i32>} : memref<272xi32, #tpu.memory_space<vmem>>, vector<16xi32>,
    %broadcast_in_dim3A_731 = arith.constant 0 : i32
    %broadcast_in_dim3A_732 = vector.broadcast %broadcast_in_dim3A_731 : i32 to vector<16xi32>
    %swap3A_733 = arith.constant 240 : index
    %swap3A_734 = tpu.vector_load %arg7[%swap3A_733] {strides = array<i32>} : memref<272xi32, #tpu.memory_space<vmem>>, vector<16xi32>,
    tpu.vector_store %arg7[%swap3A_733], %broadcast_in_dim3A_732 {strides = array<i32>} : memref<272xi32, #tpu.memory_space<vmem>>, vector<16xi32>,
    %parallel_loop3A_735 = arith.constant 0 : i32
    %parallel_loop3A_736 = arith.constant 1 : i32
    scf.for %parallel_loop3A_1802 = %parallel_loop3A_735 to %reduce_max3A_577 step %parallel_loop3A_736  : i32 {
      %parallel_loop3A_1803 = arith.constant 16 : i32
      %parallel_loop3A_1804 = arith.muli %parallel_loop3A_1802, %parallel_loop3A_1803 : i32
      %parallel_loop3A_1805 = arith.index_cast %parallel_loop3A_1804 : i32 to index
      %parallel_loop3A_1806 = tpu.vector_load %arg6[%parallel_loop3A_1805] {strides = array<i32>} : memref<32768xi32, #tpu.memory_space<vmem>>, vector<16xi32>,
      %parallel_loop3A_1807 = arith.constant 7 : i32
      %parallel_loop3A_1808 = vector.broadcast %parallel_loop3A_1807 : i32 to vector<16xi32>
      %parallel_loop3A_1809 = arith.shrui %parallel_loop3A_1806, %parallel_loop3A_1808 : vector<16xi32>
      %parallel_loop3A_1810 = arith.constant 255 : i32
      %parallel_loop3A_1811 = vector.broadcast %parallel_loop3A_1810 : i32 to vector<16xi32>
      %parallel_loop3A_1812 = arith.andi %parallel_loop3A_1809, %parallel_loop3A_1811 : vector<16xi32>
      %parallel_loop3A_1813 = vector.broadcast %parallel_loop3A_1802 : i32 to vector<16xi32>
      %parallel_loop3A_1814 = arith.cmpi sgt, %shift_right_logical3A_569, %parallel_loop3A_1813 : vector<16xi32>
      %parallel_loop3A_1815 = arith.constant 15 : i32
      %parallel_loop3A_1816 = vector.broadcast %parallel_loop3A_1815 : i32 to vector<16xi32>
      %parallel_loop3A_1817 = arith.shrui %parallel_loop3A_1806, %parallel_loop3A_1816 : vector<16xi32>
      %parallel_loop3A_1818 = vector.broadcast %add3A_670 : i32 to vector<16xi32>
      %parallel_loop3A_1819 = arith.cmpi eq, %parallel_loop3A_1817, %parallel_loop3A_1818 : vector<16xi32>
      %parallel_loop3A_1820 = arith.andi %parallel_loop3A_1814, %parallel_loop3A_1819 : vector<16xi1>
      tpu.vector_store_idx %arg7[%parallel_loop3A_1812], %broadcast_in_dim3A_465 masked %parallel_loop3A_1820 {add = true} : memref<272xi32, #tpu.memory_space<vmem>>[vector<16xi32>], vector<16xi32>, vector<16xi1>
    } {sc.loop_unroll_factor = 2 : i64, sc.parallel_access}
    %broadcast_in_dim3A_737 = arith.constant 0 : i32
    %broadcast_in_dim3A_738 = vector.broadcast %broadcast_in_dim3A_737 : i32 to vector<16xi32>
    %swap3A_739 = arith.constant 256 : index
    %swap3A_740 = tpu.vector_load %arg8[%swap3A_739] {strides = array<i32>} : memref<272xi32, #tpu.memory_space<vmem>>, vector<16xi32>,
    tpu.vector_store %arg8[%swap3A_739], %broadcast_in_dim3A_738 {strides = array<i32>} : memref<272xi32, #tpu.memory_space<vmem>>, vector<16xi32>,
    %broadcast_in_dim3A_741 = arith.constant 0 : i32
    %broadcast_in_dim3A_742 = vector.broadcast %broadcast_in_dim3A_741 : i32 to vector<16xi32>
    %scan3A_743 = arith.constant 0 : i32
    %scan3A_744 = arith.constant 0 : i32
    %scan3A_745 = arith.constant 16 : i32
    %scan3A_746 = arith.addi %scan3A_744, %scan3A_745 : i32
    %scan3A_747 = arith.constant 1 : i32
    %scan3A_748:2 = scf.for %scan3A_1802 = %scan3A_744 to %scan3A_746 step %scan3A_747 iter_args(%scan3A_1803 = %scan3A_743, %scan3A_1804 = %broadcast_in_dim3A_742) -> (i32, vector<16xi32>)  : i32 {
      %sub3A_1805 = arith.constant 15 : i32
      %sub3A_1806 = arith.subi %sub3A_1805, %scan3A_1802 : i32
      %mul3A_1807 = arith.constant 16 : i32
      %mul3A_1808 = arith.muli %sub3A_1806, %mul3A_1807 : i32
      %get3A = arith.index_cast %mul3A_1808 : i32 to index
      %get3A_1809 = tpu.vector_load %arg7[%get3A] {strides = array<i32>} : memref<272xi32, #tpu.memory_space<vmem>>, vector<16xi32>,
      %rev3A = arith.constant 15 : i32
      %rev3A_1810 = vector.broadcast %rev3A : i32 to vector<16xi32>
      %rev3A_1811 = tpu.iota {dimensions = array<i32: 0>} : vector<16xi32>
      %rev3A_1812 = arith.subi %rev3A_1810, %rev3A_1811 : vector<16xi32>
      %rev3A_1813 = tpu.dynamic_gather %get3A_1809[%rev3A_1812] in [0] : vector<16xi32>, vector<16xi32> -> vector<16xi32>
      %broadcast_in_dim3A_1814 = arith.constant true
      %broadcast_in_dim3A_1815 = vector.broadcast %broadcast_in_dim3A_1814 : i1 to vector<16xi1>
      %masked_cumsum3A = tpu.scan <sum>, %rev3A_1813 masked %broadcast_in_dim3A_1815 : vector<16xi32>, vector<16xi1> -> vector<16xi32>
      %rev3A_1816 = arith.constant 15 : i32
      %rev3A_1817 = vector.broadcast %rev3A_1816 : i32 to vector<16xi32>
      %rev3A_1818 = tpu.iota {dimensions = array<i32: 0>} : vector<16xi32>
      %rev3A_1819 = arith.subi %rev3A_1817, %rev3A_1818 : vector<16xi32>
      %rev3A_1820 = tpu.dynamic_gather %masked_cumsum3A[%rev3A_1819] in [0] : vector<16xi32>, vector<16xi32> -> vector<16xi32>
      %add3A_1821 = vector.broadcast %scan3A_1803 : i32 to vector<16xi32>
      %add3A_1822 = arith.addi %rev3A_1820, %add3A_1821 : vector<16xi32>
      %mul3A_1823 = arith.constant 16 : i32
      %mul3A_1824 = arith.muli %sub3A_1806, %mul3A_1823 : i32
      %swap3A_1825 = arith.index_cast %mul3A_1824 : i32 to index
      %swap3A_1826 = tpu.vector_load %arg8[%swap3A_1825] {strides = array<i32>} : memref<272xi32, #tpu.memory_space<vmem>>, vector<16xi32>,
      tpu.vector_store %arg8[%swap3A_1825], %add3A_1822 {strides = array<i32>} : memref<272xi32, #tpu.memory_space<vmem>>, vector<16xi32>,
      %ge3A = vector.broadcast %sub3A_667 : i32 to vector<16xi32>
      %ge3A_1827 = arith.cmpi sge, %add3A_1822, %ge3A : vector<16xi32>
      %all_reduce_population_count3A = tpu.all_reduce %ge3A_1827 {dim = 0 : i64, kind = #tpu.reduction_kind<sum>} : vector<16xi1> -> vector<16xi32>
      %add3A_1828 = arith.addi %scan3A_1804, %all_reduce_population_count3A : vector<16xi32>
      %slice3A_1829 = vector.extract_strided_slice %add3A_1822 {offsets = [0], sizes = [1], strides = [1]} : vector<16xi32> to vector<1xi32>
      %squeeze3A_1830 = vector.extract %slice3A_1829[0] : i32 from vector<1xi32>
      scf.yield %squeeze3A_1830, %add3A_1828 : i32, vector<16xi32>
    }
    %scan3A_749 = arith.constant 16 : i32
    %slice3A_750 = vector.extract_strided_slice %scan3A_748#1 {offsets = [0], sizes = [1], strides = [1]} : vector<16xi32> to vector<1xi32>
    %squeeze3A_751 = vector.extract %slice3A_750[0] : i32 from vector<1xi32>
    %sub3A_752 = arith.constant 1 : i32
    %sub3A_753 = arith.subi %squeeze3A_751, %sub3A_752 : i32
    %add3A_754 = arith.constant 1 : i32
    %add3A_755 = arith.addi %sub3A_753, %add3A_754 : i32
    %broadcast_in_dim3A_756 = vector.broadcast %add3A_755 : i32 to vector<16xi32>
    %gather3A_757 = tpu.vector_load_idx %arg8[%broadcast_in_dim3A_756] : memref<272xi32, #tpu.memory_space<vmem>>[vector<16xi32>], vector<16xi32>,
    %slice3A_758 = vector.extract_strided_slice %gather3A_757 {offsets = [0], sizes = [1], strides = [1]} : vector<16xi32> to vector<1xi32>
    %squeeze3A_759 = vector.extract %slice3A_758[0] : i32 from vector<1xi32>
    %sub3A_760 = arith.subi %sub3A_667, %squeeze3A_759 : i32
    %mul3A_761 = arith.constant 256 : i32
    %mul3A_762 = arith.muli %add3A_670, %mul3A_761 : i32
    %add3A_763 = arith.addi %mul3A_762, %sub3A_753 : i32
    %broadcast_in_dim3A_764 = arith.constant 0 : i32
    %broadcast_in_dim3A_765 = vector.broadcast %broadcast_in_dim3A_764 : i32 to vector<16xi32>
    %swap3A_766 = arith.constant 0 : index
    %swap3A_767 = tpu.vector_load %arg7[%swap3A_766] {strides = array<i32>} : memref<272xi32, #tpu.memory_space<vmem>>, vector<16xi32>,
    tpu.vector_store %arg7[%swap3A_766], %broadcast_in_dim3A_765 {strides = array<i32>} : memref<272xi32, #tpu.memory_space<vmem>>, vector<16xi32>,
    %broadcast_in_dim3A_768 = arith.constant 0 : i32
    %broadcast_in_dim3A_769 = vector.broadcast %broadcast_in_dim3A_768 : i32 to vector<16xi32>
    %swap3A_770 = arith.constant 16 : index
    %swap3A_771 = tpu.vector_load %arg7[%swap3A_770] {strides = array<i32>} : memref<272xi32, #tpu.memory_space<vmem>>, vector<16xi32>,
    tpu.vector_store %arg7[%swap3A_770], %broadcast_in_dim3A_769 {strides = array<i32>} : memref<272xi32, #tpu.memory_space<vmem>>, vector<16xi32>,
    %broadcast_in_dim3A_772 = arith.constant 0 : i32
    %broadcast_in_dim3A_773 = vector.broadcast %broadcast_in_dim3A_772 : i32 to vector<16xi32>
    %swap3A_774 = arith.constant 32 : index
    %swap3A_775 = tpu.vector_load %arg7[%swap3A_774] {strides = array<i32>} : memref<272xi32, #tpu.memory_space<vmem>>, vector<16xi32>,
    tpu.vector_store %arg7[%swap3A_774], %broadcast_in_dim3A_773 {strides = array<i32>} : memref<272xi32, #tpu.memory_space<vmem>>, vector<16xi32>,
    %broadcast_in_dim3A_776 = arith.constant 0 : i32
    %broadcast_in_dim3A_777 = vector.broadcast %broadcast_in_dim3A_776 : i32 to vector<16xi32>
    %swap3A_778 = arith.constant 48 : index
    %swap3A_779 = tpu.vector_load %arg7[%swap3A_778] {strides = array<i32>} : memref<272xi32, #tpu.memory_space<vmem>>, vector<16xi32>,
    tpu.vector_store %arg7[%swap3A_778], %broadcast_in_dim3A_777 {strides = array<i32>} : memref<272xi32, #tpu.memory_space<vmem>>, vector<16xi32>,
    %broadcast_in_dim3A_780 = arith.constant 0 : i32
    %broadcast_in_dim3A_781 = vector.broadcast %broadcast_in_dim3A_780 : i32 to vector<16xi32>
    %swap3A_782 = arith.constant 64 : index
    %swap3A_783 = tpu.vector_load %arg7[%swap3A_782] {strides = array<i32>} : memref<272xi32, #tpu.memory_space<vmem>>, vector<16xi32>,
    tpu.vector_store %arg7[%swap3A_782], %broadcast_in_dim3A_781 {strides = array<i32>} : memref<272xi32, #tpu.memory_space<vmem>>, vector<16xi32>,
    %broadcast_in_dim3A_784 = arith.constant 0 : i32
    %broadcast_in_dim3A_785 = vector.broadcast %broadcast_in_dim3A_784 : i32 to vector<16xi32>
    %swap3A_786 = arith.constant 80 : index
    %swap3A_787 = tpu.vector_load %arg7[%swap3A_786] {strides = array<i32>} : memref<272xi32, #tpu.memory_space<vmem>>, vector<16xi32>,
    tpu.vector_store %arg7[%swap3A_786], %broadcast_in_dim3A_785 {strides = array<i32>} : memref<272xi32, #tpu.memory_space<vmem>>, vector<16xi32>,
    %broadcast_in_dim3A_788 = arith.constant 0 : i32
    %broadcast_in_dim3A_789 = vector.broadcast %broadcast_in_dim3A_788 : i32 to vector<16xi32>
    %swap3A_790 = arith.constant 96 : index
    %swap3A_791 = tpu.vector_load %arg7[%swap3A_790] {strides = array<i32>} : memref<272xi32, #tpu.memory_space<vmem>>, vector<16xi32>,
    tpu.vector_store %arg7[%swap3A_790], %broadcast_in_dim3A_789 {strides = array<i32>} : memref<272xi32, #tpu.memory_space<vmem>>, vector<16xi32>,
    %broadcast_in_dim3A_792 = arith.constant 0 : i32
    %broadcast_in_dim3A_793 = vector.broadcast %broadcast_in_dim3A_792 : i32 to vector<16xi32>
    %swap3A_794 = arith.constant 112 : index
    %swap3A_795 = tpu.vector_load %arg7[%swap3A_794] {strides = array<i32>} : memref<272xi32, #tpu.memory_space<vmem>>, vector<16xi32>,
    tpu.vector_store %arg7[%swap3A_794], %broadcast_in_dim3A_793 {strides = array<i32>} : memref<272xi32, #tpu.memory_space<vmem>>, vector<16xi32>,
    %broadcast_in_dim3A_796 = arith.constant 0 : i32
    %broadcast_in_dim3A_797 = vector.broadcast %broadcast_in_dim3A_796 : i32 to vector<16xi32>
    %swap3A_798 = arith.constant 128 : index
    %swap3A_799 = tpu.vector_load %arg7[%swap3A_798] {strides = array<i32>} : memref<272xi32, #tpu.memory_space<vmem>>, vector<16xi32>,
    tpu.vector_store %arg7[%swap3A_798], %broadcast_in_dim3A_797 {strides = array<i32>} : memref<272xi32, #tpu.memory_space<vmem>>, vector<16xi32>,
    %broadcast_in_dim3A_800 = arith.constant 0 : i32
    %broadcast_in_dim3A_801 = vector.broadcast %broadcast_in_dim3A_800 : i32 to vector<16xi32>
    %swap3A_802 = arith.constant 144 : index
    %swap3A_803 = tpu.vector_load %arg7[%swap3A_802] {strides = array<i32>} : memref<272xi32, #tpu.memory_space<vmem>>, vector<16xi32>,
    tpu.vector_store %arg7[%swap3A_802], %broadcast_in_dim3A_801 {strides = array<i32>} : memref<272xi32, #tpu.memory_space<vmem>>, vector<16xi32>,
    %broadcast_in_dim3A_804 = arith.constant 0 : i32
    %broadcast_in_dim3A_805 = vector.broadcast %broadcast_in_dim3A_804 : i32 to vector<16xi32>
    %swap3A_806 = arith.constant 160 : index
    %swap3A_807 = tpu.vector_load %arg7[%swap3A_806] {strides = array<i32>} : memref<272xi32, #tpu.memory_space<vmem>>, vector<16xi32>,
    tpu.vector_store %arg7[%swap3A_806], %broadcast_in_dim3A_805 {strides = array<i32>} : memref<272xi32, #tpu.memory_space<vmem>>, vector<16xi32>,
    %broadcast_in_dim3A_808 = arith.constant 0 : i32
    %broadcast_in_dim3A_809 = vector.broadcast %broadcast_in_dim3A_808 : i32 to vector<16xi32>
    %swap3A_810 = arith.constant 176 : index
    %swap3A_811 = tpu.vector_load %arg7[%swap3A_810] {strides = array<i32>} : memref<272xi32, #tpu.memory_space<vmem>>, vector<16xi32>,
    tpu.vector_store %arg7[%swap3A_810], %broadcast_in_dim3A_809 {strides = array<i32>} : memref<272xi32, #tpu.memory_space<vmem>>, vector<16xi32>,
    %broadcast_in_dim3A_812 = arith.constant 0 : i32
    %broadcast_in_dim3A_813 = vector.broadcast %broadcast_in_dim3A_812 : i32 to vector<16xi32>
    %swap3A_814 = arith.constant 192 : index
    %swap3A_815 = tpu.vector_load %arg7[%swap3A_814] {strides = array<i32>} : memref<272xi32, #tpu.memory_space<vmem>>, vector<16xi32>,
    tpu.vector_store %arg7[%swap3A_814], %broadcast_in_dim3A_813 {strides = array<i32>} : memref<272xi32, #tpu.memory_space<vmem>>, vector<16xi32>,
    %broadcast_in_dim3A_816 = arith.constant 0 : i32
    %broadcast_in_dim3A_817 = vector.broadcast %broadcast_in_dim3A_816 : i32 to vector<16xi32>
    %swap3A_818 = arith.constant 208 : index
    %swap3A_819 = tpu.vector_load %arg7[%swap3A_818] {strides = array<i32>} : memref<272xi32, #tpu.memory_space<vmem>>, vector<16xi32>,
    tpu.vector_store %arg7[%swap3A_818], %broadcast_in_dim3A_817 {strides = array<i32>} : memref<272xi32, #tpu.memory_space<vmem>>, vector<16xi32>,
    %broadcast_in_dim3A_820 = arith.constant 0 : i32
    %broadcast_in_dim3A_821 = vector.broadcast %broadcast_in_dim3A_820 : i32 to vector<16xi32>
    %swap3A_822 = arith.constant 224 : index
    %swap3A_823 = tpu.vector_load %arg7[%swap3A_822] {strides = array<i32>} : memref<272xi32, #tpu.memory_space<vmem>>, vector<16xi32>,
    tpu.vector_store %arg7[%swap3A_822], %broadcast_in_dim3A_821 {strides = array<i32>} : memref<272xi32, #tpu.memory_space<vmem>>, vector<16xi32>,
    %broadcast_in_dim3A_824 = arith.constant 0 : i32
    %broadcast_in_dim3A_825 = vector.broadcast %broadcast_in_dim3A_824 : i32 to vector<16xi32>
    %swap3A_826 = arith.constant 240 : index
    %swap3A_827 = tpu.vector_load %arg7[%swap3A_826] {strides = array<i32>} : memref<272xi32, #tpu.memory_space<vmem>>, vector<16xi32>,
    tpu.vector_store %arg7[%swap3A_826], %broadcast_in_dim3A_825 {strides = array<i32>} : memref<272xi32, #tpu.memory_space<vmem>>, vector<16xi32>,
    %parallel_loop3A_828 = arith.constant 0 : i32
    %parallel_loop3A_829 = arith.constant 1 : i32
    scf.for %parallel_loop3A_1802 = %parallel_loop3A_828 to %reduce_max3A_577 step %parallel_loop3A_829  : i32 {
      %parallel_loop3A_1803 = arith.constant 16 : i32
      %parallel_loop3A_1804 = arith.muli %parallel_loop3A_1802, %parallel_loop3A_1803 : i32
      %parallel_loop3A_1805 = arith.index_cast %parallel_loop3A_1804 : i32 to index
      %parallel_loop3A_1806 = tpu.vector_load %arg6[%parallel_loop3A_1805] {strides = array<i32>} : memref<32768xi32, #tpu.memory_space<vmem>>, vector<16xi32>,
      %parallel_loop3A_1807 = arith.constant 0 : i32
      %parallel_loop3A_1808 = vector.broadcast %parallel_loop3A_1807 : i32 to vector<16xi32>
      %parallel_loop3A_1809 = arith.shrui %parallel_loop3A_1806, %parallel_loop3A_1808 : vector<16xi32>
      %parallel_loop3A_1810 = arith.constant 127 : i32
      %parallel_loop3A_1811 = vector.broadcast %parallel_loop3A_1810 : i32 to vector<16xi32>
      %parallel_loop3A_1812 = arith.andi %parallel_loop3A_1809, %parallel_loop3A_1811 : vector<16xi32>
      %parallel_loop3A_1813 = vector.broadcast %parallel_loop3A_1802 : i32 to vector<16xi32>
      %parallel_loop3A_1814 = arith.cmpi sgt, %shift_right_logical3A_569, %parallel_loop3A_1813 : vector<16xi32>
      %parallel_loop3A_1815 = arith.constant 7 : i32
      %parallel_loop3A_1816 = vector.broadcast %parallel_loop3A_1815 : i32 to vector<16xi32>
      %parallel_loop3A_1817 = arith.shrui %parallel_loop3A_1806, %parallel_loop3A_1816 : vector<16xi32>
      %parallel_loop3A_1818 = vector.broadcast %add3A_763 : i32 to vector<16xi32>
      %parallel_loop3A_1819 = arith.cmpi eq, %parallel_loop3A_1817, %parallel_loop3A_1818 : vector<16xi32>
      %parallel_loop3A_1820 = arith.andi %parallel_loop3A_1814, %parallel_loop3A_1819 : vector<16xi1>
      tpu.vector_store_idx %arg7[%parallel_loop3A_1812], %broadcast_in_dim3A_465 masked %parallel_loop3A_1820 {add = true} : memref<272xi32, #tpu.memory_space<vmem>>[vector<16xi32>], vector<16xi32>, vector<16xi1>
    } {sc.loop_unroll_factor = 2 : i64, sc.parallel_access}
    %broadcast_in_dim3A_830 = arith.constant 0 : i32
    %broadcast_in_dim3A_831 = vector.broadcast %broadcast_in_dim3A_830 : i32 to vector<16xi32>
    %swap3A_832 = arith.constant 128 : index
    %swap3A_833 = tpu.vector_load %arg8[%swap3A_832] {strides = array<i32>} : memref<272xi32, #tpu.memory_space<vmem>>, vector<16xi32>,
    tpu.vector_store %arg8[%swap3A_832], %broadcast_in_dim3A_831 {strides = array<i32>} : memref<272xi32, #tpu.memory_space<vmem>>, vector<16xi32>,
    %broadcast_in_dim3A_834 = arith.constant 0 : i32
    %broadcast_in_dim3A_835 = vector.broadcast %broadcast_in_dim3A_834 : i32 to vector<16xi32>
    %scan3A_836 = arith.constant 0 : i32
    %scan3A_837 = arith.constant 0 : i32
    %scan3A_838 = arith.constant 8 : i32
    %scan3A_839 = arith.addi %scan3A_837, %scan3A_838 : i32
    %scan3A_840 = arith.constant 1 : i32
    %scan3A_841:2 = scf.for %scan3A_1802 = %scan3A_837 to %scan3A_839 step %scan3A_840 iter_args(%scan3A_1803 = %scan3A_836, %scan3A_1804 = %broadcast_in_dim3A_835) -> (i32, vector<16xi32>)  : i32 {
      %sub3A_1805 = arith.constant 7 : i32
      %sub3A_1806 = arith.subi %sub3A_1805, %scan3A_1802 : i32
      %mul3A_1807 = arith.constant 16 : i32
      %mul3A_1808 = arith.muli %sub3A_1806, %mul3A_1807 : i32
      %get3A = arith.index_cast %mul3A_1808 : i32 to index
      %get3A_1809 = tpu.vector_load %arg7[%get3A] {strides = array<i32>} : memref<272xi32, #tpu.memory_space<vmem>>, vector<16xi32>,
      %rev3A = arith.constant 15 : i32
      %rev3A_1810 = vector.broadcast %rev3A : i32 to vector<16xi32>
      %rev3A_1811 = tpu.iota {dimensions = array<i32: 0>} : vector<16xi32>
      %rev3A_1812 = arith.subi %rev3A_1810, %rev3A_1811 : vector<16xi32>
      %rev3A_1813 = tpu.dynamic_gather %get3A_1809[%rev3A_1812] in [0] : vector<16xi32>, vector<16xi32> -> vector<16xi32>
      %broadcast_in_dim3A_1814 = arith.constant true
      %broadcast_in_dim3A_1815 = vector.broadcast %broadcast_in_dim3A_1814 : i1 to vector<16xi1>
      %masked_cumsum3A = tpu.scan <sum>, %rev3A_1813 masked %broadcast_in_dim3A_1815 : vector<16xi32>, vector<16xi1> -> vector<16xi32>
      %rev3A_1816 = arith.constant 15 : i32
      %rev3A_1817 = vector.broadcast %rev3A_1816 : i32 to vector<16xi32>
      %rev3A_1818 = tpu.iota {dimensions = array<i32: 0>} : vector<16xi32>
      %rev3A_1819 = arith.subi %rev3A_1817, %rev3A_1818 : vector<16xi32>
      %rev3A_1820 = tpu.dynamic_gather %masked_cumsum3A[%rev3A_1819] in [0] : vector<16xi32>, vector<16xi32> -> vector<16xi32>
      %add3A_1821 = vector.broadcast %scan3A_1803 : i32 to vector<16xi32>
      %add3A_1822 = arith.addi %rev3A_1820, %add3A_1821 : vector<16xi32>
      %mul3A_1823 = arith.constant 16 : i32
      %mul3A_1824 = arith.muli %sub3A_1806, %mul3A_1823 : i32
      %swap3A_1825 = arith.index_cast %mul3A_1824 : i32 to index
      %swap3A_1826 = tpu.vector_load %arg8[%swap3A_1825] {strides = array<i32>} : memref<272xi32, #tpu.memory_space<vmem>>, vector<16xi32>,
      tpu.vector_store %arg8[%swap3A_1825], %add3A_1822 {strides = array<i32>} : memref<272xi32, #tpu.memory_space<vmem>>, vector<16xi32>,
      %ge3A = vector.broadcast %sub3A_760 : i32 to vector<16xi32>
      %ge3A_1827 = arith.cmpi sge, %add3A_1822, %ge3A : vector<16xi32>
      %all_reduce_population_count3A = tpu.all_reduce %ge3A_1827 {dim = 0 : i64, kind = #tpu.reduction_kind<sum>} : vector<16xi1> -> vector<16xi32>
      %add3A_1828 = arith.addi %scan3A_1804, %all_reduce_population_count3A : vector<16xi32>
      %slice3A_1829 = vector.extract_strided_slice %add3A_1822 {offsets = [0], sizes = [1], strides = [1]} : vector<16xi32> to vector<1xi32>
      %squeeze3A_1830 = vector.extract %slice3A_1829[0] : i32 from vector<1xi32>
      scf.yield %squeeze3A_1830, %add3A_1828 : i32, vector<16xi32>
    }
    %scan3A_842 = arith.constant 8 : i32
    %slice3A_843 = vector.extract_strided_slice %scan3A_841#1 {offsets = [0], sizes = [1], strides = [1]} : vector<16xi32> to vector<1xi32>
    %squeeze3A_844 = vector.extract %slice3A_843[0] : i32 from vector<1xi32>
    %sub3A_845 = arith.constant 1 : i32
    %sub3A_846 = arith.subi %squeeze3A_844, %sub3A_845 : i32
    %add3A_847 = arith.constant 1 : i32
    %add3A_848 = arith.addi %sub3A_846, %add3A_847 : i32
    %broadcast_in_dim3A_849 = vector.broadcast %add3A_848 : i32 to vector<16xi32>
    %gather3A_850 = tpu.vector_load_idx %arg8[%broadcast_in_dim3A_849] : memref<272xi32, #tpu.memory_space<vmem>>[vector<16xi32>], vector<16xi32>,
    %slice3A_851 = vector.extract_strided_slice %gather3A_850 {offsets = [0], sizes = [1], strides = [1]} : vector<16xi32> to vector<1xi32>
    %squeeze3A_852 = vector.extract %slice3A_851[0] : i32 from vector<1xi32>
    %sub3A_853 = arith.subi %sub3A_760, %squeeze3A_852 : i32
    %mul3A_854 = arith.constant 128 : i32
    %mul3A_855 = arith.muli %add3A_763, %mul3A_854 : i32
    %add3A_856 = arith.addi %mul3A_855, %sub3A_846 : i32
    %broadcast_in_dim3A_857 = arith.constant 2147483647 : i32
    %broadcast_in_dim3A_858 = vector.broadcast %broadcast_in_dim3A_857 : i32 to vector<16xi32>
    %parallel_loop3A_859 = arith.constant 0 : i32
    %parallel_loop3A_860 = arith.constant 1 : i32
    %parallel_loop3A_861 = arith.constant 2147483647 : i32
    %parallel_loop3A_862 = scf.for %parallel_loop3A_1802 = %parallel_loop3A_859 to %reduce_max3A_577 step %parallel_loop3A_860 iter_args(%parallel_loop3A_1803 = %broadcast_in_dim3A_858) -> (vector<16xi32>)  : i32 {
      %parallel_loop3A_1804 = arith.constant 16 : i32
      %parallel_loop3A_1805 = arith.muli %parallel_loop3A_1802, %parallel_loop3A_1804 : i32
      %parallel_loop3A_1806 = arith.index_cast %parallel_loop3A_1805 : i32 to index
      %parallel_loop3A_1807 = tpu.vector_load %arg6[%parallel_loop3A_1806] {strides = array<i32>} : memref<32768xi32, #tpu.memory_space<vmem>>, vector<16xi32>,
      %parallel_loop3A_1808 = vector.broadcast %parallel_loop3A_1802 : i32 to vector<16xi32>
      %parallel_loop3A_1809 = arith.cmpi sgt, %shift_right_logical3A_569, %parallel_loop3A_1808 : vector<16xi32>
      %parallel_loop3A_1810 = vector.broadcast %add3A_856 : i32 to vector<16xi32>
      %parallel_loop3A_1811 = arith.cmpi sgt, %parallel_loop3A_1807, %parallel_loop3A_1810 : vector<16xi32>
      %parallel_loop3A_1812 = arith.andi %parallel_loop3A_1809, %parallel_loop3A_1811 : vector<16xi1>
      %parallel_loop3A_1813 = vector.broadcast %parallel_loop3A_861 : i32 to vector<16xi32>
      %parallel_loop3A_1814 = arith.select %parallel_loop3A_1812, %parallel_loop3A_1807, %parallel_loop3A_1813 : vector<16xi1>, vector<16xi32>
      %parallel_loop3A_1815 = arith.minsi %parallel_loop3A_1803, %parallel_loop3A_1814 : vector<16xi32>
      scf.yield %parallel_loop3A_1815 : vector<16xi32>
    } {sc.loop_unroll_factor = 2 : i64, sc.parallel_access}
    %eq3A_863 = arith.constant 1 : i32
    %eq3A_864 = arith.cmpi eq, %sub3A_853, %eq3A_863 : i32
    %reduce_min3A_865 = arith.constant true
    %reduce_min3A_866 = vector.broadcast %reduce_min3A_865 : i1 to vector<16xi1>
    %reduce_min3A_867 = arith.constant -2147483648 : i32
    %reduce_min3A_868 = vector.broadcast %reduce_min3A_867 : i32 to vector<16xi32>
    %reduce_min3A_869 = arith.xori %parallel_loop3A_862, %reduce_min3A_868 : vector<16xi32>
    %reduce_min3A_870 = tpu.scan <min>, %reduce_min3A_869 masked %reduce_min3A_866 : vector<16xi32>, vector<16xi1> -> vector<16xi32>
    %reduce_min3A_871 = arith.xori %reduce_min3A_870, %reduce_min3A_868 : vector<16xi32>
    %reduce_min3A_872 = vector.extract %reduce_min3A_871[15] : i32 from vector<16xi32>
    %select_n3A_873 = arith.select %eq3A_864, %reduce_min3A_872, %add3A_856 : i32
    %broadcast_in_dim3A_874 = vector.broadcast %add3A_856 : i32 to vector<16xi32>
    %bitcast3A_875 = vector.bitcast %broadcast_in_dim3A_874 : vector<16xi32> to vector<16xf32>
    %broadcast_in_dim3A_876 = vector.broadcast %select_n3A_873 : i32 to vector<16xi32>
    %bitcast3A_877 = vector.bitcast %broadcast_in_dim3A_876 : vector<16xi32> to vector<16xf32>
    %sub3A_878 = arith.subf %bitcast3A_877, %bitcast3A_875 : vector<16xf32>
    %mul3A_879 = arith.constant 7.812500e-03 : f32
    %mul3A_880 = vector.broadcast %mul3A_879 : f32 to vector<16xf32>
    %mul3A_881 = arith.mulf %mul3A_880, %sub3A_878 : vector<16xf32>
    %add3A_882 = arith.addf %bitcast3A_875, %mul3A_881 : vector<16xf32>
    %parallel_loop3A_883 = arith.constant 0 : i32
    %parallel_loop3A_884 = arith.constant 2048 : i32
    %parallel_loop3A_885 = arith.constant 1 : i32
    %parallel_loop3A_886 = arith.constant 2147483647 : i32
    %parallel_loop3A_887 = arith.constant -2147483648 : i32
    scf.for %parallel_loop3A_1802 = %parallel_loop3A_883 to %parallel_loop3A_884 step %parallel_loop3A_885  : i32 {
      %parallel_loop3A_1803 = arith.constant 16 : i32
      %parallel_loop3A_1804 = arith.muli %parallel_loop3A_1802, %parallel_loop3A_1803 : i32
      %parallel_loop3A_1805 = arith.index_cast %parallel_loop3A_1804 : i32 to index
      %parallel_loop3A_1806 = tpu.vector_load %arg5[%parallel_loop3A_1805] {strides = array<i32>} : memref<32768xf32, #tpu.memory_space<vmem>>, vector<16xf32>,
      %parallel_loop3A_1807 = vector.bitcast %parallel_loop3A_1806 : vector<16xf32> to vector<16xi32>
      %parallel_loop3A_1808 = vector.broadcast %parallel_loop3A_886 : i32 to vector<16xi32>
      %parallel_loop3A_1809 = arith.andi %parallel_loop3A_1807, %parallel_loop3A_1808 : vector<16xi32>
      %parallel_loop3A_1810 = vector.bitcast %parallel_loop3A_1809 : vector<16xi32> to vector<16xf32>
      %parallel_loop3A_1811 = arith.subf %parallel_loop3A_1810, %add3A_882 : vector<16xf32>
      %parallel_loop3A_1812 = arith.constant 0.000000e+00 : f32
      %parallel_loop3A_1813 = vector.broadcast %parallel_loop3A_1812 : f32 to vector<16xf32>
      %parallel_loop3A_1814 = arith.maximumf %parallel_loop3A_1811, %parallel_loop3A_1813 : vector<16xf32>
      %parallel_loop3A_1815 = vector.bitcast %parallel_loop3A_1814 : vector<16xf32> to vector<16xi32>
      %parallel_loop3A_1816 = vector.broadcast %parallel_loop3A_887 : i32 to vector<16xi32>
      %parallel_loop3A_1817 = arith.andi %parallel_loop3A_1807, %parallel_loop3A_1816 : vector<16xi32>
      %parallel_loop3A_1818 = arith.ori %parallel_loop3A_1815, %parallel_loop3A_1817 : vector<16xi32>
      %parallel_loop3A_1819 = vector.bitcast %parallel_loop3A_1818 : vector<16xi32> to vector<16xf32>
      %parallel_loop3A_1820 = arith.constant 16 : i32
      %parallel_loop3A_1821 = arith.muli %parallel_loop3A_1802, %parallel_loop3A_1820 : i32
      %parallel_loop3A_1822 = arith.index_cast %parallel_loop3A_1821 : i32 to index
      %parallel_loop3A_1823 = tpu.vector_load %arg5[%parallel_loop3A_1822] {strides = array<i32>} : memref<32768xf32, #tpu.memory_space<vmem>>, vector<16xf32>,
      tpu.vector_store %arg5[%parallel_loop3A_1822], %parallel_loop3A_1819 {strides = array<i32>} : memref<32768xf32, #tpu.memory_space<vmem>>, vector<16xf32>,
    } {sc.loop_unroll_factor = 8 : i64, sc.parallel_access}
    %add3A_888 = arith.constant 1 : i32
    %add3A_889 = arith.addi %mul3A_2, %add3A_888 : i32
    %dma_start3A_890 = arith.constant 0 : i32
    %dma_start3A_891 = tpu.memref_slice %arg3[%add3A_889, %dma_start3A_890] : memref<128x32768xf32, #tpu.memory_space<hbm>> -> memref<1x32768xf32, #tpu.memory_space<hbm>>
    %dma_start3A_892 = tpu.memref_squeeze %dma_start3A_891 : memref<1x32768xf32, #tpu.memory_space<hbm>> -> memref<32768xf32, #tpu.memory_space<hbm>>
    %dma_start3A_893 = arith.constant 0 : i32
    %dma_start3A_894 = tpu.memref_slice %arg3[%add3A_889, %dma_start3A_893] : memref<128x32768xf32, #tpu.memory_space<hbm>> -> memref<1x32768xf32, #tpu.memory_space<hbm>>
    %dma_start3A_895 = tpu.memref_squeeze %dma_start3A_894 : memref<1x32768xf32, #tpu.memory_space<hbm>> -> memref<32768xf32, #tpu.memory_space<hbm>>
    tpu.enqueue_dma source(%arg5 : memref<32768xf32, #tpu.memory_space<vmem>>) target(%dma_start3A_895 : memref<32768xf32, #tpu.memory_space<hbm>>) target_semaphore(%arg12 : memref<!tpu.dma_semaphore, #tpu.memory_space<semaphore_mem>>)
    %dma_wait3A_896 = arith.constant 0 : i32
    %dma_wait3A_897 = tpu.memref_slice %arg3[%add3A_889, %dma_wait3A_896] : memref<128x32768xf32, #tpu.memory_space<hbm>> -> memref<1x32768xf32, #tpu.memory_space<hbm>>
    %dma_wait3A_898 = tpu.memref_squeeze %dma_wait3A_897 : memref<1x32768xf32, #tpu.memory_space<hbm>> -> memref<32768xf32, #tpu.memory_space<hbm>>
    %dma_wait3A_899 = arith.constant 0 : i32
    %dma_wait3A_900 = tpu.memref_slice %arg3[%add3A_889, %dma_wait3A_899] : memref<128x32768xf32, #tpu.memory_space<hbm>> -> memref<1x32768xf32, #tpu.memory_space<hbm>>
    %dma_wait3A_901 = tpu.memref_squeeze %dma_wait3A_900 : memref<1x32768xf32, #tpu.memory_space<hbm>> -> memref<32768xf32, #tpu.memory_space<hbm>>
    tpu.wait_dma2 semaphore(%arg12 : memref<!tpu.dma_semaphore, #tpu.memory_space<semaphore_mem>>) src(%arg5 : memref<32768xf32, #tpu.memory_space<vmem>>) dst(%dma_wait3A_901 : memref<32768xf32, #tpu.memory_space<hbm>>)
    %add3A_902 = arith.constant 2 : i32
    %add3A_903 = arith.addi %mul3A_2, %add3A_902 : i32
    %add3A_904 = arith.constant 1 : i32
    %add3A_905 = arith.addi %add3A_903, %add3A_904 : i32
    %dma_start3A_906 = arith.constant 0 : i32
    %dma_start3A_907 = tpu.memref_slice %arg2[%add3A_905, %dma_start3A_906] : memref<128x32768xf32, #tpu.memory_space<hbm>> -> memref<1x32768xf32, #tpu.memory_space<hbm>>
    %dma_start3A_908 = tpu.memref_squeeze %dma_start3A_907 : memref<1x32768xf32, #tpu.memory_space<hbm>> -> memref<32768xf32, #tpu.memory_space<hbm>>
    %dma_start3A_909 = arith.constant 0 : i32
    %dma_start3A_910 = tpu.memref_slice %arg2[%add3A_905, %dma_start3A_909] : memref<128x32768xf32, #tpu.memory_space<hbm>> -> memref<1x32768xf32, #tpu.memory_space<hbm>>
    %dma_start3A_911 = tpu.memref_squeeze %dma_start3A_910 : memref<1x32768xf32, #tpu.memory_space<hbm>> -> memref<32768xf32, #tpu.memory_space<hbm>>
    tpu.enqueue_dma source(%dma_start3A_911 : memref<32768xf32, #tpu.memory_space<hbm>>) target(%arg5 : memref<32768xf32, #tpu.memory_space<vmem>>) target_semaphore(%arg10 : memref<!tpu.dma_semaphore, #tpu.memory_space<semaphore_mem>>)
    %dma_wait3A_912 = arith.constant 0 : i32
    %dma_wait3A_913 = tpu.memref_slice %arg2[%add3A_450, %dma_wait3A_912] : memref<128x32768xf32, #tpu.memory_space<hbm>> -> memref<1x32768xf32, #tpu.memory_space<hbm>>
    %dma_wait3A_914 = tpu.memref_squeeze %dma_wait3A_913 : memref<1x32768xf32, #tpu.memory_space<hbm>> -> memref<32768xf32, #tpu.memory_space<hbm>>
    %dma_wait3A_915 = arith.constant 0 : i32
    %dma_wait3A_916 = tpu.memref_slice %arg2[%add3A_450, %dma_wait3A_915] : memref<128x32768xf32, #tpu.memory_space<hbm>> -> memref<1x32768xf32, #tpu.memory_space<hbm>>
    %dma_wait3A_917 = tpu.memref_squeeze %dma_wait3A_916 : memref<1x32768xf32, #tpu.memory_space<hbm>> -> memref<32768xf32, #tpu.memory_space<hbm>>
    tpu.wait_dma2 semaphore(%arg9 : memref<!tpu.dma_semaphore, #tpu.memory_space<semaphore_mem>>) src(%dma_wait3A_917 : memref<32768xf32, #tpu.memory_space<hbm>>) dst(%arg4 : memref<32768xf32, #tpu.memory_space<vmem>>)
    %iota3A_918 = tpu.iota {dimensions = array<i32: 0>} : vector<16xi32>
    %broadcast_in_dim3A_919 = arith.constant 1 : i32
    %broadcast_in_dim3A_920 = vector.broadcast %broadcast_in_dim3A_919 : i32 to vector<16xi32>
    %broadcast_in_dim3A_921 = arith.constant 0 : i32
    %broadcast_in_dim3A_922 = vector.broadcast %broadcast_in_dim3A_921 : i32 to vector<16xi32>
    %swap3A_923 = arith.constant 0 : index
    %swap3A_924 = tpu.vector_load %arg7[%swap3A_923] {strides = array<i32>} : memref<272xi32, #tpu.memory_space<vmem>>, vector<16xi32>,
    tpu.vector_store %arg7[%swap3A_923], %broadcast_in_dim3A_922 {strides = array<i32>} : memref<272xi32, #tpu.memory_space<vmem>>, vector<16xi32>,
    %broadcast_in_dim3A_925 = arith.constant 0 : i32
    %broadcast_in_dim3A_926 = vector.broadcast %broadcast_in_dim3A_925 : i32 to vector<16xi32>
    %swap3A_927 = arith.constant 16 : index
    %swap3A_928 = tpu.vector_load %arg7[%swap3A_927] {strides = array<i32>} : memref<272xi32, #tpu.memory_space<vmem>>, vector<16xi32>,
    tpu.vector_store %arg7[%swap3A_927], %broadcast_in_dim3A_926 {strides = array<i32>} : memref<272xi32, #tpu.memory_space<vmem>>, vector<16xi32>,
    %broadcast_in_dim3A_929 = arith.constant 0 : i32
    %broadcast_in_dim3A_930 = vector.broadcast %broadcast_in_dim3A_929 : i32 to vector<16xi32>
    %swap3A_931 = arith.constant 32 : index
    %swap3A_932 = tpu.vector_load %arg7[%swap3A_931] {strides = array<i32>} : memref<272xi32, #tpu.memory_space<vmem>>, vector<16xi32>,
    tpu.vector_store %arg7[%swap3A_931], %broadcast_in_dim3A_930 {strides = array<i32>} : memref<272xi32, #tpu.memory_space<vmem>>, vector<16xi32>,
    %broadcast_in_dim3A_933 = arith.constant 0 : i32
    %broadcast_in_dim3A_934 = vector.broadcast %broadcast_in_dim3A_933 : i32 to vector<16xi32>
    %swap3A_935 = arith.constant 48 : index
    %swap3A_936 = tpu.vector_load %arg7[%swap3A_935] {strides = array<i32>} : memref<272xi32, #tpu.memory_space<vmem>>, vector<16xi32>,
    tpu.vector_store %arg7[%swap3A_935], %broadcast_in_dim3A_934 {strides = array<i32>} : memref<272xi32, #tpu.memory_space<vmem>>, vector<16xi32>,
    %broadcast_in_dim3A_937 = arith.constant 0 : i32
    %broadcast_in_dim3A_938 = vector.broadcast %broadcast_in_dim3A_937 : i32 to vector<16xi32>
    %swap3A_939 = arith.constant 64 : index
    %swap3A_940 = tpu.vector_load %arg7[%swap3A_939] {strides = array<i32>} : memref<272xi32, #tpu.memory_space<vmem>>, vector<16xi32>,
    tpu.vector_store %arg7[%swap3A_939], %broadcast_in_dim3A_938 {strides = array<i32>} : memref<272xi32, #tpu.memory_space<vmem>>, vector<16xi32>,
    %broadcast_in_dim3A_941 = arith.constant 0 : i32
    %broadcast_in_dim3A_942 = vector.broadcast %broadcast_in_dim3A_941 : i32 to vector<16xi32>
    %swap3A_943 = arith.constant 80 : index
    %swap3A_944 = tpu.vector_load %arg7[%swap3A_943] {strides = array<i32>} : memref<272xi32, #tpu.memory_space<vmem>>, vector<16xi32>,
    tpu.vector_store %arg7[%swap3A_943], %broadcast_in_dim3A_942 {strides = array<i32>} : memref<272xi32, #tpu.memory_space<vmem>>, vector<16xi32>,
    %broadcast_in_dim3A_945 = arith.constant 0 : i32
    %broadcast_in_dim3A_946 = vector.broadcast %broadcast_in_dim3A_945 : i32 to vector<16xi32>
    %swap3A_947 = arith.constant 96 : index
    %swap3A_948 = tpu.vector_load %arg7[%swap3A_947] {strides = array<i32>} : memref<272xi32, #tpu.memory_space<vmem>>, vector<16xi32>,
    tpu.vector_store %arg7[%swap3A_947], %broadcast_in_dim3A_946 {strides = array<i32>} : memref<272xi32, #tpu.memory_space<vmem>>, vector<16xi32>,
    %broadcast_in_dim3A_949 = arith.constant 0 : i32
    %broadcast_in_dim3A_950 = vector.broadcast %broadcast_in_dim3A_949 : i32 to vector<16xi32>
    %swap3A_951 = arith.constant 112 : index
    %swap3A_952 = tpu.vector_load %arg7[%swap3A_951] {strides = array<i32>} : memref<272xi32, #tpu.memory_space<vmem>>, vector<16xi32>,
    tpu.vector_store %arg7[%swap3A_951], %broadcast_in_dim3A_950 {strides = array<i32>} : memref<272xi32, #tpu.memory_space<vmem>>, vector<16xi32>,
    %broadcast_in_dim3A_953 = arith.constant 0 : i32
    %broadcast_in_dim3A_954 = vector.broadcast %broadcast_in_dim3A_953 : i32 to vector<16xi32>
    %swap3A_955 = arith.constant 128 : index
    %swap3A_956 = tpu.vector_load %arg7[%swap3A_955] {strides = array<i32>} : memref<272xi32, #tpu.memory_space<vmem>>, vector<16xi32>,
    tpu.vector_store %arg7[%swap3A_955], %broadcast_in_dim3A_954 {strides = array<i32>} : memref<272xi32, #tpu.memory_space<vmem>>, vector<16xi32>,
    %broadcast_in_dim3A_957 = arith.constant 0 : i32
    %broadcast_in_dim3A_958 = vector.broadcast %broadcast_in_dim3A_957 : i32 to vector<16xi32>
    %swap3A_959 = arith.constant 144 : index
    %swap3A_960 = tpu.vector_load %arg7[%swap3A_959] {strides = array<i32>} : memref<272xi32, #tpu.memory_space<vmem>>, vector<16xi32>,
    tpu.vector_store %arg7[%swap3A_959], %broadcast_in_dim3A_958 {strides = array<i32>} : memref<272xi32, #tpu.memory_space<vmem>>, vector<16xi32>,
    %broadcast_in_dim3A_961 = arith.constant 0 : i32
    %broadcast_in_dim3A_962 = vector.broadcast %broadcast_in_dim3A_961 : i32 to vector<16xi32>
    %swap3A_963 = arith.constant 160 : index
    %swap3A_964 = tpu.vector_load %arg7[%swap3A_963] {strides = array<i32>} : memref<272xi32, #tpu.memory_space<vmem>>, vector<16xi32>,
    tpu.vector_store %arg7[%swap3A_963], %broadcast_in_dim3A_962 {strides = array<i32>} : memref<272xi32, #tpu.memory_space<vmem>>, vector<16xi32>,
    %broadcast_in_dim3A_965 = arith.constant 0 : i32
    %broadcast_in_dim3A_966 = vector.broadcast %broadcast_in_dim3A_965 : i32 to vector<16xi32>
    %swap3A_967 = arith.constant 176 : index
    %swap3A_968 = tpu.vector_load %arg7[%swap3A_967] {strides = array<i32>} : memref<272xi32, #tpu.memory_space<vmem>>, vector<16xi32>,
    tpu.vector_store %arg7[%swap3A_967], %broadcast_in_dim3A_966 {strides = array<i32>} : memref<272xi32, #tpu.memory_space<vmem>>, vector<16xi32>,
    %broadcast_in_dim3A_969 = arith.constant 0 : i32
    %broadcast_in_dim3A_970 = vector.broadcast %broadcast_in_dim3A_969 : i32 to vector<16xi32>
    %swap3A_971 = arith.constant 192 : index
    %swap3A_972 = tpu.vector_load %arg7[%swap3A_971] {strides = array<i32>} : memref<272xi32, #tpu.memory_space<vmem>>, vector<16xi32>,
    tpu.vector_store %arg7[%swap3A_971], %broadcast_in_dim3A_970 {strides = array<i32>} : memref<272xi32, #tpu.memory_space<vmem>>, vector<16xi32>,
    %broadcast_in_dim3A_973 = arith.constant 0 : i32
    %broadcast_in_dim3A_974 = vector.broadcast %broadcast_in_dim3A_973 : i32 to vector<16xi32>
    %swap3A_975 = arith.constant 208 : index
    %swap3A_976 = tpu.vector_load %arg7[%swap3A_975] {strides = array<i32>} : memref<272xi32, #tpu.memory_space<vmem>>, vector<16xi32>,
    tpu.vector_store %arg7[%swap3A_975], %broadcast_in_dim3A_974 {strides = array<i32>} : memref<272xi32, #tpu.memory_space<vmem>>, vector<16xi32>,
    %broadcast_in_dim3A_977 = arith.constant 0 : i32
    %broadcast_in_dim3A_978 = vector.broadcast %broadcast_in_dim3A_977 : i32 to vector<16xi32>
    %swap3A_979 = arith.constant 224 : index
    %swap3A_980 = tpu.vector_load %arg7[%swap3A_979] {strides = array<i32>} : memref<272xi32, #tpu.memory_space<vmem>>, vector<16xi32>,
    tpu.vector_store %arg7[%swap3A_979], %broadcast_in_dim3A_978 {strides = array<i32>} : memref<272xi32, #tpu.memory_space<vmem>>, vector<16xi32>,
    %broadcast_in_dim3A_981 = arith.constant 0 : i32
    %broadcast_in_dim3A_982 = vector.broadcast %broadcast_in_dim3A_981 : i32 to vector<16xi32>
    %swap3A_983 = arith.constant 240 : index
    %swap3A_984 = tpu.vector_load %arg7[%swap3A_983] {strides = array<i32>} : memref<272xi32, #tpu.memory_space<vmem>>, vector<16xi32>,
    tpu.vector_store %arg7[%swap3A_983], %broadcast_in_dim3A_982 {strides = array<i32>} : memref<272xi32, #tpu.memory_space<vmem>>, vector<16xi32>,
    %parallel_loop3A_985 = arith.constant 0 : i32
    %parallel_loop3A_986 = arith.constant 2048 : i32
    %parallel_loop3A_987 = arith.constant 1 : i32
    scf.for %parallel_loop3A_1802 = %parallel_loop3A_985 to %parallel_loop3A_986 step %parallel_loop3A_987  : i32 {
      %parallel_loop3A_1803 = arith.constant 16 : i32
      %parallel_loop3A_1804 = arith.muli %parallel_loop3A_1802, %parallel_loop3A_1803 : i32
      %parallel_loop3A_1805 = arith.index_cast %parallel_loop3A_1804 : i32 to index
      %parallel_loop3A_1806 = tpu.vector_load %arg4[%parallel_loop3A_1805] {strides = array<i32>} : memref<32768xf32, #tpu.memory_space<vmem>>, vector<16xf32>,
      %parallel_loop3A_1807 = vector.bitcast %parallel_loop3A_1806 : vector<16xf32> to vector<16xi32>
      %parallel_loop3A_1808 = arith.constant 23 : i32
      %parallel_loop3A_1809 = vector.broadcast %parallel_loop3A_1808 : i32 to vector<16xi32>
      %parallel_loop3A_1810 = arith.shrui %parallel_loop3A_1807, %parallel_loop3A_1809 : vector<16xi32>
      %parallel_loop3A_1811 = arith.constant 255 : i32
      %parallel_loop3A_1812 = vector.broadcast %parallel_loop3A_1811 : i32 to vector<16xi32>
      %parallel_loop3A_1813 = arith.andi %parallel_loop3A_1810, %parallel_loop3A_1812 : vector<16xi32>
      tpu.vector_store_idx %arg7[%parallel_loop3A_1813], %broadcast_in_dim3A_920 {add = true} : memref<272xi32, #tpu.memory_space<vmem>>[vector<16xi32>], vector<16xi32>,
    } {sc.loop_unroll_factor = 8 : i64, sc.parallel_access}
    %broadcast_in_dim3A_988 = arith.constant 0 : i32
    %broadcast_in_dim3A_989 = vector.broadcast %broadcast_in_dim3A_988 : i32 to vector<16xi32>
    %swap3A_990 = arith.constant 256 : index
    %swap3A_991 = tpu.vector_load %arg8[%swap3A_990] {strides = array<i32>} : memref<272xi32, #tpu.memory_space<vmem>>, vector<16xi32>,
    tpu.vector_store %arg8[%swap3A_990], %broadcast_in_dim3A_989 {strides = array<i32>} : memref<272xi32, #tpu.memory_space<vmem>>, vector<16xi32>,
    %broadcast_in_dim3A_992 = arith.constant 0 : i32
    %broadcast_in_dim3A_993 = vector.broadcast %broadcast_in_dim3A_992 : i32 to vector<16xi32>
    %scan3A_994 = arith.constant 257 : i32
    %scan3A_995 = arith.constant 0 : i32
    %scan3A_996 = arith.constant 0 : i32
    %scan3A_997 = arith.constant 16 : i32
    %scan3A_998 = arith.addi %scan3A_996, %scan3A_997 : i32
    %scan3A_999 = arith.constant 1 : i32
    %scan3A_1000:2 = scf.for %scan3A_1802 = %scan3A_996 to %scan3A_998 step %scan3A_999 iter_args(%scan3A_1803 = %scan3A_995, %scan3A_1804 = %broadcast_in_dim3A_993) -> (i32, vector<16xi32>)  : i32 {
      %sub3A_1805 = arith.constant 15 : i32
      %sub3A_1806 = arith.subi %sub3A_1805, %scan3A_1802 : i32
      %mul3A_1807 = arith.constant 16 : i32
      %mul3A_1808 = arith.muli %sub3A_1806, %mul3A_1807 : i32
      %get3A = arith.index_cast %mul3A_1808 : i32 to index
      %get3A_1809 = tpu.vector_load %arg7[%get3A] {strides = array<i32>} : memref<272xi32, #tpu.memory_space<vmem>>, vector<16xi32>,
      %rev3A = arith.constant 15 : i32
      %rev3A_1810 = vector.broadcast %rev3A : i32 to vector<16xi32>
      %rev3A_1811 = tpu.iota {dimensions = array<i32: 0>} : vector<16xi32>
      %rev3A_1812 = arith.subi %rev3A_1810, %rev3A_1811 : vector<16xi32>
      %rev3A_1813 = tpu.dynamic_gather %get3A_1809[%rev3A_1812] in [0] : vector<16xi32>, vector<16xi32> -> vector<16xi32>
      %broadcast_in_dim3A_1814 = arith.constant true
      %broadcast_in_dim3A_1815 = vector.broadcast %broadcast_in_dim3A_1814 : i1 to vector<16xi1>
      %masked_cumsum3A = tpu.scan <sum>, %rev3A_1813 masked %broadcast_in_dim3A_1815 : vector<16xi32>, vector<16xi1> -> vector<16xi32>
      %rev3A_1816 = arith.constant 15 : i32
      %rev3A_1817 = vector.broadcast %rev3A_1816 : i32 to vector<16xi32>
      %rev3A_1818 = tpu.iota {dimensions = array<i32: 0>} : vector<16xi32>
      %rev3A_1819 = arith.subi %rev3A_1817, %rev3A_1818 : vector<16xi32>
      %rev3A_1820 = tpu.dynamic_gather %masked_cumsum3A[%rev3A_1819] in [0] : vector<16xi32>, vector<16xi32> -> vector<16xi32>
      %add3A_1821 = vector.broadcast %scan3A_1803 : i32 to vector<16xi32>
      %add3A_1822 = arith.addi %rev3A_1820, %add3A_1821 : vector<16xi32>
      %mul3A_1823 = arith.constant 16 : i32
      %mul3A_1824 = arith.muli %sub3A_1806, %mul3A_1823 : i32
      %swap3A_1825 = arith.index_cast %mul3A_1824 : i32 to index
      %swap3A_1826 = tpu.vector_load %arg8[%swap3A_1825] {strides = array<i32>} : memref<272xi32, #tpu.memory_space<vmem>>, vector<16xi32>,
      tpu.vector_store %arg8[%swap3A_1825], %add3A_1822 {strides = array<i32>} : memref<272xi32, #tpu.memory_space<vmem>>, vector<16xi32>,
      %ge3A = vector.broadcast %scan3A_994 : i32 to vector<16xi32>
      %ge3A_1827 = arith.cmpi sge, %add3A_1822, %ge3A : vector<16xi32>
      %all_reduce_population_count3A = tpu.all_reduce %ge3A_1827 {dim = 0 : i64, kind = #tpu.reduction_kind<sum>} : vector<16xi1> -> vector<16xi32>
      %add3A_1828 = arith.addi %scan3A_1804, %all_reduce_population_count3A : vector<16xi32>
      %slice3A_1829 = vector.extract_strided_slice %add3A_1822 {offsets = [0], sizes = [1], strides = [1]} : vector<16xi32> to vector<1xi32>
      %squeeze3A_1830 = vector.extract %slice3A_1829[0] : i32 from vector<1xi32>
      scf.yield %squeeze3A_1830, %add3A_1828 : i32, vector<16xi32>
    }
    %scan3A_1001 = arith.constant 16 : i32
    %slice3A_1002 = vector.extract_strided_slice %scan3A_1000#1 {offsets = [0], sizes = [1], strides = [1]} : vector<16xi32> to vector<1xi32>
    %squeeze3A_1003 = vector.extract %slice3A_1002[0] : i32 from vector<1xi32>
    %sub3A_1004 = arith.constant 1 : i32
    %sub3A_1005 = arith.subi %squeeze3A_1003, %sub3A_1004 : i32
    %add3A_1006 = arith.constant 1 : i32
    %add3A_1007 = arith.addi %sub3A_1005, %add3A_1006 : i32
    %broadcast_in_dim3A_1008 = vector.broadcast %add3A_1007 : i32 to vector<16xi32>
    %gather3A_1009 = tpu.vector_load_idx %arg8[%broadcast_in_dim3A_1008] : memref<272xi32, #tpu.memory_space<vmem>>[vector<16xi32>], vector<16xi32>,
    %slice3A_1010 = vector.extract_strided_slice %gather3A_1009 {offsets = [0], sizes = [1], strides = [1]} : vector<16xi32> to vector<1xi32>
    %squeeze3A_1011 = vector.extract %slice3A_1010[0] : i32 from vector<1xi32>
    %sub3A_1012 = arith.constant 257 : i32
    %sub3A_1013 = arith.subi %sub3A_1012, %squeeze3A_1011 : i32
    %mul3A_1014 = arith.constant 8388608 : i32
    %mul3A_1015 = arith.muli %sub3A_1005, %mul3A_1014 : i32
    %parallel_loop3A_1016 = arith.constant 0 : i32
    %parallel_loop3A_1017 = arith.constant 2048 : i32
    %parallel_loop3A_1018 = arith.constant 1 : i32
    %parallel_loop3A_1019 = arith.constant 2147483647 : i32
    %parallel_loop3A_1020 = scf.for %parallel_loop3A_1802 = %parallel_loop3A_1016 to %parallel_loop3A_1017 step %parallel_loop3A_1018 iter_args(%parallel_loop3A_1803 = %iota3A_918) -> (vector<16xi32>)  : i32 {
      %parallel_loop3A_1804 = arith.constant 16 : i32
      %parallel_loop3A_1805 = arith.muli %parallel_loop3A_1802, %parallel_loop3A_1804 : i32
      %parallel_loop3A_1806 = arith.index_cast %parallel_loop3A_1805 : i32 to index
      %parallel_loop3A_1807 = tpu.vector_load %arg4[%parallel_loop3A_1806] {strides = array<i32>} : memref<32768xf32, #tpu.memory_space<vmem>>, vector<16xf32>,
      %parallel_loop3A_1808 = vector.bitcast %parallel_loop3A_1807 : vector<16xf32> to vector<16xi32>
      %parallel_loop3A_1809 = vector.broadcast %parallel_loop3A_1019 : i32 to vector<16xi32>
      %parallel_loop3A_1810 = arith.andi %parallel_loop3A_1808, %parallel_loop3A_1809 : vector<16xi32>
      %parallel_loop3A_1811 = vector.broadcast %mul3A_1015 : i32 to vector<16xi32>
      %parallel_loop3A_1812 = arith.cmpi sge, %parallel_loop3A_1810, %parallel_loop3A_1811 : vector<16xi32>
      tpu.vector_store_idx %arg6[%parallel_loop3A_1803], %parallel_loop3A_1810 masked %parallel_loop3A_1812 : memref<32768xi32, #tpu.memory_space<vmem>>[vector<16xi32>], vector<16xi32>, vector<16xi1>
      %parallel_loop3A_1813 = arith.constant 16 : i32
      %parallel_loop3A_1814 = arith.constant 0 : i32
      %parallel_loop3A_1815 = vector.broadcast %parallel_loop3A_1813 : i32 to vector<16xi32>
      %parallel_loop3A_1816 = vector.broadcast %parallel_loop3A_1814 : i32 to vector<16xi32>
      %parallel_loop3A_1817 = arith.select %parallel_loop3A_1812, %parallel_loop3A_1815, %parallel_loop3A_1816 : vector<16xi1>, vector<16xi32>
      %parallel_loop3A_1818 = arith.addi %parallel_loop3A_1803, %parallel_loop3A_1817 : vector<16xi32>
      scf.yield %parallel_loop3A_1818 : vector<16xi32>
    } {sc.loop_unroll_factor = 8 : i64, sc.parallel_access}
    %sub3A_1021 = arith.subi %parallel_loop3A_1020, %iota3A_918 : vector<16xi32>
    %shift_right_logical3A_1022 = arith.constant 4 : i32
    %shift_right_logical3A_1023 = vector.broadcast %shift_right_logical3A_1022 : i32 to vector<16xi32>
    %shift_right_logical3A_1024 = arith.shrui %sub3A_1021, %shift_right_logical3A_1023 : vector<16xi32>
    %reduce_max3A_1025 = arith.constant true
    %reduce_max3A_1026 = vector.broadcast %reduce_max3A_1025 : i1 to vector<16xi1>
    %reduce_max3A_1027 = arith.constant -2147483648 : i32
    %reduce_max3A_1028 = vector.broadcast %reduce_max3A_1027 : i32 to vector<16xi32>
    %reduce_max3A_1029 = arith.xori %shift_right_logical3A_1024, %reduce_max3A_1028 : vector<16xi32>
    %reduce_max3A_1030 = tpu.scan <max>, %reduce_max3A_1029 masked %reduce_max3A_1026 : vector<16xi32>, vector<16xi1> -> vector<16xi32>
    %reduce_max3A_1031 = arith.xori %reduce_max3A_1030, %reduce_max3A_1028 : vector<16xi32>
    %reduce_max3A_1032 = vector.extract %reduce_max3A_1031[15] : i32 from vector<16xi32>
    %broadcast_in_dim3A_1033 = arith.constant 0 : i32
    %broadcast_in_dim3A_1034 = vector.broadcast %broadcast_in_dim3A_1033 : i32 to vector<16xi32>
    %swap3A_1035 = arith.constant 0 : index
    %swap3A_1036 = tpu.vector_load %arg7[%swap3A_1035] {strides = array<i32>} : memref<272xi32, #tpu.memory_space<vmem>>, vector<16xi32>,
    tpu.vector_store %arg7[%swap3A_1035], %broadcast_in_dim3A_1034 {strides = array<i32>} : memref<272xi32, #tpu.memory_space<vmem>>, vector<16xi32>,
    %broadcast_in_dim3A_1037 = arith.constant 0 : i32
    %broadcast_in_dim3A_1038 = vector.broadcast %broadcast_in_dim3A_1037 : i32 to vector<16xi32>
    %swap3A_1039 = arith.constant 16 : index
    %swap3A_1040 = tpu.vector_load %arg7[%swap3A_1039] {strides = array<i32>} : memref<272xi32, #tpu.memory_space<vmem>>, vector<16xi32>,
    tpu.vector_store %arg7[%swap3A_1039], %broadcast_in_dim3A_1038 {strides = array<i32>} : memref<272xi32, #tpu.memory_space<vmem>>, vector<16xi32>,
    %broadcast_in_dim3A_1041 = arith.constant 0 : i32
    %broadcast_in_dim3A_1042 = vector.broadcast %broadcast_in_dim3A_1041 : i32 to vector<16xi32>
    %swap3A_1043 = arith.constant 32 : index
    %swap3A_1044 = tpu.vector_load %arg7[%swap3A_1043] {strides = array<i32>} : memref<272xi32, #tpu.memory_space<vmem>>, vector<16xi32>,
    tpu.vector_store %arg7[%swap3A_1043], %broadcast_in_dim3A_1042 {strides = array<i32>} : memref<272xi32, #tpu.memory_space<vmem>>, vector<16xi32>,
    %broadcast_in_dim3A_1045 = arith.constant 0 : i32
    %broadcast_in_dim3A_1046 = vector.broadcast %broadcast_in_dim3A_1045 : i32 to vector<16xi32>
    %swap3A_1047 = arith.constant 48 : index
    %swap3A_1048 = tpu.vector_load %arg7[%swap3A_1047] {strides = array<i32>} : memref<272xi32, #tpu.memory_space<vmem>>, vector<16xi32>,
    tpu.vector_store %arg7[%swap3A_1047], %broadcast_in_dim3A_1046 {strides = array<i32>} : memref<272xi32, #tpu.memory_space<vmem>>, vector<16xi32>,
    %broadcast_in_dim3A_1049 = arith.constant 0 : i32
    %broadcast_in_dim3A_1050 = vector.broadcast %broadcast_in_dim3A_1049 : i32 to vector<16xi32>
    %swap3A_1051 = arith.constant 64 : index
    %swap3A_1052 = tpu.vector_load %arg7[%swap3A_1051] {strides = array<i32>} : memref<272xi32, #tpu.memory_space<vmem>>, vector<16xi32>,
    tpu.vector_store %arg7[%swap3A_1051], %broadcast_in_dim3A_1050 {strides = array<i32>} : memref<272xi32, #tpu.memory_space<vmem>>, vector<16xi32>,
    %broadcast_in_dim3A_1053 = arith.constant 0 : i32
    %broadcast_in_dim3A_1054 = vector.broadcast %broadcast_in_dim3A_1053 : i32 to vector<16xi32>
    %swap3A_1055 = arith.constant 80 : index
    %swap3A_1056 = tpu.vector_load %arg7[%swap3A_1055] {strides = array<i32>} : memref<272xi32, #tpu.memory_space<vmem>>, vector<16xi32>,
    tpu.vector_store %arg7[%swap3A_1055], %broadcast_in_dim3A_1054 {strides = array<i32>} : memref<272xi32, #tpu.memory_space<vmem>>, vector<16xi32>,
    %broadcast_in_dim3A_1057 = arith.constant 0 : i32
    %broadcast_in_dim3A_1058 = vector.broadcast %broadcast_in_dim3A_1057 : i32 to vector<16xi32>
    %swap3A_1059 = arith.constant 96 : index
    %swap3A_1060 = tpu.vector_load %arg7[%swap3A_1059] {strides = array<i32>} : memref<272xi32, #tpu.memory_space<vmem>>, vector<16xi32>,
    tpu.vector_store %arg7[%swap3A_1059], %broadcast_in_dim3A_1058 {strides = array<i32>} : memref<272xi32, #tpu.memory_space<vmem>>, vector<16xi32>,
    %broadcast_in_dim3A_1061 = arith.constant 0 : i32
    %broadcast_in_dim3A_1062 = vector.broadcast %broadcast_in_dim3A_1061 : i32 to vector<16xi32>
    %swap3A_1063 = arith.constant 112 : index
    %swap3A_1064 = tpu.vector_load %arg7[%swap3A_1063] {strides = array<i32>} : memref<272xi32, #tpu.memory_space<vmem>>, vector<16xi32>,
    tpu.vector_store %arg7[%swap3A_1063], %broadcast_in_dim3A_1062 {strides = array<i32>} : memref<272xi32, #tpu.memory_space<vmem>>, vector<16xi32>,
    %broadcast_in_dim3A_1065 = arith.constant 0 : i32
    %broadcast_in_dim3A_1066 = vector.broadcast %broadcast_in_dim3A_1065 : i32 to vector<16xi32>
    %swap3A_1067 = arith.constant 128 : index
    %swap3A_1068 = tpu.vector_load %arg7[%swap3A_1067] {strides = array<i32>} : memref<272xi32, #tpu.memory_space<vmem>>, vector<16xi32>,
    tpu.vector_store %arg7[%swap3A_1067], %broadcast_in_dim3A_1066 {strides = array<i32>} : memref<272xi32, #tpu.memory_space<vmem>>, vector<16xi32>,
    %broadcast_in_dim3A_1069 = arith.constant 0 : i32
    %broadcast_in_dim3A_1070 = vector.broadcast %broadcast_in_dim3A_1069 : i32 to vector<16xi32>
    %swap3A_1071 = arith.constant 144 : index
    %swap3A_1072 = tpu.vector_load %arg7[%swap3A_1071] {strides = array<i32>} : memref<272xi32, #tpu.memory_space<vmem>>, vector<16xi32>,
    tpu.vector_store %arg7[%swap3A_1071], %broadcast_in_dim3A_1070 {strides = array<i32>} : memref<272xi32, #tpu.memory_space<vmem>>, vector<16xi32>,
    %broadcast_in_dim3A_1073 = arith.constant 0 : i32
    %broadcast_in_dim3A_1074 = vector.broadcast %broadcast_in_dim3A_1073 : i32 to vector<16xi32>
    %swap3A_1075 = arith.constant 160 : index
    %swap3A_1076 = tpu.vector_load %arg7[%swap3A_1075] {strides = array<i32>} : memref<272xi32, #tpu.memory_space<vmem>>, vector<16xi32>,
    tpu.vector_store %arg7[%swap3A_1075], %broadcast_in_dim3A_1074 {strides = array<i32>} : memref<272xi32, #tpu.memory_space<vmem>>, vector<16xi32>,
    %broadcast_in_dim3A_1077 = arith.constant 0 : i32
    %broadcast_in_dim3A_1078 = vector.broadcast %broadcast_in_dim3A_1077 : i32 to vector<16xi32>
    %swap3A_1079 = arith.constant 176 : index
    %swap3A_1080 = tpu.vector_load %arg7[%swap3A_1079] {strides = array<i32>} : memref<272xi32, #tpu.memory_space<vmem>>, vector<16xi32>,
    tpu.vector_store %arg7[%swap3A_1079], %broadcast_in_dim3A_1078 {strides = array<i32>} : memref<272xi32, #tpu.memory_space<vmem>>, vector<16xi32>,
    %broadcast_in_dim3A_1081 = arith.constant 0 : i32
    %broadcast_in_dim3A_1082 = vector.broadcast %broadcast_in_dim3A_1081 : i32 to vector<16xi32>
    %swap3A_1083 = arith.constant 192 : index
    %swap3A_1084 = tpu.vector_load %arg7[%swap3A_1083] {strides = array<i32>} : memref<272xi32, #tpu.memory_space<vmem>>, vector<16xi32>,
    tpu.vector_store %arg7[%swap3A_1083], %broadcast_in_dim3A_1082 {strides = array<i32>} : memref<272xi32, #tpu.memory_space<vmem>>, vector<16xi32>,
    %broadcast_in_dim3A_1085 = arith.constant 0 : i32
    %broadcast_in_dim3A_1086 = vector.broadcast %broadcast_in_dim3A_1085 : i32 to vector<16xi32>
    %swap3A_1087 = arith.constant 208 : index
    %swap3A_1088 = tpu.vector_load %arg7[%swap3A_1087] {strides = array<i32>} : memref<272xi32, #tpu.memory_space<vmem>>, vector<16xi32>,
    tpu.vector_store %arg7[%swap3A_1087], %broadcast_in_dim3A_1086 {strides = array<i32>} : memref<272xi32, #tpu.memory_space<vmem>>, vector<16xi32>,
    %broadcast_in_dim3A_1089 = arith.constant 0 : i32
    %broadcast_in_dim3A_1090 = vector.broadcast %broadcast_in_dim3A_1089 : i32 to vector<16xi32>
    %swap3A_1091 = arith.constant 224 : index
    %swap3A_1092 = tpu.vector_load %arg7[%swap3A_1091] {strides = array<i32>} : memref<272xi32, #tpu.memory_space<vmem>>, vector<16xi32>,
    tpu.vector_store %arg7[%swap3A_1091], %broadcast_in_dim3A_1090 {strides = array<i32>} : memref<272xi32, #tpu.memory_space<vmem>>, vector<16xi32>,
    %broadcast_in_dim3A_1093 = arith.constant 0 : i32
    %broadcast_in_dim3A_1094 = vector.broadcast %broadcast_in_dim3A_1093 : i32 to vector<16xi32>
    %swap3A_1095 = arith.constant 240 : index
    %swap3A_1096 = tpu.vector_load %arg7[%swap3A_1095] {strides = array<i32>} : memref<272xi32, #tpu.memory_space<vmem>>, vector<16xi32>,
    tpu.vector_store %arg7[%swap3A_1095], %broadcast_in_dim3A_1094 {strides = array<i32>} : memref<272xi32, #tpu.memory_space<vmem>>, vector<16xi32>,
    %parallel_loop3A_1097 = arith.constant 0 : i32
    %parallel_loop3A_1098 = arith.constant 1 : i32
    scf.for %parallel_loop3A_1802 = %parallel_loop3A_1097 to %reduce_max3A_1032 step %parallel_loop3A_1098  : i32 {
      %parallel_loop3A_1803 = arith.constant 16 : i32
      %parallel_loop3A_1804 = arith.muli %parallel_loop3A_1802, %parallel_loop3A_1803 : i32
      %parallel_loop3A_1805 = arith.index_cast %parallel_loop3A_1804 : i32 to index
      %parallel_loop3A_1806 = tpu.vector_load %arg6[%parallel_loop3A_1805] {strides = array<i32>} : memref<32768xi32, #tpu.memory_space<vmem>>, vector<16xi32>,
      %parallel_loop3A_1807 = arith.constant 15 : i32
      %parallel_loop3A_1808 = vector.broadcast %parallel_loop3A_1807 : i32 to vector<16xi32>
      %parallel_loop3A_1809 = arith.shrui %parallel_loop3A_1806, %parallel_loop3A_1808 : vector<16xi32>
      %parallel_loop3A_1810 = arith.constant 255 : i32
      %parallel_loop3A_1811 = vector.broadcast %parallel_loop3A_1810 : i32 to vector<16xi32>
      %parallel_loop3A_1812 = arith.andi %parallel_loop3A_1809, %parallel_loop3A_1811 : vector<16xi32>
      %parallel_loop3A_1813 = vector.broadcast %parallel_loop3A_1802 : i32 to vector<16xi32>
      %parallel_loop3A_1814 = arith.cmpi sgt, %shift_right_logical3A_1024, %parallel_loop3A_1813 : vector<16xi32>
      %parallel_loop3A_1815 = arith.constant 23 : i32
      %parallel_loop3A_1816 = vector.broadcast %parallel_loop3A_1815 : i32 to vector<16xi32>
      %parallel_loop3A_1817 = arith.shrui %parallel_loop3A_1806, %parallel_loop3A_1816 : vector<16xi32>
      %parallel_loop3A_1818 = vector.broadcast %sub3A_1005 : i32 to vector<16xi32>
      %parallel_loop3A_1819 = arith.cmpi eq, %parallel_loop3A_1817, %parallel_loop3A_1818 : vector<16xi32>
      %parallel_loop3A_1820 = arith.andi %parallel_loop3A_1814, %parallel_loop3A_1819 : vector<16xi1>
      tpu.vector_store_idx %arg7[%parallel_loop3A_1812], %broadcast_in_dim3A_920 masked %parallel_loop3A_1820 {add = true} : memref<272xi32, #tpu.memory_space<vmem>>[vector<16xi32>], vector<16xi32>, vector<16xi1>
    } {sc.loop_unroll_factor = 2 : i64, sc.parallel_access}
    %broadcast_in_dim3A_1099 = arith.constant 0 : i32
    %broadcast_in_dim3A_1100 = vector.broadcast %broadcast_in_dim3A_1099 : i32 to vector<16xi32>
    %swap3A_1101 = arith.constant 256 : index
    %swap3A_1102 = tpu.vector_load %arg8[%swap3A_1101] {strides = array<i32>} : memref<272xi32, #tpu.memory_space<vmem>>, vector<16xi32>,
    tpu.vector_store %arg8[%swap3A_1101], %broadcast_in_dim3A_1100 {strides = array<i32>} : memref<272xi32, #tpu.memory_space<vmem>>, vector<16xi32>,
    %broadcast_in_dim3A_1103 = arith.constant 0 : i32
    %broadcast_in_dim3A_1104 = vector.broadcast %broadcast_in_dim3A_1103 : i32 to vector<16xi32>
    %scan3A_1105 = arith.constant 0 : i32
    %scan3A_1106 = arith.constant 0 : i32
    %scan3A_1107 = arith.constant 16 : i32
    %scan3A_1108 = arith.addi %scan3A_1106, %scan3A_1107 : i32
    %scan3A_1109 = arith.constant 1 : i32
    %scan3A_1110:2 = scf.for %scan3A_1802 = %scan3A_1106 to %scan3A_1108 step %scan3A_1109 iter_args(%scan3A_1803 = %scan3A_1105, %scan3A_1804 = %broadcast_in_dim3A_1104) -> (i32, vector<16xi32>)  : i32 {
      %sub3A_1805 = arith.constant 15 : i32
      %sub3A_1806 = arith.subi %sub3A_1805, %scan3A_1802 : i32
      %mul3A_1807 = arith.constant 16 : i32
      %mul3A_1808 = arith.muli %sub3A_1806, %mul3A_1807 : i32
      %get3A = arith.index_cast %mul3A_1808 : i32 to index
      %get3A_1809 = tpu.vector_load %arg7[%get3A] {strides = array<i32>} : memref<272xi32, #tpu.memory_space<vmem>>, vector<16xi32>,
      %rev3A = arith.constant 15 : i32
      %rev3A_1810 = vector.broadcast %rev3A : i32 to vector<16xi32>
      %rev3A_1811 = tpu.iota {dimensions = array<i32: 0>} : vector<16xi32>
      %rev3A_1812 = arith.subi %rev3A_1810, %rev3A_1811 : vector<16xi32>
      %rev3A_1813 = tpu.dynamic_gather %get3A_1809[%rev3A_1812] in [0] : vector<16xi32>, vector<16xi32> -> vector<16xi32>
      %broadcast_in_dim3A_1814 = arith.constant true
      %broadcast_in_dim3A_1815 = vector.broadcast %broadcast_in_dim3A_1814 : i1 to vector<16xi1>
      %masked_cumsum3A = tpu.scan <sum>, %rev3A_1813 masked %broadcast_in_dim3A_1815 : vector<16xi32>, vector<16xi1> -> vector<16xi32>
      %rev3A_1816 = arith.constant 15 : i32
      %rev3A_1817 = vector.broadcast %rev3A_1816 : i32 to vector<16xi32>
      %rev3A_1818 = tpu.iota {dimensions = array<i32: 0>} : vector<16xi32>
      %rev3A_1819 = arith.subi %rev3A_1817, %rev3A_1818 : vector<16xi32>
      %rev3A_1820 = tpu.dynamic_gather %masked_cumsum3A[%rev3A_1819] in [0] : vector<16xi32>, vector<16xi32> -> vector<16xi32>
      %add3A_1821 = vector.broadcast %scan3A_1803 : i32 to vector<16xi32>
      %add3A_1822 = arith.addi %rev3A_1820, %add3A_1821 : vector<16xi32>
      %mul3A_1823 = arith.constant 16 : i32
      %mul3A_1824 = arith.muli %sub3A_1806, %mul3A_1823 : i32
      %swap3A_1825 = arith.index_cast %mul3A_1824 : i32 to index
      %swap3A_1826 = tpu.vector_load %arg8[%swap3A_1825] {strides = array<i32>} : memref<272xi32, #tpu.memory_space<vmem>>, vector<16xi32>,
      tpu.vector_store %arg8[%swap3A_1825], %add3A_1822 {strides = array<i32>} : memref<272xi32, #tpu.memory_space<vmem>>, vector<16xi32>,
      %ge3A = vector.broadcast %sub3A_1013 : i32 to vector<16xi32>
      %ge3A_1827 = arith.cmpi sge, %add3A_1822, %ge3A : vector<16xi32>
      %all_reduce_population_count3A = tpu.all_reduce %ge3A_1827 {dim = 0 : i64, kind = #tpu.reduction_kind<sum>} : vector<16xi1> -> vector<16xi32>
      %add3A_1828 = arith.addi %scan3A_1804, %all_reduce_population_count3A : vector<16xi32>
      %slice3A_1829 = vector.extract_strided_slice %add3A_1822 {offsets = [0], sizes = [1], strides = [1]} : vector<16xi32> to vector<1xi32>
      %squeeze3A_1830 = vector.extract %slice3A_1829[0] : i32 from vector<1xi32>
      scf.yield %squeeze3A_1830, %add3A_1828 : i32, vector<16xi32>
    }
    %scan3A_1111 = arith.constant 16 : i32
    %slice3A_1112 = vector.extract_strided_slice %scan3A_1110#1 {offsets = [0], sizes = [1], strides = [1]} : vector<16xi32> to vector<1xi32>
    %squeeze3A_1113 = vector.extract %slice3A_1112[0] : i32 from vector<1xi32>
    %sub3A_1114 = arith.constant 1 : i32
    %sub3A_1115 = arith.subi %squeeze3A_1113, %sub3A_1114 : i32
    %add3A_1116 = arith.constant 1 : i32
    %add3A_1117 = arith.addi %sub3A_1115, %add3A_1116 : i32
    %broadcast_in_dim3A_1118 = vector.broadcast %add3A_1117 : i32 to vector<16xi32>
    %gather3A_1119 = tpu.vector_load_idx %arg8[%broadcast_in_dim3A_1118] : memref<272xi32, #tpu.memory_space<vmem>>[vector<16xi32>], vector<16xi32>,
    %slice3A_1120 = vector.extract_strided_slice %gather3A_1119 {offsets = [0], sizes = [1], strides = [1]} : vector<16xi32> to vector<1xi32>
    %squeeze3A_1121 = vector.extract %slice3A_1120[0] : i32 from vector<1xi32>
    %sub3A_1122 = arith.subi %sub3A_1013, %squeeze3A_1121 : i32
    %mul3A_1123 = arith.constant 256 : i32
    %mul3A_1124 = arith.muli %sub3A_1005, %mul3A_1123 : i32
    %add3A_1125 = arith.addi %mul3A_1124, %sub3A_1115 : i32
    %broadcast_in_dim3A_1126 = arith.constant 0 : i32
    %broadcast_in_dim3A_1127 = vector.broadcast %broadcast_in_dim3A_1126 : i32 to vector<16xi32>
    %swap3A_1128 = arith.constant 0 : index
    %swap3A_1129 = tpu.vector_load %arg7[%swap3A_1128] {strides = array<i32>} : memref<272xi32, #tpu.memory_space<vmem>>, vector<16xi32>,
    tpu.vector_store %arg7[%swap3A_1128], %broadcast_in_dim3A_1127 {strides = array<i32>} : memref<272xi32, #tpu.memory_space<vmem>>, vector<16xi32>,
    %broadcast_in_dim3A_1130 = arith.constant 0 : i32
    %broadcast_in_dim3A_1131 = vector.broadcast %broadcast_in_dim3A_1130 : i32 to vector<16xi32>
    %swap3A_1132 = arith.constant 16 : index
    %swap3A_1133 = tpu.vector_load %arg7[%swap3A_1132] {strides = array<i32>} : memref<272xi32, #tpu.memory_space<vmem>>, vector<16xi32>,
    tpu.vector_store %arg7[%swap3A_1132], %broadcast_in_dim3A_1131 {strides = array<i32>} : memref<272xi32, #tpu.memory_space<vmem>>, vector<16xi32>,
    %broadcast_in_dim3A_1134 = arith.constant 0 : i32
    %broadcast_in_dim3A_1135 = vector.broadcast %broadcast_in_dim3A_1134 : i32 to vector<16xi32>
    %swap3A_1136 = arith.constant 32 : index
    %swap3A_1137 = tpu.vector_load %arg7[%swap3A_1136] {strides = array<i32>} : memref<272xi32, #tpu.memory_space<vmem>>, vector<16xi32>,
    tpu.vector_store %arg7[%swap3A_1136], %broadcast_in_dim3A_1135 {strides = array<i32>} : memref<272xi32, #tpu.memory_space<vmem>>, vector<16xi32>,
    %broadcast_in_dim3A_1138 = arith.constant 0 : i32
    %broadcast_in_dim3A_1139 = vector.broadcast %broadcast_in_dim3A_1138 : i32 to vector<16xi32>
    %swap3A_1140 = arith.constant 48 : index
    %swap3A_1141 = tpu.vector_load %arg7[%swap3A_1140] {strides = array<i32>} : memref<272xi32, #tpu.memory_space<vmem>>, vector<16xi32>,
    tpu.vector_store %arg7[%swap3A_1140], %broadcast_in_dim3A_1139 {strides = array<i32>} : memref<272xi32, #tpu.memory_space<vmem>>, vector<16xi32>,
    %broadcast_in_dim3A_1142 = arith.constant 0 : i32
    %broadcast_in_dim3A_1143 = vector.broadcast %broadcast_in_dim3A_1142 : i32 to vector<16xi32>
    %swap3A_1144 = arith.constant 64 : index
    %swap3A_1145 = tpu.vector_load %arg7[%swap3A_1144] {strides = array<i32>} : memref<272xi32, #tpu.memory_space<vmem>>, vector<16xi32>,
    tpu.vector_store %arg7[%swap3A_1144], %broadcast_in_dim3A_1143 {strides = array<i32>} : memref<272xi32, #tpu.memory_space<vmem>>, vector<16xi32>,
    %broadcast_in_dim3A_1146 = arith.constant 0 : i32
    %broadcast_in_dim3A_1147 = vector.broadcast %broadcast_in_dim3A_1146 : i32 to vector<16xi32>
    %swap3A_1148 = arith.constant 80 : index
    %swap3A_1149 = tpu.vector_load %arg7[%swap3A_1148] {strides = array<i32>} : memref<272xi32, #tpu.memory_space<vmem>>, vector<16xi32>,
    tpu.vector_store %arg7[%swap3A_1148], %broadcast_in_dim3A_1147 {strides = array<i32>} : memref<272xi32, #tpu.memory_space<vmem>>, vector<16xi32>,
    %broadcast_in_dim3A_1150 = arith.constant 0 : i32
    %broadcast_in_dim3A_1151 = vector.broadcast %broadcast_in_dim3A_1150 : i32 to vector<16xi32>
    %swap3A_1152 = arith.constant 96 : index
    %swap3A_1153 = tpu.vector_load %arg7[%swap3A_1152] {strides = array<i32>} : memref<272xi32, #tpu.memory_space<vmem>>, vector<16xi32>,
    tpu.vector_store %arg7[%swap3A_1152], %broadcast_in_dim3A_1151 {strides = array<i32>} : memref<272xi32, #tpu.memory_space<vmem>>, vector<16xi32>,
    %broadcast_in_dim3A_1154 = arith.constant 0 : i32
    %broadcast_in_dim3A_1155 = vector.broadcast %broadcast_in_dim3A_1154 : i32 to vector<16xi32>
    %swap3A_1156 = arith.constant 112 : index
    %swap3A_1157 = tpu.vector_load %arg7[%swap3A_1156] {strides = array<i32>} : memref<272xi32, #tpu.memory_space<vmem>>, vector<16xi32>,
    tpu.vector_store %arg7[%swap3A_1156], %broadcast_in_dim3A_1155 {strides = array<i32>} : memref<272xi32, #tpu.memory_space<vmem>>, vector<16xi32>,
    %broadcast_in_dim3A_1158 = arith.constant 0 : i32
    %broadcast_in_dim3A_1159 = vector.broadcast %broadcast_in_dim3A_1158 : i32 to vector<16xi32>
    %swap3A_1160 = arith.constant 128 : index
    %swap3A_1161 = tpu.vector_load %arg7[%swap3A_1160] {strides = array<i32>} : memref<272xi32, #tpu.memory_space<vmem>>, vector<16xi32>,
    tpu.vector_store %arg7[%swap3A_1160], %broadcast_in_dim3A_1159 {strides = array<i32>} : memref<272xi32, #tpu.memory_space<vmem>>, vector<16xi32>,
    %broadcast_in_dim3A_1162 = arith.constant 0 : i32
    %broadcast_in_dim3A_1163 = vector.broadcast %broadcast_in_dim3A_1162 : i32 to vector<16xi32>
    %swap3A_1164 = arith.constant 144 : index
    %swap3A_1165 = tpu.vector_load %arg7[%swap3A_1164] {strides = array<i32>} : memref<272xi32, #tpu.memory_space<vmem>>, vector<16xi32>,
    tpu.vector_store %arg7[%swap3A_1164], %broadcast_in_dim3A_1163 {strides = array<i32>} : memref<272xi32, #tpu.memory_space<vmem>>, vector<16xi32>,
    %broadcast_in_dim3A_1166 = arith.constant 0 : i32
    %broadcast_in_dim3A_1167 = vector.broadcast %broadcast_in_dim3A_1166 : i32 to vector<16xi32>
    %swap3A_1168 = arith.constant 160 : index
    %swap3A_1169 = tpu.vector_load %arg7[%swap3A_1168] {strides = array<i32>} : memref<272xi32, #tpu.memory_space<vmem>>, vector<16xi32>,
    tpu.vector_store %arg7[%swap3A_1168], %broadcast_in_dim3A_1167 {strides = array<i32>} : memref<272xi32, #tpu.memory_space<vmem>>, vector<16xi32>,
    %broadcast_in_dim3A_1170 = arith.constant 0 : i32
    %broadcast_in_dim3A_1171 = vector.broadcast %broadcast_in_dim3A_1170 : i32 to vector<16xi32>
    %swap3A_1172 = arith.constant 176 : index
    %swap3A_1173 = tpu.vector_load %arg7[%swap3A_1172] {strides = array<i32>} : memref<272xi32, #tpu.memory_space<vmem>>, vector<16xi32>,
    tpu.vector_store %arg7[%swap3A_1172], %broadcast_in_dim3A_1171 {strides = array<i32>} : memref<272xi32, #tpu.memory_space<vmem>>, vector<16xi32>,
    %broadcast_in_dim3A_1174 = arith.constant 0 : i32
    %broadcast_in_dim3A_1175 = vector.broadcast %broadcast_in_dim3A_1174 : i32 to vector<16xi32>
    %swap3A_1176 = arith.constant 192 : index
    %swap3A_1177 = tpu.vector_load %arg7[%swap3A_1176] {strides = array<i32>} : memref<272xi32, #tpu.memory_space<vmem>>, vector<16xi32>,
    tpu.vector_store %arg7[%swap3A_1176], %broadcast_in_dim3A_1175 {strides = array<i32>} : memref<272xi32, #tpu.memory_space<vmem>>, vector<16xi32>,
    %broadcast_in_dim3A_1178 = arith.constant 0 : i32
    %broadcast_in_dim3A_1179 = vector.broadcast %broadcast_in_dim3A_1178 : i32 to vector<16xi32>
    %swap3A_1180 = arith.constant 208 : index
    %swap3A_1181 = tpu.vector_load %arg7[%swap3A_1180] {strides = array<i32>} : memref<272xi32, #tpu.memory_space<vmem>>, vector<16xi32>,
    tpu.vector_store %arg7[%swap3A_1180], %broadcast_in_dim3A_1179 {strides = array<i32>} : memref<272xi32, #tpu.memory_space<vmem>>, vector<16xi32>,
    %broadcast_in_dim3A_1182 = arith.constant 0 : i32
    %broadcast_in_dim3A_1183 = vector.broadcast %broadcast_in_dim3A_1182 : i32 to vector<16xi32>
    %swap3A_1184 = arith.constant 224 : index
    %swap3A_1185 = tpu.vector_load %arg7[%swap3A_1184] {strides = array<i32>} : memref<272xi32, #tpu.memory_space<vmem>>, vector<16xi32>,
    tpu.vector_store %arg7[%swap3A_1184], %broadcast_in_dim3A_1183 {strides = array<i32>} : memref<272xi32, #tpu.memory_space<vmem>>, vector<16xi32>,
    %broadcast_in_dim3A_1186 = arith.constant 0 : i32
    %broadcast_in_dim3A_1187 = vector.broadcast %broadcast_in_dim3A_1186 : i32 to vector<16xi32>
    %swap3A_1188 = arith.constant 240 : index
    %swap3A_1189 = tpu.vector_load %arg7[%swap3A_1188] {strides = array<i32>} : memref<272xi32, #tpu.memory_space<vmem>>, vector<16xi32>,
    tpu.vector_store %arg7[%swap3A_1188], %broadcast_in_dim3A_1187 {strides = array<i32>} : memref<272xi32, #tpu.memory_space<vmem>>, vector<16xi32>,
    %parallel_loop3A_1190 = arith.constant 0 : i32
    %parallel_loop3A_1191 = arith.constant 1 : i32
    scf.for %parallel_loop3A_1802 = %parallel_loop3A_1190 to %reduce_max3A_1032 step %parallel_loop3A_1191  : i32 {
      %parallel_loop3A_1803 = arith.constant 16 : i32
      %parallel_loop3A_1804 = arith.muli %parallel_loop3A_1802, %parallel_loop3A_1803 : i32
      %parallel_loop3A_1805 = arith.index_cast %parallel_loop3A_1804 : i32 to index
      %parallel_loop3A_1806 = tpu.vector_load %arg6[%parallel_loop3A_1805] {strides = array<i32>} : memref<32768xi32, #tpu.memory_space<vmem>>, vector<16xi32>,
      %parallel_loop3A_1807 = arith.constant 7 : i32
      %parallel_loop3A_1808 = vector.broadcast %parallel_loop3A_1807 : i32 to vector<16xi32>
      %parallel_loop3A_1809 = arith.shrui %parallel_loop3A_1806, %parallel_loop3A_1808 : vector<16xi32>
      %parallel_loop3A_1810 = arith.constant 255 : i32
      %parallel_loop3A_1811 = vector.broadcast %parallel_loop3A_1810 : i32 to vector<16xi32>
      %parallel_loop3A_1812 = arith.andi %parallel_loop3A_1809, %parallel_loop3A_1811 : vector<16xi32>
      %parallel_loop3A_1813 = vector.broadcast %parallel_loop3A_1802 : i32 to vector<16xi32>
      %parallel_loop3A_1814 = arith.cmpi sgt, %shift_right_logical3A_1024, %parallel_loop3A_1813 : vector<16xi32>
      %parallel_loop3A_1815 = arith.constant 15 : i32
      %parallel_loop3A_1816 = vector.broadcast %parallel_loop3A_1815 : i32 to vector<16xi32>
      %parallel_loop3A_1817 = arith.shrui %parallel_loop3A_1806, %parallel_loop3A_1816 : vector<16xi32>
      %parallel_loop3A_1818 = vector.broadcast %add3A_1125 : i32 to vector<16xi32>
      %parallel_loop3A_1819 = arith.cmpi eq, %parallel_loop3A_1817, %parallel_loop3A_1818 : vector<16xi32>
      %parallel_loop3A_1820 = arith.andi %parallel_loop3A_1814, %parallel_loop3A_1819 : vector<16xi1>
      tpu.vector_store_idx %arg7[%parallel_loop3A_1812], %broadcast_in_dim3A_920 masked %parallel_loop3A_1820 {add = true} : memref<272xi32, #tpu.memory_space<vmem>>[vector<16xi32>], vector<16xi32>, vector<16xi1>
    } {sc.loop_unroll_factor = 2 : i64, sc.parallel_access}
    %broadcast_in_dim3A_1192 = arith.constant 0 : i32
    %broadcast_in_dim3A_1193 = vector.broadcast %broadcast_in_dim3A_1192 : i32 to vector<16xi32>
    %swap3A_1194 = arith.constant 256 : index
    %swap3A_1195 = tpu.vector_load %arg8[%swap3A_1194] {strides = array<i32>} : memref<272xi32, #tpu.memory_space<vmem>>, vector<16xi32>,
    tpu.vector_store %arg8[%swap3A_1194], %broadcast_in_dim3A_1193 {strides = array<i32>} : memref<272xi32, #tpu.memory_space<vmem>>, vector<16xi32>,
    %broadcast_in_dim3A_1196 = arith.constant 0 : i32
    %broadcast_in_dim3A_1197 = vector.broadcast %broadcast_in_dim3A_1196 : i32 to vector<16xi32>
    %scan3A_1198 = arith.constant 0 : i32
    %scan3A_1199 = arith.constant 0 : i32
    %scan3A_1200 = arith.constant 16 : i32
    %scan3A_1201 = arith.addi %scan3A_1199, %scan3A_1200 : i32
    %scan3A_1202 = arith.constant 1 : i32
    %scan3A_1203:2 = scf.for %scan3A_1802 = %scan3A_1199 to %scan3A_1201 step %scan3A_1202 iter_args(%scan3A_1803 = %scan3A_1198, %scan3A_1804 = %broadcast_in_dim3A_1197) -> (i32, vector<16xi32>)  : i32 {
      %sub3A_1805 = arith.constant 15 : i32
      %sub3A_1806 = arith.subi %sub3A_1805, %scan3A_1802 : i32
      %mul3A_1807 = arith.constant 16 : i32
      %mul3A_1808 = arith.muli %sub3A_1806, %mul3A_1807 : i32
      %get3A = arith.index_cast %mul3A_1808 : i32 to index
      %get3A_1809 = tpu.vector_load %arg7[%get3A] {strides = array<i32>} : memref<272xi32, #tpu.memory_space<vmem>>, vector<16xi32>,
      %rev3A = arith.constant 15 : i32
      %rev3A_1810 = vector.broadcast %rev3A : i32 to vector<16xi32>
      %rev3A_1811 = tpu.iota {dimensions = array<i32: 0>} : vector<16xi32>
      %rev3A_1812 = arith.subi %rev3A_1810, %rev3A_1811 : vector<16xi32>
      %rev3A_1813 = tpu.dynamic_gather %get3A_1809[%rev3A_1812] in [0] : vector<16xi32>, vector<16xi32> -> vector<16xi32>
      %broadcast_in_dim3A_1814 = arith.constant true
      %broadcast_in_dim3A_1815 = vector.broadcast %broadcast_in_dim3A_1814 : i1 to vector<16xi1>
      %masked_cumsum3A = tpu.scan <sum>, %rev3A_1813 masked %broadcast_in_dim3A_1815 : vector<16xi32>, vector<16xi1> -> vector<16xi32>
      %rev3A_1816 = arith.constant 15 : i32
      %rev3A_1817 = vector.broadcast %rev3A_1816 : i32 to vector<16xi32>
      %rev3A_1818 = tpu.iota {dimensions = array<i32: 0>} : vector<16xi32>
      %rev3A_1819 = arith.subi %rev3A_1817, %rev3A_1818 : vector<16xi32>
      %rev3A_1820 = tpu.dynamic_gather %masked_cumsum3A[%rev3A_1819] in [0] : vector<16xi32>, vector<16xi32> -> vector<16xi32>
      %add3A_1821 = vector.broadcast %scan3A_1803 : i32 to vector<16xi32>
      %add3A_1822 = arith.addi %rev3A_1820, %add3A_1821 : vector<16xi32>
      %mul3A_1823 = arith.constant 16 : i32
      %mul3A_1824 = arith.muli %sub3A_1806, %mul3A_1823 : i32
      %swap3A_1825 = arith.index_cast %mul3A_1824 : i32 to index
      %swap3A_1826 = tpu.vector_load %arg8[%swap3A_1825] {strides = array<i32>} : memref<272xi32, #tpu.memory_space<vmem>>, vector<16xi32>,
      tpu.vector_store %arg8[%swap3A_1825], %add3A_1822 {strides = array<i32>} : memref<272xi32, #tpu.memory_space<vmem>>, vector<16xi32>,
      %ge3A = vector.broadcast %sub3A_1122 : i32 to vector<16xi32>
      %ge3A_1827 = arith.cmpi sge, %add3A_1822, %ge3A : vector<16xi32>
      %all_reduce_population_count3A = tpu.all_reduce %ge3A_1827 {dim = 0 : i64, kind = #tpu.reduction_kind<sum>} : vector<16xi1> -> vector<16xi32>
      %add3A_1828 = arith.addi %scan3A_1804, %all_reduce_population_count3A : vector<16xi32>
      %slice3A_1829 = vector.extract_strided_slice %add3A_1822 {offsets = [0], sizes = [1], strides = [1]} : vector<16xi32> to vector<1xi32>
      %squeeze3A_1830 = vector.extract %slice3A_1829[0] : i32 from vector<1xi32>
      scf.yield %squeeze3A_1830, %add3A_1828 : i32, vector<16xi32>
    }
    %scan3A_1204 = arith.constant 16 : i32
    %slice3A_1205 = vector.extract_strided_slice %scan3A_1203#1 {offsets = [0], sizes = [1], strides = [1]} : vector<16xi32> to vector<1xi32>
    %squeeze3A_1206 = vector.extract %slice3A_1205[0] : i32 from vector<1xi32>
    %sub3A_1207 = arith.constant 1 : i32
    %sub3A_1208 = arith.subi %squeeze3A_1206, %sub3A_1207 : i32
    %add3A_1209 = arith.constant 1 : i32
    %add3A_1210 = arith.addi %sub3A_1208, %add3A_1209 : i32
    %broadcast_in_dim3A_1211 = vector.broadcast %add3A_1210 : i32 to vector<16xi32>
    %gather3A_1212 = tpu.vector_load_idx %arg8[%broadcast_in_dim3A_1211] : memref<272xi32, #tpu.memory_space<vmem>>[vector<16xi32>], vector<16xi32>,
    %slice3A_1213 = vector.extract_strided_slice %gather3A_1212 {offsets = [0], sizes = [1], strides = [1]} : vector<16xi32> to vector<1xi32>
    %squeeze3A_1214 = vector.extract %slice3A_1213[0] : i32 from vector<1xi32>
    %sub3A_1215 = arith.subi %sub3A_1122, %squeeze3A_1214 : i32
    %mul3A_1216 = arith.constant 256 : i32
    %mul3A_1217 = arith.muli %add3A_1125, %mul3A_1216 : i32
    %add3A_1218 = arith.addi %mul3A_1217, %sub3A_1208 : i32
    %broadcast_in_dim3A_1219 = arith.constant 0 : i32
    %broadcast_in_dim3A_1220 = vector.broadcast %broadcast_in_dim3A_1219 : i32 to vector<16xi32>
    %swap3A_1221 = arith.constant 0 : index
    %swap3A_1222 = tpu.vector_load %arg7[%swap3A_1221] {strides = array<i32>} : memref<272xi32, #tpu.memory_space<vmem>>, vector<16xi32>,
    tpu.vector_store %arg7[%swap3A_1221], %broadcast_in_dim3A_1220 {strides = array<i32>} : memref<272xi32, #tpu.memory_space<vmem>>, vector<16xi32>,
    %broadcast_in_dim3A_1223 = arith.constant 0 : i32
    %broadcast_in_dim3A_1224 = vector.broadcast %broadcast_in_dim3A_1223 : i32 to vector<16xi32>
    %swap3A_1225 = arith.constant 16 : index
    %swap3A_1226 = tpu.vector_load %arg7[%swap3A_1225] {strides = array<i32>} : memref<272xi32, #tpu.memory_space<vmem>>, vector<16xi32>,
    tpu.vector_store %arg7[%swap3A_1225], %broadcast_in_dim3A_1224 {strides = array<i32>} : memref<272xi32, #tpu.memory_space<vmem>>, vector<16xi32>,
    %broadcast_in_dim3A_1227 = arith.constant 0 : i32
    %broadcast_in_dim3A_1228 = vector.broadcast %broadcast_in_dim3A_1227 : i32 to vector<16xi32>
    %swap3A_1229 = arith.constant 32 : index
    %swap3A_1230 = tpu.vector_load %arg7[%swap3A_1229] {strides = array<i32>} : memref<272xi32, #tpu.memory_space<vmem>>, vector<16xi32>,
    tpu.vector_store %arg7[%swap3A_1229], %broadcast_in_dim3A_1228 {strides = array<i32>} : memref<272xi32, #tpu.memory_space<vmem>>, vector<16xi32>,
    %broadcast_in_dim3A_1231 = arith.constant 0 : i32
    %broadcast_in_dim3A_1232 = vector.broadcast %broadcast_in_dim3A_1231 : i32 to vector<16xi32>
    %swap3A_1233 = arith.constant 48 : index
    %swap3A_1234 = tpu.vector_load %arg7[%swap3A_1233] {strides = array<i32>} : memref<272xi32, #tpu.memory_space<vmem>>, vector<16xi32>,
    tpu.vector_store %arg7[%swap3A_1233], %broadcast_in_dim3A_1232 {strides = array<i32>} : memref<272xi32, #tpu.memory_space<vmem>>, vector<16xi32>,
    %broadcast_in_dim3A_1235 = arith.constant 0 : i32
    %broadcast_in_dim3A_1236 = vector.broadcast %broadcast_in_dim3A_1235 : i32 to vector<16xi32>
    %swap3A_1237 = arith.constant 64 : index
    %swap3A_1238 = tpu.vector_load %arg7[%swap3A_1237] {strides = array<i32>} : memref<272xi32, #tpu.memory_space<vmem>>, vector<16xi32>,
    tpu.vector_store %arg7[%swap3A_1237], %broadcast_in_dim3A_1236 {strides = array<i32>} : memref<272xi32, #tpu.memory_space<vmem>>, vector<16xi32>,
    %broadcast_in_dim3A_1239 = arith.constant 0 : i32
    %broadcast_in_dim3A_1240 = vector.broadcast %broadcast_in_dim3A_1239 : i32 to vector<16xi32>
    %swap3A_1241 = arith.constant 80 : index
    %swap3A_1242 = tpu.vector_load %arg7[%swap3A_1241] {strides = array<i32>} : memref<272xi32, #tpu.memory_space<vmem>>, vector<16xi32>,
    tpu.vector_store %arg7[%swap3A_1241], %broadcast_in_dim3A_1240 {strides = array<i32>} : memref<272xi32, #tpu.memory_space<vmem>>, vector<16xi32>,
    %broadcast_in_dim3A_1243 = arith.constant 0 : i32
    %broadcast_in_dim3A_1244 = vector.broadcast %broadcast_in_dim3A_1243 : i32 to vector<16xi32>
    %swap3A_1245 = arith.constant 96 : index
    %swap3A_1246 = tpu.vector_load %arg7[%swap3A_1245] {strides = array<i32>} : memref<272xi32, #tpu.memory_space<vmem>>, vector<16xi32>,
    tpu.vector_store %arg7[%swap3A_1245], %broadcast_in_dim3A_1244 {strides = array<i32>} : memref<272xi32, #tpu.memory_space<vmem>>, vector<16xi32>,
    %broadcast_in_dim3A_1247 = arith.constant 0 : i32
    %broadcast_in_dim3A_1248 = vector.broadcast %broadcast_in_dim3A_1247 : i32 to vector<16xi32>
    %swap3A_1249 = arith.constant 112 : index
    %swap3A_1250 = tpu.vector_load %arg7[%swap3A_1249] {strides = array<i32>} : memref<272xi32, #tpu.memory_space<vmem>>, vector<16xi32>,
    tpu.vector_store %arg7[%swap3A_1249], %broadcast_in_dim3A_1248 {strides = array<i32>} : memref<272xi32, #tpu.memory_space<vmem>>, vector<16xi32>,
    %broadcast_in_dim3A_1251 = arith.constant 0 : i32
    %broadcast_in_dim3A_1252 = vector.broadcast %broadcast_in_dim3A_1251 : i32 to vector<16xi32>
    %swap3A_1253 = arith.constant 128 : index
    %swap3A_1254 = tpu.vector_load %arg7[%swap3A_1253] {strides = array<i32>} : memref<272xi32, #tpu.memory_space<vmem>>, vector<16xi32>,
    tpu.vector_store %arg7[%swap3A_1253], %broadcast_in_dim3A_1252 {strides = array<i32>} : memref<272xi32, #tpu.memory_space<vmem>>, vector<16xi32>,
    %broadcast_in_dim3A_1255 = arith.constant 0 : i32
    %broadcast_in_dim3A_1256 = vector.broadcast %broadcast_in_dim3A_1255 : i32 to vector<16xi32>
    %swap3A_1257 = arith.constant 144 : index
    %swap3A_1258 = tpu.vector_load %arg7[%swap3A_1257] {strides = array<i32>} : memref<272xi32, #tpu.memory_space<vmem>>, vector<16xi32>,
    tpu.vector_store %arg7[%swap3A_1257], %broadcast_in_dim3A_1256 {strides = array<i32>} : memref<272xi32, #tpu.memory_space<vmem>>, vector<16xi32>,
    %broadcast_in_dim3A_1259 = arith.constant 0 : i32
    %broadcast_in_dim3A_1260 = vector.broadcast %broadcast_in_dim3A_1259 : i32 to vector<16xi32>
    %swap3A_1261 = arith.constant 160 : index
    %swap3A_1262 = tpu.vector_load %arg7[%swap3A_1261] {strides = array<i32>} : memref<272xi32, #tpu.memory_space<vmem>>, vector<16xi32>,
    tpu.vector_store %arg7[%swap3A_1261], %broadcast_in_dim3A_1260 {strides = array<i32>} : memref<272xi32, #tpu.memory_space<vmem>>, vector<16xi32>,
    %broadcast_in_dim3A_1263 = arith.constant 0 : i32
    %broadcast_in_dim3A_1264 = vector.broadcast %broadcast_in_dim3A_1263 : i32 to vector<16xi32>
    %swap3A_1265 = arith.constant 176 : index
    %swap3A_1266 = tpu.vector_load %arg7[%swap3A_1265] {strides = array<i32>} : memref<272xi32, #tpu.memory_space<vmem>>, vector<16xi32>,
    tpu.vector_store %arg7[%swap3A_1265], %broadcast_in_dim3A_1264 {strides = array<i32>} : memref<272xi32, #tpu.memory_space<vmem>>, vector<16xi32>,
    %broadcast_in_dim3A_1267 = arith.constant 0 : i32
    %broadcast_in_dim3A_1268 = vector.broadcast %broadcast_in_dim3A_1267 : i32 to vector<16xi32>
    %swap3A_1269 = arith.constant 192 : index
    %swap3A_1270 = tpu.vector_load %arg7[%swap3A_1269] {strides = array<i32>} : memref<272xi32, #tpu.memory_space<vmem>>, vector<16xi32>,
    tpu.vector_store %arg7[%swap3A_1269], %broadcast_in_dim3A_1268 {strides = array<i32>} : memref<272xi32, #tpu.memory_space<vmem>>, vector<16xi32>,
    %broadcast_in_dim3A_1271 = arith.constant 0 : i32
    %broadcast_in_dim3A_1272 = vector.broadcast %broadcast_in_dim3A_1271 : i32 to vector<16xi32>
    %swap3A_1273 = arith.constant 208 : index
    %swap3A_1274 = tpu.vector_load %arg7[%swap3A_1273] {strides = array<i32>} : memref<272xi32, #tpu.memory_space<vmem>>, vector<16xi32>,
    tpu.vector_store %arg7[%swap3A_1273], %broadcast_in_dim3A_1272 {strides = array<i32>} : memref<272xi32, #tpu.memory_space<vmem>>, vector<16xi32>,
    %broadcast_in_dim3A_1275 = arith.constant 0 : i32
    %broadcast_in_dim3A_1276 = vector.broadcast %broadcast_in_dim3A_1275 : i32 to vector<16xi32>
    %swap3A_1277 = arith.constant 224 : index
    %swap3A_1278 = tpu.vector_load %arg7[%swap3A_1277] {strides = array<i32>} : memref<272xi32, #tpu.memory_space<vmem>>, vector<16xi32>,
    tpu.vector_store %arg7[%swap3A_1277], %broadcast_in_dim3A_1276 {strides = array<i32>} : memref<272xi32, #tpu.memory_space<vmem>>, vector<16xi32>,
    %broadcast_in_dim3A_1279 = arith.constant 0 : i32
    %broadcast_in_dim3A_1280 = vector.broadcast %broadcast_in_dim3A_1279 : i32 to vector<16xi32>
    %swap3A_1281 = arith.constant 240 : index
    %swap3A_1282 = tpu.vector_load %arg7[%swap3A_1281] {strides = array<i32>} : memref<272xi32, #tpu.memory_space<vmem>>, vector<16xi32>,
    tpu.vector_store %arg7[%swap3A_1281], %broadcast_in_dim3A_1280 {strides = array<i32>} : memref<272xi32, #tpu.memory_space<vmem>>, vector<16xi32>,
    %parallel_loop3A_1283 = arith.constant 0 : i32
    %parallel_loop3A_1284 = arith.constant 1 : i32
    scf.for %parallel_loop3A_1802 = %parallel_loop3A_1283 to %reduce_max3A_1032 step %parallel_loop3A_1284  : i32 {
      %parallel_loop3A_1803 = arith.constant 16 : i32
      %parallel_loop3A_1804 = arith.muli %parallel_loop3A_1802, %parallel_loop3A_1803 : i32
      %parallel_loop3A_1805 = arith.index_cast %parallel_loop3A_1804 : i32 to index
      %parallel_loop3A_1806 = tpu.vector_load %arg6[%parallel_loop3A_1805] {strides = array<i32>} : memref<32768xi32, #tpu.memory_space<vmem>>, vector<16xi32>,
      %parallel_loop3A_1807 = arith.constant 0 : i32
      %parallel_loop3A_1808 = vector.broadcast %parallel_loop3A_1807 : i32 to vector<16xi32>
      %parallel_loop3A_1809 = arith.shrui %parallel_loop3A_1806, %parallel_loop3A_1808 : vector<16xi32>
      %parallel_loop3A_1810 = arith.constant 127 : i32
      %parallel_loop3A_1811 = vector.broadcast %parallel_loop3A_1810 : i32 to vector<16xi32>
      %parallel_loop3A_1812 = arith.andi %parallel_loop3A_1809, %parallel_loop3A_1811 : vector<16xi32>
      %parallel_loop3A_1813 = vector.broadcast %parallel_loop3A_1802 : i32 to vector<16xi32>
      %parallel_loop3A_1814 = arith.cmpi sgt, %shift_right_logical3A_1024, %parallel_loop3A_1813 : vector<16xi32>
      %parallel_loop3A_1815 = arith.constant 7 : i32
      %parallel_loop3A_1816 = vector.broadcast %parallel_loop3A_1815 : i32 to vector<16xi32>
      %parallel_loop3A_1817 = arith.shrui %parallel_loop3A_1806, %parallel_loop3A_1816 : vector<16xi32>
      %parallel_loop3A_1818 = vector.broadcast %add3A_1218 : i32 to vector<16xi32>
      %parallel_loop3A_1819 = arith.cmpi eq, %parallel_loop3A_1817, %parallel_loop3A_1818 : vector<16xi32>
      %parallel_loop3A_1820 = arith.andi %parallel_loop3A_1814, %parallel_loop3A_1819 : vector<16xi1>
      tpu.vector_store_idx %arg7[%parallel_loop3A_1812], %broadcast_in_dim3A_920 masked %parallel_loop3A_1820 {add = true} : memref<272xi32, #tpu.memory_space<vmem>>[vector<16xi32>], vector<16xi32>, vector<16xi1>
    } {sc.loop_unroll_factor = 2 : i64, sc.parallel_access}
    %broadcast_in_dim3A_1285 = arith.constant 0 : i32
    %broadcast_in_dim3A_1286 = vector.broadcast %broadcast_in_dim3A_1285 : i32 to vector<16xi32>
    %swap3A_1287 = arith.constant 128 : index
    %swap3A_1288 = tpu.vector_load %arg8[%swap3A_1287] {strides = array<i32>} : memref<272xi32, #tpu.memory_space<vmem>>, vector<16xi32>,
    tpu.vector_store %arg8[%swap3A_1287], %broadcast_in_dim3A_1286 {strides = array<i32>} : memref<272xi32, #tpu.memory_space<vmem>>, vector<16xi32>,
    %broadcast_in_dim3A_1289 = arith.constant 0 : i32
    %broadcast_in_dim3A_1290 = vector.broadcast %broadcast_in_dim3A_1289 : i32 to vector<16xi32>
    %scan3A_1291 = arith.constant 0 : i32
    %scan3A_1292 = arith.constant 0 : i32
    %scan3A_1293 = arith.constant 8 : i32
    %scan3A_1294 = arith.addi %scan3A_1292, %scan3A_1293 : i32
    %scan3A_1295 = arith.constant 1 : i32
    %scan3A_1296:2 = scf.for %scan3A_1802 = %scan3A_1292 to %scan3A_1294 step %scan3A_1295 iter_args(%scan3A_1803 = %scan3A_1291, %scan3A_1804 = %broadcast_in_dim3A_1290) -> (i32, vector<16xi32>)  : i32 {
      %sub3A_1805 = arith.constant 7 : i32
      %sub3A_1806 = arith.subi %sub3A_1805, %scan3A_1802 : i32
      %mul3A_1807 = arith.constant 16 : i32
      %mul3A_1808 = arith.muli %sub3A_1806, %mul3A_1807 : i32
      %get3A = arith.index_cast %mul3A_1808 : i32 to index
      %get3A_1809 = tpu.vector_load %arg7[%get3A] {strides = array<i32>} : memref<272xi32, #tpu.memory_space<vmem>>, vector<16xi32>,
      %rev3A = arith.constant 15 : i32
      %rev3A_1810 = vector.broadcast %rev3A : i32 to vector<16xi32>
      %rev3A_1811 = tpu.iota {dimensions = array<i32: 0>} : vector<16xi32>
      %rev3A_1812 = arith.subi %rev3A_1810, %rev3A_1811 : vector<16xi32>
      %rev3A_1813 = tpu.dynamic_gather %get3A_1809[%rev3A_1812] in [0] : vector<16xi32>, vector<16xi32> -> vector<16xi32>
      %broadcast_in_dim3A_1814 = arith.constant true
      %broadcast_in_dim3A_1815 = vector.broadcast %broadcast_in_dim3A_1814 : i1 to vector<16xi1>
      %masked_cumsum3A = tpu.scan <sum>, %rev3A_1813 masked %broadcast_in_dim3A_1815 : vector<16xi32>, vector<16xi1> -> vector<16xi32>
      %rev3A_1816 = arith.constant 15 : i32
      %rev3A_1817 = vector.broadcast %rev3A_1816 : i32 to vector<16xi32>
      %rev3A_1818 = tpu.iota {dimensions = array<i32: 0>} : vector<16xi32>
      %rev3A_1819 = arith.subi %rev3A_1817, %rev3A_1818 : vector<16xi32>
      %rev3A_1820 = tpu.dynamic_gather %masked_cumsum3A[%rev3A_1819] in [0] : vector<16xi32>, vector<16xi32> -> vector<16xi32>
      %add3A_1821 = vector.broadcast %scan3A_1803 : i32 to vector<16xi32>
      %add3A_1822 = arith.addi %rev3A_1820, %add3A_1821 : vector<16xi32>
      %mul3A_1823 = arith.constant 16 : i32
      %mul3A_1824 = arith.muli %sub3A_1806, %mul3A_1823 : i32
      %swap3A_1825 = arith.index_cast %mul3A_1824 : i32 to index
      %swap3A_1826 = tpu.vector_load %arg8[%swap3A_1825] {strides = array<i32>} : memref<272xi32, #tpu.memory_space<vmem>>, vector<16xi32>,
      tpu.vector_store %arg8[%swap3A_1825], %add3A_1822 {strides = array<i32>} : memref<272xi32, #tpu.memory_space<vmem>>, vector<16xi32>,
      %ge3A = vector.broadcast %sub3A_1215 : i32 to vector<16xi32>
      %ge3A_1827 = arith.cmpi sge, %add3A_1822, %ge3A : vector<16xi32>
      %all_reduce_population_count3A = tpu.all_reduce %ge3A_1827 {dim = 0 : i64, kind = #tpu.reduction_kind<sum>} : vector<16xi1> -> vector<16xi32>
      %add3A_1828 = arith.addi %scan3A_1804, %all_reduce_population_count3A : vector<16xi32>
      %slice3A_1829 = vector.extract_strided_slice %add3A_1822 {offsets = [0], sizes = [1], strides = [1]} : vector<16xi32> to vector<1xi32>
      %squeeze3A_1830 = vector.extract %slice3A_1829[0] : i32 from vector<1xi32>
      scf.yield %squeeze3A_1830, %add3A_1828 : i32, vector<16xi32>
    }
    %scan3A_1297 = arith.constant 8 : i32
    %slice3A_1298 = vector.extract_strided_slice %scan3A_1296#1 {offsets = [0], sizes = [1], strides = [1]} : vector<16xi32> to vector<1xi32>
    %squeeze3A_1299 = vector.extract %slice3A_1298[0] : i32 from vector<1xi32>
    %sub3A_1300 = arith.constant 1 : i32
    %sub3A_1301 = arith.subi %squeeze3A_1299, %sub3A_1300 : i32
    %add3A_1302 = arith.constant 1 : i32
    %add3A_1303 = arith.addi %sub3A_1301, %add3A_1302 : i32
    %broadcast_in_dim3A_1304 = vector.broadcast %add3A_1303 : i32 to vector<16xi32>
    %gather3A_1305 = tpu.vector_load_idx %arg8[%broadcast_in_dim3A_1304] : memref<272xi32, #tpu.memory_space<vmem>>[vector<16xi32>], vector<16xi32>,
    %slice3A_1306 = vector.extract_strided_slice %gather3A_1305 {offsets = [0], sizes = [1], strides = [1]} : vector<16xi32> to vector<1xi32>
    %squeeze3A_1307 = vector.extract %slice3A_1306[0] : i32 from vector<1xi32>
    %sub3A_1308 = arith.subi %sub3A_1215, %squeeze3A_1307 : i32
    %mul3A_1309 = arith.constant 128 : i32
    %mul3A_1310 = arith.muli %add3A_1218, %mul3A_1309 : i32
    %add3A_1311 = arith.addi %mul3A_1310, %sub3A_1301 : i32
    %broadcast_in_dim3A_1312 = arith.constant 2147483647 : i32
    %broadcast_in_dim3A_1313 = vector.broadcast %broadcast_in_dim3A_1312 : i32 to vector<16xi32>
    %parallel_loop3A_1314 = arith.constant 0 : i32
    %parallel_loop3A_1315 = arith.constant 1 : i32
    %parallel_loop3A_1316 = arith.constant 2147483647 : i32
    %parallel_loop3A_1317 = scf.for %parallel_loop3A_1802 = %parallel_loop3A_1314 to %reduce_max3A_1032 step %parallel_loop3A_1315 iter_args(%parallel_loop3A_1803 = %broadcast_in_dim3A_1313) -> (vector<16xi32>)  : i32 {
      %parallel_loop3A_1804 = arith.constant 16 : i32
      %parallel_loop3A_1805 = arith.muli %parallel_loop3A_1802, %parallel_loop3A_1804 : i32
      %parallel_loop3A_1806 = arith.index_cast %parallel_loop3A_1805 : i32 to index
      %parallel_loop3A_1807 = tpu.vector_load %arg6[%parallel_loop3A_1806] {strides = array<i32>} : memref<32768xi32, #tpu.memory_space<vmem>>, vector<16xi32>,
      %parallel_loop3A_1808 = vector.broadcast %parallel_loop3A_1802 : i32 to vector<16xi32>
      %parallel_loop3A_1809 = arith.cmpi sgt, %shift_right_logical3A_1024, %parallel_loop3A_1808 : vector<16xi32>
      %parallel_loop3A_1810 = vector.broadcast %add3A_1311 : i32 to vector<16xi32>
      %parallel_loop3A_1811 = arith.cmpi sgt, %parallel_loop3A_1807, %parallel_loop3A_1810 : vector<16xi32>
      %parallel_loop3A_1812 = arith.andi %parallel_loop3A_1809, %parallel_loop3A_1811 : vector<16xi1>
      %parallel_loop3A_1813 = vector.broadcast %parallel_loop3A_1316 : i32 to vector<16xi32>
      %parallel_loop3A_1814 = arith.select %parallel_loop3A_1812, %parallel_loop3A_1807, %parallel_loop3A_1813 : vector<16xi1>, vector<16xi32>
      %parallel_loop3A_1815 = arith.minsi %parallel_loop3A_1803, %parallel_loop3A_1814 : vector<16xi32>
      scf.yield %parallel_loop3A_1815 : vector<16xi32>
    } {sc.loop_unroll_factor = 2 : i64, sc.parallel_access}
    %eq3A_1318 = arith.constant 1 : i32
    %eq3A_1319 = arith.cmpi eq, %sub3A_1308, %eq3A_1318 : i32
    %reduce_min3A_1320 = arith.constant true
    %reduce_min3A_1321 = vector.broadcast %reduce_min3A_1320 : i1 to vector<16xi1>
    %reduce_min3A_1322 = arith.constant -2147483648 : i32
    %reduce_min3A_1323 = vector.broadcast %reduce_min3A_1322 : i32 to vector<16xi32>
    %reduce_min3A_1324 = arith.xori %parallel_loop3A_1317, %reduce_min3A_1323 : vector<16xi32>
    %reduce_min3A_1325 = tpu.scan <min>, %reduce_min3A_1324 masked %reduce_min3A_1321 : vector<16xi32>, vector<16xi1> -> vector<16xi32>
    %reduce_min3A_1326 = arith.xori %reduce_min3A_1325, %reduce_min3A_1323 : vector<16xi32>
    %reduce_min3A_1327 = vector.extract %reduce_min3A_1326[15] : i32 from vector<16xi32>
    %select_n3A_1328 = arith.select %eq3A_1319, %reduce_min3A_1327, %add3A_1311 : i32
    %broadcast_in_dim3A_1329 = vector.broadcast %add3A_1311 : i32 to vector<16xi32>
    %bitcast3A_1330 = vector.bitcast %broadcast_in_dim3A_1329 : vector<16xi32> to vector<16xf32>
    %broadcast_in_dim3A_1331 = vector.broadcast %select_n3A_1328 : i32 to vector<16xi32>
    %bitcast3A_1332 = vector.bitcast %broadcast_in_dim3A_1331 : vector<16xi32> to vector<16xf32>
    %sub3A_1333 = arith.subf %bitcast3A_1332, %bitcast3A_1330 : vector<16xf32>
    %mul3A_1334 = arith.constant 7.812500e-03 : f32
    %mul3A_1335 = vector.broadcast %mul3A_1334 : f32 to vector<16xf32>
    %mul3A_1336 = arith.mulf %mul3A_1335, %sub3A_1333 : vector<16xf32>
    %add3A_1337 = arith.addf %bitcast3A_1330, %mul3A_1336 : vector<16xf32>
    %parallel_loop3A_1338 = arith.constant 0 : i32
    %parallel_loop3A_1339 = arith.constant 2048 : i32
    %parallel_loop3A_1340 = arith.constant 1 : i32
    %parallel_loop3A_1341 = arith.constant 2147483647 : i32
    %parallel_loop3A_1342 = arith.constant -2147483648 : i32
    scf.for %parallel_loop3A_1802 = %parallel_loop3A_1338 to %parallel_loop3A_1339 step %parallel_loop3A_1340  : i32 {
      %parallel_loop3A_1803 = arith.constant 16 : i32
      %parallel_loop3A_1804 = arith.muli %parallel_loop3A_1802, %parallel_loop3A_1803 : i32
      %parallel_loop3A_1805 = arith.index_cast %parallel_loop3A_1804 : i32 to index
      %parallel_loop3A_1806 = tpu.vector_load %arg4[%parallel_loop3A_1805] {strides = array<i32>} : memref<32768xf32, #tpu.memory_space<vmem>>, vector<16xf32>,
      %parallel_loop3A_1807 = vector.bitcast %parallel_loop3A_1806 : vector<16xf32> to vector<16xi32>
      %parallel_loop3A_1808 = vector.broadcast %parallel_loop3A_1341 : i32 to vector<16xi32>
      %parallel_loop3A_1809 = arith.andi %parallel_loop3A_1807, %parallel_loop3A_1808 : vector<16xi32>
      %parallel_loop3A_1810 = vector.bitcast %parallel_loop3A_1809 : vector<16xi32> to vector<16xf32>
      %parallel_loop3A_1811 = arith.subf %parallel_loop3A_1810, %add3A_1337 : vector<16xf32>
      %parallel_loop3A_1812 = arith.constant 0.000000e+00 : f32
      %parallel_loop3A_1813 = vector.broadcast %parallel_loop3A_1812 : f32 to vector<16xf32>
      %parallel_loop3A_1814 = arith.maximumf %parallel_loop3A_1811, %parallel_loop3A_1813 : vector<16xf32>
      %parallel_loop3A_1815 = vector.bitcast %parallel_loop3A_1814 : vector<16xf32> to vector<16xi32>
      %parallel_loop3A_1816 = vector.broadcast %parallel_loop3A_1342 : i32 to vector<16xi32>
      %parallel_loop3A_1817 = arith.andi %parallel_loop3A_1807, %parallel_loop3A_1816 : vector<16xi32>
      %parallel_loop3A_1818 = arith.ori %parallel_loop3A_1815, %parallel_loop3A_1817 : vector<16xi32>
      %parallel_loop3A_1819 = vector.bitcast %parallel_loop3A_1818 : vector<16xi32> to vector<16xf32>
      %parallel_loop3A_1820 = arith.constant 16 : i32
      %parallel_loop3A_1821 = arith.muli %parallel_loop3A_1802, %parallel_loop3A_1820 : i32
      %parallel_loop3A_1822 = arith.index_cast %parallel_loop3A_1821 : i32 to index
      %parallel_loop3A_1823 = tpu.vector_load %arg4[%parallel_loop3A_1822] {strides = array<i32>} : memref<32768xf32, #tpu.memory_space<vmem>>, vector<16xf32>,
      tpu.vector_store %arg4[%parallel_loop3A_1822], %parallel_loop3A_1819 {strides = array<i32>} : memref<32768xf32, #tpu.memory_space<vmem>>, vector<16xf32>,
    } {sc.loop_unroll_factor = 8 : i64, sc.parallel_access}
    %add3A_1343 = arith.constant 2 : i32
    %add3A_1344 = arith.addi %mul3A_2, %add3A_1343 : i32
    %dma_start3A_1345 = arith.constant 0 : i32
    %dma_start3A_1346 = tpu.memref_slice %arg3[%add3A_1344, %dma_start3A_1345] : memref<128x32768xf32, #tpu.memory_space<hbm>> -> memref<1x32768xf32, #tpu.memory_space<hbm>>
    %dma_start3A_1347 = tpu.memref_squeeze %dma_start3A_1346 : memref<1x32768xf32, #tpu.memory_space<hbm>> -> memref<32768xf32, #tpu.memory_space<hbm>>
    %dma_start3A_1348 = arith.constant 0 : i32
    %dma_start3A_1349 = tpu.memref_slice %arg3[%add3A_1344, %dma_start3A_1348] : memref<128x32768xf32, #tpu.memory_space<hbm>> -> memref<1x32768xf32, #tpu.memory_space<hbm>>
    %dma_start3A_1350 = tpu.memref_squeeze %dma_start3A_1349 : memref<1x32768xf32, #tpu.memory_space<hbm>> -> memref<32768xf32, #tpu.memory_space<hbm>>
    tpu.enqueue_dma source(%arg4 : memref<32768xf32, #tpu.memory_space<vmem>>) target(%dma_start3A_1350 : memref<32768xf32, #tpu.memory_space<hbm>>) target_semaphore(%arg11 : memref<!tpu.dma_semaphore, #tpu.memory_space<semaphore_mem>>)
    %dma_wait3A_1351 = arith.constant 0 : i32
    %dma_wait3A_1352 = tpu.memref_slice %arg2[%add3A_905, %dma_wait3A_1351] : memref<128x32768xf32, #tpu.memory_space<hbm>> -> memref<1x32768xf32, #tpu.memory_space<hbm>>
    %dma_wait3A_1353 = tpu.memref_squeeze %dma_wait3A_1352 : memref<1x32768xf32, #tpu.memory_space<hbm>> -> memref<32768xf32, #tpu.memory_space<hbm>>
    %dma_wait3A_1354 = arith.constant 0 : i32
    %dma_wait3A_1355 = tpu.memref_slice %arg2[%add3A_905, %dma_wait3A_1354] : memref<128x32768xf32, #tpu.memory_space<hbm>> -> memref<1x32768xf32, #tpu.memory_space<hbm>>
    %dma_wait3A_1356 = tpu.memref_squeeze %dma_wait3A_1355 : memref<1x32768xf32, #tpu.memory_space<hbm>> -> memref<32768xf32, #tpu.memory_space<hbm>>
    tpu.wait_dma2 semaphore(%arg10 : memref<!tpu.dma_semaphore, #tpu.memory_space<semaphore_mem>>) src(%dma_wait3A_1356 : memref<32768xf32, #tpu.memory_space<hbm>>) dst(%arg5 : memref<32768xf32, #tpu.memory_space<vmem>>)
    %iota3A_1357 = tpu.iota {dimensions = array<i32: 0>} : vector<16xi32>
    %broadcast_in_dim3A_1358 = arith.constant 1 : i32
    %broadcast_in_dim3A_1359 = vector.broadcast %broadcast_in_dim3A_1358 : i32 to vector<16xi32>
    %broadcast_in_dim3A_1360 = arith.constant 0 : i32
    %broadcast_in_dim3A_1361 = vector.broadcast %broadcast_in_dim3A_1360 : i32 to vector<16xi32>
    %swap3A_1362 = arith.constant 0 : index
    %swap3A_1363 = tpu.vector_load %arg7[%swap3A_1362] {strides = array<i32>} : memref<272xi32, #tpu.memory_space<vmem>>, vector<16xi32>,
    tpu.vector_store %arg7[%swap3A_1362], %broadcast_in_dim3A_1361 {strides = array<i32>} : memref<272xi32, #tpu.memory_space<vmem>>, vector<16xi32>,
    %broadcast_in_dim3A_1364 = arith.constant 0 : i32
    %broadcast_in_dim3A_1365 = vector.broadcast %broadcast_in_dim3A_1364 : i32 to vector<16xi32>
    %swap3A_1366 = arith.constant 16 : index
    %swap3A_1367 = tpu.vector_load %arg7[%swap3A_1366] {strides = array<i32>} : memref<272xi32, #tpu.memory_space<vmem>>, vector<16xi32>,
    tpu.vector_store %arg7[%swap3A_1366], %broadcast_in_dim3A_1365 {strides = array<i32>} : memref<272xi32, #tpu.memory_space<vmem>>, vector<16xi32>,
    %broadcast_in_dim3A_1368 = arith.constant 0 : i32
    %broadcast_in_dim3A_1369 = vector.broadcast %broadcast_in_dim3A_1368 : i32 to vector<16xi32>
    %swap3A_1370 = arith.constant 32 : index
    %swap3A_1371 = tpu.vector_load %arg7[%swap3A_1370] {strides = array<i32>} : memref<272xi32, #tpu.memory_space<vmem>>, vector<16xi32>,
    tpu.vector_store %arg7[%swap3A_1370], %broadcast_in_dim3A_1369 {strides = array<i32>} : memref<272xi32, #tpu.memory_space<vmem>>, vector<16xi32>,
    %broadcast_in_dim3A_1372 = arith.constant 0 : i32
    %broadcast_in_dim3A_1373 = vector.broadcast %broadcast_in_dim3A_1372 : i32 to vector<16xi32>
    %swap3A_1374 = arith.constant 48 : index
    %swap3A_1375 = tpu.vector_load %arg7[%swap3A_1374] {strides = array<i32>} : memref<272xi32, #tpu.memory_space<vmem>>, vector<16xi32>,
    tpu.vector_store %arg7[%swap3A_1374], %broadcast_in_dim3A_1373 {strides = array<i32>} : memref<272xi32, #tpu.memory_space<vmem>>, vector<16xi32>,
    %broadcast_in_dim3A_1376 = arith.constant 0 : i32
    %broadcast_in_dim3A_1377 = vector.broadcast %broadcast_in_dim3A_1376 : i32 to vector<16xi32>
    %swap3A_1378 = arith.constant 64 : index
    %swap3A_1379 = tpu.vector_load %arg7[%swap3A_1378] {strides = array<i32>} : memref<272xi32, #tpu.memory_space<vmem>>, vector<16xi32>,
    tpu.vector_store %arg7[%swap3A_1378], %broadcast_in_dim3A_1377 {strides = array<i32>} : memref<272xi32, #tpu.memory_space<vmem>>, vector<16xi32>,
    %broadcast_in_dim3A_1380 = arith.constant 0 : i32
    %broadcast_in_dim3A_1381 = vector.broadcast %broadcast_in_dim3A_1380 : i32 to vector<16xi32>
    %swap3A_1382 = arith.constant 80 : index
    %swap3A_1383 = tpu.vector_load %arg7[%swap3A_1382] {strides = array<i32>} : memref<272xi32, #tpu.memory_space<vmem>>, vector<16xi32>,
    tpu.vector_store %arg7[%swap3A_1382], %broadcast_in_dim3A_1381 {strides = array<i32>} : memref<272xi32, #tpu.memory_space<vmem>>, vector<16xi32>,
    %broadcast_in_dim3A_1384 = arith.constant 0 : i32
    %broadcast_in_dim3A_1385 = vector.broadcast %broadcast_in_dim3A_1384 : i32 to vector<16xi32>
    %swap3A_1386 = arith.constant 96 : index
    %swap3A_1387 = tpu.vector_load %arg7[%swap3A_1386] {strides = array<i32>} : memref<272xi32, #tpu.memory_space<vmem>>, vector<16xi32>,
    tpu.vector_store %arg7[%swap3A_1386], %broadcast_in_dim3A_1385 {strides = array<i32>} : memref<272xi32, #tpu.memory_space<vmem>>, vector<16xi32>,
    %broadcast_in_dim3A_1388 = arith.constant 0 : i32
    %broadcast_in_dim3A_1389 = vector.broadcast %broadcast_in_dim3A_1388 : i32 to vector<16xi32>
    %swap3A_1390 = arith.constant 112 : index
    %swap3A_1391 = tpu.vector_load %arg7[%swap3A_1390] {strides = array<i32>} : memref<272xi32, #tpu.memory_space<vmem>>, vector<16xi32>,
    tpu.vector_store %arg7[%swap3A_1390], %broadcast_in_dim3A_1389 {strides = array<i32>} : memref<272xi32, #tpu.memory_space<vmem>>, vector<16xi32>,
    %broadcast_in_dim3A_1392 = arith.constant 0 : i32
    %broadcast_in_dim3A_1393 = vector.broadcast %broadcast_in_dim3A_1392 : i32 to vector<16xi32>
    %swap3A_1394 = arith.constant 128 : index
    %swap3A_1395 = tpu.vector_load %arg7[%swap3A_1394] {strides = array<i32>} : memref<272xi32, #tpu.memory_space<vmem>>, vector<16xi32>,
    tpu.vector_store %arg7[%swap3A_1394], %broadcast_in_dim3A_1393 {strides = array<i32>} : memref<272xi32, #tpu.memory_space<vmem>>, vector<16xi32>,
    %broadcast_in_dim3A_1396 = arith.constant 0 : i32
    %broadcast_in_dim3A_1397 = vector.broadcast %broadcast_in_dim3A_1396 : i32 to vector<16xi32>
    %swap3A_1398 = arith.constant 144 : index
    %swap3A_1399 = tpu.vector_load %arg7[%swap3A_1398] {strides = array<i32>} : memref<272xi32, #tpu.memory_space<vmem>>, vector<16xi32>,
    tpu.vector_store %arg7[%swap3A_1398], %broadcast_in_dim3A_1397 {strides = array<i32>} : memref<272xi32, #tpu.memory_space<vmem>>, vector<16xi32>,
    %broadcast_in_dim3A_1400 = arith.constant 0 : i32
    %broadcast_in_dim3A_1401 = vector.broadcast %broadcast_in_dim3A_1400 : i32 to vector<16xi32>
    %swap3A_1402 = arith.constant 160 : index
    %swap3A_1403 = tpu.vector_load %arg7[%swap3A_1402] {strides = array<i32>} : memref<272xi32, #tpu.memory_space<vmem>>, vector<16xi32>,
    tpu.vector_store %arg7[%swap3A_1402], %broadcast_in_dim3A_1401 {strides = array<i32>} : memref<272xi32, #tpu.memory_space<vmem>>, vector<16xi32>,
    %broadcast_in_dim3A_1404 = arith.constant 0 : i32
    %broadcast_in_dim3A_1405 = vector.broadcast %broadcast_in_dim3A_1404 : i32 to vector<16xi32>
    %swap3A_1406 = arith.constant 176 : index
    %swap3A_1407 = tpu.vector_load %arg7[%swap3A_1406] {strides = array<i32>} : memref<272xi32, #tpu.memory_space<vmem>>, vector<16xi32>,
    tpu.vector_store %arg7[%swap3A_1406], %broadcast_in_dim3A_1405 {strides = array<i32>} : memref<272xi32, #tpu.memory_space<vmem>>, vector<16xi32>,
    %broadcast_in_dim3A_1408 = arith.constant 0 : i32
    %broadcast_in_dim3A_1409 = vector.broadcast %broadcast_in_dim3A_1408 : i32 to vector<16xi32>
    %swap3A_1410 = arith.constant 192 : index
    %swap3A_1411 = tpu.vector_load %arg7[%swap3A_1410] {strides = array<i32>} : memref<272xi32, #tpu.memory_space<vmem>>, vector<16xi32>,
    tpu.vector_store %arg7[%swap3A_1410], %broadcast_in_dim3A_1409 {strides = array<i32>} : memref<272xi32, #tpu.memory_space<vmem>>, vector<16xi32>,
    %broadcast_in_dim3A_1412 = arith.constant 0 : i32
    %broadcast_in_dim3A_1413 = vector.broadcast %broadcast_in_dim3A_1412 : i32 to vector<16xi32>
    %swap3A_1414 = arith.constant 208 : index
    %swap3A_1415 = tpu.vector_load %arg7[%swap3A_1414] {strides = array<i32>} : memref<272xi32, #tpu.memory_space<vmem>>, vector<16xi32>,
    tpu.vector_store %arg7[%swap3A_1414], %broadcast_in_dim3A_1413 {strides = array<i32>} : memref<272xi32, #tpu.memory_space<vmem>>, vector<16xi32>,
    %broadcast_in_dim3A_1416 = arith.constant 0 : i32
    %broadcast_in_dim3A_1417 = vector.broadcast %broadcast_in_dim3A_1416 : i32 to vector<16xi32>
    %swap3A_1418 = arith.constant 224 : index
    %swap3A_1419 = tpu.vector_load %arg7[%swap3A_1418] {strides = array<i32>} : memref<272xi32, #tpu.memory_space<vmem>>, vector<16xi32>,
    tpu.vector_store %arg7[%swap3A_1418], %broadcast_in_dim3A_1417 {strides = array<i32>} : memref<272xi32, #tpu.memory_space<vmem>>, vector<16xi32>,
    %broadcast_in_dim3A_1420 = arith.constant 0 : i32
    %broadcast_in_dim3A_1421 = vector.broadcast %broadcast_in_dim3A_1420 : i32 to vector<16xi32>
    %swap3A_1422 = arith.constant 240 : index
    %swap3A_1423 = tpu.vector_load %arg7[%swap3A_1422] {strides = array<i32>} : memref<272xi32, #tpu.memory_space<vmem>>, vector<16xi32>,
    tpu.vector_store %arg7[%swap3A_1422], %broadcast_in_dim3A_1421 {strides = array<i32>} : memref<272xi32, #tpu.memory_space<vmem>>, vector<16xi32>,
    %parallel_loop3A_1424 = arith.constant 0 : i32
    %parallel_loop3A_1425 = arith.constant 2048 : i32
    %parallel_loop3A_1426 = arith.constant 1 : i32
    scf.for %parallel_loop3A_1802 = %parallel_loop3A_1424 to %parallel_loop3A_1425 step %parallel_loop3A_1426  : i32 {
      %parallel_loop3A_1803 = arith.constant 16 : i32
      %parallel_loop3A_1804 = arith.muli %parallel_loop3A_1802, %parallel_loop3A_1803 : i32
      %parallel_loop3A_1805 = arith.index_cast %parallel_loop3A_1804 : i32 to index
      %parallel_loop3A_1806 = tpu.vector_load %arg5[%parallel_loop3A_1805] {strides = array<i32>} : memref<32768xf32, #tpu.memory_space<vmem>>, vector<16xf32>,
      %parallel_loop3A_1807 = vector.bitcast %parallel_loop3A_1806 : vector<16xf32> to vector<16xi32>
      %parallel_loop3A_1808 = arith.constant 23 : i32
      %parallel_loop3A_1809 = vector.broadcast %parallel_loop3A_1808 : i32 to vector<16xi32>
      %parallel_loop3A_1810 = arith.shrui %parallel_loop3A_1807, %parallel_loop3A_1809 : vector<16xi32>
      %parallel_loop3A_1811 = arith.constant 255 : i32
      %parallel_loop3A_1812 = vector.broadcast %parallel_loop3A_1811 : i32 to vector<16xi32>
      %parallel_loop3A_1813 = arith.andi %parallel_loop3A_1810, %parallel_loop3A_1812 : vector<16xi32>
      tpu.vector_store_idx %arg7[%parallel_loop3A_1813], %broadcast_in_dim3A_1359 {add = true} : memref<272xi32, #tpu.memory_space<vmem>>[vector<16xi32>], vector<16xi32>,
    } {sc.loop_unroll_factor = 8 : i64, sc.parallel_access}
    %broadcast_in_dim3A_1427 = arith.constant 0 : i32
    %broadcast_in_dim3A_1428 = vector.broadcast %broadcast_in_dim3A_1427 : i32 to vector<16xi32>
    %swap3A_1429 = arith.constant 256 : index
    %swap3A_1430 = tpu.vector_load %arg8[%swap3A_1429] {strides = array<i32>} : memref<272xi32, #tpu.memory_space<vmem>>, vector<16xi32>,
    tpu.vector_store %arg8[%swap3A_1429], %broadcast_in_dim3A_1428 {strides = array<i32>} : memref<272xi32, #tpu.memory_space<vmem>>, vector<16xi32>,
    %broadcast_in_dim3A_1431 = arith.constant 0 : i32
    %broadcast_in_dim3A_1432 = vector.broadcast %broadcast_in_dim3A_1431 : i32 to vector<16xi32>
    %scan3A_1433 = arith.constant 257 : i32
    %scan3A_1434 = arith.constant 0 : i32
    %scan3A_1435 = arith.constant 0 : i32
    %scan3A_1436 = arith.constant 16 : i32
    %scan3A_1437 = arith.addi %scan3A_1435, %scan3A_1436 : i32
    %scan3A_1438 = arith.constant 1 : i32
    %scan3A_1439:2 = scf.for %scan3A_1802 = %scan3A_1435 to %scan3A_1437 step %scan3A_1438 iter_args(%scan3A_1803 = %scan3A_1434, %scan3A_1804 = %broadcast_in_dim3A_1432) -> (i32, vector<16xi32>)  : i32 {
      %sub3A_1805 = arith.constant 15 : i32
      %sub3A_1806 = arith.subi %sub3A_1805, %scan3A_1802 : i32
      %mul3A_1807 = arith.constant 16 : i32
      %mul3A_1808 = arith.muli %sub3A_1806, %mul3A_1807 : i32
      %get3A = arith.index_cast %mul3A_1808 : i32 to index
      %get3A_1809 = tpu.vector_load %arg7[%get3A] {strides = array<i32>} : memref<272xi32, #tpu.memory_space<vmem>>, vector<16xi32>,
      %rev3A = arith.constant 15 : i32
      %rev3A_1810 = vector.broadcast %rev3A : i32 to vector<16xi32>
      %rev3A_1811 = tpu.iota {dimensions = array<i32: 0>} : vector<16xi32>
      %rev3A_1812 = arith.subi %rev3A_1810, %rev3A_1811 : vector<16xi32>
      %rev3A_1813 = tpu.dynamic_gather %get3A_1809[%rev3A_1812] in [0] : vector<16xi32>, vector<16xi32> -> vector<16xi32>
      %broadcast_in_dim3A_1814 = arith.constant true
      %broadcast_in_dim3A_1815 = vector.broadcast %broadcast_in_dim3A_1814 : i1 to vector<16xi1>
      %masked_cumsum3A = tpu.scan <sum>, %rev3A_1813 masked %broadcast_in_dim3A_1815 : vector<16xi32>, vector<16xi1> -> vector<16xi32>
      %rev3A_1816 = arith.constant 15 : i32
      %rev3A_1817 = vector.broadcast %rev3A_1816 : i32 to vector<16xi32>
      %rev3A_1818 = tpu.iota {dimensions = array<i32: 0>} : vector<16xi32>
      %rev3A_1819 = arith.subi %rev3A_1817, %rev3A_1818 : vector<16xi32>
      %rev3A_1820 = tpu.dynamic_gather %masked_cumsum3A[%rev3A_1819] in [0] : vector<16xi32>, vector<16xi32> -> vector<16xi32>
      %add3A_1821 = vector.broadcast %scan3A_1803 : i32 to vector<16xi32>
      %add3A_1822 = arith.addi %rev3A_1820, %add3A_1821 : vector<16xi32>
      %mul3A_1823 = arith.constant 16 : i32
      %mul3A_1824 = arith.muli %sub3A_1806, %mul3A_1823 : i32
      %swap3A_1825 = arith.index_cast %mul3A_1824 : i32 to index
      %swap3A_1826 = tpu.vector_load %arg8[%swap3A_1825] {strides = array<i32>} : memref<272xi32, #tpu.memory_space<vmem>>, vector<16xi32>,
      tpu.vector_store %arg8[%swap3A_1825], %add3A_1822 {strides = array<i32>} : memref<272xi32, #tpu.memory_space<vmem>>, vector<16xi32>,
      %ge3A = vector.broadcast %scan3A_1433 : i32 to vector<16xi32>
      %ge3A_1827 = arith.cmpi sge, %add3A_1822, %ge3A : vector<16xi32>
      %all_reduce_population_count3A = tpu.all_reduce %ge3A_1827 {dim = 0 : i64, kind = #tpu.reduction_kind<sum>} : vector<16xi1> -> vector<16xi32>
      %add3A_1828 = arith.addi %scan3A_1804, %all_reduce_population_count3A : vector<16xi32>
      %slice3A_1829 = vector.extract_strided_slice %add3A_1822 {offsets = [0], sizes = [1], strides = [1]} : vector<16xi32> to vector<1xi32>
      %squeeze3A_1830 = vector.extract %slice3A_1829[0] : i32 from vector<1xi32>
      scf.yield %squeeze3A_1830, %add3A_1828 : i32, vector<16xi32>
    }
    %scan3A_1440 = arith.constant 16 : i32
    %slice3A_1441 = vector.extract_strided_slice %scan3A_1439#1 {offsets = [0], sizes = [1], strides = [1]} : vector<16xi32> to vector<1xi32>
    %squeeze3A_1442 = vector.extract %slice3A_1441[0] : i32 from vector<1xi32>
    %sub3A_1443 = arith.constant 1 : i32
    %sub3A_1444 = arith.subi %squeeze3A_1442, %sub3A_1443 : i32
    %add3A_1445 = arith.constant 1 : i32
    %add3A_1446 = arith.addi %sub3A_1444, %add3A_1445 : i32
    %broadcast_in_dim3A_1447 = vector.broadcast %add3A_1446 : i32 to vector<16xi32>
    %gather3A_1448 = tpu.vector_load_idx %arg8[%broadcast_in_dim3A_1447] : memref<272xi32, #tpu.memory_space<vmem>>[vector<16xi32>], vector<16xi32>,
    %slice3A_1449 = vector.extract_strided_slice %gather3A_1448 {offsets = [0], sizes = [1], strides = [1]} : vector<16xi32> to vector<1xi32>
    %squeeze3A_1450 = vector.extract %slice3A_1449[0] : i32 from vector<1xi32>
    %sub3A_1451 = arith.constant 257 : i32
    %sub3A_1452 = arith.subi %sub3A_1451, %squeeze3A_1450 : i32
    %mul3A_1453 = arith.constant 8388608 : i32
    %mul3A_1454 = arith.muli %sub3A_1444, %mul3A_1453 : i32
    %parallel_loop3A_1455 = arith.constant 0 : i32
    %parallel_loop3A_1456 = arith.constant 2048 : i32
    %parallel_loop3A_1457 = arith.constant 1 : i32
    %parallel_loop3A_1458 = arith.constant 2147483647 : i32
    %parallel_loop3A_1459 = scf.for %parallel_loop3A_1802 = %parallel_loop3A_1455 to %parallel_loop3A_1456 step %parallel_loop3A_1457 iter_args(%parallel_loop3A_1803 = %iota3A_1357) -> (vector<16xi32>)  : i32 {
      %parallel_loop3A_1804 = arith.constant 16 : i32
      %parallel_loop3A_1805 = arith.muli %parallel_loop3A_1802, %parallel_loop3A_1804 : i32
      %parallel_loop3A_1806 = arith.index_cast %parallel_loop3A_1805 : i32 to index
      %parallel_loop3A_1807 = tpu.vector_load %arg5[%parallel_loop3A_1806] {strides = array<i32>} : memref<32768xf32, #tpu.memory_space<vmem>>, vector<16xf32>,
      %parallel_loop3A_1808 = vector.bitcast %parallel_loop3A_1807 : vector<16xf32> to vector<16xi32>
      %parallel_loop3A_1809 = vector.broadcast %parallel_loop3A_1458 : i32 to vector<16xi32>
      %parallel_loop3A_1810 = arith.andi %parallel_loop3A_1808, %parallel_loop3A_1809 : vector<16xi32>
      %parallel_loop3A_1811 = vector.broadcast %mul3A_1454 : i32 to vector<16xi32>
      %parallel_loop3A_1812 = arith.cmpi sge, %parallel_loop3A_1810, %parallel_loop3A_1811 : vector<16xi32>
      tpu.vector_store_idx %arg6[%parallel_loop3A_1803], %parallel_loop3A_1810 masked %parallel_loop3A_1812 : memref<32768xi32, #tpu.memory_space<vmem>>[vector<16xi32>], vector<16xi32>, vector<16xi1>
      %parallel_loop3A_1813 = arith.constant 16 : i32
      %parallel_loop3A_1814 = arith.constant 0 : i32
      %parallel_loop3A_1815 = vector.broadcast %parallel_loop3A_1813 : i32 to vector<16xi32>
      %parallel_loop3A_1816 = vector.broadcast %parallel_loop3A_1814 : i32 to vector<16xi32>
      %parallel_loop3A_1817 = arith.select %parallel_loop3A_1812, %parallel_loop3A_1815, %parallel_loop3A_1816 : vector<16xi1>, vector<16xi32>
      %parallel_loop3A_1818 = arith.addi %parallel_loop3A_1803, %parallel_loop3A_1817 : vector<16xi32>
      scf.yield %parallel_loop3A_1818 : vector<16xi32>
    } {sc.loop_unroll_factor = 8 : i64, sc.parallel_access}
    %sub3A_1460 = arith.subi %parallel_loop3A_1459, %iota3A_1357 : vector<16xi32>
    %shift_right_logical3A_1461 = arith.constant 4 : i32
    %shift_right_logical3A_1462 = vector.broadcast %shift_right_logical3A_1461 : i32 to vector<16xi32>
    %shift_right_logical3A_1463 = arith.shrui %sub3A_1460, %shift_right_logical3A_1462 : vector<16xi32>
    %reduce_max3A_1464 = arith.constant true
    %reduce_max3A_1465 = vector.broadcast %reduce_max3A_1464 : i1 to vector<16xi1>
    %reduce_max3A_1466 = arith.constant -2147483648 : i32
    %reduce_max3A_1467 = vector.broadcast %reduce_max3A_1466 : i32 to vector<16xi32>
    %reduce_max3A_1468 = arith.xori %shift_right_logical3A_1463, %reduce_max3A_1467 : vector<16xi32>
    %reduce_max3A_1469 = tpu.scan <max>, %reduce_max3A_1468 masked %reduce_max3A_1465 : vector<16xi32>, vector<16xi1> -> vector<16xi32>
    %reduce_max3A_1470 = arith.xori %reduce_max3A_1469, %reduce_max3A_1467 : vector<16xi32>
    %reduce_max3A_1471 = vector.extract %reduce_max3A_1470[15] : i32 from vector<16xi32>
    %broadcast_in_dim3A_1472 = arith.constant 0 : i32
    %broadcast_in_dim3A_1473 = vector.broadcast %broadcast_in_dim3A_1472 : i32 to vector<16xi32>
    %swap3A_1474 = arith.constant 0 : index
    %swap3A_1475 = tpu.vector_load %arg7[%swap3A_1474] {strides = array<i32>} : memref<272xi32, #tpu.memory_space<vmem>>, vector<16xi32>,
    tpu.vector_store %arg7[%swap3A_1474], %broadcast_in_dim3A_1473 {strides = array<i32>} : memref<272xi32, #tpu.memory_space<vmem>>, vector<16xi32>,
    %broadcast_in_dim3A_1476 = arith.constant 0 : i32
    %broadcast_in_dim3A_1477 = vector.broadcast %broadcast_in_dim3A_1476 : i32 to vector<16xi32>
    %swap3A_1478 = arith.constant 16 : index
    %swap3A_1479 = tpu.vector_load %arg7[%swap3A_1478] {strides = array<i32>} : memref<272xi32, #tpu.memory_space<vmem>>, vector<16xi32>,
    tpu.vector_store %arg7[%swap3A_1478], %broadcast_in_dim3A_1477 {strides = array<i32>} : memref<272xi32, #tpu.memory_space<vmem>>, vector<16xi32>,
    %broadcast_in_dim3A_1480 = arith.constant 0 : i32
    %broadcast_in_dim3A_1481 = vector.broadcast %broadcast_in_dim3A_1480 : i32 to vector<16xi32>
    %swap3A_1482 = arith.constant 32 : index
    %swap3A_1483 = tpu.vector_load %arg7[%swap3A_1482] {strides = array<i32>} : memref<272xi32, #tpu.memory_space<vmem>>, vector<16xi32>,
    tpu.vector_store %arg7[%swap3A_1482], %broadcast_in_dim3A_1481 {strides = array<i32>} : memref<272xi32, #tpu.memory_space<vmem>>, vector<16xi32>,
    %broadcast_in_dim3A_1484 = arith.constant 0 : i32
    %broadcast_in_dim3A_1485 = vector.broadcast %broadcast_in_dim3A_1484 : i32 to vector<16xi32>
    %swap3A_1486 = arith.constant 48 : index
    %swap3A_1487 = tpu.vector_load %arg7[%swap3A_1486] {strides = array<i32>} : memref<272xi32, #tpu.memory_space<vmem>>, vector<16xi32>,
    tpu.vector_store %arg7[%swap3A_1486], %broadcast_in_dim3A_1485 {strides = array<i32>} : memref<272xi32, #tpu.memory_space<vmem>>, vector<16xi32>,
    %broadcast_in_dim3A_1488 = arith.constant 0 : i32
    %broadcast_in_dim3A_1489 = vector.broadcast %broadcast_in_dim3A_1488 : i32 to vector<16xi32>
    %swap3A_1490 = arith.constant 64 : index
    %swap3A_1491 = tpu.vector_load %arg7[%swap3A_1490] {strides = array<i32>} : memref<272xi32, #tpu.memory_space<vmem>>, vector<16xi32>,
    tpu.vector_store %arg7[%swap3A_1490], %broadcast_in_dim3A_1489 {strides = array<i32>} : memref<272xi32, #tpu.memory_space<vmem>>, vector<16xi32>,
    %broadcast_in_dim3A_1492 = arith.constant 0 : i32
    %broadcast_in_dim3A_1493 = vector.broadcast %broadcast_in_dim3A_1492 : i32 to vector<16xi32>
    %swap3A_1494 = arith.constant 80 : index
    %swap3A_1495 = tpu.vector_load %arg7[%swap3A_1494] {strides = array<i32>} : memref<272xi32, #tpu.memory_space<vmem>>, vector<16xi32>,
    tpu.vector_store %arg7[%swap3A_1494], %broadcast_in_dim3A_1493 {strides = array<i32>} : memref<272xi32, #tpu.memory_space<vmem>>, vector<16xi32>,
    %broadcast_in_dim3A_1496 = arith.constant 0 : i32
    %broadcast_in_dim3A_1497 = vector.broadcast %broadcast_in_dim3A_1496 : i32 to vector<16xi32>
    %swap3A_1498 = arith.constant 96 : index
    %swap3A_1499 = tpu.vector_load %arg7[%swap3A_1498] {strides = array<i32>} : memref<272xi32, #tpu.memory_space<vmem>>, vector<16xi32>,
    tpu.vector_store %arg7[%swap3A_1498], %broadcast_in_dim3A_1497 {strides = array<i32>} : memref<272xi32, #tpu.memory_space<vmem>>, vector<16xi32>,
    %broadcast_in_dim3A_1500 = arith.constant 0 : i32
    %broadcast_in_dim3A_1501 = vector.broadcast %broadcast_in_dim3A_1500 : i32 to vector<16xi32>
    %swap3A_1502 = arith.constant 112 : index
    %swap3A_1503 = tpu.vector_load %arg7[%swap3A_1502] {strides = array<i32>} : memref<272xi32, #tpu.memory_space<vmem>>, vector<16xi32>,
    tpu.vector_store %arg7[%swap3A_1502], %broadcast_in_dim3A_1501 {strides = array<i32>} : memref<272xi32, #tpu.memory_space<vmem>>, vector<16xi32>,
    %broadcast_in_dim3A_1504 = arith.constant 0 : i32
    %broadcast_in_dim3A_1505 = vector.broadcast %broadcast_in_dim3A_1504 : i32 to vector<16xi32>
    %swap3A_1506 = arith.constant 128 : index
    %swap3A_1507 = tpu.vector_load %arg7[%swap3A_1506] {strides = array<i32>} : memref<272xi32, #tpu.memory_space<vmem>>, vector<16xi32>,
    tpu.vector_store %arg7[%swap3A_1506], %broadcast_in_dim3A_1505 {strides = array<i32>} : memref<272xi32, #tpu.memory_space<vmem>>, vector<16xi32>,
    %broadcast_in_dim3A_1508 = arith.constant 0 : i32
    %broadcast_in_dim3A_1509 = vector.broadcast %broadcast_in_dim3A_1508 : i32 to vector<16xi32>
    %swap3A_1510 = arith.constant 144 : index
    %swap3A_1511 = tpu.vector_load %arg7[%swap3A_1510] {strides = array<i32>} : memref<272xi32, #tpu.memory_space<vmem>>, vector<16xi32>,
    tpu.vector_store %arg7[%swap3A_1510], %broadcast_in_dim3A_1509 {strides = array<i32>} : memref<272xi32, #tpu.memory_space<vmem>>, vector<16xi32>,
    %broadcast_in_dim3A_1512 = arith.constant 0 : i32
    %broadcast_in_dim3A_1513 = vector.broadcast %broadcast_in_dim3A_1512 : i32 to vector<16xi32>
    %swap3A_1514 = arith.constant 160 : index
    %swap3A_1515 = tpu.vector_load %arg7[%swap3A_1514] {strides = array<i32>} : memref<272xi32, #tpu.memory_space<vmem>>, vector<16xi32>,
    tpu.vector_store %arg7[%swap3A_1514], %broadcast_in_dim3A_1513 {strides = array<i32>} : memref<272xi32, #tpu.memory_space<vmem>>, vector<16xi32>,
    %broadcast_in_dim3A_1516 = arith.constant 0 : i32
    %broadcast_in_dim3A_1517 = vector.broadcast %broadcast_in_dim3A_1516 : i32 to vector<16xi32>
    %swap3A_1518 = arith.constant 176 : index
    %swap3A_1519 = tpu.vector_load %arg7[%swap3A_1518] {strides = array<i32>} : memref<272xi32, #tpu.memory_space<vmem>>, vector<16xi32>,
    tpu.vector_store %arg7[%swap3A_1518], %broadcast_in_dim3A_1517 {strides = array<i32>} : memref<272xi32, #tpu.memory_space<vmem>>, vector<16xi32>,
    %broadcast_in_dim3A_1520 = arith.constant 0 : i32
    %broadcast_in_dim3A_1521 = vector.broadcast %broadcast_in_dim3A_1520 : i32 to vector<16xi32>
    %swap3A_1522 = arith.constant 192 : index
    %swap3A_1523 = tpu.vector_load %arg7[%swap3A_1522] {strides = array<i32>} : memref<272xi32, #tpu.memory_space<vmem>>, vector<16xi32>,
    tpu.vector_store %arg7[%swap3A_1522], %broadcast_in_dim3A_1521 {strides = array<i32>} : memref<272xi32, #tpu.memory_space<vmem>>, vector<16xi32>,
    %broadcast_in_dim3A_1524 = arith.constant 0 : i32
    %broadcast_in_dim3A_1525 = vector.broadcast %broadcast_in_dim3A_1524 : i32 to vector<16xi32>
    %swap3A_1526 = arith.constant 208 : index
    %swap3A_1527 = tpu.vector_load %arg7[%swap3A_1526] {strides = array<i32>} : memref<272xi32, #tpu.memory_space<vmem>>, vector<16xi32>,
    tpu.vector_store %arg7[%swap3A_1526], %broadcast_in_dim3A_1525 {strides = array<i32>} : memref<272xi32, #tpu.memory_space<vmem>>, vector<16xi32>,
    %broadcast_in_dim3A_1528 = arith.constant 0 : i32
    %broadcast_in_dim3A_1529 = vector.broadcast %broadcast_in_dim3A_1528 : i32 to vector<16xi32>
    %swap3A_1530 = arith.constant 224 : index
    %swap3A_1531 = tpu.vector_load %arg7[%swap3A_1530] {strides = array<i32>} : memref<272xi32, #tpu.memory_space<vmem>>, vector<16xi32>,
    tpu.vector_store %arg7[%swap3A_1530], %broadcast_in_dim3A_1529 {strides = array<i32>} : memref<272xi32, #tpu.memory_space<vmem>>, vector<16xi32>,
    %broadcast_in_dim3A_1532 = arith.constant 0 : i32
    %broadcast_in_dim3A_1533 = vector.broadcast %broadcast_in_dim3A_1532 : i32 to vector<16xi32>
    %swap3A_1534 = arith.constant 240 : index
    %swap3A_1535 = tpu.vector_load %arg7[%swap3A_1534] {strides = array<i32>} : memref<272xi32, #tpu.memory_space<vmem>>, vector<16xi32>,
    tpu.vector_store %arg7[%swap3A_1534], %broadcast_in_dim3A_1533 {strides = array<i32>} : memref<272xi32, #tpu.memory_space<vmem>>, vector<16xi32>,
    %parallel_loop3A_1536 = arith.constant 0 : i32
    %parallel_loop3A_1537 = arith.constant 1 : i32
    scf.for %parallel_loop3A_1802 = %parallel_loop3A_1536 to %reduce_max3A_1471 step %parallel_loop3A_1537  : i32 {
      %parallel_loop3A_1803 = arith.constant 16 : i32
      %parallel_loop3A_1804 = arith.muli %parallel_loop3A_1802, %parallel_loop3A_1803 : i32
      %parallel_loop3A_1805 = arith.index_cast %parallel_loop3A_1804 : i32 to index
      %parallel_loop3A_1806 = tpu.vector_load %arg6[%parallel_loop3A_1805] {strides = array<i32>} : memref<32768xi32, #tpu.memory_space<vmem>>, vector<16xi32>,
      %parallel_loop3A_1807 = arith.constant 15 : i32
      %parallel_loop3A_1808 = vector.broadcast %parallel_loop3A_1807 : i32 to vector<16xi32>
      %parallel_loop3A_1809 = arith.shrui %parallel_loop3A_1806, %parallel_loop3A_1808 : vector<16xi32>
      %parallel_loop3A_1810 = arith.constant 255 : i32
      %parallel_loop3A_1811 = vector.broadcast %parallel_loop3A_1810 : i32 to vector<16xi32>
      %parallel_loop3A_1812 = arith.andi %parallel_loop3A_1809, %parallel_loop3A_1811 : vector<16xi32>
      %parallel_loop3A_1813 = vector.broadcast %parallel_loop3A_1802 : i32 to vector<16xi32>
      %parallel_loop3A_1814 = arith.cmpi sgt, %shift_right_logical3A_1463, %parallel_loop3A_1813 : vector<16xi32>
      %parallel_loop3A_1815 = arith.constant 23 : i32
      %parallel_loop3A_1816 = vector.broadcast %parallel_loop3A_1815 : i32 to vector<16xi32>
      %parallel_loop3A_1817 = arith.shrui %parallel_loop3A_1806, %parallel_loop3A_1816 : vector<16xi32>
      %parallel_loop3A_1818 = vector.broadcast %sub3A_1444 : i32 to vector<16xi32>
      %parallel_loop3A_1819 = arith.cmpi eq, %parallel_loop3A_1817, %parallel_loop3A_1818 : vector<16xi32>
      %parallel_loop3A_1820 = arith.andi %parallel_loop3A_1814, %parallel_loop3A_1819 : vector<16xi1>
      tpu.vector_store_idx %arg7[%parallel_loop3A_1812], %broadcast_in_dim3A_1359 masked %parallel_loop3A_1820 {add = true} : memref<272xi32, #tpu.memory_space<vmem>>[vector<16xi32>], vector<16xi32>, vector<16xi1>
    } {sc.loop_unroll_factor = 2 : i64, sc.parallel_access}
    %broadcast_in_dim3A_1538 = arith.constant 0 : i32
    %broadcast_in_dim3A_1539 = vector.broadcast %broadcast_in_dim3A_1538 : i32 to vector<16xi32>
    %swap3A_1540 = arith.constant 256 : index
    %swap3A_1541 = tpu.vector_load %arg8[%swap3A_1540] {strides = array<i32>} : memref<272xi32, #tpu.memory_space<vmem>>, vector<16xi32>,
    tpu.vector_store %arg8[%swap3A_1540], %broadcast_in_dim3A_1539 {strides = array<i32>} : memref<272xi32, #tpu.memory_space<vmem>>, vector<16xi32>,
    %broadcast_in_dim3A_1542 = arith.constant 0 : i32
    %broadcast_in_dim3A_1543 = vector.broadcast %broadcast_in_dim3A_1542 : i32 to vector<16xi32>
    %scan3A_1544 = arith.constant 0 : i32
    %scan3A_1545 = arith.constant 0 : i32
    %scan3A_1546 = arith.constant 16 : i32
    %scan3A_1547 = arith.addi %scan3A_1545, %scan3A_1546 : i32
    %scan3A_1548 = arith.constant 1 : i32
    %scan3A_1549:2 = scf.for %scan3A_1802 = %scan3A_1545 to %scan3A_1547 step %scan3A_1548 iter_args(%scan3A_1803 = %scan3A_1544, %scan3A_1804 = %broadcast_in_dim3A_1543) -> (i32, vector<16xi32>)  : i32 {
      %sub3A_1805 = arith.constant 15 : i32
      %sub3A_1806 = arith.subi %sub3A_1805, %scan3A_1802 : i32
      %mul3A_1807 = arith.constant 16 : i32
      %mul3A_1808 = arith.muli %sub3A_1806, %mul3A_1807 : i32
      %get3A = arith.index_cast %mul3A_1808 : i32 to index
      %get3A_1809 = tpu.vector_load %arg7[%get3A] {strides = array<i32>} : memref<272xi32, #tpu.memory_space<vmem>>, vector<16xi32>,
      %rev3A = arith.constant 15 : i32
      %rev3A_1810 = vector.broadcast %rev3A : i32 to vector<16xi32>
      %rev3A_1811 = tpu.iota {dimensions = array<i32: 0>} : vector<16xi32>
      %rev3A_1812 = arith.subi %rev3A_1810, %rev3A_1811 : vector<16xi32>
      %rev3A_1813 = tpu.dynamic_gather %get3A_1809[%rev3A_1812] in [0] : vector<16xi32>, vector<16xi32> -> vector<16xi32>
      %broadcast_in_dim3A_1814 = arith.constant true
      %broadcast_in_dim3A_1815 = vector.broadcast %broadcast_in_dim3A_1814 : i1 to vector<16xi1>
      %masked_cumsum3A = tpu.scan <sum>, %rev3A_1813 masked %broadcast_in_dim3A_1815 : vector<16xi32>, vector<16xi1> -> vector<16xi32>
      %rev3A_1816 = arith.constant 15 : i32
      %rev3A_1817 = vector.broadcast %rev3A_1816 : i32 to vector<16xi32>
      %rev3A_1818 = tpu.iota {dimensions = array<i32: 0>} : vector<16xi32>
      %rev3A_1819 = arith.subi %rev3A_1817, %rev3A_1818 : vector<16xi32>
      %rev3A_1820 = tpu.dynamic_gather %masked_cumsum3A[%rev3A_1819] in [0] : vector<16xi32>, vector<16xi32> -> vector<16xi32>
      %add3A_1821 = vector.broadcast %scan3A_1803 : i32 to vector<16xi32>
      %add3A_1822 = arith.addi %rev3A_1820, %add3A_1821 : vector<16xi32>
      %mul3A_1823 = arith.constant 16 : i32
      %mul3A_1824 = arith.muli %sub3A_1806, %mul3A_1823 : i32
      %swap3A_1825 = arith.index_cast %mul3A_1824 : i32 to index
      %swap3A_1826 = tpu.vector_load %arg8[%swap3A_1825] {strides = array<i32>} : memref<272xi32, #tpu.memory_space<vmem>>, vector<16xi32>,
      tpu.vector_store %arg8[%swap3A_1825], %add3A_1822 {strides = array<i32>} : memref<272xi32, #tpu.memory_space<vmem>>, vector<16xi32>,
      %ge3A = vector.broadcast %sub3A_1452 : i32 to vector<16xi32>
      %ge3A_1827 = arith.cmpi sge, %add3A_1822, %ge3A : vector<16xi32>
      %all_reduce_population_count3A = tpu.all_reduce %ge3A_1827 {dim = 0 : i64, kind = #tpu.reduction_kind<sum>} : vector<16xi1> -> vector<16xi32>
      %add3A_1828 = arith.addi %scan3A_1804, %all_reduce_population_count3A : vector<16xi32>
      %slice3A_1829 = vector.extract_strided_slice %add3A_1822 {offsets = [0], sizes = [1], strides = [1]} : vector<16xi32> to vector<1xi32>
      %squeeze3A_1830 = vector.extract %slice3A_1829[0] : i32 from vector<1xi32>
      scf.yield %squeeze3A_1830, %add3A_1828 : i32, vector<16xi32>
    }
    %scan3A_1550 = arith.constant 16 : i32
    %slice3A_1551 = vector.extract_strided_slice %scan3A_1549#1 {offsets = [0], sizes = [1], strides = [1]} : vector<16xi32> to vector<1xi32>
    %squeeze3A_1552 = vector.extract %slice3A_1551[0] : i32 from vector<1xi32>
    %sub3A_1553 = arith.constant 1 : i32
    %sub3A_1554 = arith.subi %squeeze3A_1552, %sub3A_1553 : i32
    %add3A_1555 = arith.constant 1 : i32
    %add3A_1556 = arith.addi %sub3A_1554, %add3A_1555 : i32
    %broadcast_in_dim3A_1557 = vector.broadcast %add3A_1556 : i32 to vector<16xi32>
    %gather3A_1558 = tpu.vector_load_idx %arg8[%broadcast_in_dim3A_1557] : memref<272xi32, #tpu.memory_space<vmem>>[vector<16xi32>], vector<16xi32>,
    %slice3A_1559 = vector.extract_strided_slice %gather3A_1558 {offsets = [0], sizes = [1], strides = [1]} : vector<16xi32> to vector<1xi32>
    %squeeze3A_1560 = vector.extract %slice3A_1559[0] : i32 from vector<1xi32>
    %sub3A_1561 = arith.subi %sub3A_1452, %squeeze3A_1560 : i32
    %mul3A_1562 = arith.constant 256 : i32
    %mul3A_1563 = arith.muli %sub3A_1444, %mul3A_1562 : i32
    %add3A_1564 = arith.addi %mul3A_1563, %sub3A_1554 : i32
    %broadcast_in_dim3A_1565 = arith.constant 0 : i32
    %broadcast_in_dim3A_1566 = vector.broadcast %broadcast_in_dim3A_1565 : i32 to vector<16xi32>
    %swap3A_1567 = arith.constant 0 : index
    %swap3A_1568 = tpu.vector_load %arg7[%swap3A_1567] {strides = array<i32>} : memref<272xi32, #tpu.memory_space<vmem>>, vector<16xi32>,
    tpu.vector_store %arg7[%swap3A_1567], %broadcast_in_dim3A_1566 {strides = array<i32>} : memref<272xi32, #tpu.memory_space<vmem>>, vector<16xi32>,
    %broadcast_in_dim3A_1569 = arith.constant 0 : i32
    %broadcast_in_dim3A_1570 = vector.broadcast %broadcast_in_dim3A_1569 : i32 to vector<16xi32>
    %swap3A_1571 = arith.constant 16 : index
    %swap3A_1572 = tpu.vector_load %arg7[%swap3A_1571] {strides = array<i32>} : memref<272xi32, #tpu.memory_space<vmem>>, vector<16xi32>,
    tpu.vector_store %arg7[%swap3A_1571], %broadcast_in_dim3A_1570 {strides = array<i32>} : memref<272xi32, #tpu.memory_space<vmem>>, vector<16xi32>,
    %broadcast_in_dim3A_1573 = arith.constant 0 : i32
    %broadcast_in_dim3A_1574 = vector.broadcast %broadcast_in_dim3A_1573 : i32 to vector<16xi32>
    %swap3A_1575 = arith.constant 32 : index
    %swap3A_1576 = tpu.vector_load %arg7[%swap3A_1575] {strides = array<i32>} : memref<272xi32, #tpu.memory_space<vmem>>, vector<16xi32>,
    tpu.vector_store %arg7[%swap3A_1575], %broadcast_in_dim3A_1574 {strides = array<i32>} : memref<272xi32, #tpu.memory_space<vmem>>, vector<16xi32>,
    %broadcast_in_dim3A_1577 = arith.constant 0 : i32
    %broadcast_in_dim3A_1578 = vector.broadcast %broadcast_in_dim3A_1577 : i32 to vector<16xi32>
    %swap3A_1579 = arith.constant 48 : index
    %swap3A_1580 = tpu.vector_load %arg7[%swap3A_1579] {strides = array<i32>} : memref<272xi32, #tpu.memory_space<vmem>>, vector<16xi32>,
    tpu.vector_store %arg7[%swap3A_1579], %broadcast_in_dim3A_1578 {strides = array<i32>} : memref<272xi32, #tpu.memory_space<vmem>>, vector<16xi32>,
    %broadcast_in_dim3A_1581 = arith.constant 0 : i32
    %broadcast_in_dim3A_1582 = vector.broadcast %broadcast_in_dim3A_1581 : i32 to vector<16xi32>
    %swap3A_1583 = arith.constant 64 : index
    %swap3A_1584 = tpu.vector_load %arg7[%swap3A_1583] {strides = array<i32>} : memref<272xi32, #tpu.memory_space<vmem>>, vector<16xi32>,
    tpu.vector_store %arg7[%swap3A_1583], %broadcast_in_dim3A_1582 {strides = array<i32>} : memref<272xi32, #tpu.memory_space<vmem>>, vector<16xi32>,
    %broadcast_in_dim3A_1585 = arith.constant 0 : i32
    %broadcast_in_dim3A_1586 = vector.broadcast %broadcast_in_dim3A_1585 : i32 to vector<16xi32>
    %swap3A_1587 = arith.constant 80 : index
    %swap3A_1588 = tpu.vector_load %arg7[%swap3A_1587] {strides = array<i32>} : memref<272xi32, #tpu.memory_space<vmem>>, vector<16xi32>,
    tpu.vector_store %arg7[%swap3A_1587], %broadcast_in_dim3A_1586 {strides = array<i32>} : memref<272xi32, #tpu.memory_space<vmem>>, vector<16xi32>,
    %broadcast_in_dim3A_1589 = arith.constant 0 : i32
    %broadcast_in_dim3A_1590 = vector.broadcast %broadcast_in_dim3A_1589 : i32 to vector<16xi32>
    %swap3A_1591 = arith.constant 96 : index
    %swap3A_1592 = tpu.vector_load %arg7[%swap3A_1591] {strides = array<i32>} : memref<272xi32, #tpu.memory_space<vmem>>, vector<16xi32>,
    tpu.vector_store %arg7[%swap3A_1591], %broadcast_in_dim3A_1590 {strides = array<i32>} : memref<272xi32, #tpu.memory_space<vmem>>, vector<16xi32>,
    %broadcast_in_dim3A_1593 = arith.constant 0 : i32
    %broadcast_in_dim3A_1594 = vector.broadcast %broadcast_in_dim3A_1593 : i32 to vector<16xi32>
    %swap3A_1595 = arith.constant 112 : index
    %swap3A_1596 = tpu.vector_load %arg7[%swap3A_1595] {strides = array<i32>} : memref<272xi32, #tpu.memory_space<vmem>>, vector<16xi32>,
    tpu.vector_store %arg7[%swap3A_1595], %broadcast_in_dim3A_1594 {strides = array<i32>} : memref<272xi32, #tpu.memory_space<vmem>>, vector<16xi32>,
    %broadcast_in_dim3A_1597 = arith.constant 0 : i32
    %broadcast_in_dim3A_1598 = vector.broadcast %broadcast_in_dim3A_1597 : i32 to vector<16xi32>
    %swap3A_1599 = arith.constant 128 : index
    %swap3A_1600 = tpu.vector_load %arg7[%swap3A_1599] {strides = array<i32>} : memref<272xi32, #tpu.memory_space<vmem>>, vector<16xi32>,
    tpu.vector_store %arg7[%swap3A_1599], %broadcast_in_dim3A_1598 {strides = array<i32>} : memref<272xi32, #tpu.memory_space<vmem>>, vector<16xi32>,
    %broadcast_in_dim3A_1601 = arith.constant 0 : i32
    %broadcast_in_dim3A_1602 = vector.broadcast %broadcast_in_dim3A_1601 : i32 to vector<16xi32>
    %swap3A_1603 = arith.constant 144 : index
    %swap3A_1604 = tpu.vector_load %arg7[%swap3A_1603] {strides = array<i32>} : memref<272xi32, #tpu.memory_space<vmem>>, vector<16xi32>,
    tpu.vector_store %arg7[%swap3A_1603], %broadcast_in_dim3A_1602 {strides = array<i32>} : memref<272xi32, #tpu.memory_space<vmem>>, vector<16xi32>,
    %broadcast_in_dim3A_1605 = arith.constant 0 : i32
    %broadcast_in_dim3A_1606 = vector.broadcast %broadcast_in_dim3A_1605 : i32 to vector<16xi32>
    %swap3A_1607 = arith.constant 160 : index
    %swap3A_1608 = tpu.vector_load %arg7[%swap3A_1607] {strides = array<i32>} : memref<272xi32, #tpu.memory_space<vmem>>, vector<16xi32>,
    tpu.vector_store %arg7[%swap3A_1607], %broadcast_in_dim3A_1606 {strides = array<i32>} : memref<272xi32, #tpu.memory_space<vmem>>, vector<16xi32>,
    %broadcast_in_dim3A_1609 = arith.constant 0 : i32
    %broadcast_in_dim3A_1610 = vector.broadcast %broadcast_in_dim3A_1609 : i32 to vector<16xi32>
    %swap3A_1611 = arith.constant 176 : index
    %swap3A_1612 = tpu.vector_load %arg7[%swap3A_1611] {strides = array<i32>} : memref<272xi32, #tpu.memory_space<vmem>>, vector<16xi32>,
    tpu.vector_store %arg7[%swap3A_1611], %broadcast_in_dim3A_1610 {strides = array<i32>} : memref<272xi32, #tpu.memory_space<vmem>>, vector<16xi32>,
    %broadcast_in_dim3A_1613 = arith.constant 0 : i32
    %broadcast_in_dim3A_1614 = vector.broadcast %broadcast_in_dim3A_1613 : i32 to vector<16xi32>
    %swap3A_1615 = arith.constant 192 : index
    %swap3A_1616 = tpu.vector_load %arg7[%swap3A_1615] {strides = array<i32>} : memref<272xi32, #tpu.memory_space<vmem>>, vector<16xi32>,
    tpu.vector_store %arg7[%swap3A_1615], %broadcast_in_dim3A_1614 {strides = array<i32>} : memref<272xi32, #tpu.memory_space<vmem>>, vector<16xi32>,
    %broadcast_in_dim3A_1617 = arith.constant 0 : i32
    %broadcast_in_dim3A_1618 = vector.broadcast %broadcast_in_dim3A_1617 : i32 to vector<16xi32>
    %swap3A_1619 = arith.constant 208 : index
    %swap3A_1620 = tpu.vector_load %arg7[%swap3A_1619] {strides = array<i32>} : memref<272xi32, #tpu.memory_space<vmem>>, vector<16xi32>,
    tpu.vector_store %arg7[%swap3A_1619], %broadcast_in_dim3A_1618 {strides = array<i32>} : memref<272xi32, #tpu.memory_space<vmem>>, vector<16xi32>,
    %broadcast_in_dim3A_1621 = arith.constant 0 : i32
    %broadcast_in_dim3A_1622 = vector.broadcast %broadcast_in_dim3A_1621 : i32 to vector<16xi32>
    %swap3A_1623 = arith.constant 224 : index
    %swap3A_1624 = tpu.vector_load %arg7[%swap3A_1623] {strides = array<i32>} : memref<272xi32, #tpu.memory_space<vmem>>, vector<16xi32>,
    tpu.vector_store %arg7[%swap3A_1623], %broadcast_in_dim3A_1622 {strides = array<i32>} : memref<272xi32, #tpu.memory_space<vmem>>, vector<16xi32>,
    %broadcast_in_dim3A_1625 = arith.constant 0 : i32
    %broadcast_in_dim3A_1626 = vector.broadcast %broadcast_in_dim3A_1625 : i32 to vector<16xi32>
    %swap3A_1627 = arith.constant 240 : index
    %swap3A_1628 = tpu.vector_load %arg7[%swap3A_1627] {strides = array<i32>} : memref<272xi32, #tpu.memory_space<vmem>>, vector<16xi32>,
    tpu.vector_store %arg7[%swap3A_1627], %broadcast_in_dim3A_1626 {strides = array<i32>} : memref<272xi32, #tpu.memory_space<vmem>>, vector<16xi32>,
    %parallel_loop3A_1629 = arith.constant 0 : i32
    %parallel_loop3A_1630 = arith.constant 1 : i32
    scf.for %parallel_loop3A_1802 = %parallel_loop3A_1629 to %reduce_max3A_1471 step %parallel_loop3A_1630  : i32 {
      %parallel_loop3A_1803 = arith.constant 16 : i32
      %parallel_loop3A_1804 = arith.muli %parallel_loop3A_1802, %parallel_loop3A_1803 : i32
      %parallel_loop3A_1805 = arith.index_cast %parallel_loop3A_1804 : i32 to index
      %parallel_loop3A_1806 = tpu.vector_load %arg6[%parallel_loop3A_1805] {strides = array<i32>} : memref<32768xi32, #tpu.memory_space<vmem>>, vector<16xi32>,
      %parallel_loop3A_1807 = arith.constant 7 : i32
      %parallel_loop3A_1808 = vector.broadcast %parallel_loop3A_1807 : i32 to vector<16xi32>
      %parallel_loop3A_1809 = arith.shrui %parallel_loop3A_1806, %parallel_loop3A_1808 : vector<16xi32>
      %parallel_loop3A_1810 = arith.constant 255 : i32
      %parallel_loop3A_1811 = vector.broadcast %parallel_loop3A_1810 : i32 to vector<16xi32>
      %parallel_loop3A_1812 = arith.andi %parallel_loop3A_1809, %parallel_loop3A_1811 : vector<16xi32>
      %parallel_loop3A_1813 = vector.broadcast %parallel_loop3A_1802 : i32 to vector<16xi32>
      %parallel_loop3A_1814 = arith.cmpi sgt, %shift_right_logical3A_1463, %parallel_loop3A_1813 : vector<16xi32>
      %parallel_loop3A_1815 = arith.constant 15 : i32
      %parallel_loop3A_1816 = vector.broadcast %parallel_loop3A_1815 : i32 to vector<16xi32>
      %parallel_loop3A_1817 = arith.shrui %parallel_loop3A_1806, %parallel_loop3A_1816 : vector<16xi32>
      %parallel_loop3A_1818 = vector.broadcast %add3A_1564 : i32 to vector<16xi32>
      %parallel_loop3A_1819 = arith.cmpi eq, %parallel_loop3A_1817, %parallel_loop3A_1818 : vector<16xi32>
      %parallel_loop3A_1820 = arith.andi %parallel_loop3A_1814, %parallel_loop3A_1819 : vector<16xi1>
      tpu.vector_store_idx %arg7[%parallel_loop3A_1812], %broadcast_in_dim3A_1359 masked %parallel_loop3A_1820 {add = true} : memref<272xi32, #tpu.memory_space<vmem>>[vector<16xi32>], vector<16xi32>, vector<16xi1>
    } {sc.loop_unroll_factor = 2 : i64, sc.parallel_access}
    %broadcast_in_dim3A_1631 = arith.constant 0 : i32
    %broadcast_in_dim3A_1632 = vector.broadcast %broadcast_in_dim3A_1631 : i32 to vector<16xi32>
    %swap3A_1633 = arith.constant 256 : index
    %swap3A_1634 = tpu.vector_load %arg8[%swap3A_1633] {strides = array<i32>} : memref<272xi32, #tpu.memory_space<vmem>>, vector<16xi32>,
    tpu.vector_store %arg8[%swap3A_1633], %broadcast_in_dim3A_1632 {strides = array<i32>} : memref<272xi32, #tpu.memory_space<vmem>>, vector<16xi32>,
    %broadcast_in_dim3A_1635 = arith.constant 0 : i32
    %broadcast_in_dim3A_1636 = vector.broadcast %broadcast_in_dim3A_1635 : i32 to vector<16xi32>
    %scan3A_1637 = arith.constant 0 : i32
    %scan3A_1638 = arith.constant 0 : i32
    %scan3A_1639 = arith.constant 16 : i32
    %scan3A_1640 = arith.addi %scan3A_1638, %scan3A_1639 : i32
    %scan3A_1641 = arith.constant 1 : i32
    %scan3A_1642:2 = scf.for %scan3A_1802 = %scan3A_1638 to %scan3A_1640 step %scan3A_1641 iter_args(%scan3A_1803 = %scan3A_1637, %scan3A_1804 = %broadcast_in_dim3A_1636) -> (i32, vector<16xi32>)  : i32 {
      %sub3A_1805 = arith.constant 15 : i32
      %sub3A_1806 = arith.subi %sub3A_1805, %scan3A_1802 : i32
      %mul3A_1807 = arith.constant 16 : i32
      %mul3A_1808 = arith.muli %sub3A_1806, %mul3A_1807 : i32
      %get3A = arith.index_cast %mul3A_1808 : i32 to index
      %get3A_1809 = tpu.vector_load %arg7[%get3A] {strides = array<i32>} : memref<272xi32, #tpu.memory_space<vmem>>, vector<16xi32>,
      %rev3A = arith.constant 15 : i32
      %rev3A_1810 = vector.broadcast %rev3A : i32 to vector<16xi32>
      %rev3A_1811 = tpu.iota {dimensions = array<i32: 0>} : vector<16xi32>
      %rev3A_1812 = arith.subi %rev3A_1810, %rev3A_1811 : vector<16xi32>
      %rev3A_1813 = tpu.dynamic_gather %get3A_1809[%rev3A_1812] in [0] : vector<16xi32>, vector<16xi32> -> vector<16xi32>
      %broadcast_in_dim3A_1814 = arith.constant true
      %broadcast_in_dim3A_1815 = vector.broadcast %broadcast_in_dim3A_1814 : i1 to vector<16xi1>
      %masked_cumsum3A = tpu.scan <sum>, %rev3A_1813 masked %broadcast_in_dim3A_1815 : vector<16xi32>, vector<16xi1> -> vector<16xi32>
      %rev3A_1816 = arith.constant 15 : i32
      %rev3A_1817 = vector.broadcast %rev3A_1816 : i32 to vector<16xi32>
      %rev3A_1818 = tpu.iota {dimensions = array<i32: 0>} : vector<16xi32>
      %rev3A_1819 = arith.subi %rev3A_1817, %rev3A_1818 : vector<16xi32>
      %rev3A_1820 = tpu.dynamic_gather %masked_cumsum3A[%rev3A_1819] in [0] : vector<16xi32>, vector<16xi32> -> vector<16xi32>
      %add3A_1821 = vector.broadcast %scan3A_1803 : i32 to vector<16xi32>
      %add3A_1822 = arith.addi %rev3A_1820, %add3A_1821 : vector<16xi32>
      %mul3A_1823 = arith.constant 16 : i32
      %mul3A_1824 = arith.muli %sub3A_1806, %mul3A_1823 : i32
      %swap3A_1825 = arith.index_cast %mul3A_1824 : i32 to index
      %swap3A_1826 = tpu.vector_load %arg8[%swap3A_1825] {strides = array<i32>} : memref<272xi32, #tpu.memory_space<vmem>>, vector<16xi32>,
      tpu.vector_store %arg8[%swap3A_1825], %add3A_1822 {strides = array<i32>} : memref<272xi32, #tpu.memory_space<vmem>>, vector<16xi32>,
      %ge3A = vector.broadcast %sub3A_1561 : i32 to vector<16xi32>
      %ge3A_1827 = arith.cmpi sge, %add3A_1822, %ge3A : vector<16xi32>
      %all_reduce_population_count3A = tpu.all_reduce %ge3A_1827 {dim = 0 : i64, kind = #tpu.reduction_kind<sum>} : vector<16xi1> -> vector<16xi32>
      %add3A_1828 = arith.addi %scan3A_1804, %all_reduce_population_count3A : vector<16xi32>
      %slice3A_1829 = vector.extract_strided_slice %add3A_1822 {offsets = [0], sizes = [1], strides = [1]} : vector<16xi32> to vector<1xi32>
      %squeeze3A_1830 = vector.extract %slice3A_1829[0] : i32 from vector<1xi32>
      scf.yield %squeeze3A_1830, %add3A_1828 : i32, vector<16xi32>
    }
    %scan3A_1643 = arith.constant 16 : i32
    %slice3A_1644 = vector.extract_strided_slice %scan3A_1642#1 {offsets = [0], sizes = [1], strides = [1]} : vector<16xi32> to vector<1xi32>
    %squeeze3A_1645 = vector.extract %slice3A_1644[0] : i32 from vector<1xi32>
    %sub3A_1646 = arith.constant 1 : i32
    %sub3A_1647 = arith.subi %squeeze3A_1645, %sub3A_1646 : i32
    %add3A_1648 = arith.constant 1 : i32
    %add3A_1649 = arith.addi %sub3A_1647, %add3A_1648 : i32
    %broadcast_in_dim3A_1650 = vector.broadcast %add3A_1649 : i32 to vector<16xi32>
    %gather3A_1651 = tpu.vector_load_idx %arg8[%broadcast_in_dim3A_1650] : memref<272xi32, #tpu.memory_space<vmem>>[vector<16xi32>], vector<16xi32>,
    %slice3A_1652 = vector.extract_strided_slice %gather3A_1651 {offsets = [0], sizes = [1], strides = [1]} : vector<16xi32> to vector<1xi32>
    %squeeze3A_1653 = vector.extract %slice3A_1652[0] : i32 from vector<1xi32>
    %sub3A_1654 = arith.subi %sub3A_1561, %squeeze3A_1653 : i32
    %mul3A_1655 = arith.constant 256 : i32
    %mul3A_1656 = arith.muli %add3A_1564, %mul3A_1655 : i32
    %add3A_1657 = arith.addi %mul3A_1656, %sub3A_1647 : i32
    %broadcast_in_dim3A_1658 = arith.constant 0 : i32
    %broadcast_in_dim3A_1659 = vector.broadcast %broadcast_in_dim3A_1658 : i32 to vector<16xi32>
    %swap3A_1660 = arith.constant 0 : index
    %swap3A_1661 = tpu.vector_load %arg7[%swap3A_1660] {strides = array<i32>} : memref<272xi32, #tpu.memory_space<vmem>>, vector<16xi32>,
    tpu.vector_store %arg7[%swap3A_1660], %broadcast_in_dim3A_1659 {strides = array<i32>} : memref<272xi32, #tpu.memory_space<vmem>>, vector<16xi32>,
    %broadcast_in_dim3A_1662 = arith.constant 0 : i32
    %broadcast_in_dim3A_1663 = vector.broadcast %broadcast_in_dim3A_1662 : i32 to vector<16xi32>
    %swap3A_1664 = arith.constant 16 : index
    %swap3A_1665 = tpu.vector_load %arg7[%swap3A_1664] {strides = array<i32>} : memref<272xi32, #tpu.memory_space<vmem>>, vector<16xi32>,
    tpu.vector_store %arg7[%swap3A_1664], %broadcast_in_dim3A_1663 {strides = array<i32>} : memref<272xi32, #tpu.memory_space<vmem>>, vector<16xi32>,
    %broadcast_in_dim3A_1666 = arith.constant 0 : i32
    %broadcast_in_dim3A_1667 = vector.broadcast %broadcast_in_dim3A_1666 : i32 to vector<16xi32>
    %swap3A_1668 = arith.constant 32 : index
    %swap3A_1669 = tpu.vector_load %arg7[%swap3A_1668] {strides = array<i32>} : memref<272xi32, #tpu.memory_space<vmem>>, vector<16xi32>,
    tpu.vector_store %arg7[%swap3A_1668], %broadcast_in_dim3A_1667 {strides = array<i32>} : memref<272xi32, #tpu.memory_space<vmem>>, vector<16xi32>,
    %broadcast_in_dim3A_1670 = arith.constant 0 : i32
    %broadcast_in_dim3A_1671 = vector.broadcast %broadcast_in_dim3A_1670 : i32 to vector<16xi32>
    %swap3A_1672 = arith.constant 48 : index
    %swap3A_1673 = tpu.vector_load %arg7[%swap3A_1672] {strides = array<i32>} : memref<272xi32, #tpu.memory_space<vmem>>, vector<16xi32>,
    tpu.vector_store %arg7[%swap3A_1672], %broadcast_in_dim3A_1671 {strides = array<i32>} : memref<272xi32, #tpu.memory_space<vmem>>, vector<16xi32>,
    %broadcast_in_dim3A_1674 = arith.constant 0 : i32
    %broadcast_in_dim3A_1675 = vector.broadcast %broadcast_in_dim3A_1674 : i32 to vector<16xi32>
    %swap3A_1676 = arith.constant 64 : index
    %swap3A_1677 = tpu.vector_load %arg7[%swap3A_1676] {strides = array<i32>} : memref<272xi32, #tpu.memory_space<vmem>>, vector<16xi32>,
    tpu.vector_store %arg7[%swap3A_1676], %broadcast_in_dim3A_1675 {strides = array<i32>} : memref<272xi32, #tpu.memory_space<vmem>>, vector<16xi32>,
    %broadcast_in_dim3A_1678 = arith.constant 0 : i32
    %broadcast_in_dim3A_1679 = vector.broadcast %broadcast_in_dim3A_1678 : i32 to vector<16xi32>
    %swap3A_1680 = arith.constant 80 : index
    %swap3A_1681 = tpu.vector_load %arg7[%swap3A_1680] {strides = array<i32>} : memref<272xi32, #tpu.memory_space<vmem>>, vector<16xi32>,
    tpu.vector_store %arg7[%swap3A_1680], %broadcast_in_dim3A_1679 {strides = array<i32>} : memref<272xi32, #tpu.memory_space<vmem>>, vector<16xi32>,
    %broadcast_in_dim3A_1682 = arith.constant 0 : i32
    %broadcast_in_dim3A_1683 = vector.broadcast %broadcast_in_dim3A_1682 : i32 to vector<16xi32>
    %swap3A_1684 = arith.constant 96 : index
    %swap3A_1685 = tpu.vector_load %arg7[%swap3A_1684] {strides = array<i32>} : memref<272xi32, #tpu.memory_space<vmem>>, vector<16xi32>,
    tpu.vector_store %arg7[%swap3A_1684], %broadcast_in_dim3A_1683 {strides = array<i32>} : memref<272xi32, #tpu.memory_space<vmem>>, vector<16xi32>,
    %broadcast_in_dim3A_1686 = arith.constant 0 : i32
    %broadcast_in_dim3A_1687 = vector.broadcast %broadcast_in_dim3A_1686 : i32 to vector<16xi32>
    %swap3A_1688 = arith.constant 112 : index
    %swap3A_1689 = tpu.vector_load %arg7[%swap3A_1688] {strides = array<i32>} : memref<272xi32, #tpu.memory_space<vmem>>, vector<16xi32>,
    tpu.vector_store %arg7[%swap3A_1688], %broadcast_in_dim3A_1687 {strides = array<i32>} : memref<272xi32, #tpu.memory_space<vmem>>, vector<16xi32>,
    %broadcast_in_dim3A_1690 = arith.constant 0 : i32
    %broadcast_in_dim3A_1691 = vector.broadcast %broadcast_in_dim3A_1690 : i32 to vector<16xi32>
    %swap3A_1692 = arith.constant 128 : index
    %swap3A_1693 = tpu.vector_load %arg7[%swap3A_1692] {strides = array<i32>} : memref<272xi32, #tpu.memory_space<vmem>>, vector<16xi32>,
    tpu.vector_store %arg7[%swap3A_1692], %broadcast_in_dim3A_1691 {strides = array<i32>} : memref<272xi32, #tpu.memory_space<vmem>>, vector<16xi32>,
    %broadcast_in_dim3A_1694 = arith.constant 0 : i32
    %broadcast_in_dim3A_1695 = vector.broadcast %broadcast_in_dim3A_1694 : i32 to vector<16xi32>
    %swap3A_1696 = arith.constant 144 : index
    %swap3A_1697 = tpu.vector_load %arg7[%swap3A_1696] {strides = array<i32>} : memref<272xi32, #tpu.memory_space<vmem>>, vector<16xi32>,
    tpu.vector_store %arg7[%swap3A_1696], %broadcast_in_dim3A_1695 {strides = array<i32>} : memref<272xi32, #tpu.memory_space<vmem>>, vector<16xi32>,
    %broadcast_in_dim3A_1698 = arith.constant 0 : i32
    %broadcast_in_dim3A_1699 = vector.broadcast %broadcast_in_dim3A_1698 : i32 to vector<16xi32>
    %swap3A_1700 = arith.constant 160 : index
    %swap3A_1701 = tpu.vector_load %arg7[%swap3A_1700] {strides = array<i32>} : memref<272xi32, #tpu.memory_space<vmem>>, vector<16xi32>,
    tpu.vector_store %arg7[%swap3A_1700], %broadcast_in_dim3A_1699 {strides = array<i32>} : memref<272xi32, #tpu.memory_space<vmem>>, vector<16xi32>,
    %broadcast_in_dim3A_1702 = arith.constant 0 : i32
    %broadcast_in_dim3A_1703 = vector.broadcast %broadcast_in_dim3A_1702 : i32 to vector<16xi32>
    %swap3A_1704 = arith.constant 176 : index
    %swap3A_1705 = tpu.vector_load %arg7[%swap3A_1704] {strides = array<i32>} : memref<272xi32, #tpu.memory_space<vmem>>, vector<16xi32>,
    tpu.vector_store %arg7[%swap3A_1704], %broadcast_in_dim3A_1703 {strides = array<i32>} : memref<272xi32, #tpu.memory_space<vmem>>, vector<16xi32>,
    %broadcast_in_dim3A_1706 = arith.constant 0 : i32
    %broadcast_in_dim3A_1707 = vector.broadcast %broadcast_in_dim3A_1706 : i32 to vector<16xi32>
    %swap3A_1708 = arith.constant 192 : index
    %swap3A_1709 = tpu.vector_load %arg7[%swap3A_1708] {strides = array<i32>} : memref<272xi32, #tpu.memory_space<vmem>>, vector<16xi32>,
    tpu.vector_store %arg7[%swap3A_1708], %broadcast_in_dim3A_1707 {strides = array<i32>} : memref<272xi32, #tpu.memory_space<vmem>>, vector<16xi32>,
    %broadcast_in_dim3A_1710 = arith.constant 0 : i32
    %broadcast_in_dim3A_1711 = vector.broadcast %broadcast_in_dim3A_1710 : i32 to vector<16xi32>
    %swap3A_1712 = arith.constant 208 : index
    %swap3A_1713 = tpu.vector_load %arg7[%swap3A_1712] {strides = array<i32>} : memref<272xi32, #tpu.memory_space<vmem>>, vector<16xi32>,
    tpu.vector_store %arg7[%swap3A_1712], %broadcast_in_dim3A_1711 {strides = array<i32>} : memref<272xi32, #tpu.memory_space<vmem>>, vector<16xi32>,
    %broadcast_in_dim3A_1714 = arith.constant 0 : i32
    %broadcast_in_dim3A_1715 = vector.broadcast %broadcast_in_dim3A_1714 : i32 to vector<16xi32>
    %swap3A_1716 = arith.constant 224 : index
    %swap3A_1717 = tpu.vector_load %arg7[%swap3A_1716] {strides = array<i32>} : memref<272xi32, #tpu.memory_space<vmem>>, vector<16xi32>,
    tpu.vector_store %arg7[%swap3A_1716], %broadcast_in_dim3A_1715 {strides = array<i32>} : memref<272xi32, #tpu.memory_space<vmem>>, vector<16xi32>,
    %broadcast_in_dim3A_1718 = arith.constant 0 : i32
    %broadcast_in_dim3A_1719 = vector.broadcast %broadcast_in_dim3A_1718 : i32 to vector<16xi32>
    %swap3A_1720 = arith.constant 240 : index
    %swap3A_1721 = tpu.vector_load %arg7[%swap3A_1720] {strides = array<i32>} : memref<272xi32, #tpu.memory_space<vmem>>, vector<16xi32>,
    tpu.vector_store %arg7[%swap3A_1720], %broadcast_in_dim3A_1719 {strides = array<i32>} : memref<272xi32, #tpu.memory_space<vmem>>, vector<16xi32>,
    %parallel_loop3A_1722 = arith.constant 0 : i32
    %parallel_loop3A_1723 = arith.constant 1 : i32
    scf.for %parallel_loop3A_1802 = %parallel_loop3A_1722 to %reduce_max3A_1471 step %parallel_loop3A_1723  : i32 {
      %parallel_loop3A_1803 = arith.constant 16 : i32
      %parallel_loop3A_1804 = arith.muli %parallel_loop3A_1802, %parallel_loop3A_1803 : i32
      %parallel_loop3A_1805 = arith.index_cast %parallel_loop3A_1804 : i32 to index
      %parallel_loop3A_1806 = tpu.vector_load %arg6[%parallel_loop3A_1805] {strides = array<i32>} : memref<32768xi32, #tpu.memory_space<vmem>>, vector<16xi32>,
      %parallel_loop3A_1807 = arith.constant 0 : i32
      %parallel_loop3A_1808 = vector.broadcast %parallel_loop3A_1807 : i32 to vector<16xi32>
      %parallel_loop3A_1809 = arith.shrui %parallel_loop3A_1806, %parallel_loop3A_1808 : vector<16xi32>
      %parallel_loop3A_1810 = arith.constant 127 : i32
      %parallel_loop3A_1811 = vector.broadcast %parallel_loop3A_1810 : i32 to vector<16xi32>
      %parallel_loop3A_1812 = arith.andi %parallel_loop3A_1809, %parallel_loop3A_1811 : vector<16xi32>
      %parallel_loop3A_1813 = vector.broadcast %parallel_loop3A_1802 : i32 to vector<16xi32>
      %parallel_loop3A_1814 = arith.cmpi sgt, %shift_right_logical3A_1463, %parallel_loop3A_1813 : vector<16xi32>
      %parallel_loop3A_1815 = arith.constant 7 : i32
      %parallel_loop3A_1816 = vector.broadcast %parallel_loop3A_1815 : i32 to vector<16xi32>
      %parallel_loop3A_1817 = arith.shrui %parallel_loop3A_1806, %parallel_loop3A_1816 : vector<16xi32>
      %parallel_loop3A_1818 = vector.broadcast %add3A_1657 : i32 to vector<16xi32>
      %parallel_loop3A_1819 = arith.cmpi eq, %parallel_loop3A_1817, %parallel_loop3A_1818 : vector<16xi32>
      %parallel_loop3A_1820 = arith.andi %parallel_loop3A_1814, %parallel_loop3A_1819 : vector<16xi1>
      tpu.vector_store_idx %arg7[%parallel_loop3A_1812], %broadcast_in_dim3A_1359 masked %parallel_loop3A_1820 {add = true} : memref<272xi32, #tpu.memory_space<vmem>>[vector<16xi32>], vector<16xi32>, vector<16xi1>
    } {sc.loop_unroll_factor = 2 : i64, sc.parallel_access}
    %broadcast_in_dim3A_1724 = arith.constant 0 : i32
    %broadcast_in_dim3A_1725 = vector.broadcast %broadcast_in_dim3A_1724 : i32 to vector<16xi32>
    %swap3A_1726 = arith.constant 128 : index
    %swap3A_1727 = tpu.vector_load %arg8[%swap3A_1726] {strides = array<i32>} : memref<272xi32, #tpu.memory_space<vmem>>, vector<16xi32>,
    tpu.vector_store %arg8[%swap3A_1726], %broadcast_in_dim3A_1725 {strides = array<i32>} : memref<272xi32, #tpu.memory_space<vmem>>, vector<16xi32>,
    %broadcast_in_dim3A_1728 = arith.constant 0 : i32
    %broadcast_in_dim3A_1729 = vector.broadcast %broadcast_in_dim3A_1728 : i32 to vector<16xi32>
    %scan3A_1730 = arith.constant 0 : i32
    %scan3A_1731 = arith.constant 0 : i32
    %scan3A_1732 = arith.constant 8 : i32
    %scan3A_1733 = arith.addi %scan3A_1731, %scan3A_1732 : i32
    %scan3A_1734 = arith.constant 1 : i32
    %scan3A_1735:2 = scf.for %scan3A_1802 = %scan3A_1731 to %scan3A_1733 step %scan3A_1734 iter_args(%scan3A_1803 = %scan3A_1730, %scan3A_1804 = %broadcast_in_dim3A_1729) -> (i32, vector<16xi32>)  : i32 {
      %sub3A_1805 = arith.constant 7 : i32
      %sub3A_1806 = arith.subi %sub3A_1805, %scan3A_1802 : i32
      %mul3A_1807 = arith.constant 16 : i32
      %mul3A_1808 = arith.muli %sub3A_1806, %mul3A_1807 : i32
      %get3A = arith.index_cast %mul3A_1808 : i32 to index
      %get3A_1809 = tpu.vector_load %arg7[%get3A] {strides = array<i32>} : memref<272xi32, #tpu.memory_space<vmem>>, vector<16xi32>,
      %rev3A = arith.constant 15 : i32
      %rev3A_1810 = vector.broadcast %rev3A : i32 to vector<16xi32>
      %rev3A_1811 = tpu.iota {dimensions = array<i32: 0>} : vector<16xi32>
      %rev3A_1812 = arith.subi %rev3A_1810, %rev3A_1811 : vector<16xi32>
      %rev3A_1813 = tpu.dynamic_gather %get3A_1809[%rev3A_1812] in [0] : vector<16xi32>, vector<16xi32> -> vector<16xi32>
      %broadcast_in_dim3A_1814 = arith.constant true
      %broadcast_in_dim3A_1815 = vector.broadcast %broadcast_in_dim3A_1814 : i1 to vector<16xi1>
      %masked_cumsum3A = tpu.scan <sum>, %rev3A_1813 masked %broadcast_in_dim3A_1815 : vector<16xi32>, vector<16xi1> -> vector<16xi32>
      %rev3A_1816 = arith.constant 15 : i32
      %rev3A_1817 = vector.broadcast %rev3A_1816 : i32 to vector<16xi32>
      %rev3A_1818 = tpu.iota {dimensions = array<i32: 0>} : vector<16xi32>
      %rev3A_1819 = arith.subi %rev3A_1817, %rev3A_1818 : vector<16xi32>
      %rev3A_1820 = tpu.dynamic_gather %masked_cumsum3A[%rev3A_1819] in [0] : vector<16xi32>, vector<16xi32> -> vector<16xi32>
      %add3A_1821 = vector.broadcast %scan3A_1803 : i32 to vector<16xi32>
      %add3A_1822 = arith.addi %rev3A_1820, %add3A_1821 : vector<16xi32>
      %mul3A_1823 = arith.constant 16 : i32
      %mul3A_1824 = arith.muli %sub3A_1806, %mul3A_1823 : i32
      %swap3A_1825 = arith.index_cast %mul3A_1824 : i32 to index
      %swap3A_1826 = tpu.vector_load %arg8[%swap3A_1825] {strides = array<i32>} : memref<272xi32, #tpu.memory_space<vmem>>, vector<16xi32>,
      tpu.vector_store %arg8[%swap3A_1825], %add3A_1822 {strides = array<i32>} : memref<272xi32, #tpu.memory_space<vmem>>, vector<16xi32>,
      %ge3A = vector.broadcast %sub3A_1654 : i32 to vector<16xi32>
      %ge3A_1827 = arith.cmpi sge, %add3A_1822, %ge3A : vector<16xi32>
      %all_reduce_population_count3A = tpu.all_reduce %ge3A_1827 {dim = 0 : i64, kind = #tpu.reduction_kind<sum>} : vector<16xi1> -> vector<16xi32>
      %add3A_1828 = arith.addi %scan3A_1804, %all_reduce_population_count3A : vector<16xi32>
      %slice3A_1829 = vector.extract_strided_slice %add3A_1822 {offsets = [0], sizes = [1], strides = [1]} : vector<16xi32> to vector<1xi32>
      %squeeze3A_1830 = vector.extract %slice3A_1829[0] : i32 from vector<1xi32>
      scf.yield %squeeze3A_1830, %add3A_1828 : i32, vector<16xi32>
    }
    %scan3A_1736 = arith.constant 8 : i32
    %slice3A_1737 = vector.extract_strided_slice %scan3A_1735#1 {offsets = [0], sizes = [1], strides = [1]} : vector<16xi32> to vector<1xi32>
    %squeeze3A_1738 = vector.extract %slice3A_1737[0] : i32 from vector<1xi32>
    %sub3A_1739 = arith.constant 1 : i32
    %sub3A_1740 = arith.subi %squeeze3A_1738, %sub3A_1739 : i32
    %add3A_1741 = arith.constant 1 : i32
    %add3A_1742 = arith.addi %sub3A_1740, %add3A_1741 : i32
    %broadcast_in_dim3A_1743 = vector.broadcast %add3A_1742 : i32 to vector<16xi32>
    %gather3A_1744 = tpu.vector_load_idx %arg8[%broadcast_in_dim3A_1743] : memref<272xi32, #tpu.memory_space<vmem>>[vector<16xi32>], vector<16xi32>,
    %slice3A_1745 = vector.extract_strided_slice %gather3A_1744 {offsets = [0], sizes = [1], strides = [1]} : vector<16xi32> to vector<1xi32>
    %squeeze3A_1746 = vector.extract %slice3A_1745[0] : i32 from vector<1xi32>
    %sub3A_1747 = arith.subi %sub3A_1654, %squeeze3A_1746 : i32
    %mul3A_1748 = arith.constant 128 : i32
    %mul3A_1749 = arith.muli %add3A_1657, %mul3A_1748 : i32
    %add3A_1750 = arith.addi %mul3A_1749, %sub3A_1740 : i32
    %broadcast_in_dim3A_1751 = arith.constant 2147483647 : i32
    %broadcast_in_dim3A_1752 = vector.broadcast %broadcast_in_dim3A_1751 : i32 to vector<16xi32>
    %parallel_loop3A_1753 = arith.constant 0 : i32
    %parallel_loop3A_1754 = arith.constant 1 : i32
    %parallel_loop3A_1755 = arith.constant 2147483647 : i32
    %parallel_loop3A_1756 = scf.for %parallel_loop3A_1802 = %parallel_loop3A_1753 to %reduce_max3A_1471 step %parallel_loop3A_1754 iter_args(%parallel_loop3A_1803 = %broadcast_in_dim3A_1752) -> (vector<16xi32>)  : i32 {
      %parallel_loop3A_1804 = arith.constant 16 : i32
      %parallel_loop3A_1805 = arith.muli %parallel_loop3A_1802, %parallel_loop3A_1804 : i32
      %parallel_loop3A_1806 = arith.index_cast %parallel_loop3A_1805 : i32 to index
      %parallel_loop3A_1807 = tpu.vector_load %arg6[%parallel_loop3A_1806] {strides = array<i32>} : memref<32768xi32, #tpu.memory_space<vmem>>, vector<16xi32>,
      %parallel_loop3A_1808 = vector.broadcast %parallel_loop3A_1802 : i32 to vector<16xi32>
      %parallel_loop3A_1809 = arith.cmpi sgt, %shift_right_logical3A_1463, %parallel_loop3A_1808 : vector<16xi32>
      %parallel_loop3A_1810 = vector.broadcast %add3A_1750 : i32 to vector<16xi32>
      %parallel_loop3A_1811 = arith.cmpi sgt, %parallel_loop3A_1807, %parallel_loop3A_1810 : vector<16xi32>
      %parallel_loop3A_1812 = arith.andi %parallel_loop3A_1809, %parallel_loop3A_1811 : vector<16xi1>
      %parallel_loop3A_1813 = vector.broadcast %parallel_loop3A_1755 : i32 to vector<16xi32>
      %parallel_loop3A_1814 = arith.select %parallel_loop3A_1812, %parallel_loop3A_1807, %parallel_loop3A_1813 : vector<16xi1>, vector<16xi32>
      %parallel_loop3A_1815 = arith.minsi %parallel_loop3A_1803, %parallel_loop3A_1814 : vector<16xi32>
      scf.yield %parallel_loop3A_1815 : vector<16xi32>
    } {sc.loop_unroll_factor = 2 : i64, sc.parallel_access}
    %eq3A_1757 = arith.constant 1 : i32
    %eq3A_1758 = arith.cmpi eq, %sub3A_1747, %eq3A_1757 : i32
    %reduce_min3A_1759 = arith.constant true
    %reduce_min3A_1760 = vector.broadcast %reduce_min3A_1759 : i1 to vector<16xi1>
    %reduce_min3A_1761 = arith.constant -2147483648 : i32
    %reduce_min3A_1762 = vector.broadcast %reduce_min3A_1761 : i32 to vector<16xi32>
    %reduce_min3A_1763 = arith.xori %parallel_loop3A_1756, %reduce_min3A_1762 : vector<16xi32>
    %reduce_min3A_1764 = tpu.scan <min>, %reduce_min3A_1763 masked %reduce_min3A_1760 : vector<16xi32>, vector<16xi1> -> vector<16xi32>
    %reduce_min3A_1765 = arith.xori %reduce_min3A_1764, %reduce_min3A_1762 : vector<16xi32>
    %reduce_min3A_1766 = vector.extract %reduce_min3A_1765[15] : i32 from vector<16xi32>
    %select_n3A_1767 = arith.select %eq3A_1758, %reduce_min3A_1766, %add3A_1750 : i32
    %broadcast_in_dim3A_1768 = vector.broadcast %add3A_1750 : i32 to vector<16xi32>
    %bitcast3A_1769 = vector.bitcast %broadcast_in_dim3A_1768 : vector<16xi32> to vector<16xf32>
    %broadcast_in_dim3A_1770 = vector.broadcast %select_n3A_1767 : i32 to vector<16xi32>
    %bitcast3A_1771 = vector.bitcast %broadcast_in_dim3A_1770 : vector<16xi32> to vector<16xf32>
    %sub3A_1772 = arith.subf %bitcast3A_1771, %bitcast3A_1769 : vector<16xf32>
    %mul3A_1773 = arith.constant 7.812500e-03 : f32
    %mul3A_1774 = vector.broadcast %mul3A_1773 : f32 to vector<16xf32>
    %mul3A_1775 = arith.mulf %mul3A_1774, %sub3A_1772 : vector<16xf32>
    %add3A_1776 = arith.addf %bitcast3A_1769, %mul3A_1775 : vector<16xf32>
    %parallel_loop3A_1777 = arith.constant 0 : i32
    %parallel_loop3A_1778 = arith.constant 2048 : i32
    %parallel_loop3A_1779 = arith.constant 1 : i32
    %parallel_loop3A_1780 = arith.constant 2147483647 : i32
    %parallel_loop3A_1781 = arith.constant -2147483648 : i32
    scf.for %parallel_loop3A_1802 = %parallel_loop3A_1777 to %parallel_loop3A_1778 step %parallel_loop3A_1779  : i32 {
      %parallel_loop3A_1803 = arith.constant 16 : i32
      %parallel_loop3A_1804 = arith.muli %parallel_loop3A_1802, %parallel_loop3A_1803 : i32
      %parallel_loop3A_1805 = arith.index_cast %parallel_loop3A_1804 : i32 to index
      %parallel_loop3A_1806 = tpu.vector_load %arg5[%parallel_loop3A_1805] {strides = array<i32>} : memref<32768xf32, #tpu.memory_space<vmem>>, vector<16xf32>,
      %parallel_loop3A_1807 = vector.bitcast %parallel_loop3A_1806 : vector<16xf32> to vector<16xi32>
      %parallel_loop3A_1808 = vector.broadcast %parallel_loop3A_1780 : i32 to vector<16xi32>
      %parallel_loop3A_1809 = arith.andi %parallel_loop3A_1807, %parallel_loop3A_1808 : vector<16xi32>
      %parallel_loop3A_1810 = vector.bitcast %parallel_loop3A_1809 : vector<16xi32> to vector<16xf32>
      %parallel_loop3A_1811 = arith.subf %parallel_loop3A_1810, %add3A_1776 : vector<16xf32>
      %parallel_loop3A_1812 = arith.constant 0.000000e+00 : f32
      %parallel_loop3A_1813 = vector.broadcast %parallel_loop3A_1812 : f32 to vector<16xf32>
      %parallel_loop3A_1814 = arith.maximumf %parallel_loop3A_1811, %parallel_loop3A_1813 : vector<16xf32>
      %parallel_loop3A_1815 = vector.bitcast %parallel_loop3A_1814 : vector<16xf32> to vector<16xi32>
      %parallel_loop3A_1816 = vector.broadcast %parallel_loop3A_1781 : i32 to vector<16xi32>
      %parallel_loop3A_1817 = arith.andi %parallel_loop3A_1807, %parallel_loop3A_1816 : vector<16xi32>
      %parallel_loop3A_1818 = arith.ori %parallel_loop3A_1815, %parallel_loop3A_1817 : vector<16xi32>
      %parallel_loop3A_1819 = vector.bitcast %parallel_loop3A_1818 : vector<16xi32> to vector<16xf32>
      %parallel_loop3A_1820 = arith.constant 16 : i32
      %parallel_loop3A_1821 = arith.muli %parallel_loop3A_1802, %parallel_loop3A_1820 : i32
      %parallel_loop3A_1822 = arith.index_cast %parallel_loop3A_1821 : i32 to index
      %parallel_loop3A_1823 = tpu.vector_load %arg5[%parallel_loop3A_1822] {strides = array<i32>} : memref<32768xf32, #tpu.memory_space<vmem>>, vector<16xf32>,
      tpu.vector_store %arg5[%parallel_loop3A_1822], %parallel_loop3A_1819 {strides = array<i32>} : memref<32768xf32, #tpu.memory_space<vmem>>, vector<16xf32>,
    } {sc.loop_unroll_factor = 8 : i64, sc.parallel_access}
    %add3A_1782 = arith.constant 3 : i32
    %add3A_1783 = arith.addi %mul3A_2, %add3A_1782 : i32
    %dma_start3A_1784 = arith.constant 0 : i32
    %dma_start3A_1785 = tpu.memref_slice %arg3[%add3A_1783, %dma_start3A_1784] : memref<128x32768xf32, #tpu.memory_space<hbm>> -> memref<1x32768xf32, #tpu.memory_space<hbm>>
    %dma_start3A_1786 = tpu.memref_squeeze %dma_start3A_1785 : memref<1x32768xf32, #tpu.memory_space<hbm>> -> memref<32768xf32, #tpu.memory_space<hbm>>
    %dma_start3A_1787 = arith.constant 0 : i32
    %dma_start3A_1788 = tpu.memref_slice %arg3[%add3A_1783, %dma_start3A_1787] : memref<128x32768xf32, #tpu.memory_space<hbm>> -> memref<1x32768xf32, #tpu.memory_space<hbm>>
    %dma_start3A_1789 = tpu.memref_squeeze %dma_start3A_1788 : memref<1x32768xf32, #tpu.memory_space<hbm>> -> memref<32768xf32, #tpu.memory_space<hbm>>
    tpu.enqueue_dma source(%arg5 : memref<32768xf32, #tpu.memory_space<vmem>>) target(%dma_start3A_1789 : memref<32768xf32, #tpu.memory_space<hbm>>) target_semaphore(%arg12 : memref<!tpu.dma_semaphore, #tpu.memory_space<semaphore_mem>>)
    %dma_wait3A_1790 = arith.constant 0 : i32
    %dma_wait3A_1791 = tpu.memref_slice %arg3[%add3A_1344, %dma_wait3A_1790] : memref<128x32768xf32, #tpu.memory_space<hbm>> -> memref<1x32768xf32, #tpu.memory_space<hbm>>
    %dma_wait3A_1792 = tpu.memref_squeeze %dma_wait3A_1791 : memref<1x32768xf32, #tpu.memory_space<hbm>> -> memref<32768xf32, #tpu.memory_space<hbm>>
    %dma_wait3A_1793 = arith.constant 0 : i32
    %dma_wait3A_1794 = tpu.memref_slice %arg3[%add3A_1344, %dma_wait3A_1793] : memref<128x32768xf32, #tpu.memory_space<hbm>> -> memref<1x32768xf32, #tpu.memory_space<hbm>>
    %dma_wait3A_1795 = tpu.memref_squeeze %dma_wait3A_1794 : memref<1x32768xf32, #tpu.memory_space<hbm>> -> memref<32768xf32, #tpu.memory_space<hbm>>
    tpu.wait_dma2 semaphore(%arg11 : memref<!tpu.dma_semaphore, #tpu.memory_space<semaphore_mem>>) src(%arg4 : memref<32768xf32, #tpu.memory_space<vmem>>) dst(%dma_wait3A_1795 : memref<32768xf32, #tpu.memory_space<hbm>>)
    %dma_wait3A_1796 = arith.constant 0 : i32
    %dma_wait3A_1797 = tpu.memref_slice %arg3[%add3A_1783, %dma_wait3A_1796] : memref<128x32768xf32, #tpu.memory_space<hbm>> -> memref<1x32768xf32, #tpu.memory_space<hbm>>
    %dma_wait3A_1798 = tpu.memref_squeeze %dma_wait3A_1797 : memref<1x32768xf32, #tpu.memory_space<hbm>> -> memref<32768xf32, #tpu.memory_space<hbm>>
    %dma_wait3A_1799 = arith.constant 0 : i32
    %dma_wait3A_1800 = tpu.memref_slice %arg3[%add3A_1783, %dma_wait3A_1799] : memref<128x32768xf32, #tpu.memory_space<hbm>> -> memref<1x32768xf32, #tpu.memory_space<hbm>>
    %dma_wait3A_1801 = tpu.memref_squeeze %dma_wait3A_1800 : memref<1x32768xf32, #tpu.memory_space<hbm>> -> memref<32768xf32, #tpu.memory_space<hbm>>
    tpu.wait_dma2 semaphore(%arg12 : memref<!tpu.dma_semaphore, #tpu.memory_space<semaphore_mem>>) src(%arg5 : memref<32768xf32, #tpu.memory_space<vmem>>) dst(%dma_wait3A_1801 : memref<32768xf32, #tpu.memory_space<hbm>>)
    return
  }
}

</mosaic_0001>

<sc_bundles>
// kernel: kernel.3.cloned.1.call-start
scs
__scs_entry_jumppad:
0x0: {  	(pc) =	sbr.rel $0x88, $3  }
0x1: {  	(tag) =	ssettag $0x0;
	lr =	simm.s32 $0x1  }
0x2: {  	[smem:$0x3FA0] =	sst lr;
	_ =	strace $0xD0000000  }
0x3: {  	_ = 	snop  }
0x4: {  	_ = 	snop  }
0x5: {  	_ = 	snop  }
0x6: {  	_ = 	snop  }
0x7: {  	_ = 	snop  }
__scs_overlays_trampoline_lowered:
0x8: {  	[smem:$0x3FAF] =	sst s0  }
0x9: {  	[smem:$0x3FB0] =	sst s1  }
0xa: {  	[smem:$0x3FB1] =	sst s2  }
0xb: {  	[smem:$0x3FB2] =	sst s3  }
0xc: {  	[smem:$0x3FB3] =	sst s4  }
0xd: {  	[smem:$0x3FB4] =	sst s5  }
0xe: {  	[smem:$0x3FB5] =	sst s6  }
0xf: {  	[smem:$0x3FB6] =	sst s7  }
0x10: {  	[smem:$0x3FB7] =	sst s8  }
0x11: {  	[smem:$0x3FB8] =	sst s9;
	s0 =	simm.s32 @!p0 $0x0  }
0x12: {  	s1 =	sld [smem:$0x3F9E];
	s0 =	simm.s32 @p0 $0x1  }
0x13: {  	[smem:$0x3FB9] =	sst s0;
	s0 =	simm.s32 @!p1 $0x0  }
0x14: {  	s2 =	sld [smem:$0x3F9D];
	s0 =	simm.s32 @p1 $0x1  }
0x15: {  	[smem:$0x3FBA] =	sst s0;
	s0 =	simm.s32 @!p2 $0x0  }
0x16: {  	s3 =	sld [smem:$0x3FDB];
	s0 =	simm.s32 @p2 $0x1  }
0x17: {  	s4 =	simm.s32 $0x1BF5;
	[smem:$0x3FBC] =	sst s0  }
0x18: {  	s0 =	sld [smem:$0x3F9F];
	_ =	swait.ge [sflag:s4], $0x0  }
0x19: {  	s7 =	sld [smem:$0x3FA0]  }
0x1a: {  	s8 =	sadd.s32 $0xFFFFE003, lr  }
0x1b: {  	s9 =	sadd.s32 $0xFFFFFEF7, lr;
	s5 =	simm.s32 $0xFFFFFFFF;
	p2 =	slt.u32 s8, $0xFFFFF086  }
0x1c: {  	p1 =	slt.u32 s9, $0xF7A;
	s5 =	simm.s32 @!p2 $0x0  }
0x1d: {  	s5 =	simm.s32 @p1 $0x1;
	p0 =	seq.s32 s7, s2  }
0x1e: {  	s7 =	smul.u32 @!p0 $0xF7A, s2;
	p2 =	seq.s32 @!p0 s5, $0x0  }
0x1f: {  	s9 =	smul.u32 $0xF7A, s1;
	s8 =	simm.s32 @!p0 $0x1BF5;
	p2 =	por !p2, p0  }
0x20: {  	[sflag:s8] =	ssyncset.s32 @!p0 $0xFFFFF086;
	s6 =	sadd.s32 @!p0 s3, s7;
	s7 =	simm.s32 @!p0 $0x108  }
0x21: {  	s3 =	sadd.s32 s3, s9;
	s6 =	sadd.s32 @!p0 $0x88, s6;
	s7 =	simm.s32 @p2 $0x1082  }
0x22: {  	[simem:s7], [sflag:s8] =	dma.local @!p0 [hbm:s6], $0xF7A  }
0x23: {  	s9 =	sor.u32 $0xD0000000, s2;
	s6 =	simm.s32 $0x108;
	_ =	swait.ge @!p0 [sflag:s8], $0x0  }
0x24: {  	s3 =	sadd.s32 $0x88, s3;
	s6 =	simm.s32 @!p1 $0x1082;
	[sflag:s4] =	ssyncset.s32 $0xFFFFF086  }
0x25: {  	[simem:s6], [sflag:s4] =	dma.local [hbm:s3], $0xF7A  }
0x26: {  	[smem:$0x3FA0] =	sst s1;
	(tag) =	ssettag s2;
	_ =	strace s9  }
0x27: {  	s1 =	sld [smem:$0x3FB0]  }
0x28: {  	s2 =	sld [smem:$0x3FB1]  }
0x29: {  	s4 =	sld [smem:$0x3FB3]  }
0x2a: {  	p0 =	seq.s32 s5, $0x0;
	s5 =	sld [smem:$0x3FB4]  }
0x2b: {  	s6 =	sld [smem:$0x3FB5]  }
0x2c: {  	s7 =	sld [smem:$0x3FB6]  }
0x2d: {  	s3 =	simm.s32 $0x108;
	s8 =	sld [smem:$0x3FB7]  }
0x2e: {  	s3 =	simm.s32 @!p0 $0x1082;
	s9 =	sld [smem:$0x3FB8]  }
0x2f: {  	lr =	sadd.s32 s0, s3;
	s0 =	sld [smem:$0x3FAF]  }
0x30: {  	s3 =	sld [smem:$0x3FB2]  }
0x31: {  	[smem:$0x3FBB] =	sst s10  }
0x32: {  	s10 =	sld [smem:$0x3FB9];
	_ =	sdelay $0x3  }
0x33: {  	p0 =	seq.s32 s10, $0x1;
	s10 =	sld [smem:$0x3FBB];
	_ =	sdelay $0x3  }
0x34: {  	[smem:$0x3FBB] =	sst s10  }
0x35: {  	s10 =	sld [smem:$0x3FBA];
	_ =	sdelay $0x3  }
0x36: {  	p1 =	seq.s32 s10, $0x1;
	s10 =	sld [smem:$0x3FBB];
	_ =	sdelay $0x3  }
0x37: {  	[smem:$0x3FBB] =	sst s10  }
0x38: {  	s10 =	sld [smem:$0x3FBC]  }
0x39: {  	_ = 	snop;
	(pc) =	sbr.ind lr, $3  }
0x3a: {  	_ = 	snop  }
0x3b: {  	_ = 	snop  }
0x3c: {  	p2 =	seq.s32 s10, $0x1;
	s10 =	sld [smem:$0x3FBB]  }
0x3d: {  	_ =	shalt  }
0x3e: {  	_ =	shalt  }
0x3f: {  	_ =	shalt  }
0x40: {  	_ =	shalt  }
0x41: {  	_ =	shalt  }
0x42: {  	_ =	shalt  }
0x43: {  	_ =	shalt  }
0x44: {  	_ =	shalt  }
0x45: {  	_ =	shalt  }
0x46: {  	_ =	shalt  }
0x47: {  	_ =	shalt  }
0x48: {  	_ =	shalt  }
0x49: {  	_ =	shalt  }
0x4a: {  	_ =	shalt  }
0x4b: {  	_ =	shalt  }
0x4c: {  	_ =	shalt  }
0x4d: {  	_ =	shalt  }
0x4e: {  	_ =	shalt  }
0x4f: {  	_ =	shalt  }
0x50: {  	_ =	shalt  }
0x51: {  	_ =	shalt  }
0x52: {  	_ =	shalt  }
0x53: {  	_ =	shalt  }
0x54: {  	_ =	shalt  }
0x55: {  	_ =	shalt  }
0x56: {  	_ =	shalt  }
0x57: {  	_ =	shalt  }
0x58: {  	_ =	shalt  }
0x59: {  	_ =	shalt  }
0x5a: {  	_ =	shalt  }
0x5b: {  	_ =	shalt  }
0x5c: {  	_ =	shalt  }
0x5d: {  	_ =	shalt  }
0x5e: {  	_ =	shalt  }
0x5f: {  	_ =	shalt  }
0x60: {  	_ =	shalt  }
0x61: {  	_ =	shalt  }
0x62: {  	_ =	shalt  }
0x63: {  	_ =	shalt  }
0x64: {  	_ =	shalt  }
0x65: {  	_ =	shalt  }
0x66: {  	_ =	shalt  }
0x67: {  	_ =	shalt  }
0x68: {  	_ =	shalt  }
0x69: {  	_ =	shalt  }
0x6a: {  	_ =	shalt  }
0x6b: {  	_ =	shalt  }
0x6c: {  	_ =	shalt  }
0x6d: {  	_ =	shalt  }
0x6e: {  	_ =	shalt  }
0x6f: {  	_ =	shalt  }
0x70: {  	_ =	shalt  }
0x71: {  	_ =	shalt  }
0x72: {  	_ =	shalt  }
0x73: {  	_ =	shalt  }
0x74: {  	_ =	shalt  }
0x75: {  	_ =	shalt  }
0x76: {  	_ =	shalt  }
0x77: {  	_ =	shalt  }
0x78: {  	_ =	shalt  }
0x79: {  	_ =	shalt  }
0x7a: {  	_ =	shalt  }
0x7b: {  	_ =	shalt  }
0x7c: {  	_ =	shalt  }
0x7d: {  	_ =	shalt  }
0x7e: {  	_ =	shalt  }
0x7f: {  	_ =	shalt  }
0x80: {  	_ =	shalt  }
0x81: {  	_ =	shalt  }
0x82: {  	_ =	shalt  }
0x83: {  	_ =	shalt  }
0x84: {  	_ =	shalt  }
0x85: {  	_ =	shalt  }
0x86: {  	_ =	shalt  }
0x87: {  	_ =	shalt  }
.Lfunc_end0:
.L_simem_size_0:
called_computation_lowered:
.L_overlay_start_0:
0x88: {  	s2 =	sld [smem:$0x3FD9]  }
0x89: {  	s3 =	sld [smem:$0x3FFE];
	_ =	sdelay $0x1  }
0x8a: {  	s1 =	srdreg.scid  }
0x8b: {  	s0 =	sand.u32 $0x1, s1  }
0x8c: {  	s18 =	sshll.u32 s0, $0xA;
	s2 =	sadd.s32 s3, s2  }
0x8d: {  	s2 =	sadd.s32 s2, s18  }
0x8e: {  	[smem:$0x3FC7] =	sst s2  }
0x8f: {  	_ = 	snop  }
0x90: {  	s2 =	sld [smem:$0x3FC9]  }
0x91: {  	s19 =	sld [smem:$0x3FD0];
	(tm) =	ssettm $0x1  }
0x92: {  	s4 =	sld [smem:$0x3FFB];
	_ =	sdelay $0x3  }
0x93: {  	_ =	strace s4  }
0x94: {  	s4 =	sld [smem:$0x3FFC];
	_ =	sdelay $0x3  }
0x95: {  	_ =	strace s4  }
0x96: {  	s4 =	sld [smem:$0x3FFD];
	_ =	sdelay $0x3  }
0x97: {  	_ =	strace s4  }
0x98: {  	_ =	strace $0x8FFFFFFF  }
0x99: {  	s20 =	sld [smem:$0x3FDB];
	_ =	sdelay $0x1  }
0x9a: {  	s5 =	simm.s32 $_scs_section_size  }
0x9b: {  	s6 =	simm.s32 $_size__tile_overlayer_lowered;
	s7 =	simm.s32 $_tile_overlayer_lowered  }
0x9c: {  	s23 =	simm.s32 $0x1BFF;
	s22 =	sshll.u32 s7, $0x1;
	s4 =	sadd.s32 s5, s20  }
0x9d: {  	s8 =	simm.s32 $0x0;
	s21 =	sshll.u32 s6, $0x1;
	s6 =	sadd.s32 s22, s4  }
0x9e: {  	[timem:s8], [sflag:s23] =	dma.local [hbm:s6], s21  }
0x9f: {  	_ =	swait.ge [sflag:s23], s21  }
0xa0: {  	s5 =	ssub.s32 $0x0, s21;
	[sflag:s23] =	ssyncset.done $0x0  }
0xa1: {  	[sflag:s23] =	ssyncadd.s32 s5;
	_ =	sdelay $0x1  }
0xa2: {  	s24 =	simm.s32 $0x1B8B  }
0xa3: {  	_ =	swait.ge [sflag:s24], $0x1  }
0xa4: {  	[sflag:s24] =	ssyncset.done $0x0  }
0xa5: {  	s25 =	simm.s32 $0x1B8E;
	[sflag:s24] =	ssyncadd.s32 $0xFFFFFFFF  }
0xa6: {  	s26 =	simm.s32 $execute0_lowered;
	[smem:$0x3FD2] =	sst s25  }
0xa7: {  	s5 =	sshll.u32 s26, $0x1;
	_ =	strace $0x80000046;
	[dreg:$0x1] =	wrdreg $0xFFFFFFFF  }
0xa8: {  	s28 =	simm.s32 $_size_execute0_lowered;
	s4 =	sadd.s32 s4, s5;
	[dreg:$0x0] =	wrdreg $0x0  }
0xa9: {  	s5 =	sshll.u32 s28, $0x1;
	[dreg:$0x2] =	wrdreg s4  }
0xaa: {  	[dreg:$0x3] =	wrdreg s5  }
0xab: {  	[dreg:$0x4] =	wrdreg $0xC0  }
0xac: {  	_ =	task [dreg:s8], $0x5FFFF  }
0xad: {  	[dreg:$0x1] =	wrdreg $0xFFFFFFFF  }
0xae: {  	[dreg:$0x0] =	wrdreg $0x60  }
0xaf: {  	[dreg:$0x2] =	wrdreg s2  }
0xb0: {  	[dreg:$0x3] =	wrdreg s19  }
0xb1: {  	[dreg:$0x4] =	wrdreg $0x9  }
0xb2: {  	_ =	task.clear_ibuf [dreg:s8], $0x5FFFF;
	_ =	strace $0x90000046  }
0xb3: {  	s29 =	simm.s32 $0x9;
	_ =	strace $0x80000048  }
0xb4: {  	_ =	swait.ge [sflag:s29], $0x1  }
0xb5: {  	[sflag:s29] =	ssyncadd.s32 $0xFFFFFFFF  }
0xb6: {  	_ =	strace $0x90000048  }
0xb7: {  	_ =	sfence  }
0xb8: {  	s30 =	sld [smem:$0x0];
	_ =	sdelay $0x2  }
0xb9: {  	s31 =	sshll.u32 s1, $0xD;
	s1 =	sshrl.u32 s1, $0x2  }
0xba: {  	s3 =	sand.u32 $0x4000, s31;
	s1 =	sadd.s32 s1, s30  }
0xbb: {  	s0 =	sor.u32 s3, s0;
	s1 =	sshll.u32 s1, $0x11  }
0xbc: {  	s0 =	sor.u32 s1, s0  }
0xbd: {  	s0 =	sadd.s32 $0x8F2B, s0  }
0xbe: {  	[sflag:s0] =	ssyncadd.remote.s32 $0x1  }
0xbf: {  	_ =	sfence.sel $0xFFFF  }
0xc0: {  	[dreg:$0x0] =	wrdreg $0xFFFFFFFF;
	(pc) =	sbr.abs _section_cstart, $3  }
0xc1: {  	[dreg:$0x1] =	wrdreg $0xFFFFFFFF  }
0xc2: {  	_ =	task.clear_ibuf [dreg:s8], $0x2FFFF;
	_ =	strace $0x9FFFFFFF  }
0xc3: {  	(tm) =	ssettm $0x7FFFFFFF  }
tec
execute0_lowered:
.L_overlay_start_1:
0x0: {  	(tag) =	ssettag $0x1  }
0x1: {  	s0 =	rddreg [dreg:$0x0]  }
0x2: {  	s1 =	rddreg [dreg:$0x1];
	s2 =	simm.s32 $0x0;
	s3 =	srdreg.scid  }
0x3: {  	s5 =	stileid.u32;
	s12 =	simm.s32 $0x80;
	s13 =	simm.s32 $0x400  }
0x4: {  	s14 =	simm.s32 $0x8000;
	s15 =	simm.s32 $0x1;
	s16 =	simm.s32 $0x18000  }
0x5: {  	s17 =	simm.s32 $0x18180;
	s18 =	simm.s32 $0x10000;
	s19 =	simm.s32 $0x3  }
0x6: {  	s20 =	simm.s32 $0x2;
	s21 =	simm.s32 $0x4;
	s3 =	sand.u32 $0x1, s3  }
0x7: {  	s22 =	simm.s32 $0x0;
	[smem:$0x7FF] =	sst s2;
	s4 =	ssub.s32 $0x2, s3  }
0x8: {  	s5 =	sshll.u32 s5, $0xF;
	s3 =	sshll.u32 s3, $0x6;
	s6 =	sshrl.u32 s4, $0x1  }
0x9: {  	_ =	strace $0x80000047;
	s3 =	sor.u32 s3, s5;
	s11 =	ssub.s32 s4, s6  }
0xa: {  	s29 =	sadd.s32 s0, s3;
	s7 =	sor.u32 $0x10, s3;
	s31 =	sadd.s32 s1, s3  }
0xb: {  	v0 =	vlaneseq.u32;
	s9 =	sor.u32 $0x20, s3;
	s3 =	sor.u32 $0x30, s3;
	[dreg:$0x3] =	wrdreg s29  }
0xc: {  	v0 =	vmul.u32 $0xFFFFFFFF, v0;
	s30 =	sadd.s32 s0, s7;
	[dreg:$0x5] =	wrdreg s31;
	s6 =	sadd.s32 s0, s9  }
0xd: {  	s7 =	sadd.s32 s1, s7;
	s8 =	sadd.s32 s0, s3;
	s9 =	sadd.s32 s1, s9  }
0xe: {  	v1 =	vimm.s32 $0x0;
	v2 =	vimm.s32 $0x1;
	v3 =	vadd.s32 $0xF, v0;
	s10 =	sadd.s32 s1, s3;
	s11 =	smax.u32 s11, $0x1;
	[dreg:$0x4] =	wrdreg s30  }
.LBB2_1:
0xf: {  	s0 =	rddreg [dreg:$0x3]  }
0x10: {  	[tilespmem:s2], [sflag:$0x1] =	stream.strided.gather [hbm4b:s0+s12], $0x8000, s13, s12, $0x38;
	[tilespmem:$0x18300] =	vst v63  }
0x11: {  	s30 =	rddreg [dreg:$0x4]  }
0x12: {  	[tilespmem:s14], [sflag:$0x2] =	stream.strided.gather [hbm4b:s30+s12], $0x8000, s13, s12, $0x38;
	[tilespmem:$0x18300] =	vst v63  }
0x13: {  	_ =	swait.ge [sflag:s15], $0x8000  }
0x14: {  	[sflag:s15] =	ssyncset.done $0x0  }
0x15: {  	[sflag:s15] =	ssyncadd.s32 $0xFFFF8000  }
0x16: {  	[tilespmem:$0x18000] =	vst v1  }
0x17: {  	[tilespmem:$0x18010] =	vst v1  }
0x18: {  	[tilespmem:$0x18020] =	vst v1  }
0x19: {  	[tilespmem:$0x18030] =	vst v1  }
0x1a: {  	[tilespmem:$0x18040] =	vst v1  }
0x1b: {  	[tilespmem:$0x18050] =	vst v1  }
0x1c: {  	[tilespmem:$0x18060] =	vst v1  }
0x1d: {  	[tilespmem:$0x18070] =	vst v1  }
0x1e: {  	[tilespmem:$0x18080] =	vst v1  }
0x1f: {  	[tilespmem:$0x18090] =	vst v1  }
0x20: {  	[tilespmem:$0x180A0] =	vst v1  }
0x21: {  	[tilespmem:$0x180B0] =	vst v1  }
0x22: {  	[tilespmem:$0x180C0] =	vst v1  }
0x23: {  	[tilespmem:$0x180D0] =	vst v1  }
0x24: {  	[tilespmem:$0x180E0] =	vst v1  }
0x25: {  	s31 =	simm.s32 $0x40;
	[tilespmem:$0x180F0] =	vst v1  }
0x26: {  	v4 =	vld [tilespmem:s31+$0x30]  }
0x27: {  	v5 =	vld [tilespmem:s31+$0xFFFFFFD0]  }
0x28: {  	v6 =	vld [tilespmem:s31+$0xFFFFFFE0]  }
0x29: {  	v7 =	vld [tilespmem:s31+$0xFFFFFFF0]  }
0x2a: {  	v8 =	vld [tilespmem:s31+$0x0]  }
0x2b: {  	v4 =	vshrl.u32 v4, $0x17  }
0x2c: {  	v5 =	vshrl.u32 v5, $0x17;
	v4 =	vand.u32 $0xFF, v4  }
0x2d: {  	v9 =	vld [tilespmem:s31+$0x10];
	v6 =	vshrl.u32 v6, $0x17;
	v5 =	vand.u32 $0xFF, v5  }
0x2e: {  	v10 =	vld [tilespmem:s31+$0x20];
	v7 =	vshrl.u32 v7, $0x17;
	v6 =	vand.u32 $0xFF, v6  }
0x2f: {  	v11 =	vld [tilespmem:s31+$0xFFFFFFC0];
	v8 =	vshrl.u32 v8, $0x17;
	v7 =	vand.u32 $0xFF, v7  }
0x30: {  	v8 =	vand.u32 $0xFF, v8  }
0x31: {  	[tilespmem:v4+s16+$0x0] =	vst.idx.add.s32.msk $0xffff, v2  }
0x32: {  	[tilespmem:v5+s16+$0x0] =	vst.idx.add.s32.msk $0xffff, v2  }
0x33: {  	[tilespmem:v6+s16+$0x0] =	vst.idx.add.s32.msk $0xffff, v2  }
0x34: {  	v4 =	vshrl.u32 v9, $0x17;
	v5 =	vshrl.u32 v10, $0x17;
	v6 =	vshrl.u32 v11, $0x17;
	[tilespmem:v7+s16+$0x0] =	vst.idx.add.s32.msk $0xffff, v2  }
0x35: {  	s23 =	simm.s32 $0xC0;
	s0 =	simm.s32 $0x0;
	[tilespmem:v8+s16+$0x0] =	vst.idx.add.s32.msk $0xffff, v2;
	v4 =	vand.u32 $0xFF, v4;
	v5 =	vand.u32 $0xFF, v5;
	v6 =	vand.u32 $0xFF, v6  }
.LBB2_2:
0x36: {  	v7 =	vld [tilespmem:s23+$0x30];
	s0 =	sadd.s32 $0x8, s0  }
0x37: {  	v8 =	vld [tilespmem:s23+$0xFFFFFFD0];
	p0 =	slt.u32 s0, $0x7F8  }
0x38: {  	v9 =	vld [tilespmem:s23+$0xFFFFFFE0]  }
0x39: {  	v10 =	vld [tilespmem:s23+$0xFFFFFFF0]  }
0x3a: {  	v11 =	vld [tilespmem:s23+$0x0]  }
0x3b: {  	v12 =	vld [tilespmem:s23+$0x10];
	v7 =	vshrl.u32 v7, $0x17  }
0x3c: {  	v8 =	vshrl.u32 v8, $0x17;
	v13 =	vld [tilespmem:s23+$0x20];
	v7 =	vand.u32 $0xFF, v7  }
0x3d: {  	v14 =	vld [tilespmem:s23+$0xFFFFFFC0];
	v8 =	vand.u32 $0xFF, v8;
	v9 =	vshrl.u32 v9, $0x17  }
0x3e: {  	v9 =	vand.u32 $0xFF, v9;
	v10 =	vshrl.u32 v10, $0x17;
	[tilespmem:v6+s16+$0x0] =	vst.idx.add.s32.msk $0xffff, v2  }
0x3f: {  	v10 =	vand.u32 $0xFF, v10;
	v6 =	vshrl.u32 v11, $0x17;
	[tilespmem:v4+s16+$0x0] =	vst.idx.add.s32.msk $0xffff, v2  }
0x40: {  	v11 =	vand.u32 $0xFF, v6;
	v4 =	vshrl.u32 v12, $0x17;
	[tilespmem:v5+s16+$0x0] =	vst.idx.add.s32.msk $0xffff, v2  }
.Ltmp0:
0x41: {  	v4 =	vand.u32 $0xFF, v4;
	v5 =	vshrl.u32 v13, $0x17;
	[tilespmem:v7+s16+$0x0] =	vst.idx.add.s32.msk $0xffff, v2;
	(pc) =	sbr.rel @p0 .LBB2_2-.Ltmp0, $4  }
0x42: {  	v6 =	vshrl.u32 v14, $0x17;
	[tilespmem:v8+s16+$0x0] =	vst.idx.add.s32.msk $0xffff, v2;
	v5 =	vand.u32 $0xFF, v5  }
0x43: {  	v6 =	vand.u32 $0xFF, v6;
	[tilespmem:v9+s16+$0x0] =	vst.idx.add.s32.msk $0xffff, v2  }
0x44: {  	[tilespmem:v10+s16+$0x0] =	vst.idx.add.s32.msk $0xffff, v2  }
0x45: {  	s23 =	sadd.s32 $0x80, s23;
	[tilespmem:v11+s16+$0x0] =	vst.idx.add.s32.msk $0xffff, v2  }
0x46: {  	_ =	sdelay $0x3  }
0x47: {  	[tilespmem:v6+s16+$0x0] =	vst.idx.add.s32.msk $0xffff, v2  }
0x48: {  	[tilespmem:v4+s16+$0x0] =	vst.idx.add.s32.msk $0xffff, v2  }
0x49: {  	[tilespmem:v5+s16+$0x0] =	vst.idx.add.s32.msk $0xffff, v2;
	v4 =	vimm.s32 $0x0  }
0x4a: {  	s3 =	simm.s32 $0xF0;
	[tilespmem:$0x18280] =	vst v4  }
0x4b: {  	v5 =	vld [tilespmem:s3+$0x18000];
	_ =	sdelay $0x4  }
0x4c: {  	v5 =	vperm.xlane v5, v3;
	_ =	sdelay $0x1  }
0x4d: {  	(xrf0) =	vadd.scan.msk.s32 $0xffff, v5  }
0x4e: {  	s0 =	simm.s32 $0xE0  }
0x4f: {  	v5 =	vld [tilespmem:s0+$0x18000];
	_ =	sdelay $0x3  }
0x50: {  	v6, _, _ =	vpop (xrf0)  }
0x51: {  	v5 =	vperm.xlane v5, v3;
	v6 =	vperm.xlane v6, v3  }
0x52: {  	s1 =	simm.s32 $0x0  }
0x53: {  	(xrf0) =	vadd.scan.msk.s32 $0xffff, v5;
	v5 =	vadd.s32 s1, v6  }
0x54: {  	(v2sf) =	vpush v5, $0x0;
	_ =	sdelay $0x9  }
0x55: {  	vm0 =	vgt.s32 v5, $0x100  }
0x56: {  	v6 =	vmpcnt.ones.xlane vm0;
	_ =	sdelay $0x1  }
0x57: {  	s1 =	simm.s32 $0x340;
	[tilespmem:s3+$0x18180] =	vst v5;
	s3 =	simm.s32 $0x300;
	v4 =	vadd.s32 v4, v6;
	v5, _, _ =	vpop (xrf0)  }
.LBB2_4:
0x58: {  	p0 =	sne.s32 s3, $0x0;
	v5 =	vperm.xlane v5, v3  }
0x59: {  	s23 =	spop (v2sf)  }
0x5a: {  	s24 =	sshra.s32 s1, $0x2;
	s1 =	smov.u32 s3;
	v5 =	vadd.s32 s23, v5  }
0x5b: {  	v6 =	vld [tilespmem:s24+$0x18000];
	[tilespmem:s0+$0x18180] =	vst v5;
	vm0 =	vgt.s32 v5, $0x100;
	(v2sf) =	vpush v5, $0x0;
	s0 =	smov.u32 s24  }
0x5c: {  	v5 =	vmpcnt.ones.xlane vm0;
	_ =	sdelay $0x1  }
0x5d: {  	v4 =	vadd.s32 v4, v5;
	_ =	sdelay $0x1  }
0x5e: {  	v5 =	vperm.xlane v6, v3;
	_ =	sdelay $0x1  }
0x5f: {  	(xrf0) =	vadd.scan.msk.s32 $0xffff, v5;
	_ =	sdelay $0x1  }
.Ltmp1:
0x60: {  	(pc) =	sbr.rel @p0 .LBB2_4-.Ltmp1, $2  }
0x61: {  	_ =	sdelay $0x2  }
0x62: {  	s3 =	sadd.s32 $0xFFFFFFC0, s3;
	v5, _, _ =	vpop (xrf0)  }
0x63: {  	v5 =	vperm.xlane v5, v3  }
0x64: {  	s3 =	spop (v2sf)  }
0x65: {  	s1 =	sshra.s32 s1, $0x2;
	v5 =	vadd.s32 s3, v5  }
0x66: {  	v6 =	vld [tilespmem:s1+$0x18000];
	(v2sf) =	vpush v5, $0x0;
	_ =	sdelay $0x4  }
0x67: {  	v6 =	vperm.xlane v6, v3;
	_ =	sdelay $0x1  }
0x68: {  	(xrf0) =	vadd.scan.msk.s32 $0xffff, v6;
	_ =	sdelay $0x5  }
0x69: {  	v6, _, _ =	vpop (xrf0)  }
0x6a: {  	v6 =	vperm.xlane v6, v3  }
0x6b: {  	s26 =	spop (v2sf)  }
0x6c: {  	vm0 =	vgt.s32 v5, $0x100;
	v6 =	vadd.s32 s26, v6  }
0x6d: {  	v7 =	vmpcnt.ones.xlane vm0;
	vm0 =	vgt.s32 v6, $0x100  }
0x6e: {  	v8 =	vmpcnt.ones.xlane vm0  }
0x6f: {  	v4 =	vadd.s32 v4, v7  }
0x70: {  	(v2sf) =	vpush v6, $0x0;
	v4 =	vadd.s32 v4, v8  }
0x71: {  	(v2sf) =	vpush v4, $0x0;
	_ =	sdelay $0x8  }
0x72: {  	[tilespmem:s0+$0x18180] =	vst v5  }
0x73: {  	s28 =	simm.s32 $0x40;
	[tilespmem:s1+$0x18180] =	vst v6  }
0x74: {  	v5 =	vld [tilespmem:s28+$0x20]  }
0x75: {  	v9 =	vld [tilespmem:s28+$0x0]  }
0x76: {  	v12 =	vld [tilespmem:s28+$0xFFFFFFC0]  }
0x77: {  	v13 =	vld [tilespmem:s28+$0xFFFFFFD0];
	s30 =	spop (v2sf)  }
0x78: {  	v14 =	vld [tilespmem:s28+$0xFFFFFFE0];
	s1 =	spop (v2sf)  }
0x79: {  	v6 =	vld [tilespmem:s28+$0x30];
	v11 =	vbroadcast v4, $0x0;
	s29 =	sadd.s32 $0xFFFFFFFF, s1  }
0x7a: {  	v15 =	vlaneseq.u32;
	v10 =	vld [tilespmem:s28+$0xFFFFFFF0];
	s1 =	sshll.u32 s29, $0x17  }
0x7b: {  	s31 =	simm.s32 $0xC0;
	v7 =	vld [tilespmem:s28+$0x10];
	v5 =	vand.u32 $0x7FFFFFFF, v5;
	v12 =	vand.u32 $0x7FFFFFFF, v12;
	v4 =	vmov s1  }
0x7c: {  	v18 =	vld [tilespmem:s31+$0x20];
	v21 =	vand.u32 $0x7FFFFFFF, v9;
	v9 =	vand.u32 $0x7FFFFFFF, v13;
	vm1 =	vge.s32 v12, v4  }
0x7d: {  	v22 =	vld [tilespmem:s31+$0x10];
	v16 =	vand.u32 $0x7FFFFFFF, v14;
	vm2 =	vge.s32 v9, v4;
	v13 =	vsel vm1, $0x10, v1  }
0x7e: {  	v23 =	vld [tilespmem:s31+$0x0];
	vm3 =	vge.s32 v16, v4;
	v14 =	vadd.s32 v15, v13;
	v13 =	vsel vm2, $0x10, v1  }
0x7f: {  	v8 =	vand.u32 $0x7FFFFFFF, v6;
	v6 =	vld.idx.msk [tilespmem:v11+s17+$0x0], $0xffff;
	v11 =	vand.u32 $0x7FFFFFFF, v10;
	v19 =	vadd.s32 v14, v13  }
0x80: {  	v7 =	vand.u32 $0x7FFFFFFF, v7;
	v10 =	vld [tilespmem:s31+$0x30];
	vm4 =	vge.s32 v11, v4;
	v13 =	vsel vm3, $0x10, v1  }
0x81: {  	v25 =	vld [tilespmem:s31+$0xFFFFFFC0];
	vm5 =	vge.s32 v21, v4;
	v24 =	vadd.s32 v19, v13;
	v13 =	vsel vm4, $0x10, v1  }
0x82: {  	v17 =	vld [tilespmem:s31+$0xFFFFFFF0];
	vm0 =	vge.s32 v7, v4;
	v26 =	vadd.s32 v24, v13;
	v13 =	vsel vm5, $0x10, v1;
	[tilespmem:v15+s18+$0x0] =	vst.idx.msk vm1, v12  }
0x83: {  	v20 =	vld [tilespmem:s31+$0xFFFFFFD0];
	v13 =	vadd.s32 v26, v13;
	v12 =	vsel vm0, $0x10, v1;
	vm1 =	vge.s32 v5, v4;
	[tilespmem:v14+s18+$0x0] =	vst.idx.msk vm2, v9  }
0x84: {  	v14 =	vadd.s32 v13, v12;
	v9 =	vsel vm1, $0x10, v1;
	vm2 =	vge.s32 v8, v4;
	[tilespmem:v19+s18+$0x0] =	vst.idx.msk vm3, v16;
	v19 =	vld [tilespmem:s31+$0xFFFFFFE0]  }
0x85: {  	v10 =	vand.u32 $0x7FFFFFFF, v10;
	v15 =	vadd.s32 v14, v9  }
0x86: {  	v12 =	vand.u32 $0x7FFFFFFF, v25;
	v9 =	vsel vm2, $0x10, v1;
	v16 =	vand.u32 $0x7FFFFFFF, v18;
	[tilespmem:v24+s18+$0x0] =	vst.idx.msk vm4, v11  }
0x87: {  	s23 =	simm.s32 $0x8;
	s0 =	simm.s32 $0x140;
	v18 =	vand.u32 $0x7FFFFFFF, v22;
	v11 =	vadd.s32 v15, v9;
	v9 =	vand.u32 $0x7FFFFFFF, v23;
	[tilespmem:v26+s18+$0x0] =	vst.idx.msk vm5, v21  }
.LBB2_6:
0x88: {  	v21 =	vld [tilespmem:s0+$0x30];
	vm3 =	vge.s32 v12, v4;
	v22 =	vand.u32 $0x7FFFFFFF, v20;
	v23 =	vand.u32 $0x7FFFFFFF, v17;
	[tilespmem:v13+s18+$0x0] =	vst.idx.msk vm0, v7;
	v7 =	vmovc v18  }
0x89: {  	s23 =	sadd.s32 $0x8, s23;
	v18 =	vld [tilespmem:s0+$0x20];
	v13 =	vsel vm3, $0x10, v1;
	vm4 =	vge.s32 v22, v4;
	v24 =	vand.u32 $0x7FFFFFFF, v19;
	[tilespmem:v14+s18+$0x0] =	vst.idx.msk vm1, v5;
	v5 =	vmovc v16  }
0x8a: {  	p0 =	slt.u32 s23, $0x7F8;
	v25 =	vld [tilespmem:s0+$0x10];
	v14 =	vadd.s32 v11, v13;
	v13 =	vsel vm4, $0x10, v1;
	vm5 =	vge.s32 v24, v4;
	[tilespmem:v15+s18+$0x0] =	vst.idx.msk vm2, v8  }
0x8b: {  	vm6 =	vge.s32 v23, v4;
	v8 =	vmovc v10;
	v26 =	vld [tilespmem:s0+$0x0];
	v15 =	vadd.s32 v14, v13;
	v13 =	vsel vm5, $0x10, v1  }
0x8c: {  	vm7 =	vge.s32 v9, v4;
	v10 =	vsel vm6, $0x10, v1;
	v17 =	vld [tilespmem:s0+$0xFFFFFFF0];
	v27 =	vadd.s32 v15, v13  }
0x8d: {  	vm0 =	vge.s32 v7, v4;
	v28 =	vld [tilespmem:s0+$0xFFFFFFC0];
	v29 =	vadd.s32 v27, v10;
	v10 =	vsel vm7, $0x10, v1  }
.Ltmp2:
0x8e: {  	vm1 =	vge.s32 v5, v4;
	v20 =	vld [tilespmem:s0+$0xFFFFFFD0];
	[tilespmem:v11+s18+$0x0] =	vst.idx.msk vm3, v12;
	v13 =	vadd.s32 v29, v10;
	v10 =	vsel vm0, $0x10, v1;
	(pc) =	sbr.rel @p0 .LBB2_6-.Ltmp2, $4  }
0x8f: {  	vm2 =	vge.s32 v8, v4;
	v19 =	vld [tilespmem:s0+$0xFFFFFFE0];
	[tilespmem:v14+s18+$0x0] =	vst.idx.msk vm4, v22;
	v14 =	vadd.s32 v13, v10;
	v10 =	vsel vm1, $0x10, v1  }
0x90: {  	v11 =	vsel vm2, $0x10, v1;
	[tilespmem:v15+s18+$0x0] =	vst.idx.msk vm5, v24;
	v15 =	vadd.s32 v14, v10  }
0x91: {  	v16 =	vand.u32 $0x7FFFFFFF, v18;
	v10 =	vand.u32 $0x7FFFFFFF, v21;
	[tilespmem:v27+s18+$0x0] =	vst.idx.msk vm6, v23;
	v11 =	vadd.s32 v15, v11  }
0x92: {  	v18 =	vand.u32 $0x7FFFFFFF, v25;
	s0 =	sadd.s32 $0x80, s0;
	v12 =	vand.u32 $0x7FFFFFFF, v28;
	[tilespmem:v29+s18+$0x0] =	vst.idx.msk vm7, v9;
	v9 =	vand.u32 $0x7FFFFFFF, v26  }
0x93: {  	vm3 =	vge.s32 v12, v4;
	v20 =	vand.u32 $0x7FFFFFFF, v20;
	v17 =	vand.u32 $0x7FFFFFFF, v17  }
0x94: {  	v21 =	vsel vm3, $0x10, v1;
	vm4 =	vge.s32 v20, v4;
	v19 =	vand.u32 $0x7FFFFFFF, v19  }
0x95: {  	v21 =	vadd.s32 v11, v21;
	v22 =	vsel vm4, $0x10, v1;
	vm5 =	vge.s32 v19, v4  }
0x96: {  	vm6 =	vge.s32 v17, v4;
	v22 =	vadd.s32 v21, v22;
	v23 =	vsel vm5, $0x10, v1  }
0x97: {  	vm7 =	vge.s32 v9, v4;
	v24 =	vsel vm6, $0x10, v1;
	v23 =	vadd.s32 v22, v23  }
0x98: {  	vm8 =	vge.s32 v18, v4;
	v25 =	vsel vm7, $0x10, v1;
	v24 =	vadd.s32 v23, v24  }
0x99: {  	vm9 =	vge.s32 v16, v4;
	v26 =	vsel vm8, $0x10, v1;
	v25 =	vadd.s32 v24, v25  }
0x9a: {  	vm10 =	vge.s32 v10, v4;
	v27 =	vsel vm9, $0x10, v1;
	v26 =	vadd.s32 v25, v26  }
0x9b: {  	v4 =	vsel vm10, $0x10, v1;
	v27 =	vadd.s32 v26, v27  }
0x9c: {  	v4 =	vadd.s32 v27, v4  }
0x9d: {  	v4 =	vadd.s32 v0, v4  }
0x9e: {  	v4 =	vshrl.u32 v4, $0x4  }
0x9f: {  	v28 =	vor.u32 $0x80000000, v4  }
0xa0: {  	(xrf0) =	vmax.scan.msk.u32 $0xffff, v28;
	_ =	sdelay $0x5  }
0xa1: {  	[tilespmem:v14+s18+$0x0] =	vst.idx.msk vm1, v5;
	(v2sf) =	vpush v6, $0x0;
	v5, _, _ =	vpop (xrf0)  }
0xa2: {  	[tilespmem:v13+s18+$0x0] =	vst.idx.msk vm0, v7;
	(v2sf) =	vpush v5, $0xF  }
0xa3: {  	[tilespmem:v15+s18+$0x0] =	vst.idx.msk vm2, v8  }
0xa4: {  	[tilespmem:v11+s18+$0x0] =	vst.idx.msk vm3, v12  }
0xa5: {  	[tilespmem:v21+s18+$0x0] =	vst.idx.msk vm4, v20  }
0xa6: {  	[tilespmem:v22+s18+$0x0] =	vst.idx.msk vm5, v19  }
0xa7: {  	[tilespmem:v23+s18+$0x0] =	vst.idx.msk vm6, v17  }
0xa8: {  	[tilespmem:v24+s18+$0x0] =	vst.idx.msk vm7, v9  }
0xa9: {  	[tilespmem:v25+s18+$0x0] =	vst.idx.msk vm8, v18  }
0xaa: {  	[tilespmem:v26+s18+$0x0] =	vst.idx.msk vm9, v16  }
0xab: {  	[tilespmem:v27+s18+$0x0] =	vst.idx.msk vm10, v10  }
0xac: {  	[tilespmem:$0x18000] =	vst v1  }
0xad: {  	[tilespmem:$0x18010] =	vst v1  }
0xae: {  	[tilespmem:$0x18020] =	vst v1  }
0xaf: {  	[tilespmem:$0x18030] =	vst v1  }
0xb0: {  	[tilespmem:$0x18040] =	vst v1;
	s30 =	spop (v2sf)  }
0xb1: {  	[tilespmem:$0x18050] =	vst v1;
	s25 =	spop (v2sf)  }
0xb2: {  	[tilespmem:$0x18060] =	vst v1;
	s23 =	sxor.u32 $0x80000000, s25  }
0xb3: {  	[tilespmem:$0x18070] =	vst v1;
	s0 =	sshrl.u32 s23, $0x1F  }
0xb4: {  	[tilespmem:$0x18080] =	vst v1;
	s0 =	sadd.s32 s0, s23  }
0xb5: {  	[tilespmem:$0x18090] =	vst v1;
	s24 =	sand.u32 $0xFFFFFFFE, s0  }
0xb6: {  	[tilespmem:$0x180A0] =	vst v1;
	p0 =	slt.s32 s24, $0x1  }
.Ltmp3:
0xb7: {  	[tilespmem:$0x180B0] =	vst v1;
	(pc) =	sbr.rel @p0 .LBB2_10-.Ltmp3, $4  }
0xb8: {  	[tilespmem:$0x180C0] =	vst v1  }
0xb9: {  	[tilespmem:$0x180D0] =	vst v1  }
0xba: {  	[tilespmem:$0x180E0] =	vst v1  }
0xbb: {  	[tilespmem:$0x180F0] =	vst v1;
	v5 =	vmov s29  }
0xbc: {  	p3 =	sgt.s32 s24, $0x2  }
.Ltmp4:
0xbd: {  	_ = 	snop;
	(pc) =	sbr.rel @!p3 .LBB2_9-.Ltmp4, $4  }
0xbe: {  	_ = 	snop  }
0xbf: {  	s3 =	simm.s32 $0x10010  }
0xc0: {  	s0 =	simm.s32 $0x0;
	v11 =	vld [tilespmem:s3+$0x0]  }
0xc1: {  	s1 =	simm.s32 $0x2;
	p1 =	por $0x0, $0x0;
	p2 =	por $0x0, $0x0;
	v6 =	vld [tilespmem:s3+$0xFFFFFFF0]  }
0xc2: {  	_ = 	snop  }
0xc3: {  	p3 =	sgt.s32 s24, $0x4  }
.Ltmp5:
0xc4: {  	_ = 	snop;
	(pc) =	sbr.rel @!p3 .LBB2_19-.Ltmp5, $4  }
0xc5: {  	vm0 =	vgt.s32 v4, s0;
	s26 =	simm.s32 $0x1  }
0xc6: {  	s3 =	simm.s32 $0x10030;
	vm2 =	vgt.s32 v4, s26;
	v8 =	vshrl.u32 v6, $0xF;
	v6 =	vshrl.u32 v6, $0x17  }
0xc7: {  	v9 =	vld [tilespmem:s3+$0x0];
	vm1 =	veq.s32 v6, v5;
	v10 =	vand.u32 $0xFF, v8;
	v8 =	vshrl.u32 v11, $0x17  }
0xc8: {  	s0 =	simm.s32 $0x4;
	p1 =	por $0x1, $0x1;
	v7 =	vshrl.u32 v11, $0xF;
	v6 =	vld [tilespmem:s3+$0xFFFFFFF0];
	vm1 =	vmand vm0, vm1;
	vm4 =	veq.s32 v8, v5  }
0xc9: {  	_ =	sdelay $0x1  }
0xca: {  	p3 =	sgt.s32 s24, $0x6  }
.Ltmp6:
0xcb: {  	vm0 =	vmand vm2, vm4;
	(pc) =	sbr.rel @!p3 .LBB2_21-.Ltmp6, $4  }
0xcc: {  	v8 =	vand.u32 $0xFF, v7;
	vm2 =	vgt.s32 v4, s1  }
0xcd: {  	s26 =	simm.s32 $0x10050;
	[tilespmem:v10+s16+$0x0] =	vst.idx.add.s32.msk vm1, v2;
	v7 =	vshrl.u32 v9, $0xF;
	v9 =	vshrl.u32 v9, $0x17;
	v13 =	vshrl.u32 v6, $0x17  }
0xce: {  	s3 =	simm.s32 $0x3;
	v11 =	vld [tilespmem:s26+$0x0];
	v12 =	vshrl.u32 v6, $0xF;
	vm4 =	veq.s32 v9, v5;
	vm3 =	veq.s32 v13, v5  }
0xcf: {  	s1 =	simm.s32 $0x6;
	p2 =	por $0x1, $0x1;
	v6 =	vld [tilespmem:s26+$0xFFFFFFF0];
	v12 =	vand.u32 $0xFF, v12;
	vm3 =	vmand vm2, vm3;
	vm2 =	vgt.s32 v4, s3  }
.LBB2_22:
0xd0: {  	s3 =	smov.u32 s1;
	s1 =	sadd.s32 $0x2, s1  }
0xd1: {  	[tilespmem:v8+s16+$0x0] =	vst.idx.add.s32.msk vm0, v2;
	vm0 =	vmand vm2, vm4;
	p3 =	slt.s32 s1, s24  }
.Ltmp7:
0xd2: {  	v8 =	vand.u32 $0xFF, v7;
	(pc) =	sbr.rel @p3 .LBB2_22-.Ltmp7, $4  }
0xd3: {  	s26 =	sadd.s32 $0x20, s26;
	v7 =	vshrl.u32 v11, $0xF;
	v9 =	vmov v11  }
0xd4: {  	vm1 =	vgt.s32 v4, s0;
	v11 =	vld [tilespmem:s26+$0x0];
	v10 =	vshrl.u32 v6, $0xF;
	v13 =	vshrl.u32 v6, $0x17  }
0xd5: {  	s28 =	sadd.s32 $0x1, s0;
	s0 =	smov.u32 s3;
	v9 =	vshrl.u32 v9, $0x17;
	v6 =	vld [tilespmem:s26+$0xFFFFFFF0];
	vm5 =	veq.s32 v13, v5;
	v10 =	vand.u32 $0xFF, v10  }
0xd6: {  	vm2 =	vgt.s32 v4, s28;
	vm4 =	veq.s32 v9, v5;
	[tilespmem:v12+s16+$0x0] =	vst.idx.add.s32.msk vm3, v2;
	vm3 =	vmand vm1, vm5;
	v12 =	vmovc v10  }
0xd7: {  	_ =	sdelay $0x1  }
0xd8: {  	s1 =	smov.u32 s0;
	vm1 =	vmmov vm3;
	v10 =	vmov v12;
	v9 =	vmov v11  }
.LBB2_24:
0xd9: {  	vm2 =	vmand @p1 vm2, vm4;
	v7 =	vand.u32 @p1 $0xFF, v7;
	v11 =	vshrl.u32 v6, $0x17  }
0xda: {  	v6 =	vshrl.u32 v6, $0xF;
	vm3 =	vgt.s32 v4, s1;
	s0 =	sadd.s32 $0x1, s1;
	v62 =	vshrl.u32 v9, $0x17  }
0xdb: {  	vm14 =	veq.s32 v11, v5;
	vm2 =	vmmov @p1 vm2;
	vm15 =	vgt.s32 v4, s0  }
0xdc: {  	vm5 =	veq.s32 v62, v5;
	v7 =	vpsel p1, v7, v0;
	vm3 =	vmand vm3, vm14  }
0xdd: {  	v63 =	vshrl.u32 v9, $0xF;
	v6 =	vand.u32 $0xFF, v6;
	vm4 =	vmand vm15, vm5  }
0xde: {  	v9 =	vand.u32 $0xFF, v63  }
0xdf: {  	[tilespmem:v8+s16+$0x0] =	vst.idx.add.s32.msk @p2 vm0, v2  }
0xe0: {  	[tilespmem:v10+s16+$0x0] =	vst.idx.add.s32.msk @p1 vm1, v2  }
0xe1: {  	[tilespmem:v7+s16+$0x0] =	vst.idx.add.s32.msk @p1 vm2, v2  }
0xe2: {  	[tilespmem:v6+s16+$0x0] =	vst.idx.add.s32.msk vm3, v2  }
0xe3: {  	[tilespmem:v9+s16+$0x0] =	vst.idx.add.s32.msk vm4, v2  }
.LBB2_10:
0xe4: {  	p1 =	sge.s32 s24, s23  }
.Ltmp8:
0xe5: {  	_ = 	snop;
	(pc) =	sbr.rel @p1 .LBB2_13-.Ltmp8, $4  }
0xe6: {  	_ = 	snop  }
0xe7: {  	s28 =	ssub.s32 s23, s24  }
0xe8: {  	s0 =	sshll.u32 s25, $0x6;
	s1 =	sshll.u32 s28, $0x6  }
0xe9: {  	s25 =	ssub.s32 $0x0, s28;
	s26 =	ssub.s32 s0, s1  }
0xea: {  	s1 =	sshra.s32 s26, $0x2  }
0xeb: {  	s0 =	ssub.s32 $0x0, s28;
	s1 =	sadd.s32 $0x10000, s1  }
.LBB2_12:
0xec: {  	v6 =	vld [tilespmem:s1+$0x0];
	_ =	sdelay $0x4  }
0xed: {  	s3 =	sadd.s32 s0, s23;
	v7 =	vshrl.u32 v6, $0x17  }
0xee: {  	vm0 =	vgt.s32 v4, s3;
	vm1 =	veq.s32 v7, v5  }
0xef: {  	s0 =	sadd.s32 $0x1, s0;
	v6 =	vshrl.u32 v6, $0xF;
	vm0 =	vmand vm0, vm1  }
0xf0: {  	p2 =	seq.s32 s0, $0x0;
	v6 =	vand.u32 $0xFF, v6  }
.Ltmp9:
0xf1: {  	_ = 	snop;
	(pc) =	sbr.rel @!p2 .LBB2_12-.Ltmp9, $2  }
0xf2: {  	_ =	sdelay $0x2  }
0xf3: {  	s1 =	sadd.s32 $0x10, s1;
	[tilespmem:v6+s16+$0x0] =	vst.idx.add.s32.msk vm0, v2  }
.LBB2_13:
0xf4: {  	v6 =	vimm.s32 $0x0  }
0xf5: {  	s1 =	simm.s32 $0xF0;
	[tilespmem:$0x18280] =	vst v6  }
0xf6: {  	v5 =	vld [tilespmem:s1+$0x18000];
	_ =	sdelay $0x4  }
0xf7: {  	v5 =	vperm.xlane v5, v3;
	_ =	sdelay $0x1  }
0xf8: {  	(xrf0) =	vadd.scan.msk.s32 $0xffff, v5;
	_ =	sdelay $0x5  }
0xf9: {  	v7, _, _ =	vpop (xrf0)  }
0xfa: {  	v7 =	vperm.xlane v7, v3  }
0xfb: {  	s0 =	simm.s32 $0x0  }
0xfc: {  	s31 =	simm.s32 $0xE0;
	v7 =	vadd.s32 s0, v7  }
0xfd: {  	v5 =	vld [tilespmem:s31+$0x18000];
	(v2sf) =	vpush v7, $0x0;
	_ =	sdelay $0x4  }
0xfe: {  	v5 =	vperm.xlane v5, v3;
	_ =	sdelay $0x1  }
0xff: {  	(xrf0) =	vadd.scan.msk.s32 $0xffff, v5  }
0x100: {  	s30 =	ssub.s32 $0x101, s30  }
0x101: {  	v5 =	vmov s30  }
0x102: {  	vm0 =	vge.s32 v7, v5  }
0x103: {  	v8 =	vmpcnt.ones.xlane vm0;
	_ =	sdelay $0x1  }
0x104: {  	s0 =	simm.s32 $0x340;
	[tilespmem:s1+$0x18180] =	vst v7;
	s1 =	simm.s32 $0x300;
	v6 =	vadd.s32 v6, v8;
	v7, _, _ =	vpop (xrf0)  }
.LBB2_14:
0x105: {  	p2 =	sne.s32 s1, $0x0;
	v7 =	vperm.xlane v7, v3  }
0x106: {  	s3 =	spop (v2sf)  }
0x107: {  	s4 =	sshra.s32 s0, $0x2;
	s0 =	smov.u32 s1;
	v7 =	vadd.s32 s3, v7  }
0x108: {  	v8 =	vld [tilespmem:s4+$0x18000];
	[tilespmem:s31+$0x18180] =	vst v7;
	vm0 =	vge.s32 v7, v5;
	(v2sf) =	vpush v7, $0x0;
	s31 =	smov.u32 s4  }
0x109: {  	v7 =	vmpcnt.ones.xlane vm0;
	_ =	sdelay $0x1  }
0x10a: {  	v6 =	vadd.s32 v6, v7;
	_ =	sdelay $0x1  }
0x10b: {  	v7 =	vperm.xlane v8, v3;
	_ =	sdelay $0x1  }
0x10c: {  	(xrf0) =	vadd.scan.msk.s32 $0xffff, v7;
	_ =	sdelay $0x1  }
.Ltmp10:
0x10d: {  	(pc) =	sbr.rel @p2 .LBB2_14-.Ltmp10, $2  }
0x10e: {  	_ =	sdelay $0x2  }
0x10f: {  	s1 =	sadd.s32 $0xFFFFFFC0, s1;
	v7, _, _ =	vpop (xrf0)  }
0x110: {  	v7 =	vperm.xlane v7, v3  }
0x111: {  	s1 =	spop (v2sf)  }
0x112: {  	s0 =	sshra.s32 s0, $0x2;
	v7 =	vadd.s32 s1, v7  }
0x113: {  	v8 =	vld [tilespmem:s0+$0x18000];
	(v2sf) =	vpush v7, $0x0;
	_ =	sdelay $0x4  }
0x114: {  	v8 =	vperm.xlane v8, v3;
	_ =	sdelay $0x1  }
0x115: {  	(xrf0) =	vadd.scan.msk.s32 $0xffff, v8;
	_ =	sdelay $0x5  }
0x116: {  	v8, _, _ =	vpop (xrf0)  }
0x117: {  	v8 =	vperm.xlane v8, v3  }
0x118: {  	s3 =	spop (v2sf)  }
0x119: {  	vm0 =	vge.s32 v7, v5;
	v8 =	vadd.s32 s3, v8  }
0x11a: {  	v9 =	vmpcnt.ones.xlane vm0;
	vm15 =	vge.s32 v8, v5  }
0x11b: {  	v5 =	vmpcnt.ones.xlane vm15  }
0x11c: {  	v6 =	vadd.s32 v6, v9  }
0x11d: {  	v5 =	vadd.s32 v6, v5  }
0x11e: {  	v6 =	vbroadcast v5, $0x0;
	_ =	sdelay $0x3  }
0x11f: {  	[tilespmem:s31+$0x18180] =	vst v7  }
0x120: {  	[tilespmem:s0+$0x18180] =	vst v8  }
0x121: {  	v6 =	vld.idx.msk [tilespmem:v6+s17+$0x0], $0xffff  }
0x122: {  	(v2sf) =	vpush v8, $0x0  }
0x123: {  	(v2sf) =	vpush v5, $0x0;
	_ =	sdelay $0x2  }
0x124: {  	[tilespmem:$0x18000] =	vst v1;
	(v2sf) =	vpush v6, $0x0  }
0x125: {  	[tilespmem:$0x18010] =	vst v1  }
0x126: {  	[tilespmem:$0x18020] =	vst v1  }
0x127: {  	[tilespmem:$0x18030] =	vst v1  }
0x128: {  	[tilespmem:$0x18040] =	vst v1  }
0x129: {  	[tilespmem:$0x18050] =	vst v1  }
0x12a: {  	[tilespmem:$0x18060] =	vst v1  }
0x12b: {  	[tilespmem:$0x18070] =	vst v1  }
0x12c: {  	[tilespmem:$0x18080] =	vst v1  }
0x12d: {  	[tilespmem:$0x18090] =	vst v1  }
0x12e: {  	[tilespmem:$0x180A0] =	vst v1  }
.Ltmp11:
0x12f: {  	[tilespmem:$0x180B0] =	vst v1;
	s4 =	spop (v2sf);
	(pc) =	sbr.rel @p0 .LBB2_25-.Ltmp11, $4  }
0x130: {  	s5 =	sshll.u32 s29, $0x8;
	[tilespmem:$0x180C0] =	vst v1;
	s0 =	spop (v2sf)  }
0x131: {  	[tilespmem:$0x180D0] =	vst v1;
	s0 =	sadd.s32 s0, s5  }
0x132: {  	[tilespmem:$0x180E0] =	vst v1;
	s29 =	sadd.s32 $0xFFFFFFFF, s0  }
0x133: {  	[tilespmem:$0x180F0] =	vst v1;
	v5 =	vmov s29;
	s31 =	spop (v2sf)  }
0x134: {  	p4 =	sgt.s32 s24, $0x2  }
.Ltmp12:
0x135: {  	_ = 	snop;
	(pc) =	sbr.rel @!p4 .LBB2_17-.Ltmp12, $4  }
0x136: {  	_ = 	snop  }
0x137: {  	s3 =	simm.s32 $0x10010  }
0x138: {  	s0 =	simm.s32 $0x0;
	v11 =	vld [tilespmem:s3+$0x0]  }
0x139: {  	s1 =	simm.s32 $0x2;
	p2 =	por $0x0, $0x0;
	p3 =	por $0x0, $0x0;
	v6 =	vld [tilespmem:s3+$0xFFFFFFF0]  }
0x13a: {  	_ = 	snop  }
0x13b: {  	p4 =	sgt.s32 s24, $0x4  }
.Ltmp13:
0x13c: {  	_ = 	snop;
	(pc) =	sbr.rel @!p4 .LBB2_34-.Ltmp13, $4  }
0x13d: {  	vm0 =	vgt.s32 v4, s0;
	s4 =	simm.s32 $0x1  }
0x13e: {  	s3 =	simm.s32 $0x10030;
	vm2 =	vgt.s32 v4, s4;
	v8 =	vshrl.u32 v6, $0x7;
	v6 =	vshrl.u32 v6, $0xF  }
0x13f: {  	v9 =	vld [tilespmem:s3+$0x0];
	vm1 =	veq.s32 v6, v5;
	v10 =	vand.u32 $0xFF, v8;
	v8 =	vshrl.u32 v11, $0xF  }
0x140: {  	s0 =	simm.s32 $0x4;
	p2 =	por $0x1, $0x1;
	v7 =	vshrl.u32 v11, $0x7;
	v6 =	vld [tilespmem:s3+$0xFFFFFFF0];
	vm1 =	vmand vm0, vm1;
	vm4 =	veq.s32 v8, v5  }
0x141: {  	_ =	sdelay $0x1  }
0x142: {  	p4 =	sgt.s32 s24, $0x6  }
.Ltmp14:
0x143: {  	vm0 =	vmand vm2, vm4;
	(pc) =	sbr.rel @!p4 .LBB2_36-.Ltmp14, $4  }
0x144: {  	v8 =	vand.u32 $0xFF, v7;
	vm2 =	vgt.s32 v4, s1  }
0x145: {  	s3 =	simm.s32 $0x10050;
	[tilespmem:v10+s16+$0x0] =	vst.idx.add.s32.msk vm1, v2;
	v7 =	vshrl.u32 v9, $0x7;
	v9 =	vshrl.u32 v9, $0xF;
	v13 =	vshrl.u32 v6, $0xF  }
0x146: {  	s4 =	simm.s32 $0x3;
	v11 =	vld [tilespmem:s3+$0x0];
	v12 =	vshrl.u32 v6, $0x7;
	vm4 =	veq.s32 v9, v5;
	vm3 =	veq.s32 v13, v5  }
0x147: {  	s1 =	simm.s32 $0x6;
	p3 =	por $0x1, $0x1;
	v6 =	vld [tilespmem:s3+$0xFFFFFFF0];
	v12 =	vand.u32 $0xFF, v12;
	vm3 =	vmand vm2, vm3;
	vm2 =	vgt.s32 v4, s4  }
.LBB2_37:
0x148: {  	s4 =	smov.u32 s1;
	s1 =	sadd.s32 $0x2, s1  }
0x149: {  	[tilespmem:v8+s16+$0x0] =	vst.idx.add.s32.msk vm0, v2;
	vm0 =	vmand vm2, vm4;
	p4 =	slt.s32 s1, s24  }
.Ltmp15:
0x14a: {  	v8 =	vand.u32 $0xFF, v7;
	(pc) =	sbr.rel @p4 .LBB2_37-.Ltmp15, $4  }
0x14b: {  	s3 =	sadd.s32 $0x20, s3;
	v7 =	vshrl.u32 v11, $0x7;
	v9 =	vmov v11  }
0x14c: {  	vm1 =	vgt.s32 v4, s0;
	v11 =	vld [tilespmem:s3+$0x0];
	v10 =	vshrl.u32 v6, $0x7;
	v13 =	vshrl.u32 v6, $0xF  }
0x14d: {  	s5 =	sadd.s32 $0x1, s0;
	s0 =	smov.u32 s4;
	v9 =	vshrl.u32 v9, $0xF;
	v6 =	vld [tilespmem:s3+$0xFFFFFFF0];
	vm5 =	veq.s32 v13, v5;
	v10 =	vand.u32 $0xFF, v10  }
0x14e: {  	vm2 =	vgt.s32 v4, s5;
	vm4 =	veq.s32 v9, v5;
	[tilespmem:v12+s16+$0x0] =	vst.idx.add.s32.msk vm3, v2;
	vm3 =	vmand vm1, vm5;
	v12 =	vmovc v10  }
0x14f: {  	_ =	sdelay $0x1  }
0x150: {  	s1 =	smov.u32 s0;
	vm1 =	vmmov vm3;
	v10 =	vmov v12;
	v9 =	vmov v11  }
.LBB2_39:
0x151: {  	vm2 =	vmand @p2 vm2, vm4;
	v7 =	vand.u32 @p2 $0xFF, v7;
	v11 =	vshrl.u32 v6, $0xF  }
0x152: {  	v6 =	vshrl.u32 v6, $0x7;
	vm3 =	vgt.s32 v4, s1;
	s0 =	sadd.s32 $0x1, s1;
	v62 =	vshrl.u32 v9, $0xF  }
0x153: {  	vm14 =	veq.s32 v11, v5;
	vm2 =	vmmov @p2 vm2;
	vm15 =	vgt.s32 v4, s0  }
0x154: {  	vm5 =	veq.s32 v62, v5;
	v7 =	vpsel p2, v7, v0;
	vm3 =	vmand vm3, vm14  }
0x155: {  	v63 =	vshrl.u32 v9, $0x7;
	v6 =	vand.u32 $0xFF, v6;
	vm4 =	vmand vm15, vm5  }
0x156: {  	v9 =	vand.u32 $0xFF, v63  }
0x157: {  	[tilespmem:v8+s16+$0x0] =	vst.idx.add.s32.msk @p3 vm0, v2  }
0x158: {  	[tilespmem:v10+s16+$0x0] =	vst.idx.add.s32.msk @p2 vm1, v2  }
0x159: {  	[tilespmem:v7+s16+$0x0] =	vst.idx.add.s32.msk @p2 vm2, v2  }
0x15a: {  	[tilespmem:v6+s16+$0x0] =	vst.idx.add.s32.msk vm3, v2  }
0x15b: {  	[tilespmem:v9+s16+$0x0] =	vst.idx.add.s32.msk vm4, v2  }
.LBB2_25:
.Ltmp16:
0x15c: {  	(pc) =	sbr.rel @p1 .LBB2_28-.Ltmp16, $1  }
0x15d: {  	_ =	sdelay $0x3  }
0x15e: {  	s1 =	sshra.s32 s26, $0x2  }
0x15f: {  	s0 =	ssub.s32 $0x0, s28;
	s1 =	sadd.s32 $0x10000, s1  }
.LBB2_27:
0x160: {  	v6 =	vld [tilespmem:s1+$0x0];
	_ =	sdelay $0x4  }
0x161: {  	s3 =	sadd.s32 s0, s23;
	v7 =	vshrl.u32 v6, $0xF  }
0x162: {  	vm0 =	vgt.s32 v4, s3;
	vm1 =	veq.s32 v7, v5  }
0x163: {  	s0 =	sadd.s32 $0x1, s0;
	v6 =	vshrl.u32 v6, $0x7;
	vm0 =	vmand vm0, vm1  }
0x164: {  	p2 =	seq.s32 s0, $0x0;
	v6 =	vand.u32 $0xFF, v6  }
.Ltmp17:
0x165: {  	_ = 	snop;
	(pc) =	sbr.rel @!p2 .LBB2_27-.Ltmp17, $2  }
0x166: {  	_ =	sdelay $0x2  }
0x167: {  	s1 =	sadd.s32 $0x10, s1;
	[tilespmem:v6+s16+$0x0] =	vst.idx.add.s32.msk vm0, v2  }
.LBB2_28:
0x168: {  	v6 =	vimm.s32 $0x0  }
0x169: {  	s3 =	simm.s32 $0xF0;
	[tilespmem:$0x18280] =	vst v6  }
0x16a: {  	v5 =	vld [tilespmem:s3+$0x18000];
	_ =	sdelay $0x4  }
0x16b: {  	v5 =	vperm.xlane v5, v3;
	_ =	sdelay $0x1  }
0x16c: {  	(xrf0) =	vadd.scan.msk.s32 $0xffff, v5;
	_ =	sdelay $0x5  }
0x16d: {  	v7, _, _ =	vpop (xrf0)  }
0x16e: {  	v7 =	vperm.xlane v7, v3  }
0x16f: {  	s1 =	simm.s32 $0x0  }
0x170: {  	s0 =	simm.s32 $0xE0;
	v7 =	vadd.s32 s1, v7  }
0x171: {  	v5 =	vld [tilespmem:s0+$0x18000];
	(v2sf) =	vpush v7, $0x0;
	_ =	sdelay $0x4  }
0x172: {  	v5 =	vperm.xlane v5, v3;
	_ =	sdelay $0x1  }
0x173: {  	(xrf0) =	vadd.scan.msk.s32 $0xffff, v5  }
0x174: {  	s30 =	ssub.s32 s30, s31  }
0x175: {  	v5 =	vmov s30  }
0x176: {  	vm0 =	vge.s32 v7, v5  }
0x177: {  	v8 =	vmpcnt.ones.xlane vm0;
	_ =	sdelay $0x1  }
0x178: {  	s1 =	simm.s32 $0x340;
	[tilespmem:s3+$0x18180] =	vst v7;
	s3 =	simm.s32 $0x300;
	v6 =	vadd.s32 v6, v8;
	v7, _, _ =	vpop (xrf0)  }
.LBB2_29:
0x179: {  	p2 =	sne.s32 s3, $0x0;
	v7 =	vperm.xlane v7, v3  }
0x17a: {  	s4 =	spop (v2sf)  }
0x17b: {  	s5 =	sshra.s32 s1, $0x2;
	s1 =	smov.u32 s3;
	v7 =	vadd.s32 s4, v7  }
0x17c: {  	v8 =	vld [tilespmem:s5+$0x18000];
	[tilespmem:s0+$0x18180] =	vst v7;
	vm0 =	vge.s32 v7, v5;
	(v2sf) =	vpush v7, $0x0;
	s0 =	smov.u32 s5  }
0x17d: {  	v7 =	vmpcnt.ones.xlane vm0;
	_ =	sdelay $0x1  }
0x17e: {  	v6 =	vadd.s32 v6, v7;
	_ =	sdelay $0x1  }
0x17f: {  	v7 =	vperm.xlane v8, v3;
	_ =	sdelay $0x1  }
0x180: {  	(xrf0) =	vadd.scan.msk.s32 $0xffff, v7;
	_ =	sdelay $0x1  }
.Ltmp18:
0x181: {  	(pc) =	sbr.rel @p2 .LBB2_29-.Ltmp18, $2  }
0x182: {  	_ =	sdelay $0x2  }
0x183: {  	s3 =	sadd.s32 $0xFFFFFFC0, s3;
	v7, _, _ =	vpop (xrf0)  }
0x184: {  	v7 =	vperm.xlane v7, v3  }
0x185: {  	s3 =	spop (v2sf)  }
0x186: {  	s1 =	sshra.s32 s1, $0x2;
	v7 =	vadd.s32 s3, v7  }
0x187: {  	v8 =	vld [tilespmem:s1+$0x18000];
	(v2sf) =	vpush v7, $0x0;
	_ =	sdelay $0x4  }
0x188: {  	v8 =	vperm.xlane v8, v3;
	_ =	sdelay $0x1  }
0x189: {  	(xrf0) =	vadd.scan.msk.s32 $0xffff, v8;
	_ =	sdelay $0x5  }
0x18a: {  	v8, _, _ =	vpop (xrf0)  }
0x18b: {  	v8 =	vperm.xlane v8, v3  }
0x18c: {  	s5 =	spop (v2sf)  }
0x18d: {  	vm0 =	vge.s32 v7, v5;
	v8 =	vadd.s32 s5, v8  }
0x18e: {  	v9 =	vmpcnt.ones.xlane vm0;
	vm15 =	vge.s32 v8, v5  }
0x18f: {  	v5 =	vmpcnt.ones.xlane vm15  }
0x190: {  	v6 =	vadd.s32 v6, v9  }
0x191: {  	v5 =	vadd.s32 v6, v5  }
0x192: {  	v6 =	vbroadcast v5, $0x0;
	_ =	sdelay $0x3  }
0x193: {  	[tilespmem:s0+$0x18180] =	vst v7  }
0x194: {  	[tilespmem:s1+$0x18180] =	vst v8  }
0x195: {  	v6 =	vld.idx.msk [tilespmem:v6+s17+$0x0], $0xffff  }
0x196: {  	(v2sf) =	vpush v8, $0x0  }
0x197: {  	(v2sf) =	vpush v5, $0x0;
	_ =	sdelay $0x2  }
0x198: {  	[tilespmem:$0x18000] =	vst v1;
	(v2sf) =	vpush v6, $0x0  }
0x199: {  	[tilespmem:$0x18010] =	vst v1  }
0x19a: {  	[tilespmem:$0x18020] =	vst v1  }
0x19b: {  	[tilespmem:$0x18030] =	vst v1  }
0x19c: {  	[tilespmem:$0x18040] =	vst v1  }
0x19d: {  	[tilespmem:$0x18050] =	vst v1  }
0x19e: {  	[tilespmem:$0x18060] =	vst v1  }
0x19f: {  	[tilespmem:$0x18070] =	vst v1  }
0x1a0: {  	[tilespmem:$0x18080] =	vst v1  }
0x1a1: {  	[tilespmem:$0x18090] =	vst v1  }
0x1a2: {  	[tilespmem:$0x180A0] =	vst v1  }
.Ltmp19:
0x1a3: {  	[tilespmem:$0x180B0] =	vst v1;
	s4 =	spop (v2sf);
	(pc) =	sbr.rel @p0 .LBB2_40-.Ltmp19, $4  }
0x1a4: {  	s5 =	sshll.u32 s29, $0x8;
	[tilespmem:$0x180C0] =	vst v1;
	s0 =	spop (v2sf)  }
0x1a5: {  	[tilespmem:$0x180D0] =	vst v1;
	s0 =	sadd.s32 s0, s5  }
0x1a6: {  	[tilespmem:$0x180E0] =	vst v1;
	s29 =	sadd.s32 $0xFFFFFFFF, s0  }
0x1a7: {  	[tilespmem:$0x180F0] =	vst v1;
	v5 =	vmov s29;
	s31 =	spop (v2sf)  }
0x1a8: {  	p4 =	sgt.s32 s24, $0x2  }
.Ltmp20:
0x1a9: {  	_ = 	snop;
	(pc) =	sbr.rel @!p4 .LBB2_32-.Ltmp20, $4  }
0x1aa: {  	_ = 	snop  }
0x1ab: {  	s3 =	simm.s32 $0x10010  }
0x1ac: {  	s0 =	simm.s32 $0x0;
	v10 =	vld [tilespmem:s3+$0x0]  }
0x1ad: {  	s1 =	simm.s32 $0x2;
	p2 =	por $0x0, $0x0;
	p3 =	por $0x0, $0x0;
	v6 =	vld [tilespmem:s3+$0xFFFFFFF0]  }
0x1ae: {  	_ = 	snop  }
0x1af: {  	p4 =	sgt.s32 s24, $0x4  }
.Ltmp21:
0x1b0: {  	_ = 	snop;
	(pc) =	sbr.rel @!p4 .LBB2_62-.Ltmp21, $4  }
0x1b1: {  	s3 =	simm.s32 $0x10030  }
0x1b2: {  	v7 =	vld [tilespmem:s3+$0x0];
	v9 =	vand.u32 $0x7F, v6;
	v6 =	vshrl.u32 v6, $0x7  }
0x1b3: {  	vm0 =	vgt.s32 v4, s0;
	s4 =	simm.s32 $0x1;
	v8 =	vshrl.u32 v10, $0x7;
	vm1 =	veq.s32 v6, v5  }
0x1b4: {  	s0 =	simm.s32 $0x4;
	p2 =	por $0x1, $0x1;
	vm2 =	vgt.s32 v4, s4;
	vm3 =	veq.s32 v8, v5;
	v6 =	vld [tilespmem:s3+$0xFFFFFFF0];
	vm1 =	vmand vm0, vm1  }
0x1b5: {  	_ =	sdelay $0x1  }
0x1b6: {  	p4 =	sgt.s32 s24, $0x6  }
.Ltmp22:
0x1b7: {  	vm0 =	vmand vm2, vm3;
	(pc) =	sbr.rel @!p4 .LBB2_64-.Ltmp22, $4  }
0x1b8: {  	v8 =	vand.u32 $0x7F, v10  }
0x1b9: {  	s3 =	simm.s32 $0x10050;
	vm2 =	vgt.s32 v4, s1;
	[tilespmem:v9+s16+$0x0] =	vst.idx.add.s32.msk vm1, v2;
	v10 =	vshrl.u32 v6, $0x7  }
0x1ba: {  	s4 =	simm.s32 $0x3;
	v12 =	vld [tilespmem:s3+$0x0];
	v11 =	vand.u32 $0x7F, v6;
	vm3 =	veq.s32 v10, v5;
	v10 =	vshrl.u32 v7, $0x7  }
0x1bb: {  	s1 =	simm.s32 $0x6;
	p3 =	por $0x1, $0x1;
	v6 =	vld [tilespmem:s3+$0xFFFFFFF0];
	vm4 =	vmand vm2, vm3;
	vm2 =	vgt.s32 v4, s4;
	vm3 =	veq.s32 v10, v5  }
.LBB2_65:
0x1bc: {  	s4 =	smov.u32 s1;
	s1 =	sadd.s32 $0x2, s1  }
0x1bd: {  	[tilespmem:v8+s16+$0x0] =	vst.idx.add.s32.msk vm0, v2;
	vm0 =	vmand vm2, vm3;
	p4 =	slt.s32 s1, s24  }
.Ltmp23:
0x1be: {  	v8 =	vand.u32 $0x7F, v7;
	(pc) =	sbr.rel @p4 .LBB2_65-.Ltmp23, $4  }
0x1bf: {  	s3 =	sadd.s32 $0x20, s3;
	v7 =	vmov v12  }
0x1c0: {  	v12 =	vld [tilespmem:s3+$0x0];
	v9 =	vand.u32 $0x7F, v6;
	v10 =	vshrl.u32 v6, $0x7  }
0x1c1: {  	vm1 =	vgt.s32 v4, s0;
	s5 =	sadd.s32 $0x1, s0;
	s0 =	smov.u32 s4;
	v6 =	vld [tilespmem:s3+$0xFFFFFFF0];
	vm5 =	veq.s32 v10, v5;
	v10 =	vshrl.u32 v7, $0x7  }
0x1c2: {  	vm2 =	vgt.s32 v4, s5;
	vm3 =	veq.s32 v10, v5;
	[tilespmem:v11+s16+$0x0] =	vst.idx.add.s32.msk vm4, v2;
	vm4 =	vmand vm1, vm5;
	v11 =	vmovc v9  }
0x1c3: {  	_ =	sdelay $0x1  }
0x1c4: {  	v10 =	vmovc v7;
	s1 =	smov.u32 s0;
	vm1 =	vmmov vm4;
	v9 =	vmov v11;
	v7 =	vmov v12  }
.LBB2_67:
0x1c5: {  	v11 =	vshrl.u32 v6, $0x7;
	v12 =	vshrl.u32 v7, $0x7  }
0x1c6: {  	vm2 =	vmand @p2 vm2, vm3;
	v10 =	vand.u32 @p2 $0x7F, v10;
	vm14 =	vgt.s32 v4, s1  }
0x1c7: {  	s0 =	sadd.s32 $0x1, s1;
	vm4 =	veq.s32 v11, v5;
	vm5 =	veq.s32 v12, v5;
	vm2 =	vmmov @p2 vm2  }
0x1c8: {  	vm15 =	vgt.s32 v4, s0;
	v10 =	vpsel p2, v10, v0;
	vm3 =	vmand vm14, vm4  }
0x1c9: {  	v6 =	vand.u32 $0x7F, v6;
	vm4 =	vmand vm15, vm5  }
0x1ca: {  	v7 =	vand.u32 $0x7F, v7  }
0x1cb: {  	[tilespmem:v8+s16+$0x0] =	vst.idx.add.s32.msk @p3 vm0, v2  }
0x1cc: {  	[tilespmem:v9+s16+$0x0] =	vst.idx.add.s32.msk @p2 vm1, v2  }
0x1cd: {  	[tilespmem:v10+s16+$0x0] =	vst.idx.add.s32.msk @p2 vm2, v2  }
0x1ce: {  	[tilespmem:v6+s16+$0x0] =	vst.idx.add.s32.msk vm3, v2  }
0x1cf: {  	[tilespmem:v7+s16+$0x0] =	vst.idx.add.s32.msk vm4, v2  }
.LBB2_40:
.Ltmp24:
0x1d0: {  	(pc) =	sbr.rel @p1 .LBB2_43-.Ltmp24, $1  }
0x1d1: {  	_ =	sdelay $0x3  }
0x1d2: {  	s1 =	sshra.s32 s26, $0x2  }
0x1d3: {  	s0 =	ssub.s32 $0x0, s28;
	s1 =	sadd.s32 $0x10000, s1  }
.LBB2_42:
0x1d4: {  	v6 =	vld [tilespmem:s1+$0x0];
	_ =	sdelay $0x4  }
0x1d5: {  	s3 =	sadd.s32 s0, s23;
	v7 =	vshrl.u32 v6, $0x7  }
0x1d6: {  	vm0 =	vgt.s32 v4, s3;
	vm1 =	veq.s32 v7, v5  }
0x1d7: {  	s0 =	sadd.s32 $0x1, s0;
	vm0 =	vmand vm0, vm1  }
0x1d8: {  	p2 =	seq.s32 s0, $0x0;
	v6 =	vand.u32 $0x7F, v6  }
.Ltmp25:
0x1d9: {  	_ = 	snop;
	(pc) =	sbr.rel @!p2 .LBB2_42-.Ltmp25, $2  }
0x1da: {  	_ =	sdelay $0x2  }
0x1db: {  	s1 =	sadd.s32 $0x10, s1;
	[tilespmem:v6+s16+$0x0] =	vst.idx.add.s32.msk vm0, v2  }
.LBB2_43:
0x1dc: {  	v6 =	vimm.s32 $0x0  }
0x1dd: {  	s3 =	simm.s32 $0x70;
	[tilespmem:$0x18200] =	vst v6  }
0x1de: {  	v5 =	vld [tilespmem:s3+$0x18000];
	_ =	sdelay $0x4  }
0x1df: {  	v5 =	vperm.xlane v5, v3;
	_ =	sdelay $0x1  }
0x1e0: {  	(xrf0) =	vadd.scan.msk.s32 $0xffff, v5;
	_ =	sdelay $0x5  }
0x1e1: {  	v7, _, _ =	vpop (xrf0)  }
0x1e2: {  	v7 =	vperm.xlane v7, v3  }
0x1e3: {  	s1 =	simm.s32 $0x0  }
0x1e4: {  	s0 =	simm.s32 $0x60;
	v7 =	vadd.s32 s1, v7  }
0x1e5: {  	v5 =	vld [tilespmem:s0+$0x18000];
	(v2sf) =	vpush v7, $0x0;
	_ =	sdelay $0x4  }
0x1e6: {  	v5 =	vperm.xlane v5, v3;
	_ =	sdelay $0x1  }
0x1e7: {  	(xrf0) =	vadd.scan.msk.s32 $0xffff, v5  }
0x1e8: {  	s28 =	ssub.s32 s30, s31  }
0x1e9: {  	v5 =	vmov s28  }
0x1ea: {  	vm0 =	vge.s32 v7, v5  }
0x1eb: {  	v8 =	vmpcnt.ones.xlane vm0;
	_ =	sdelay $0x1  }
0x1ec: {  	s1 =	simm.s32 $0x140;
	[tilespmem:s3+$0x18180] =	vst v7;
	s3 =	simm.s32 $0x100;
	v6 =	vadd.s32 v6, v8;
	v7, _, _ =	vpop (xrf0)  }
.LBB2_44:
0x1ed: {  	p2 =	sne.s32 s3, $0x0;
	v7 =	vperm.xlane v7, v3  }
0x1ee: {  	s4 =	spop (v2sf)  }
0x1ef: {  	s5 =	sshra.s32 s1, $0x2;
	s1 =	smov.u32 s3;
	v7 =	vadd.s32 s4, v7  }
0x1f0: {  	v8 =	vld [tilespmem:s5+$0x18000];
	[tilespmem:s0+$0x18180] =	vst v7;
	vm0 =	vge.s32 v7, v5;
	(v2sf) =	vpush v7, $0x0;
	s0 =	smov.u32 s5  }
0x1f1: {  	v7 =	vmpcnt.ones.xlane vm0;
	_ =	sdelay $0x1  }
0x1f2: {  	v6 =	vadd.s32 v6, v7;
	_ =	sdelay $0x1  }
0x1f3: {  	v7 =	vperm.xlane v8, v3;
	_ =	sdelay $0x1  }
0x1f4: {  	(xrf0) =	vadd.scan.msk.s32 $0xffff, v7;
	_ =	sdelay $0x1  }
.Ltmp26:
0x1f5: {  	(pc) =	sbr.rel @p2 .LBB2_44-.Ltmp26, $2  }
0x1f6: {  	_ =	sdelay $0x2  }
0x1f7: {  	s3 =	sadd.s32 $0xFFFFFFC0, s3;
	v7, _, _ =	vpop (xrf0)  }
0x1f8: {  	v7 =	vperm.xlane v7, v3  }
0x1f9: {  	s3 =	spop (v2sf)  }
0x1fa: {  	s1 =	sshra.s32 s1, $0x2;
	v7 =	vadd.s32 s3, v7  }
0x1fb: {  	v8 =	vld [tilespmem:s1+$0x18000];
	(v2sf) =	vpush v7, $0x0;
	_ =	sdelay $0x4  }
0x1fc: {  	v8 =	vperm.xlane v8, v3;
	_ =	sdelay $0x1  }
0x1fd: {  	(xrf0) =	vadd.scan.msk.s32 $0xffff, v8;
	_ =	sdelay $0x5  }
0x1fe: {  	v8, _, _ =	vpop (xrf0)  }
0x1ff: {  	v8 =	vperm.xlane v8, v3  }
0x200: {  	s4 =	spop (v2sf)  }
0x201: {  	vm0 =	vge.s32 v7, v5;
	v8 =	vadd.s32 s4, v8  }
0x202: {  	v9 =	vmpcnt.ones.xlane vm0;
	vm15 =	vge.s32 v8, v5  }
0x203: {  	v5 =	vmpcnt.ones.xlane vm15  }
0x204: {  	v6 =	vadd.s32 v6, v9  }
0x205: {  	v5 =	vadd.s32 v6, v5  }
0x206: {  	v6 =	vbroadcast v5, $0x0;
	_ =	sdelay $0x3  }
0x207: {  	[tilespmem:s0+$0x18180] =	vst v7  }
0x208: {  	[tilespmem:s1+$0x18180] =	vst v8  }
0x209: {  	v6 =	vld.idx.msk [tilespmem:v6+s17+$0x0], $0xffff  }
0x20a: {  	(v2sf) =	vpush v8, $0x0  }
0x20b: {  	(v2sf) =	vpush v5, $0x0;
	_ =	sdelay $0x2  }
0x20c: {  	(v2sf) =	vpush v6, $0x0;
	_ =	sdelay $0xa  }
.Ltmp27:
0x20d: {  	s5 =	spop (v2sf);
	(pc) =	sbr.rel @p0 .LBB2_46-.Ltmp27, $4  }
0x20e: {  	s31 =	sshll.u32 s29, $0x7;
	s0 =	spop (v2sf)  }
0x20f: {  	s0 =	sadd.s32 s0, s31  }
0x210: {  	s29 =	sadd.s32 $0xFFFFFFFF, s0  }
0x211: {  	v5 =	vmov s29;
	s30 =	spop (v2sf)  }
0x212: {  	p2 =	sgt.s32 s24, $0x2  }
.Ltmp28:
0x213: {  	_ = 	snop;
	(pc) =	sbr.rel @!p2 .LBB2_69-.Ltmp28, $4  }
0x214: {  	_ = 	snop  }
0x215: {  	s3 =	simm.s32 $0x10010  }
0x216: {  	v8 =	vld [tilespmem:s3+$0xFFFFFFF0]  }
0x217: {  	s1 =	simm.s32 $0x0;
	v6 =	vimm.s32 $0x7FFFFFFF;
	s0 =	simm.s32 $0x2;
	p0 =	por $0x0, $0x0;
	v7 =	vld [tilespmem:s3+$0x0]  }
0x218: {  	_ =	sdelay $0x1  }
0x219: {  	p2 =	sgt.s32 s24, $0x4  }
.Ltmp29:
0x21a: {  	vm0 =	vgt.s32 v4, s1;
	vm1 =	vgt.s32 v8, v5;
	vm2 =	vlt.s32 v6, v8;
	(pc) =	sbr.rel @!p2 .LBB2_71-.Ltmp29, $4  }
0x21b: {  	s1 =	simm.s32 $0x10030;
	vm0 =	vmand vm0, vm1;
	v8 =	vsel vm2, v6, v8  }
0x21c: {  	s3 =	simm.s32 $0x1;
	v9 =	vsel vm0, v8, v6;
	v8 =	vld [tilespmem:s1+$0xFFFFFFF0]  }
0x21d: {  	vm1 =	vgt.s32 v7, v5;
	vm0 =	vgt.s32 v4, s3;
	vm2 =	vlt.s32 v9, v7  }
0x21e: {  	p0 =	por $0x1, $0x1;
	v10 =	vld [tilespmem:s1+$0x0];
	s3 =	simm.s32 $0x4;
	vm0 =	vmand vm0, vm1;
	v11 =	vsel vm2, v9, v7  }
.LBB2_72:
0x21f: {  	s4 =	smov.u32 s3;
	s3 =	sadd.s32 $0x2, s3  }
0x220: {  	v7 =	vsel vm0, v11, v9;
	p2 =	slt.s32 s3, s24  }
.Ltmp30:
0x221: {  	vm0 =	vgt.s32 v4, s0;
	s1 =	sadd.s32 $0x20, s1;
	vm1 =	vgt.s32 v8, v5;
	vm2 =	vlt.s32 v7, v8;
	(pc) =	sbr.rel @p2 .LBB2_72-.Ltmp30, $4  }
0x222: {  	vm0 =	vmand vm0, vm1;
	v9 =	vsel vm2, v7, v8;
	v8 =	vld [tilespmem:s1+$0xFFFFFFF0]  }
0x223: {  	s5 =	sadd.s32 $0x1, s0;
	s0 =	smov.u32 s4;
	v9 =	vsel vm0, v9, v7  }
0x224: {  	vm0 =	vgt.s32 v4, s5;
	vm1 =	vgt.s32 v10, v5;
	vm2 =	vlt.s32 v9, v10  }
0x225: {  	vm0 =	vmand vm0, vm1;
	v11 =	vsel vm2, v9, v10;
	v10 =	vld [tilespmem:s1+$0x0]  }
0x226: {  	_ =	sdelay $0x3  }
0x227: {  	s1 =	smov.u32 s0;
	v7 =	vmov v10  }
.LBB2_74:
0x228: {  	v9 =	vsel @p0 vm0, v11, v9  }
0x229: {  	v6 =	vpsel p0, v9, v6  }
0x22a: {  	vm12 =	vgt.s32 v4, s1;
	vm1 =	vgt.s32 v8, v5;
	vm2 =	vlt.s32 v6, v8  }
.Ltmp31:
0x22b: {  	vm0 =	vmand vm12, vm1;
	v8 =	vsel vm2, v6, v8;
	(pc) =	sbr.rel .LBB2_47-.Ltmp31, $4  }
0x22c: {  	s0 =	sadd.s32 $0x1, s1;
	v6 =	vsel vm0, v8, v6  }
0x22d: {  	vm14 =	vgt.s32 v7, v5;
	vm13 =	vgt.s32 v4, s0;
	vm15 =	vlt.s32 v6, v7  }
0x22e: {  	vm0 =	vmand vm13, vm14;
	v7 =	vsel vm15, v6, v7  }
0x22f: {  	v6 =	vsel vm0, v7, v6  }
.LBB2_46:
0x230: {  	v6 =	vimm.s32 $0x7FFFFFFF  }
.LBB2_47:
.Ltmp32:
0x231: {  	(pc) =	sbr.rel @p1 .LBB2_50-.Ltmp32, $1  }
0x232: {  	_ =	sdelay $0x3  }
0x233: {  	s0 =	sshra.s32 s26, $0x2  }
0x234: {  	v7 =	vbroadcast v5, $0x0;
	s0 =	sadd.s32 $0x10000, s0  }
.LBB2_49:
0x235: {  	v8 =	vld [tilespmem:s0+$0x0];
	_ =	sdelay $0x2  }
0x236: {  	s1 =	sadd.s32 s25, s23;
	s25 =	sadd.s32 $0x1, s25  }
0x237: {  	p0 =	seq.s32 s25, $0x0  }
.Ltmp33:
0x238: {  	vm0 =	vgt.s32 v4, s1;
	vm1 =	vgt.s32 v8, v7;
	(pc) =	sbr.rel @!p0 .LBB2_49-.Ltmp33, $4  }
0x239: {  	vm0 =	vmand vm0, vm1  }
0x23a: {  	v8 =	vnsel vm0, $0x7FFFFFFF, v8  }
0x23b: {  	vm0 =	vlt.s32 v6, v8  }
0x23c: {  	s0 =	sadd.s32 $0x10, s0;
	v6 =	vsel vm0, v6, v8  }
.LBB2_50:
0x23d: {  	v4 =	vxor.u32 $0x80000000, v6  }
0x23e: {  	(xrf0) =	vmin.scan.msk.u32 $0xffff, v4;
	_ =	sdelay $0x5  }
0x23f: {  	v4, _, _ =	vpop (xrf0)  }
0x240: {  	(v2sf) =	vpush v4, $0xF;
	_ =	sdelay $0xe  }
0x241: {  	s0 =	ssub.s32 s28, s30;
	s1 =	spop (v2sf)  }
0x242: {  	p0 =	seq.s32 s0, $0x1;
	s0 =	sxor.u32 $0x80000000, s1  }
0x243: {  	s29 =	smov.u32 @p0 s0  }
0x244: {  	s23 =	simm.s32 $0x40;
	v4 =	vmov s29  }
0x245: {  	v12 =	vld [tilespmem:s23+$0x30];
	v4 =	vsub.f32 v4, v5  }
0x246: {  	v8 =	vld [tilespmem:s23+$0xFFFFFFD0]  }
0x247: {  	v10 =	vld [tilespmem:s23+$0xFFFFFFE0];
	v4 =	vmul.f32 $7.812500000e-03, v4;
	_ =	sdelay $0x1  }
0x248: {  	v7 =	vld [tilespmem:s23+$0x0];
	v4 =	vadd.f32 v5, v4  }
0x249: {  	v5 =	vld [tilespmem:s23+$0xFFFFFFF0]  }
0x24a: {  	v6 =	vld [tilespmem:s23+$0x10];
	v11 =	vand.u32 $0x7FFFFFFF, v12;
	v4 =	vbroadcast v4, $0x0  }
0x24b: {  	v13 =	vand.u32 $0x7FFFFFFF, v8;
	v9 =	vand.u32 $0x80000000, v8;
	v8 =	vld [tilespmem:s23+$0x20];
	v15 =	vand.u32 $0x7FFFFFFF, v10  }
0x24c: {  	v10 =	vand.u32 $0x80000000, v10;
	v12 =	vand.u32 $0x80000000, v12;
	v14 =	vsub.f32 v11, v4;
	v11 =	vld [tilespmem:s23+$0xFFFFFFC0]  }
0x24d: {  	v13 =	vsub.f32 v13, v4;
	v17 =	vsub.f32 v15, v4;
	v15 =	vand.u32 $0x7FFFFFFF, v7  }
0x24e: {  	v16 =	vand.u32 $0x7FFFFFFF, v5;
	v19 =	vsub.f32 v15, v4;
	v14 =	vmax.f32 v14, $0.0e+00  }
0x24f: {  	v16 =	vsub.f32 v16, v4;
	v18 =	vor.u32 v14, v12;
	v14 =	vand.u32 $0x7FFFFFFF, v6  }
0x250: {  	v12 =	vmax.f32 v13, $0.0e+00;
	v13 =	vand.u32 $0x7FFFFFFF, v8;
	v15 =	vsub.f32 v14, v4  }
0x251: {  	v14 =	vmax.f32 v17, $0.0e+00;
	v17 =	vsub.f32 v13, v4;
	v20 =	vand.u32 $0x7FFFFFFF, v11  }
0x252: {  	s24 =	simm.s32 $0x0;
	s25 =	simm.s32 $0xC0;
	[tilespmem:s23+$0x30] =	vst v18;
	v16 =	vmax.f32 v16, $0.0e+00;
	v13 =	vmax.f32 v19, $0.0e+00;
	v18 =	vsub.f32 v20, v4  }
.LBB2_51:
0x253: {  	v19 =	vld [tilespmem:s25+$0x30];
	s24 =	sadd.s32 $0x8, s24;
	v11 =	vand.u32 $0x80000000, v11;
	v15 =	vmax.f32 v15, $0.0e+00;
	v17 =	vmax.f32 v17, $0.0e+00  }
0x254: {  	v21 =	vand.u32 $0x80000000, v5;
	v22 =	vand.u32 $0x80000000, v7;
	v20 =	vld [tilespmem:s25+$0xFFFFFFD0];
	p0 =	slt.u32 s24, $0x7F8;
	v18 =	vmax.f32 v18, $0.0e+00  }
0x255: {  	v6 =	vand.u32 $0x80000000, v6;
	v8 =	vand.u32 $0x80000000, v8;
	v23 =	vld [tilespmem:s25+$0xFFFFFFE0];
	v7 =	vor.u32 v18, v11  }
0x256: {  	v9 =	vor.u32 v12, v9;
	v10 =	vor.u32 v14, v10;
	v11 =	vor.u32 v16, v21;
	v5 =	vld [tilespmem:s25+$0xFFFFFFF0];
	[tilespmem:s23+$0xFFFFFFC0] =	vst v7  }
0x257: {  	v12 =	vor.u32 v13, v22;
	v13 =	vor.u32 v15, v6;
	v14 =	vor.u32 v17, v8;
	v7 =	vld [tilespmem:s25+$0x0];
	[tilespmem:s23+$0xFFFFFFD0] =	vst v9  }
0x258: {  	v6 =	vld [tilespmem:s25+$0x10];
	v15 =	vand.u32 $0x7FFFFFFF, v19;
	[tilespmem:s23+$0xFFFFFFE0] =	vst v10  }
0x259: {  	v10 =	vand.u32 $0x7FFFFFFF, v20;
	v9 =	vand.u32 $0x80000000, v20;
	v8 =	vld [tilespmem:s25+$0x20];
	v15 =	vsub.f32 v15, v4;
	[tilespmem:s23+$0xFFFFFFF0] =	vst v11  }
0x25a: {  	v11 =	vld [tilespmem:s25+$0xFFFFFFC0];
	v16 =	vsub.f32 v10, v4;
	v17 =	vand.u32 $0x7FFFFFFF, v23;
	v10 =	vand.u32 $0x80000000, v23;
	[tilespmem:s23+$0x0] =	vst v12  }
0x25b: {  	v18 =	vand.u32 $0x80000000, v19;
	v12 =	vand.u32 $0x7FFFFFFF, v5;
	v15 =	vmax.f32 v15, $0.0e+00;
	[tilespmem:s23+$0x10] =	vst v13  }
.Ltmp34:
0x25c: {  	v13 =	vsub.f32 v17, v4;
	v17 =	vand.u32 $0x7FFFFFFF, v7;
	v15 =	vor.u32 v15, v18;
	[tilespmem:s23+$0x20] =	vst v14;
	s23 =	smov.u32 s25;
	(pc) =	sbr.rel @p0 .LBB2_51-.Ltmp34, $4  }
0x25d: {  	v19 =	vsub.f32 v12, v4;
	v20 =	vsub.f32 v17, v4;
	v14 =	vand.u32 $0x7FFFFFFF, v6;
	[tilespmem:s25+$0x30] =	vst v15  }
0x25e: {  	v12 =	vmax.f32 v16, $0.0e+00;
	v15 =	vsub.f32 v14, v4;
	v16 =	vand.u32 $0x7FFFFFFF, v8  }
0x25f: {  	v14 =	vmax.f32 v13, $0.0e+00;
	v18 =	vand.u32 $0x7FFFFFFF, v11;
	v17 =	vsub.f32 v16, v4  }
0x260: {  	s25 =	sadd.s32 $0x80, s25;
	v16 =	vmax.f32 v19, $0.0e+00;
	v13 =	vmax.f32 v20, $0.0e+00;
	v18 =	vsub.f32 v18, v4  }
0x261: {  	_ = 	snop  }
0x262: {  	v4 =	vand.u32 $0x80000000, v11;
	v60 =	vor.u32 v14, v10;
	v59 =	vmax.f32 v18, $0.0e+00  }
0x263: {  	[tilespmem:s23+$0xFFFFFFE0] =	vst v60;
	v4 =	vor.u32 v59, v4  }
0x264: {  	v5 =	vand.u32 $0x80000000, v5;
	[tilespmem:s23+$0xFFFFFFC0] =	vst v4;
	v4 =	vor.u32 v12, v9  }
0x265: {  	v5 =	vor.u32 v16, v5;
	[tilespmem:s23+$0xFFFFFFD0] =	vst v4;
	v4 =	vand.u32 $0x80000000, v7  }
0x266: {  	v6 =	vand.u32 $0x80000000, v6;
	[tilespmem:s23+$0xFFFFFFF0] =	vst v5;
	v7 =	vmax.f32 v15, $0.0e+00;
	v4 =	vor.u32 v13, v4  }
0x267: {  	v8 =	vand.u32 $0x80000000, v8;
	v5 =	vmax.f32 v17, $0.0e+00;
	v6 =	vor.u32 v7, v6;
	[tilespmem:s23+$0x0] =	vst v4  }
0x268: {  	v4 =	vor.u32 v5, v8;
	[tilespmem:s23+$0x10] =	vst v6  }
0x269: {  	[tilespmem:s23+$0x20] =	vst v4  }
0x26a: {  	s0 =	rddreg [dreg:$0x5]  }
0x26b: {  	[hbm4b:s0+s12] =	stream.strided.scatter [tilespmem:s2], [sflag:$0x3], $0x8000, s13, s12, $0x38;
	[tilespmem:$0x18300] =	vst v63  }
0x26c: {  	_ =	swait.ge [sflag:s19], $0x8000  }
0x26d: {  	[sflag:s19] =	ssyncset.done $0x0  }
0x26e: {  	[sflag:s19] =	ssyncadd.s32 $0xFFFF8000  }
0x26f: {  	[tilespmem:s2], [sflag:$0x1] =	stream.strided.gather [hbm4b:s6+s12], $0x8000, s13, s12, $0x38;
	[tilespmem:$0x18300] =	vst v63  }
0x270: {  	_ =	swait.ge [sflag:s20], $0x8000  }
0x271: {  	[sflag:s20] =	ssyncset.done $0x0  }
0x272: {  	[sflag:s20] =	ssyncadd.s32 $0xFFFF8000  }
0x273: {  	[tilespmem:$0x18000] =	vst v1  }
0x274: {  	[tilespmem:$0x18010] =	vst v1  }
0x275: {  	[tilespmem:$0x18020] =	vst v1  }
0x276: {  	[tilespmem:$0x18030] =	vst v1  }
0x277: {  	[tilespmem:$0x18040] =	vst v1  }
0x278: {  	[tilespmem:$0x18050] =	vst v1  }
0x279: {  	[tilespmem:$0x18060] =	vst v1  }
0x27a: {  	[tilespmem:$0x18070] =	vst v1  }
0x27b: {  	[tilespmem:$0x18080] =	vst v1  }
0x27c: {  	[tilespmem:$0x18090] =	vst v1  }
0x27d: {  	[tilespmem:$0x180A0] =	vst v1  }
0x27e: {  	[tilespmem:$0x180B0] =	vst v1  }
0x27f: {  	[tilespmem:$0x180C0] =	vst v1  }
0x280: {  	[tilespmem:$0x180D0] =	vst v1  }
0x281: {  	[tilespmem:$0x180E0] =	vst v1  }
0x282: {  	s31 =	simm.s32 $0x8040;
	[tilespmem:$0x180F0] =	vst v1  }
0x283: {  	v4 =	vld [tilespmem:s31+$0x30]  }
0x284: {  	v5 =	vld [tilespmem:s31+$0xFFFFFFD0]  }
0x285: {  	v6 =	vld [tilespmem:s31+$0xFFFFFFE0]  }
0x286: {  	v7 =	vld [tilespmem:s31+$0xFFFFFFF0]  }
0x287: {  	v8 =	vld [tilespmem:s31+$0x0]  }
0x288: {  	v4 =	vshrl.u32 v4, $0x17  }
0x289: {  	v5 =	vshrl.u32 v5, $0x17;
	v4 =	vand.u32 $0xFF, v4  }
0x28a: {  	v61 =	vld [tilespmem:s31+$0x10];
	v6 =	vshrl.u32 v6, $0x17;
	v5 =	vand.u32 $0xFF, v5  }
0x28b: {  	v62 =	vld [tilespmem:s31+$0x20];
	v7 =	vshrl.u32 v7, $0x17;
	v6 =	vand.u32 $0xFF, v6  }
0x28c: {  	v63 =	vld [tilespmem:s31+$0xFFFFFFC0];
	v8 =	vshrl.u32 v8, $0x17;
	v7 =	vand.u32 $0xFF, v7  }
0x28d: {  	v8 =	vand.u32 $0xFF, v8  }
0x28e: {  	[tilespmem:v4+s16+$0x0] =	vst.idx.add.s32.msk $0xffff, v2  }
0x28f: {  	[tilespmem:v5+s16+$0x0] =	vst.idx.add.s32.msk $0xffff, v2  }
0x290: {  	[tilespmem:v6+s16+$0x0] =	vst.idx.add.s32.msk $0xffff, v2  }
0x291: {  	v4 =	vshrl.u32 v61, $0x17;
	v5 =	vshrl.u32 v62, $0x17;
	v6 =	vshrl.u32 v63, $0x17;
	[tilespmem:v7+s16+$0x0] =	vst.idx.add.s32.msk $0xffff, v2  }
0x292: {  	s23 =	simm.s32 $0x80C0;
	s0 =	simm.s32 $0x0;
	[tilespmem:v8+s16+$0x0] =	vst.idx.add.s32.msk $0xffff, v2;
	v4 =	vand.u32 $0xFF, v4;
	v5 =	vand.u32 $0xFF, v5;
	v6 =	vand.u32 $0xFF, v6  }
.LBB2_53:
0x293: {  	v7 =	vld [tilespmem:s23+$0x30];
	s0 =	sadd.s32 $0x8, s0  }
0x294: {  	v8 =	vld [tilespmem:s23+$0xFFFFFFD0];
	p0 =	slt.u32 s0, $0x7F8  }
0x295: {  	v9 =	vld [tilespmem:s23+$0xFFFFFFE0]  }
0x296: {  	v10 =	vld [tilespmem:s23+$0xFFFFFFF0]  }
0x297: {  	v11 =	vld [tilespmem:s23+$0x0]  }
0x298: {  	v12 =	vld [tilespmem:s23+$0x10];
	v7 =	vshrl.u32 v7, $0x17  }
0x299: {  	v8 =	vshrl.u32 v8, $0x17;
	v13 =	vld [tilespmem:s23+$0x20];
	v7 =	vand.u32 $0xFF, v7  }
0x29a: {  	v14 =	vld [tilespmem:s23+$0xFFFFFFC0];
	v8 =	vand.u32 $0xFF, v8;
	v9 =	vshrl.u32 v9, $0x17  }
0x29b: {  	v9 =	vand.u32 $0xFF, v9;
	v10 =	vshrl.u32 v10, $0x17;
	[tilespmem:v6+s16+$0x0] =	vst.idx.add.s32.msk $0xffff, v2  }
0x29c: {  	v10 =	vand.u32 $0xFF, v10;
	v6 =	vshrl.u32 v11, $0x17;
	[tilespmem:v4+s16+$0x0] =	vst.idx.add.s32.msk $0xffff, v2  }
0x29d: {  	v11 =	vand.u32 $0xFF, v6;
	v4 =	vshrl.u32 v12, $0x17;
	[tilespmem:v5+s16+$0x0] =	vst.idx.add.s32.msk $0xffff, v2  }
.Ltmp35:
0x29e: {  	v4 =	vand.u32 $0xFF, v4;
	v5 =	vshrl.u32 v13, $0x17;
	[tilespmem:v7+s16+$0x0] =	vst.idx.add.s32.msk $0xffff, v2;
	(pc) =	sbr.rel @p0 .LBB2_53-.Ltmp35, $4  }
0x29f: {  	v6 =	vshrl.u32 v14, $0x17;
	[tilespmem:v8+s16+$0x0] =	vst.idx.add.s32.msk $0xffff, v2;
	v5 =	vand.u32 $0xFF, v5  }
0x2a0: {  	v6 =	vand.u32 $0xFF, v6;
	[tilespmem:v9+s16+$0x0] =	vst.idx.add.s32.msk $0xffff, v2  }
0x2a1: {  	[tilespmem:v10+s16+$0x0] =	vst.idx.add.s32.msk $0xffff, v2  }
0x2a2: {  	s23 =	sadd.s32 $0x80, s23;
	[tilespmem:v11+s16+$0x0] =	vst.idx.add.s32.msk $0xffff, v2  }
0x2a3: {  	_ =	sdelay $0x3  }
0x2a4: {  	[tilespmem:v6+s16+$0x0] =	vst.idx.add.s32.msk $0xffff, v2  }
0x2a5: {  	[tilespmem:v4+s16+$0x0] =	vst.idx.add.s32.msk $0xffff, v2  }
0x2a6: {  	[tilespmem:v5+s16+$0x0] =	vst.idx.add.s32.msk $0xffff, v2;
	v4 =	vimm.s32 $0x0  }
0x2a7: {  	s3 =	simm.s32 $0xF0;
	[tilespmem:$0x18280] =	vst v4  }
0x2a8: {  	v5 =	vld [tilespmem:s3+$0x18000];
	_ =	sdelay $0x4  }
0x2a9: {  	v5 =	vperm.xlane v5, v3;
	_ =	sdelay $0x1  }
0x2aa: {  	(xrf0) =	vadd.scan.msk.s32 $0xffff, v5  }
0x2ab: {  	s0 =	simm.s32 $0xE0  }
0x2ac: {  	v5 =	vld [tilespmem:s0+$0x18000];
	_ =	sdelay $0x3  }
0x2ad: {  	v6, _, _ =	vpop (xrf0)  }
0x2ae: {  	v5 =	vperm.xlane v5, v3;
	v6 =	vperm.xlane v6, v3  }
0x2af: {  	s1 =	simm.s32 $0x0  }
0x2b0: {  	(xrf0) =	vadd.scan.msk.s32 $0xffff, v5;
	v5 =	vadd.s32 s1, v6  }
0x2b1: {  	(v2sf) =	vpush v5, $0x0;
	_ =	sdelay $0x9  }
0x2b2: {  	vm0 =	vgt.s32 v5, $0x100  }
0x2b3: {  	v6 =	vmpcnt.ones.xlane vm0;
	_ =	sdelay $0x1  }
0x2b4: {  	s1 =	simm.s32 $0x340;
	[tilespmem:s3+$0x18180] =	vst v5;
	s3 =	simm.s32 $0x300;
	v4 =	vadd.s32 v4, v6;
	v5, _, _ =	vpop (xrf0)  }
.LBB2_55:
0x2b5: {  	p0 =	sne.s32 s3, $0x0;
	v5 =	vperm.xlane v5, v3  }
0x2b6: {  	s4 =	spop (v2sf)  }
0x2b7: {  	s5 =	sshra.s32 s1, $0x2;
	s1 =	smov.u32 s3;
	v5 =	vadd.s32 s4, v5  }
0x2b8: {  	v6 =	vld [tilespmem:s5+$0x18000];
	[tilespmem:s0+$0x18180] =	vst v5;
	vm0 =	vgt.s32 v5, $0x100;
	(v2sf) =	vpush v5, $0x0;
	s0 =	smov.u32 s5  }
0x2b9: {  	v5 =	vmpcnt.ones.xlane vm0;
	_ =	sdelay $0x1  }
0x2ba: {  	v4 =	vadd.s32 v4, v5;
	_ =	sdelay $0x1  }
0x2bb: {  	v5 =	vperm.xlane v6, v3;
	_ =	sdelay $0x1  }
0x2bc: {  	(xrf0) =	vadd.scan.msk.s32 $0xffff, v5;
	_ =	sdelay $0x1  }
.Ltmp36:
0x2bd: {  	(pc) =	sbr.rel @p0 .LBB2_55-.Ltmp36, $2  }
0x2be: {  	_ =	sdelay $0x2  }
0x2bf: {  	s3 =	sadd.s32 $0xFFFFFFC0, s3;
	v5, _, _ =	vpop (xrf0)  }
0x2c0: {  	v5 =	vperm.xlane v5, v3  }
0x2c1: {  	s3 =	spop (v2sf)  }
0x2c2: {  	s1 =	sshra.s32 s1, $0x2;
	v5 =	vadd.s32 s3, v5  }
0x2c3: {  	v6 =	vld [tilespmem:s1+$0x18000];
	(v2sf) =	vpush v5, $0x0;
	_ =	sdelay $0x4  }
0x2c4: {  	v6 =	vperm.xlane v6, v3;
	_ =	sdelay $0x1  }
0x2c5: {  	(xrf0) =	vadd.scan.msk.s32 $0xffff, v6;
	_ =	sdelay $0x5  }
0x2c6: {  	v6, _, _ =	vpop (xrf0)  }
0x2c7: {  	v6 =	vperm.xlane v6, v3  }
0x2c8: {  	s26 =	spop (v2sf)  }
0x2c9: {  	vm0 =	vgt.s32 v5, $0x100;
	v6 =	vadd.s32 s26, v6  }
0x2ca: {  	v7 =	vmpcnt.ones.xlane vm0;
	vm0 =	vgt.s32 v6, $0x100  }
0x2cb: {  	v8 =	vmpcnt.ones.xlane vm0  }
0x2cc: {  	v4 =	vadd.s32 v4, v7  }
0x2cd: {  	(v2sf) =	vpush v6, $0x0;
	v4 =	vadd.s32 v4, v8  }
0x2ce: {  	(v2sf) =	vpush v4, $0x0;
	_ =	sdelay $0x8  }
0x2cf: {  	[tilespmem:s0+$0x18180] =	vst v5  }
0x2d0: {  	s28 =	simm.s32 $0x8040;
	[tilespmem:s1+$0x18180] =	vst v6  }
0x2d1: {  	v5 =	vld [tilespmem:s28+$0x20]  }
0x2d2: {  	v9 =	vld [tilespmem:s28+$0x0]  }
0x2d3: {  	v12 =	vld [tilespmem:s28+$0xFFFFFFC0]  }
0x2d4: {  	v13 =	vld [tilespmem:s28+$0xFFFFFFD0];
	s30 =	spop (v2sf)  }
0x2d5: {  	v14 =	vld [tilespmem:s28+$0xFFFFFFE0];
	s1 =	spop (v2sf)  }
0x2d6: {  	v6 =	vld [tilespmem:s28+$0x30];
	v11 =	vbroadcast v4, $0x0;
	s29 =	sadd.s32 $0xFFFFFFFF, s1  }
0x2d7: {  	v15 =	vlaneseq.u32;
	v10 =	vld [tilespmem:s28+$0xFFFFFFF0];
	s1 =	sshll.u32 s29, $0x17  }
0x2d8: {  	s31 =	simm.s32 $0x80C0;
	v7 =	vld [tilespmem:s28+$0x10];
	v5 =	vand.u32 $0x7FFFFFFF, v5;
	v12 =	vand.u32 $0x7FFFFFFF, v12;
	v4 =	vmov s1  }
0x2d9: {  	v18 =	vld [tilespmem:s31+$0x20];
	v21 =	vand.u32 $0x7FFFFFFF, v9;
	v9 =	vand.u32 $0x7FFFFFFF, v13;
	vm1 =	vge.s32 v12, v4  }
0x2da: {  	v22 =	vld [tilespmem:s31+$0x10];
	v16 =	vand.u32 $0x7FFFFFFF, v14;
	vm2 =	vge.s32 v9, v4;
	v13 =	vsel vm1, $0x10, v1  }
0x2db: {  	v23 =	vld [tilespmem:s31+$0x0];
	vm3 =	vge.s32 v16, v4;
	v14 =	vadd.s32 v15, v13;
	v13 =	vsel vm2, $0x10, v1  }
0x2dc: {  	v8 =	vand.u32 $0x7FFFFFFF, v6;
	v6 =	vld.idx.msk [tilespmem:v11+s17+$0x0], $0xffff;
	v11 =	vand.u32 $0x7FFFFFFF, v10;
	v19 =	vadd.s32 v14, v13  }
0x2dd: {  	v7 =	vand.u32 $0x7FFFFFFF, v7;
	v10 =	vld [tilespmem:s31+$0x30];
	vm4 =	vge.s32 v11, v4;
	v13 =	vsel vm3, $0x10, v1  }
0x2de: {  	v25 =	vld [tilespmem:s31+$0xFFFFFFC0];
	vm5 =	vge.s32 v21, v4;
	v24 =	vadd.s32 v19, v13;
	v13 =	vsel vm4, $0x10, v1  }
0x2df: {  	v17 =	vld [tilespmem:s31+$0xFFFFFFF0];
	vm0 =	vge.s32 v7, v4;
	v26 =	vadd.s32 v24, v13;
	v13 =	vsel vm5, $0x10, v1;
	[tilespmem:v15+s18+$0x0] =	vst.idx.msk vm1, v12  }
0x2e0: {  	v20 =	vld [tilespmem:s31+$0xFFFFFFD0];
	v13 =	vadd.s32 v26, v13;
	v12 =	vsel vm0, $0x10, v1;
	vm1 =	vge.s32 v5, v4;
	[tilespmem:v14+s18+$0x0] =	vst.idx.msk vm2, v9  }
0x2e1: {  	v14 =	vadd.s32 v13, v12;
	v9 =	vsel vm1, $0x10, v1;
	vm2 =	vge.s32 v8, v4;
	[tilespmem:v19+s18+$0x0] =	vst.idx.msk vm3, v16;
	v19 =	vld [tilespmem:s31+$0xFFFFFFE0]  }
0x2e2: {  	v10 =	vand.u32 $0x7FFFFFFF, v10;
	v15 =	vadd.s32 v14, v9  }
0x2e3: {  	v12 =	vand.u32 $0x7FFFFFFF, v25;
	v9 =	vsel vm2, $0x10, v1;
	v16 =	vand.u32 $0x7FFFFFFF, v18;
	[tilespmem:v24+s18+$0x0] =	vst.idx.msk vm4, v11  }
0x2e4: {  	s23 =	simm.s32 $0x8;
	s0 =	simm.s32 $0x8140;
	v18 =	vand.u32 $0x7FFFFFFF, v22;
	v11 =	vadd.s32 v15, v9;
	v9 =	vand.u32 $0x7FFFFFFF, v23;
	[tilespmem:v26+s18+$0x0] =	vst.idx.msk vm5, v21  }
.LBB2_57:
0x2e5: {  	v21 =	vld [tilespmem:s0+$0x30];
	vm3 =	vge.s32 v12, v4;
	v22 =	vand.u32 $0x7FFFFFFF, v20;
	v23 =	vand.u32 $0x7FFFFFFF, v17;
	[tilespmem:v13+s18+$0x0] =	vst.idx.msk vm0, v7;
	v7 =	vmovc v18  }
0x2e6: {  	s23 =	sadd.s32 $0x8, s23;
	v18 =	vld [tilespmem:s0+$0x20];
	v13 =	vsel vm3, $0x10, v1;
	vm4 =	vge.s32 v22, v4;
	v24 =	vand.u32 $0x7FFFFFFF, v19;
	[tilespmem:v14+s18+$0x0] =	vst.idx.msk vm1, v5;
	v5 =	vmovc v16  }
0x2e7: {  	p0 =	slt.u32 s23, $0x7F8;
	v25 =	vld [tilespmem:s0+$0x10];
	v14 =	vadd.s32 v11, v13;
	v13 =	vsel vm4, $0x10, v1;
	vm5 =	vge.s32 v24, v4;
	[tilespmem:v15+s18+$0x0] =	vst.idx.msk vm2, v8  }
0x2e8: {  	vm6 =	vge.s32 v23, v4;
	v8 =	vmovc v10;
	v26 =	vld [tilespmem:s0+$0x0];
	v15 =	vadd.s32 v14, v13;
	v13 =	vsel vm5, $0x10, v1  }
0x2e9: {  	vm7 =	vge.s32 v9, v4;
	v10 =	vsel vm6, $0x10, v1;
	v17 =	vld [tilespmem:s0+$0xFFFFFFF0];
	v27 =	vadd.s32 v15, v13  }
0x2ea: {  	vm0 =	vge.s32 v7, v4;
	v28 =	vld [tilespmem:s0+$0xFFFFFFC0];
	v29 =	vadd.s32 v27, v10;
	v10 =	vsel vm7, $0x10, v1  }
.Ltmp37:
0x2eb: {  	vm1 =	vge.s32 v5, v4;
	v20 =	vld [tilespmem:s0+$0xFFFFFFD0];
	[tilespmem:v11+s18+$0x0] =	vst.idx.msk vm3, v12;
	v13 =	vadd.s32 v29, v10;
	v10 =	vsel vm0, $0x10, v1;
	(pc) =	sbr.rel @p0 .LBB2_57-.Ltmp37, $4  }
0x2ec: {  	vm2 =	vge.s32 v8, v4;
	v19 =	vld [tilespmem:s0+$0xFFFFFFE0];
	[tilespmem:v14+s18+$0x0] =	vst.idx.msk vm4, v22;
	v14 =	vadd.s32 v13, v10;
	v10 =	vsel vm1, $0x10, v1  }
0x2ed: {  	v11 =	vsel vm2, $0x10, v1;
	[tilespmem:v15+s18+$0x0] =	vst.idx.msk vm5, v24;
	v15 =	vadd.s32 v14, v10  }
0x2ee: {  	v16 =	vand.u32 $0x7FFFFFFF, v18;
	v10 =	vand.u32 $0x7FFFFFFF, v21;
	[tilespmem:v27+s18+$0x0] =	vst.idx.msk vm6, v23;
	v11 =	vadd.s32 v15, v11  }
0x2ef: {  	v18 =	vand.u32 $0x7FFFFFFF, v25;
	s0 =	sadd.s32 $0x80, s0;
	v12 =	vand.u32 $0x7FFFFFFF, v28;
	[tilespmem:v29+s18+$0x0] =	vst.idx.msk vm7, v9;
	v9 =	vand.u32 $0x7FFFFFFF, v26  }
0x2f0: {  	vm3 =	vge.s32 v12, v4;
	v20 =	vand.u32 $0x7FFFFFFF, v20;
	v17 =	vand.u32 $0x7FFFFFFF, v17  }
0x2f1: {  	v21 =	vsel vm3, $0x10, v1;
	vm4 =	vge.s32 v20, v4;
	v19 =	vand.u32 $0x7FFFFFFF, v19  }
0x2f2: {  	v21 =	vadd.s32 v11, v21;
	v22 =	vsel vm4, $0x10, v1;
	vm5 =	vge.s32 v19, v4  }
0x2f3: {  	vm6 =	vge.s32 v17, v4;
	v22 =	vadd.s32 v21, v22;
	v23 =	vsel vm5, $0x10, v1  }
0x2f4: {  	vm7 =	vge.s32 v9, v4;
	v24 =	vsel vm6, $0x10, v1;
	v23 =	vadd.s32 v22, v23  }
0x2f5: {  	vm8 =	vge.s32 v18, v4;
	v25 =	vsel vm7, $0x10, v1;
	v24 =	vadd.s32 v23, v24  }
0x2f6: {  	vm9 =	vge.s32 v16, v4;
	v26 =	vsel vm8, $0x10, v1;
	v25 =	vadd.s32 v24, v25  }
0x2f7: {  	vm10 =	vge.s32 v10, v4;
	v27 =	vsel vm9, $0x10, v1;
	v26 =	vadd.s32 v25, v26  }
0x2f8: {  	v4 =	vsel vm10, $0x10, v1;
	v27 =	vadd.s32 v26, v27  }
0x2f9: {  	v4 =	vadd.s32 v27, v4  }
0x2fa: {  	v4 =	vadd.s32 v0, v4  }
0x2fb: {  	v4 =	vshrl.u32 v4, $0x4  }
0x2fc: {  	v28 =	vor.u32 $0x80000000, v4  }
0x2fd: {  	(xrf0) =	vmax.scan.msk.u32 $0xffff, v28;
	_ =	sdelay $0x5  }
0x2fe: {  	[tilespmem:v14+s18+$0x0] =	vst.idx.msk vm1, v5;
	(v2sf) =	vpush v6, $0x0;
	v5, _, _ =	vpop (xrf0)  }
0x2ff: {  	[tilespmem:v13+s18+$0x0] =	vst.idx.msk vm0, v7;
	(v2sf) =	vpush v5, $0xF  }
0x300: {  	[tilespmem:v15+s18+$0x0] =	vst.idx.msk vm2, v8  }
0x301: {  	[tilespmem:v11+s18+$0x0] =	vst.idx.msk vm3, v12  }
0x302: {  	[tilespmem:v21+s18+$0x0] =	vst.idx.msk vm4, v20  }
0x303: {  	[tilespmem:v22+s18+$0x0] =	vst.idx.msk vm5, v19  }
0x304: {  	[tilespmem:v23+s18+$0x0] =	vst.idx.msk vm6, v17  }
0x305: {  	[tilespmem:v24+s18+$0x0] =	vst.idx.msk vm7, v9  }
0x306: {  	[tilespmem:v25+s18+$0x0] =	vst.idx.msk vm8, v18  }
0x307: {  	[tilespmem:v26+s18+$0x0] =	vst.idx.msk vm9, v16  }
0x308: {  	[tilespmem:v27+s18+$0x0] =	vst.idx.msk vm10, v10  }
0x309: {  	[tilespmem:$0x18000] =	vst v1  }
0x30a: {  	[tilespmem:$0x18010] =	vst v1  }
0x30b: {  	[tilespmem:$0x18020] =	vst v1  }
0x30c: {  	[tilespmem:$0x18030] =	vst v1  }
0x30d: {  	[tilespmem:$0x18040] =	vst v1;
	s30 =	spop (v2sf)  }
0x30e: {  	[tilespmem:$0x18050] =	vst v1;
	s25 =	spop (v2sf)  }
0x30f: {  	[tilespmem:$0x18060] =	vst v1;
	s23 =	sxor.u32 $0x80000000, s25  }
0x310: {  	[tilespmem:$0x18070] =	vst v1;
	s0 =	sshrl.u32 s23, $0x1F  }
0x311: {  	[tilespmem:$0x18080] =	vst v1;
	s0 =	sadd.s32 s0, s23  }
0x312: {  	[tilespmem:$0x18090] =	vst v1;
	s24 =	sand.u32 $0xFFFFFFFE, s0  }
0x313: {  	[tilespmem:$0x180A0] =	vst v1;
	p0 =	slt.s32 s24, $0x1  }
.Ltmp38:
0x314: {  	[tilespmem:$0x180B0] =	vst v1;
	(pc) =	sbr.rel @p0 .LBB2_75-.Ltmp38, $4  }
0x315: {  	[tilespmem:$0x180C0] =	vst v1  }
0x316: {  	[tilespmem:$0x180D0] =	vst v1  }
0x317: {  	[tilespmem:$0x180E0] =	vst v1  }
0x318: {  	[tilespmem:$0x180F0] =	vst v1;
	v5 =	vmov s29  }
0x319: {  	p3 =	sgt.s32 s24, $0x2  }
.Ltmp39:
0x31a: {  	_ = 	snop;
	(pc) =	sbr.rel @!p3 .LBB2_60-.Ltmp39, $4  }
0x31b: {  	_ = 	snop  }
0x31c: {  	s3 =	simm.s32 $0x10010  }
0x31d: {  	s0 =	simm.s32 $0x0;
	v11 =	vld [tilespmem:s3+$0x0]  }
0x31e: {  	s1 =	simm.s32 $0x2;
	p1 =	por $0x0, $0x0;
	p2 =	por $0x0, $0x0;
	v6 =	vld [tilespmem:s3+$0xFFFFFFF0]  }
0x31f: {  	_ = 	snop  }
0x320: {  	p3 =	sgt.s32 s24, $0x4  }
.Ltmp40:
0x321: {  	_ = 	snop;
	(pc) =	sbr.rel @!p3 .LBB2_84-.Ltmp40, $4  }
0x322: {  	vm0 =	vgt.s32 v4, s0;
	s4 =	simm.s32 $0x1  }
0x323: {  	s3 =	simm.s32 $0x10030;
	vm2 =	vgt.s32 v4, s4;
	v8 =	vshrl.u32 v6, $0xF;
	v6 =	vshrl.u32 v6, $0x17  }
0x324: {  	v9 =	vld [tilespmem:s3+$0x0];
	vm1 =	veq.s32 v6, v5;
	v10 =	vand.u32 $0xFF, v8;
	v8 =	vshrl.u32 v11, $0x17  }
0x325: {  	s0 =	simm.s32 $0x4;
	p1 =	por $0x1, $0x1;
	v7 =	vshrl.u32 v11, $0xF;
	v6 =	vld [tilespmem:s3+$0xFFFFFFF0];
	vm1 =	vmand vm0, vm1;
	vm4 =	veq.s32 v8, v5  }
0x326: {  	_ =	sdelay $0x1  }
0x327: {  	p3 =	sgt.s32 s24, $0x6  }
.Ltmp41:
0x328: {  	vm0 =	vmand vm2, vm4;
	(pc) =	sbr.rel @!p3 .LBB2_86-.Ltmp41, $4  }
0x329: {  	v8 =	vand.u32 $0xFF, v7;
	vm2 =	vgt.s32 v4, s1  }
0x32a: {  	s3 =	simm.s32 $0x10050;
	[tilespmem:v10+s16+$0x0] =	vst.idx.add.s32.msk vm1, v2;
	v7 =	vshrl.u32 v9, $0xF;
	v9 =	vshrl.u32 v9, $0x17;
	v13 =	vshrl.u32 v6, $0x17  }
0x32b: {  	s4 =	simm.s32 $0x3;
	v11 =	vld [tilespmem:s3+$0x0];
	v12 =	vshrl.u32 v6, $0xF;
	vm4 =	veq.s32 v9, v5;
	vm3 =	veq.s32 v13, v5  }
0x32c: {  	s1 =	simm.s32 $0x6;
	p2 =	por $0x1, $0x1;
	v6 =	vld [tilespmem:s3+$0xFFFFFFF0];
	v12 =	vand.u32 $0xFF, v12;
	vm3 =	vmand vm2, vm3;
	vm2 =	vgt.s32 v4, s4  }
.LBB2_87:
0x32d: {  	s4 =	smov.u32 s1;
	s1 =	sadd.s32 $0x2, s1  }
0x32e: {  	[tilespmem:v8+s16+$0x0] =	vst.idx.add.s32.msk vm0, v2;
	vm0 =	vmand vm2, vm4;
	p3 =	slt.s32 s1, s24  }
.Ltmp42:
0x32f: {  	v8 =	vand.u32 $0xFF, v7;
	(pc) =	sbr.rel @p3 .LBB2_87-.Ltmp42, $4  }
0x330: {  	s3 =	sadd.s32 $0x20, s3;
	v7 =	vshrl.u32 v11, $0xF;
	v9 =	vmov v11  }
0x331: {  	vm1 =	vgt.s32 v4, s0;
	v11 =	vld [tilespmem:s3+$0x0];
	v10 =	vshrl.u32 v6, $0xF;
	v13 =	vshrl.u32 v6, $0x17  }
0x332: {  	s5 =	sadd.s32 $0x1, s0;
	s0 =	smov.u32 s4;
	v9 =	vshrl.u32 v9, $0x17;
	v6 =	vld [tilespmem:s3+$0xFFFFFFF0];
	vm5 =	veq.s32 v13, v5;
	v10 =	vand.u32 $0xFF, v10  }
0x333: {  	vm2 =	vgt.s32 v4, s5;
	vm4 =	veq.s32 v9, v5;
	[tilespmem:v12+s16+$0x0] =	vst.idx.add.s32.msk vm3, v2;
	vm3 =	vmand vm1, vm5;
	v12 =	vmovc v10  }
0x334: {  	_ =	sdelay $0x1  }
0x335: {  	s1 =	smov.u32 s0;
	vm1 =	vmmov vm3;
	v10 =	vmov v12;
	v9 =	vmov v11  }
.LBB2_89:
0x336: {  	vm2 =	vmand @p1 vm2, vm4;
	v7 =	vand.u32 @p1 $0xFF, v7;
	v11 =	vshrl.u32 v6, $0x17  }
0x337: {  	v6 =	vshrl.u32 v6, $0xF;
	vm3 =	vgt.s32 v4, s1;
	s0 =	sadd.s32 $0x1, s1;
	v62 =	vshrl.u32 v9, $0x17  }
0x338: {  	vm14 =	veq.s32 v11, v5;
	vm2 =	vmmov @p1 vm2;
	vm15 =	vgt.s32 v4, s0  }
0x339: {  	vm5 =	veq.s32 v62, v5;
	v7 =	vpsel p1, v7, v0;
	vm3 =	vmand vm3, vm14  }
0x33a: {  	v63 =	vshrl.u32 v9, $0xF;
	v6 =	vand.u32 $0xFF, v6;
	vm4 =	vmand vm15, vm5  }
0x33b: {  	v9 =	vand.u32 $0xFF, v63  }
0x33c: {  	[tilespmem:v8+s16+$0x0] =	vst.idx.add.s32.msk @p2 vm0, v2  }
0x33d: {  	[tilespmem:v10+s16+$0x0] =	vst.idx.add.s32.msk @p1 vm1, v2  }
0x33e: {  	[tilespmem:v7+s16+$0x0] =	vst.idx.add.s32.msk @p1 vm2, v2  }
0x33f: {  	[tilespmem:v6+s16+$0x0] =	vst.idx.add.s32.msk vm3, v2  }
0x340: {  	[tilespmem:v9+s16+$0x0] =	vst.idx.add.s32.msk vm4, v2  }
.LBB2_75:
0x341: {  	p1 =	sge.s32 s24, s23  }
.Ltmp43:
0x342: {  	_ = 	snop;
	(pc) =	sbr.rel @p1 .LBB2_78-.Ltmp43, $4  }
0x343: {  	_ = 	snop  }
0x344: {  	s28 =	ssub.s32 s23, s24  }
0x345: {  	s0 =	sshll.u32 s25, $0x6;
	s1 =	sshll.u32 s28, $0x6  }
0x346: {  	s25 =	ssub.s32 $0x0, s28;
	s26 =	ssub.s32 s0, s1  }
0x347: {  	s1 =	sshra.s32 s26, $0x2  }
0x348: {  	s0 =	ssub.s32 $0x0, s28;
	s1 =	sadd.s32 $0x10000, s1  }
.LBB2_77:
0x349: {  	v6 =	vld [tilespmem:s1+$0x0];
	_ =	sdelay $0x4  }
0x34a: {  	s3 =	sadd.s32 s0, s23;
	v7 =	vshrl.u32 v6, $0x17  }
0x34b: {  	vm0 =	vgt.s32 v4, s3;
	vm1 =	veq.s32 v7, v5  }
0x34c: {  	s0 =	sadd.s32 $0x1, s0;
	v6 =	vshrl.u32 v6, $0xF;
	vm0 =	vmand vm0, vm1  }
0x34d: {  	p2 =	seq.s32 s0, $0x0;
	v6 =	vand.u32 $0xFF, v6  }
.Ltmp44:
0x34e: {  	_ = 	snop;
	(pc) =	sbr.rel @!p2 .LBB2_77-.Ltmp44, $2  }
0x34f: {  	_ =	sdelay $0x2  }
0x350: {  	s1 =	sadd.s32 $0x10, s1;
	[tilespmem:v6+s16+$0x0] =	vst.idx.add.s32.msk vm0, v2  }
.LBB2_78:
0x351: {  	v6 =	vimm.s32 $0x0  }
0x352: {  	s3 =	simm.s32 $0xF0;
	[tilespmem:$0x18280] =	vst v6  }
0x353: {  	v5 =	vld [tilespmem:s3+$0x18000];
	_ =	sdelay $0x4  }
0x354: {  	v5 =	vperm.xlane v5, v3;
	_ =	sdelay $0x1  }
0x355: {  	(xrf0) =	vadd.scan.msk.s32 $0xffff, v5;
	_ =	sdelay $0x5  }
0x356: {  	v7, _, _ =	vpop (xrf0)  }
0x357: {  	v7 =	vperm.xlane v7, v3  }
0x358: {  	s1 =	simm.s32 $0x0  }
0x359: {  	s0 =	simm.s32 $0xE0;
	v7 =	vadd.s32 s1, v7  }
0x35a: {  	v5 =	vld [tilespmem:s0+$0x18000];
	(v2sf) =	vpush v7, $0x0;
	_ =	sdelay $0x4  }
0x35b: {  	v5 =	vperm.xlane v5, v3;
	_ =	sdelay $0x1  }
0x35c: {  	(xrf0) =	vadd.scan.msk.s32 $0xffff, v5  }
0x35d: {  	s30 =	ssub.s32 $0x101, s30  }
0x35e: {  	v5 =	vmov s30  }
0x35f: {  	vm0 =	vge.s32 v7, v5  }
0x360: {  	v8 =	vmpcnt.ones.xlane vm0;
	_ =	sdelay $0x1  }
0x361: {  	s1 =	simm.s32 $0x340;
	[tilespmem:s3+$0x18180] =	vst v7;
	s3 =	simm.s32 $0x300;
	v6 =	vadd.s32 v6, v8;
	v7, _, _ =	vpop (xrf0)  }
.LBB2_79:
0x362: {  	p2 =	sne.s32 s3, $0x0;
	v7 =	vperm.xlane v7, v3  }
0x363: {  	s4 =	spop (v2sf)  }
0x364: {  	s5 =	sshra.s32 s1, $0x2;
	s1 =	smov.u32 s3;
	v7 =	vadd.s32 s4, v7  }
0x365: {  	v8 =	vld [tilespmem:s5+$0x18000];
	[tilespmem:s0+$0x18180] =	vst v7;
	vm0 =	vge.s32 v7, v5;
	(v2sf) =	vpush v7, $0x0;
	s0 =	smov.u32 s5  }
0x366: {  	v7 =	vmpcnt.ones.xlane vm0;
	_ =	sdelay $0x1  }
0x367: {  	v6 =	vadd.s32 v6, v7;
	_ =	sdelay $0x1  }
0x368: {  	v7 =	vperm.xlane v8, v3;
	_ =	sdelay $0x1  }
0x369: {  	(xrf0) =	vadd.scan.msk.s32 $0xffff, v7;
	_ =	sdelay $0x1  }
.Ltmp45:
0x36a: {  	(pc) =	sbr.rel @p2 .LBB2_79-.Ltmp45, $2  }
0x36b: {  	_ =	sdelay $0x2  }
0x36c: {  	s3 =	sadd.s32 $0xFFFFFFC0, s3;
	v7, _, _ =	vpop (xrf0)  }
0x36d: {  	v7 =	vperm.xlane v7, v3  }
0x36e: {  	s3 =	spop (v2sf)  }
0x36f: {  	s1 =	sshra.s32 s1, $0x2;
	v7 =	vadd.s32 s3, v7  }
0x370: {  	v8 =	vld [tilespmem:s1+$0x18000];
	(v2sf) =	vpush v7, $0x0;
	_ =	sdelay $0x4  }
0x371: {  	v8 =	vperm.xlane v8, v3;
	_ =	sdelay $0x1  }
0x372: {  	(xrf0) =	vadd.scan.msk.s32 $0xffff, v8;
	_ =	sdelay $0x5  }
0x373: {  	v8, _, _ =	vpop (xrf0)  }
0x374: {  	v8 =	vperm.xlane v8, v3  }
0x375: {  	s5 =	spop (v2sf)  }
0x376: {  	vm0 =	vge.s32 v7, v5;
	v8 =	vadd.s32 s5, v8  }
0x377: {  	v9 =	vmpcnt.ones.xlane vm0;
	vm15 =	vge.s32 v8, v5  }
0x378: {  	v5 =	vmpcnt.ones.xlane vm15  }
0x379: {  	v6 =	vadd.s32 v6, v9  }
0x37a: {  	v5 =	vadd.s32 v6, v5  }
0x37b: {  	v6 =	vbroadcast v5, $0x0;
	_ =	sdelay $0x3  }
0x37c: {  	[tilespmem:s0+$0x18180] =	vst v7  }
0x37d: {  	[tilespmem:s1+$0x18180] =	vst v8  }
0x37e: {  	v6 =	vld.idx.msk [tilespmem:v6+s17+$0x0], $0xffff  }
0x37f: {  	(v2sf) =	vpush v8, $0x0  }
0x380: {  	(v2sf) =	vpush v5, $0x0;
	_ =	sdelay $0x2  }
0x381: {  	[tilespmem:$0x18000] =	vst v1;
	(v2sf) =	vpush v6, $0x0  }
0x382: {  	[tilespmem:$0x18010] =	vst v1  }
0x383: {  	[tilespmem:$0x18020] =	vst v1  }
0x384: {  	[tilespmem:$0x18030] =	vst v1  }
0x385: {  	[tilespmem:$0x18040] =	vst v1  }
0x386: {  	[tilespmem:$0x18050] =	vst v1  }
0x387: {  	[tilespmem:$0x18060] =	vst v1  }
0x388: {  	[tilespmem:$0x18070] =	vst v1  }
0x389: {  	[tilespmem:$0x18080] =	vst v1  }
0x38a: {  	[tilespmem:$0x18090] =	vst v1  }
0x38b: {  	[tilespmem:$0x180A0] =	vst v1  }
.Ltmp46:
0x38c: {  	[tilespmem:$0x180B0] =	vst v1;
	s4 =	spop (v2sf);
	(pc) =	sbr.rel @p0 .LBB2_90-.Ltmp46, $4  }
0x38d: {  	s5 =	sshll.u32 s29, $0x8;
	[tilespmem:$0x180C0] =	vst v1;
	s0 =	spop (v2sf)  }
0x38e: {  	[tilespmem:$0x180D0] =	vst v1;
	s0 =	sadd.s32 s0, s5  }
0x38f: {  	[tilespmem:$0x180E0] =	vst v1;
	s29 =	sadd.s32 $0xFFFFFFFF, s0  }
0x390: {  	[tilespmem:$0x180F0] =	vst v1;
	v5 =	vmov s29;
	s31 =	spop (v2sf)  }
0x391: {  	p4 =	sgt.s32 s24, $0x2  }
.Ltmp47:
0x392: {  	_ = 	snop;
	(pc) =	sbr.rel @!p4 .LBB2_82-.Ltmp47, $4  }
0x393: {  	_ = 	snop  }
0x394: {  	s3 =	simm.s32 $0x10010  }
0x395: {  	s0 =	simm.s32 $0x0;
	v11 =	vld [tilespmem:s3+$0x0]  }
0x396: {  	s1 =	simm.s32 $0x2;
	p2 =	por $0x0, $0x0;
	p3 =	por $0x0, $0x0;
	v6 =	vld [tilespmem:s3+$0xFFFFFFF0]  }
0x397: {  	_ = 	snop  }
0x398: {  	p4 =	sgt.s32 s24, $0x4  }
.Ltmp48:
0x399: {  	_ = 	snop;
	(pc) =	sbr.rel @!p4 .LBB2_99-.Ltmp48, $4  }
0x39a: {  	vm0 =	vgt.s32 v4, s0;
	s4 =	simm.s32 $0x1  }
0x39b: {  	s3 =	simm.s32 $0x10030;
	vm2 =	vgt.s32 v4, s4;
	v8 =	vshrl.u32 v6, $0x7;
	v6 =	vshrl.u32 v6, $0xF  }
0x39c: {  	v9 =	vld [tilespmem:s3+$0x0];
	vm1 =	veq.s32 v6, v5;
	v10 =	vand.u32 $0xFF, v8;
	v8 =	vshrl.u32 v11, $0xF  }
0x39d: {  	s0 =	simm.s32 $0x4;
	p2 =	por $0x1, $0x1;
	v7 =	vshrl.u32 v11, $0x7;
	v6 =	vld [tilespmem:s3+$0xFFFFFFF0];
	vm1 =	vmand vm0, vm1;
	vm4 =	veq.s32 v8, v5  }
0x39e: {  	_ =	sdelay $0x1  }
0x39f: {  	p4 =	sgt.s32 s24, $0x6  }
.Ltmp49:
0x3a0: {  	vm0 =	vmand vm2, vm4;
	(pc) =	sbr.rel @!p4 .LBB2_101-.Ltmp49, $4  }
0x3a1: {  	v8 =	vand.u32 $0xFF, v7;
	vm2 =	vgt.s32 v4, s1  }
0x3a2: {  	s3 =	simm.s32 $0x10050;
	[tilespmem:v10+s16+$0x0] =	vst.idx.add.s32.msk vm1, v2;
	v7 =	vshrl.u32 v9, $0x7;
	v9 =	vshrl.u32 v9, $0xF;
	v13 =	vshrl.u32 v6, $0xF  }
0x3a3: {  	s4 =	simm.s32 $0x3;
	v11 =	vld [tilespmem:s3+$0x0];
	v12 =	vshrl.u32 v6, $0x7;
	vm4 =	veq.s32 v9, v5;
	vm3 =	veq.s32 v13, v5  }
0x3a4: {  	s1 =	simm.s32 $0x6;
	p3 =	por $0x1, $0x1;
	v6 =	vld [tilespmem:s3+$0xFFFFFFF0];
	v12 =	vand.u32 $0xFF, v12;
	vm3 =	vmand vm2, vm3;
	vm2 =	vgt.s32 v4, s4  }
.LBB2_102:
0x3a5: {  	s4 =	smov.u32 s1;
	s1 =	sadd.s32 $0x2, s1  }
0x3a6: {  	[tilespmem:v8+s16+$0x0] =	vst.idx.add.s32.msk vm0, v2;
	vm0 =	vmand vm2, vm4;
	p4 =	slt.s32 s1, s24  }
.Ltmp50:
0x3a7: {  	v8 =	vand.u32 $0xFF, v7;
	(pc) =	sbr.rel @p4 .LBB2_102-.Ltmp50, $4  }
0x3a8: {  	s3 =	sadd.s32 $0x20, s3;
	v7 =	vshrl.u32 v11, $0x7;
	v9 =	vmov v11  }
0x3a9: {  	vm1 =	vgt.s32 v4, s0;
	v11 =	vld [tilespmem:s3+$0x0];
	v10 =	vshrl.u32 v6, $0x7;
	v13 =	vshrl.u32 v6, $0xF  }
0x3aa: {  	s5 =	sadd.s32 $0x1, s0;
	s0 =	smov.u32 s4;
	v9 =	vshrl.u32 v9, $0xF;
	v6 =	vld [tilespmem:s3+$0xFFFFFFF0];
	vm5 =	veq.s32 v13, v5;
	v10 =	vand.u32 $0xFF, v10  }
0x3ab: {  	vm2 =	vgt.s32 v4, s5;
	vm4 =	veq.s32 v9, v5;
	[tilespmem:v12+s16+$0x0] =	vst.idx.add.s32.msk vm3, v2;
	vm3 =	vmand vm1, vm5;
	v12 =	vmovc v10  }
0x3ac: {  	_ =	sdelay $0x1  }
0x3ad: {  	s1 =	smov.u32 s0;
	vm1 =	vmmov vm3;
	v10 =	vmov v12;
	v9 =	vmov v11  }
.LBB2_104:
0x3ae: {  	vm2 =	vmand @p2 vm2, vm4;
	v7 =	vand.u32 @p2 $0xFF, v7;
	v11 =	vshrl.u32 v6, $0xF  }
0x3af: {  	v6 =	vshrl.u32 v6, $0x7;
	vm3 =	vgt.s32 v4, s1;
	s0 =	sadd.s32 $0x1, s1;
	v62 =	vshrl.u32 v9, $0xF  }
0x3b0: {  	vm14 =	veq.s32 v11, v5;
	vm2 =	vmmov @p2 vm2;
	vm15 =	vgt.s32 v4, s0  }
0x3b1: {  	vm5 =	veq.s32 v62, v5;
	v7 =	vpsel p2, v7, v0;
	vm3 =	vmand vm3, vm14  }
0x3b2: {  	v63 =	vshrl.u32 v9, $0x7;
	v6 =	vand.u32 $0xFF, v6;
	vm4 =	vmand vm15, vm5  }
0x3b3: {  	v9 =	vand.u32 $0xFF, v63  }
0x3b4: {  	[tilespmem:v8+s16+$0x0] =	vst.idx.add.s32.msk @p3 vm0, v2  }
0x3b5: {  	[tilespmem:v10+s16+$0x0] =	vst.idx.add.s32.msk @p2 vm1, v2  }
0x3b6: {  	[tilespmem:v7+s16+$0x0] =	vst.idx.add.s32.msk @p2 vm2, v2  }
0x3b7: {  	[tilespmem:v6+s16+$0x0] =	vst.idx.add.s32.msk vm3, v2  }
0x3b8: {  	[tilespmem:v9+s16+$0x0] =	vst.idx.add.s32.msk vm4, v2  }
.LBB2_90:
.Ltmp51:
0x3b9: {  	(pc) =	sbr.rel @p1 .LBB2_93-.Ltmp51, $1  }
0x3ba: {  	_ =	sdelay $0x3  }
0x3bb: {  	s1 =	sshra.s32 s26, $0x2  }
0x3bc: {  	s0 =	ssub.s32 $0x0, s28;
	s1 =	sadd.s32 $0x10000, s1  }
.LBB2_92:
0x3bd: {  	v6 =	vld [tilespmem:s1+$0x0];
	_ =	sdelay $0x4  }
0x3be: {  	s3 =	sadd.s32 s0, s23;
	v7 =	vshrl.u32 v6, $0xF  }
0x3bf: {  	vm0 =	vgt.s32 v4, s3;
	vm1 =	veq.s32 v7, v5  }
0x3c0: {  	s0 =	sadd.s32 $0x1, s0;
	v6 =	vshrl.u32 v6, $0x7;
	vm0 =	vmand vm0, vm1  }
0x3c1: {  	p2 =	seq.s32 s0, $0x0;
	v6 =	vand.u32 $0xFF, v6  }
.Ltmp52:
0x3c2: {  	_ = 	snop;
	(pc) =	sbr.rel @!p2 .LBB2_92-.Ltmp52, $2  }
0x3c3: {  	_ =	sdelay $0x2  }
0x3c4: {  	s1 =	sadd.s32 $0x10, s1;
	[tilespmem:v6+s16+$0x0] =	vst.idx.add.s32.msk vm0, v2  }
.LBB2_93:
0x3c5: {  	v6 =	vimm.s32 $0x0  }
0x3c6: {  	s3 =	simm.s32 $0xF0;
	[tilespmem:$0x18280] =	vst v6  }
0x3c7: {  	v5 =	vld [tilespmem:s3+$0x18000];
	_ =	sdelay $0x4  }
0x3c8: {  	v5 =	vperm.xlane v5, v3;
	_ =	sdelay $0x1  }
0x3c9: {  	(xrf0) =	vadd.scan.msk.s32 $0xffff, v5;
	_ =	sdelay $0x5  }
0x3ca: {  	v7, _, _ =	vpop (xrf0)  }
0x3cb: {  	v7 =	vperm.xlane v7, v3  }
0x3cc: {  	s1 =	simm.s32 $0x0  }
0x3cd: {  	s0 =	simm.s32 $0xE0;
	v7 =	vadd.s32 s1, v7  }
0x3ce: {  	v5 =	vld [tilespmem:s0+$0x18000];
	(v2sf) =	vpush v7, $0x0;
	_ =	sdelay $0x4  }
0x3cf: {  	v5 =	vperm.xlane v5, v3;
	_ =	sdelay $0x1  }
0x3d0: {  	(xrf0) =	vadd.scan.msk.s32 $0xffff, v5  }
0x3d1: {  	s30 =	ssub.s32 s30, s31  }
0x3d2: {  	v5 =	vmov s30  }
0x3d3: {  	vm0 =	vge.s32 v7, v5  }
0x3d4: {  	v8 =	vmpcnt.ones.xlane vm0;
	_ =	sdelay $0x1  }
0x3d5: {  	s1 =	simm.s32 $0x340;
	[tilespmem:s3+$0x18180] =	vst v7;
	s3 =	simm.s32 $0x300;
	v6 =	vadd.s32 v6, v8;
	v7, _, _ =	vpop (xrf0)  }
.LBB2_94:
0x3d6: {  	p2 =	sne.s32 s3, $0x0;
	v7 =	vperm.xlane v7, v3  }
0x3d7: {  	s4 =	spop (v2sf)  }
0x3d8: {  	s5 =	sshra.s32 s1, $0x2;
	s1 =	smov.u32 s3;
	v7 =	vadd.s32 s4, v7  }
0x3d9: {  	v8 =	vld [tilespmem:s5+$0x18000];
	[tilespmem:s0+$0x18180] =	vst v7;
	vm0 =	vge.s32 v7, v5;
	(v2sf) =	vpush v7, $0x0;
	s0 =	smov.u32 s5  }
0x3da: {  	v7 =	vmpcnt.ones.xlane vm0;
	_ =	sdelay $0x1  }
0x3db: {  	v6 =	vadd.s32 v6, v7;
	_ =	sdelay $0x1  }
0x3dc: {  	v7 =	vperm.xlane v8, v3;
	_ =	sdelay $0x1  }
0x3dd: {  	(xrf0) =	vadd.scan.msk.s32 $0xffff, v7;
	_ =	sdelay $0x1  }
.Ltmp53:
0x3de: {  	(pc) =	sbr.rel @p2 .LBB2_94-.Ltmp53, $2  }
0x3df: {  	_ =	sdelay $0x2  }
0x3e0: {  	s3 =	sadd.s32 $0xFFFFFFC0, s3;
	v7, _, _ =	vpop (xrf0)  }
0x3e1: {  	v7 =	vperm.xlane v7, v3  }
0x3e2: {  	s3 =	spop (v2sf)  }
0x3e3: {  	s1 =	sshra.s32 s1, $0x2;
	v7 =	vadd.s32 s3, v7  }
0x3e4: {  	v8 =	vld [tilespmem:s1+$0x18000];
	(v2sf) =	vpush v7, $0x0;
	_ =	sdelay $0x4  }
0x3e5: {  	v8 =	vperm.xlane v8, v3;
	_ =	sdelay $0x1  }
0x3e6: {  	(xrf0) =	vadd.scan.msk.s32 $0xffff, v8;
	_ =	sdelay $0x5  }
0x3e7: {  	v8, _, _ =	vpop (xrf0)  }
0x3e8: {  	v8 =	vperm.xlane v8, v3  }
0x3e9: {  	s5 =	spop (v2sf)  }
0x3ea: {  	vm0 =	vge.s32 v7, v5;
	v8 =	vadd.s32 s5, v8  }
0x3eb: {  	v9 =	vmpcnt.ones.xlane vm0;
	vm15 =	vge.s32 v8, v5  }
0x3ec: {  	v5 =	vmpcnt.ones.xlane vm15  }
0x3ed: {  	v6 =	vadd.s32 v6, v9  }
0x3ee: {  	v5 =	vadd.s32 v6, v5  }
0x3ef: {  	v6 =	vbroadcast v5, $0x0;
	_ =	sdelay $0x3  }
0x3f0: {  	[tilespmem:s0+$0x18180] =	vst v7  }
0x3f1: {  	[tilespmem:s1+$0x18180] =	vst v8  }
0x3f2: {  	v6 =	vld.idx.msk [tilespmem:v6+s17+$0x0], $0xffff  }
0x3f3: {  	(v2sf) =	vpush v8, $0x0  }
0x3f4: {  	(v2sf) =	vpush v5, $0x0;
	_ =	sdelay $0x2  }
0x3f5: {  	[tilespmem:$0x18000] =	vst v1;
	(v2sf) =	vpush v6, $0x0  }
0x3f6: {  	[tilespmem:$0x18010] =	vst v1  }
0x3f7: {  	[tilespmem:$0x18020] =	vst v1  }
0x3f8: {  	[tilespmem:$0x18030] =	vst v1  }
0x3f9: {  	[tilespmem:$0x18040] =	vst v1  }
0x3fa: {  	[tilespmem:$0x18050] =	vst v1  }
0x3fb: {  	[tilespmem:$0x18060] =	vst v1  }
0x3fc: {  	[tilespmem:$0x18070] =	vst v1  }
0x3fd: {  	[tilespmem:$0x18080] =	vst v1  }
0x3fe: {  	[tilespmem:$0x18090] =	vst v1  }
0x3ff: {  	[tilespmem:$0x180A0] =	vst v1  }
.Ltmp54:
0x400: {  	[tilespmem:$0x180B0] =	vst v1;
	s4 =	spop (v2sf);
	(pc) =	sbr.rel @p0 .LBB2_105-.Ltmp54, $4  }
0x401: {  	s5 =	sshll.u32 s29, $0x8;
	[tilespmem:$0x180C0] =	vst v1;
	s0 =	spop (v2sf)  }
0x402: {  	[tilespmem:$0x180D0] =	vst v1;
	s0 =	sadd.s32 s0, s5  }
0x403: {  	[tilespmem:$0x180E0] =	vst v1;
	s29 =	sadd.s32 $0xFFFFFFFF, s0  }
0x404: {  	[tilespmem:$0x180F0] =	vst v1;
	v5 =	vmov s29;
	s31 =	spop (v2sf)  }
0x405: {  	p4 =	sgt.s32 s24, $0x2  }
.Ltmp55:
0x406: {  	_ = 	snop;
	(pc) =	sbr.rel @!p4 .LBB2_97-.Ltmp55, $4  }
0x407: {  	_ = 	snop  }
0x408: {  	s3 =	simm.s32 $0x10010  }
0x409: {  	s0 =	simm.s32 $0x0;
	v10 =	vld [tilespmem:s3+$0x0]  }
0x40a: {  	s1 =	simm.s32 $0x2;
	p2 =	por $0x0, $0x0;
	p3 =	por $0x0, $0x0;
	v6 =	vld [tilespmem:s3+$0xFFFFFFF0]  }
0x40b: {  	_ = 	snop  }
0x40c: {  	p4 =	sgt.s32 s24, $0x4  }
.Ltmp56:
0x40d: {  	_ = 	snop;
	(pc) =	sbr.rel @!p4 .LBB2_127-.Ltmp56, $4  }
0x40e: {  	s3 =	simm.s32 $0x10030  }
0x40f: {  	v7 =	vld [tilespmem:s3+$0x0];
	v9 =	vand.u32 $0x7F, v6;
	v6 =	vshrl.u32 v6, $0x7  }
0x410: {  	vm0 =	vgt.s32 v4, s0;
	s4 =	simm.s32 $0x1;
	v8 =	vshrl.u32 v10, $0x7;
	vm1 =	veq.s32 v6, v5  }
0x411: {  	s0 =	simm.s32 $0x4;
	p2 =	por $0x1, $0x1;
	vm2 =	vgt.s32 v4, s4;
	vm3 =	veq.s32 v8, v5;
	v6 =	vld [tilespmem:s3+$0xFFFFFFF0];
	vm1 =	vmand vm0, vm1  }
0x412: {  	_ =	sdelay $0x1  }
0x413: {  	p4 =	sgt.s32 s24, $0x6  }
.Ltmp57:
0x414: {  	vm0 =	vmand vm2, vm3;
	(pc) =	sbr.rel @!p4 .LBB2_129-.Ltmp57, $4  }
0x415: {  	v8 =	vand.u32 $0x7F, v10  }
0x416: {  	s3 =	simm.s32 $0x10050;
	vm2 =	vgt.s32 v4, s1;
	[tilespmem:v9+s16+$0x0] =	vst.idx.add.s32.msk vm1, v2;
	v10 =	vshrl.u32 v6, $0x7  }
0x417: {  	s4 =	simm.s32 $0x3;
	v12 =	vld [tilespmem:s3+$0x0];
	v11 =	vand.u32 $0x7F, v6;
	vm3 =	veq.s32 v10, v5;
	v10 =	vshrl.u32 v7, $0x7  }
0x418: {  	s1 =	simm.s32 $0x6;
	p3 =	por $0x1, $0x1;
	v6 =	vld [tilespmem:s3+$0xFFFFFFF0];
	vm4 =	vmand vm2, vm3;
	vm2 =	vgt.s32 v4, s4;
	vm3 =	veq.s32 v10, v5  }
.LBB2_130:
0x419: {  	s4 =	smov.u32 s1;
	s1 =	sadd.s32 $0x2, s1  }
0x41a: {  	[tilespmem:v8+s16+$0x0] =	vst.idx.add.s32.msk vm0, v2;
	vm0 =	vmand vm2, vm3;
	p4 =	slt.s32 s1, s24  }
.Ltmp58:
0x41b: {  	v8 =	vand.u32 $0x7F, v7;
	(pc) =	sbr.rel @p4 .LBB2_130-.Ltmp58, $4  }
0x41c: {  	s3 =	sadd.s32 $0x20, s3;
	v7 =	vmov v12  }
0x41d: {  	v12 =	vld [tilespmem:s3+$0x0];
	v9 =	vand.u32 $0x7F, v6;
	v10 =	vshrl.u32 v6, $0x7  }
0x41e: {  	vm1 =	vgt.s32 v4, s0;
	s5 =	sadd.s32 $0x1, s0;
	s0 =	smov.u32 s4;
	v6 =	vld [tilespmem:s3+$0xFFFFFFF0];
	vm5 =	veq.s32 v10, v5;
	v10 =	vshrl.u32 v7, $0x7  }
0x41f: {  	vm2 =	vgt.s32 v4, s5;
	vm3 =	veq.s32 v10, v5;
	[tilespmem:v11+s16+$0x0] =	vst.idx.add.s32.msk vm4, v2;
	vm4 =	vmand vm1, vm5;
	v11 =	vmovc v9  }
0x420: {  	_ =	sdelay $0x1  }
0x421: {  	v10 =	vmovc v7;
	s1 =	smov.u32 s0;
	vm1 =	vmmov vm4;
	v9 =	vmov v11;
	v7 =	vmov v12  }
.LBB2_132:
0x422: {  	v11 =	vshrl.u32 v6, $0x7;
	v12 =	vshrl.u32 v7, $0x7  }
0x423: {  	vm2 =	vmand @p2 vm2, vm3;
	v10 =	vand.u32 @p2 $0x7F, v10;
	vm14 =	vgt.s32 v4, s1  }
0x424: {  	s0 =	sadd.s32 $0x1, s1;
	vm4 =	veq.s32 v11, v5;
	vm5 =	veq.s32 v12, v5;
	vm2 =	vmmov @p2 vm2  }
0x425: {  	vm15 =	vgt.s32 v4, s0;
	v10 =	vpsel p2, v10, v0;
	vm3 =	vmand vm14, vm4  }
0x426: {  	v6 =	vand.u32 $0x7F, v6;
	vm4 =	vmand vm15, vm5  }
0x427: {  	v7 =	vand.u32 $0x7F, v7  }
0x428: {  	[tilespmem:v8+s16+$0x0] =	vst.idx.add.s32.msk @p3 vm0, v2  }
0x429: {  	[tilespmem:v9+s16+$0x0] =	vst.idx.add.s32.msk @p2 vm1, v2  }
0x42a: {  	[tilespmem:v10+s16+$0x0] =	vst.idx.add.s32.msk @p2 vm2, v2  }
0x42b: {  	[tilespmem:v6+s16+$0x0] =	vst.idx.add.s32.msk vm3, v2  }
0x42c: {  	[tilespmem:v7+s16+$0x0] =	vst.idx.add.s32.msk vm4, v2  }
.LBB2_105:
.Ltmp59:
0x42d: {  	(pc) =	sbr.rel @p1 .LBB2_108-.Ltmp59, $1  }
0x42e: {  	_ =	sdelay $0x3  }
0x42f: {  	s1 =	sshra.s32 s26, $0x2  }
0x430: {  	s0 =	ssub.s32 $0x0, s28;
	s1 =	sadd.s32 $0x10000, s1  }
.LBB2_107:
0x431: {  	v6 =	vld [tilespmem:s1+$0x0];
	_ =	sdelay $0x4  }
0x432: {  	s3 =	sadd.s32 s0, s23;
	v7 =	vshrl.u32 v6, $0x7  }
0x433: {  	vm0 =	vgt.s32 v4, s3;
	vm1 =	veq.s32 v7, v5  }
0x434: {  	s0 =	sadd.s32 $0x1, s0;
	vm0 =	vmand vm0, vm1  }
0x435: {  	p2 =	seq.s32 s0, $0x0;
	v6 =	vand.u32 $0x7F, v6  }
.Ltmp60:
0x436: {  	_ = 	snop;
	(pc) =	sbr.rel @!p2 .LBB2_107-.Ltmp60, $2  }
0x437: {  	_ =	sdelay $0x2  }
0x438: {  	s1 =	sadd.s32 $0x10, s1;
	[tilespmem:v6+s16+$0x0] =	vst.idx.add.s32.msk vm0, v2  }
.LBB2_108:
0x439: {  	v6 =	vimm.s32 $0x0  }
0x43a: {  	s3 =	simm.s32 $0x70;
	[tilespmem:$0x18200] =	vst v6  }
0x43b: {  	v5 =	vld [tilespmem:s3+$0x18000];
	_ =	sdelay $0x4  }
0x43c: {  	v5 =	vperm.xlane v5, v3;
	_ =	sdelay $0x1  }
0x43d: {  	(xrf0) =	vadd.scan.msk.s32 $0xffff, v5;
	_ =	sdelay $0x5  }
0x43e: {  	v7, _, _ =	vpop (xrf0)  }
0x43f: {  	v7 =	vperm.xlane v7, v3  }
0x440: {  	s1 =	simm.s32 $0x0  }
0x441: {  	s0 =	simm.s32 $0x60;
	v7 =	vadd.s32 s1, v7  }
0x442: {  	v5 =	vld [tilespmem:s0+$0x18000];
	(v2sf) =	vpush v7, $0x0;
	_ =	sdelay $0x4  }
0x443: {  	v5 =	vperm.xlane v5, v3;
	_ =	sdelay $0x1  }
0x444: {  	(xrf0) =	vadd.scan.msk.s32 $0xffff, v5  }
0x445: {  	s28 =	ssub.s32 s30, s31  }
0x446: {  	v5 =	vmov s28  }
0x447: {  	vm0 =	vge.s32 v7, v5  }
0x448: {  	v8 =	vmpcnt.ones.xlane vm0;
	_ =	sdelay $0x1  }
0x449: {  	s1 =	simm.s32 $0x140;
	[tilespmem:s3+$0x18180] =	vst v7;
	s3 =	simm.s32 $0x100;
	v6 =	vadd.s32 v6, v8;
	v7, _, _ =	vpop (xrf0)  }
.LBB2_109:
0x44a: {  	p2 =	sne.s32 s3, $0x0;
	v7 =	vperm.xlane v7, v3  }
0x44b: {  	s4 =	spop (v2sf)  }
0x44c: {  	s5 =	sshra.s32 s1, $0x2;
	s1 =	smov.u32 s3;
	v7 =	vadd.s32 s4, v7  }
0x44d: {  	v8 =	vld [tilespmem:s5+$0x18000];
	[tilespmem:s0+$0x18180] =	vst v7;
	vm0 =	vge.s32 v7, v5;
	(v2sf) =	vpush v7, $0x0;
	s0 =	smov.u32 s5  }
0x44e: {  	v7 =	vmpcnt.ones.xlane vm0;
	_ =	sdelay $0x1  }
0x44f: {  	v6 =	vadd.s32 v6, v7;
	_ =	sdelay $0x1  }
0x450: {  	v7 =	vperm.xlane v8, v3;
	_ =	sdelay $0x1  }
0x451: {  	(xrf0) =	vadd.scan.msk.s32 $0xffff, v7;
	_ =	sdelay $0x1  }
.Ltmp61:
0x452: {  	(pc) =	sbr.rel @p2 .LBB2_109-.Ltmp61, $2  }
0x453: {  	_ =	sdelay $0x2  }
0x454: {  	s3 =	sadd.s32 $0xFFFFFFC0, s3;
	v7, _, _ =	vpop (xrf0)  }
0x455: {  	v7 =	vperm.xlane v7, v3  }
0x456: {  	s3 =	spop (v2sf)  }
0x457: {  	s1 =	sshra.s32 s1, $0x2;
	v7 =	vadd.s32 s3, v7  }
0x458: {  	v8 =	vld [tilespmem:s1+$0x18000];
	(v2sf) =	vpush v7, $0x0;
	_ =	sdelay $0x4  }
0x459: {  	v8 =	vperm.xlane v8, v3;
	_ =	sdelay $0x1  }
0x45a: {  	(xrf0) =	vadd.scan.msk.s32 $0xffff, v8;
	_ =	sdelay $0x5  }
0x45b: {  	v8, _, _ =	vpop (xrf0)  }
0x45c: {  	v8 =	vperm.xlane v8, v3  }
0x45d: {  	s4 =	spop (v2sf)  }
0x45e: {  	vm0 =	vge.s32 v7, v5;
	v8 =	vadd.s32 s4, v8  }
0x45f: {  	v9 =	vmpcnt.ones.xlane vm0;
	vm15 =	vge.s32 v8, v5  }
0x460: {  	v5 =	vmpcnt.ones.xlane vm15  }
0x461: {  	v6 =	vadd.s32 v6, v9  }
0x462: {  	v5 =	vadd.s32 v6, v5  }
0x463: {  	v6 =	vbroadcast v5, $0x0;
	_ =	sdelay $0x3  }
0x464: {  	[tilespmem:s0+$0x18180] =	vst v7  }
0x465: {  	[tilespmem:s1+$0x18180] =	vst v8  }
0x466: {  	v6 =	vld.idx.msk [tilespmem:v6+s17+$0x0], $0xffff  }
0x467: {  	(v2sf) =	vpush v8, $0x0  }
0x468: {  	(v2sf) =	vpush v5, $0x0;
	_ =	sdelay $0x2  }
0x469: {  	(v2sf) =	vpush v6, $0x0;
	_ =	sdelay $0xa  }
.Ltmp62:
0x46a: {  	s5 =	spop (v2sf);
	(pc) =	sbr.rel @p0 .LBB2_111-.Ltmp62, $4  }
0x46b: {  	s31 =	sshll.u32 s29, $0x7;
	s0 =	spop (v2sf)  }
0x46c: {  	s0 =	sadd.s32 s0, s31  }
0x46d: {  	s29 =	sadd.s32 $0xFFFFFFFF, s0  }
0x46e: {  	v5 =	vmov s29;
	s30 =	spop (v2sf)  }
0x46f: {  	p2 =	sgt.s32 s24, $0x2  }
.Ltmp63:
0x470: {  	_ = 	snop;
	(pc) =	sbr.rel @!p2 .LBB2_134-.Ltmp63, $4  }
0x471: {  	_ = 	snop  }
0x472: {  	s3 =	simm.s32 $0x10010  }
0x473: {  	v8 =	vld [tilespmem:s3+$0xFFFFFFF0]  }
0x474: {  	s1 =	simm.s32 $0x0;
	v6 =	vimm.s32 $0x7FFFFFFF;
	s0 =	simm.s32 $0x2;
	p0 =	por $0x0, $0x0;
	v7 =	vld [tilespmem:s3+$0x0]  }
0x475: {  	_ =	sdelay $0x1  }
0x476: {  	p2 =	sgt.s32 s24, $0x4  }
.Ltmp64:
0x477: {  	vm0 =	vgt.s32 v4, s1;
	vm1 =	vgt.s32 v8, v5;
	vm2 =	vlt.s32 v6, v8;
	(pc) =	sbr.rel @!p2 .LBB2_136-.Ltmp64, $4  }
0x478: {  	s1 =	simm.s32 $0x10030;
	vm0 =	vmand vm0, vm1;
	v8 =	vsel vm2, v6, v8  }
0x479: {  	s3 =	simm.s32 $0x1;
	v9 =	vsel vm0, v8, v6;
	v8 =	vld [tilespmem:s1+$0xFFFFFFF0]  }
0x47a: {  	vm1 =	vgt.s32 v7, v5;
	vm0 =	vgt.s32 v4, s3;
	vm2 =	vlt.s32 v9, v7  }
0x47b: {  	p0 =	por $0x1, $0x1;
	v10 =	vld [tilespmem:s1+$0x0];
	s3 =	simm.s32 $0x4;
	vm0 =	vmand vm0, vm1;
	v11 =	vsel vm2, v9, v7  }
.LBB2_137:
0x47c: {  	s4 =	smov.u32 s3;
	s3 =	sadd.s32 $0x2, s3  }
0x47d: {  	v7 =	vsel vm0, v11, v9;
	p2 =	slt.s32 s3, s24  }
.Ltmp65:
0x47e: {  	vm0 =	vgt.s32 v4, s0;
	s1 =	sadd.s32 $0x20, s1;
	vm1 =	vgt.s32 v8, v5;
	vm2 =	vlt.s32 v7, v8;
	(pc) =	sbr.rel @p2 .LBB2_137-.Ltmp65, $4  }
0x47f: {  	vm0 =	vmand vm0, vm1;
	v9 =	vsel vm2, v7, v8;
	v8 =	vld [tilespmem:s1+$0xFFFFFFF0]  }
0x480: {  	s5 =	sadd.s32 $0x1, s0;
	s0 =	smov.u32 s4;
	v9 =	vsel vm0, v9, v7  }
0x481: {  	vm0 =	vgt.s32 v4, s5;
	vm1 =	vgt.s32 v10, v5;
	vm2 =	vlt.s32 v9, v10  }
0x482: {  	vm0 =	vmand vm0, vm1;
	v11 =	vsel vm2, v9, v10;
	v10 =	vld [tilespmem:s1+$0x0]  }
0x483: {  	_ =	sdelay $0x3  }
0x484: {  	s1 =	smov.u32 s0;
	v7 =	vmov v10  }
.LBB2_139:
0x485: {  	v9 =	vsel @p0 vm0, v11, v9  }
0x486: {  	v6 =	vpsel p0, v9, v6  }
0x487: {  	vm12 =	vgt.s32 v4, s1;
	vm1 =	vgt.s32 v8, v5;
	vm2 =	vlt.s32 v6, v8  }
.Ltmp66:
0x488: {  	vm0 =	vmand vm12, vm1;
	v8 =	vsel vm2, v6, v8;
	(pc) =	sbr.rel .LBB2_112-.Ltmp66, $4  }
0x489: {  	s0 =	sadd.s32 $0x1, s1;
	v6 =	vsel vm0, v8, v6  }
0x48a: {  	vm14 =	vgt.s32 v7, v5;
	vm13 =	vgt.s32 v4, s0;
	vm15 =	vlt.s32 v6, v7  }
0x48b: {  	vm0 =	vmand vm13, vm14;
	v7 =	vsel vm15, v6, v7  }
0x48c: {  	v6 =	vsel vm0, v7, v6  }
.LBB2_111:
0x48d: {  	v6 =	vimm.s32 $0x7FFFFFFF  }
.LBB2_112:
.Ltmp67:
0x48e: {  	(pc) =	sbr.rel @p1 .LBB2_115-.Ltmp67, $1  }
0x48f: {  	_ =	sdelay $0x3  }
0x490: {  	s0 =	sshra.s32 s26, $0x2  }
0x491: {  	v7 =	vbroadcast v5, $0x0;
	s0 =	sadd.s32 $0x10000, s0  }
.LBB2_114:
0x492: {  	v8 =	vld [tilespmem:s0+$0x0];
	_ =	sdelay $0x2  }
0x493: {  	s1 =	sadd.s32 s25, s23;
	s25 =	sadd.s32 $0x1, s25  }
0x494: {  	p0 =	seq.s32 s25, $0x0  }
.Ltmp68:
0x495: {  	vm0 =	vgt.s32 v4, s1;
	vm1 =	vgt.s32 v8, v7;
	(pc) =	sbr.rel @!p0 .LBB2_114-.Ltmp68, $4  }
0x496: {  	vm0 =	vmand vm0, vm1  }
0x497: {  	v8 =	vnsel vm0, $0x7FFFFFFF, v8  }
0x498: {  	vm0 =	vlt.s32 v6, v8  }
0x499: {  	s0 =	sadd.s32 $0x10, s0;
	v6 =	vsel vm0, v6, v8  }
.LBB2_115:
0x49a: {  	v4 =	vxor.u32 $0x80000000, v6  }
0x49b: {  	(xrf0) =	vmin.scan.msk.u32 $0xffff, v4;
	_ =	sdelay $0x5  }
0x49c: {  	v4, _, _ =	vpop (xrf0)  }
0x49d: {  	(v2sf) =	vpush v4, $0xF;
	_ =	sdelay $0xe  }
0x49e: {  	s0 =	ssub.s32 s28, s30;
	s1 =	spop (v2sf)  }
0x49f: {  	p0 =	seq.s32 s0, $0x1;
	s0 =	sxor.u32 $0x80000000, s1  }
0x4a0: {  	s29 =	smov.u32 @p0 s0  }
0x4a1: {  	s23 =	simm.s32 $0x8040;
	v4 =	vmov s29  }
0x4a2: {  	v12 =	vld [tilespmem:s23+$0x30];
	v4 =	vsub.f32 v4, v5  }
0x4a3: {  	v8 =	vld [tilespmem:s23+$0xFFFFFFD0]  }
0x4a4: {  	v10 =	vld [tilespmem:s23+$0xFFFFFFE0];
	v4 =	vmul.f32 $7.812500000e-03, v4;
	_ =	sdelay $0x1  }
0x4a5: {  	v7 =	vld [tilespmem:s23+$0x0];
	v4 =	vadd.f32 v5, v4  }
0x4a6: {  	v5 =	vld [tilespmem:s23+$0xFFFFFFF0]  }
0x4a7: {  	v6 =	vld [tilespmem:s23+$0x10];
	v11 =	vand.u32 $0x7FFFFFFF, v12;
	v4 =	vbroadcast v4, $0x0  }
0x4a8: {  	v13 =	vand.u32 $0x7FFFFFFF, v8;
	v9 =	vand.u32 $0x80000000, v8;
	v8 =	vld [tilespmem:s23+$0x20];
	v15 =	vand.u32 $0x7FFFFFFF, v10  }
0x4a9: {  	v10 =	vand.u32 $0x80000000, v10;
	v12 =	vand.u32 $0x80000000, v12;
	v14 =	vsub.f32 v11, v4;
	v11 =	vld [tilespmem:s23+$0xFFFFFFC0]  }
0x4aa: {  	v13 =	vsub.f32 v13, v4;
	v17 =	vsub.f32 v15, v4;
	v15 =	vand.u32 $0x7FFFFFFF, v7  }
0x4ab: {  	v16 =	vand.u32 $0x7FFFFFFF, v5;
	v19 =	vsub.f32 v15, v4;
	v14 =	vmax.f32 v14, $0.0e+00  }
0x4ac: {  	v16 =	vsub.f32 v16, v4;
	v18 =	vor.u32 v14, v12;
	v14 =	vand.u32 $0x7FFFFFFF, v6  }
0x4ad: {  	v12 =	vmax.f32 v13, $0.0e+00;
	v13 =	vand.u32 $0x7FFFFFFF, v8;
	v15 =	vsub.f32 v14, v4  }
0x4ae: {  	v14 =	vmax.f32 v17, $0.0e+00;
	v17 =	vsub.f32 v13, v4;
	v20 =	vand.u32 $0x7FFFFFFF, v11  }
0x4af: {  	s24 =	simm.s32 $0x0;
	s25 =	simm.s32 $0x80C0;
	[tilespmem:s23+$0x30] =	vst v18;
	v16 =	vmax.f32 v16, $0.0e+00;
	v13 =	vmax.f32 v19, $0.0e+00;
	v18 =	vsub.f32 v20, v4  }
.LBB2_116:
0x4b0: {  	v19 =	vld [tilespmem:s25+$0x30];
	s24 =	sadd.s32 $0x8, s24;
	v11 =	vand.u32 $0x80000000, v11;
	v15 =	vmax.f32 v15, $0.0e+00;
	v17 =	vmax.f32 v17, $0.0e+00  }
0x4b1: {  	v21 =	vand.u32 $0x80000000, v5;
	v22 =	vand.u32 $0x80000000, v7;
	v20 =	vld [tilespmem:s25+$0xFFFFFFD0];
	p0 =	slt.u32 s24, $0x7F8;
	v18 =	vmax.f32 v18, $0.0e+00  }
0x4b2: {  	v6 =	vand.u32 $0x80000000, v6;
	v8 =	vand.u32 $0x80000000, v8;
	v23 =	vld [tilespmem:s25+$0xFFFFFFE0];
	v7 =	vor.u32 v18, v11  }
0x4b3: {  	v9 =	vor.u32 v12, v9;
	v10 =	vor.u32 v14, v10;
	v11 =	vor.u32 v16, v21;
	v5 =	vld [tilespmem:s25+$0xFFFFFFF0];
	[tilespmem:s23+$0xFFFFFFC0] =	vst v7  }
0x4b4: {  	v12 =	vor.u32 v13, v22;
	v13 =	vor.u32 v15, v6;
	v14 =	vor.u32 v17, v8;
	v7 =	vld [tilespmem:s25+$0x0];
	[tilespmem:s23+$0xFFFFFFD0] =	vst v9  }
0x4b5: {  	v6 =	vld [tilespmem:s25+$0x10];
	v15 =	vand.u32 $0x7FFFFFFF, v19;
	[tilespmem:s23+$0xFFFFFFE0] =	vst v10  }
0x4b6: {  	v10 =	vand.u32 $0x7FFFFFFF, v20;
	v9 =	vand.u32 $0x80000000, v20;
	v8 =	vld [tilespmem:s25+$0x20];
	v15 =	vsub.f32 v15, v4;
	[tilespmem:s23+$0xFFFFFFF0] =	vst v11  }
0x4b7: {  	v11 =	vld [tilespmem:s25+$0xFFFFFFC0];
	v16 =	vsub.f32 v10, v4;
	v17 =	vand.u32 $0x7FFFFFFF, v23;
	v10 =	vand.u32 $0x80000000, v23;
	[tilespmem:s23+$0x0] =	vst v12  }
0x4b8: {  	v18 =	vand.u32 $0x80000000, v19;
	v12 =	vand.u32 $0x7FFFFFFF, v5;
	v15 =	vmax.f32 v15, $0.0e+00;
	[tilespmem:s23+$0x10] =	vst v13  }
.Ltmp69:
0x4b9: {  	v13 =	vsub.f32 v17, v4;
	v17 =	vand.u32 $0x7FFFFFFF, v7;
	v15 =	vor.u32 v15, v18;
	[tilespmem:s23+$0x20] =	vst v14;
	s23 =	smov.u32 s25;
	(pc) =	sbr.rel @p0 .LBB2_116-.Ltmp69, $4  }
0x4ba: {  	v19 =	vsub.f32 v12, v4;
	v20 =	vsub.f32 v17, v4;
	v14 =	vand.u32 $0x7FFFFFFF, v6;
	[tilespmem:s25+$0x30] =	vst v15  }
0x4bb: {  	v12 =	vmax.f32 v16, $0.0e+00;
	v15 =	vsub.f32 v14, v4;
	v16 =	vand.u32 $0x7FFFFFFF, v8  }
0x4bc: {  	v14 =	vmax.f32 v13, $0.0e+00;
	v18 =	vand.u32 $0x7FFFFFFF, v11;
	v17 =	vsub.f32 v16, v4  }
0x4bd: {  	s25 =	sadd.s32 $0x80, s25;
	v16 =	vmax.f32 v19, $0.0e+00;
	v13 =	vmax.f32 v20, $0.0e+00;
	v18 =	vsub.f32 v18, v4  }
0x4be: {  	_ = 	snop  }
0x4bf: {  	v4 =	vand.u32 $0x80000000, v11;
	v60 =	vor.u32 v14, v10;
	v59 =	vmax.f32 v18, $0.0e+00  }
0x4c0: {  	[tilespmem:s23+$0xFFFFFFE0] =	vst v60;
	v4 =	vor.u32 v59, v4  }
0x4c1: {  	v5 =	vand.u32 $0x80000000, v5;
	[tilespmem:s23+$0xFFFFFFC0] =	vst v4;
	v4 =	vor.u32 v12, v9  }
0x4c2: {  	v5 =	vor.u32 v16, v5;
	[tilespmem:s23+$0xFFFFFFD0] =	vst v4;
	v4 =	vand.u32 $0x80000000, v7  }
0x4c3: {  	v6 =	vand.u32 $0x80000000, v6;
	[tilespmem:s23+$0xFFFFFFF0] =	vst v5;
	v7 =	vmax.f32 v15, $0.0e+00;
	v4 =	vor.u32 v13, v4  }
0x4c4: {  	v8 =	vand.u32 $0x80000000, v8;
	v5 =	vmax.f32 v17, $0.0e+00;
	v6 =	vor.u32 v7, v6;
	[tilespmem:s23+$0x0] =	vst v4  }
0x4c5: {  	v4 =	vor.u32 v5, v8;
	[tilespmem:s23+$0x10] =	vst v6  }
0x4c6: {  	[tilespmem:s23+$0x20] =	vst v4  }
0x4c7: {  	[hbm4b:s7+s12] =	stream.strided.scatter [tilespmem:s14], [sflag:$0x4], $0x8000, s13, s12, $0x38;
	[tilespmem:$0x18300] =	vst v63  }
0x4c8: {  	_ =	swait.ge [sflag:s21], $0x8000  }
0x4c9: {  	[sflag:s21] =	ssyncset.done $0x0  }
0x4ca: {  	[sflag:s21] =	ssyncadd.s32 $0xFFFF8000  }
0x4cb: {  	[tilespmem:s14], [sflag:$0x2] =	stream.strided.gather [hbm4b:s8+s12], $0x8000, s13, s12, $0x38;
	[tilespmem:$0x18300] =	vst v63  }
0x4cc: {  	_ =	swait.ge [sflag:s15], $0x8000  }
0x4cd: {  	[sflag:s15] =	ssyncset.done $0x0  }
0x4ce: {  	[sflag:s15] =	ssyncadd.s32 $0xFFFF8000  }
0x4cf: {  	[tilespmem:$0x18000] =	vst v1  }
0x4d0: {  	[tilespmem:$0x18010] =	vst v1  }
0x4d1: {  	[tilespmem:$0x18020] =	vst v1  }
0x4d2: {  	[tilespmem:$0x18030] =	vst v1  }
0x4d3: {  	[tilespmem:$0x18040] =	vst v1  }
0x4d4: {  	[tilespmem:$0x18050] =	vst v1  }
0x4d5: {  	[tilespmem:$0x18060] =	vst v1  }
0x4d6: {  	[tilespmem:$0x18070] =	vst v1  }
0x4d7: {  	[tilespmem:$0x18080] =	vst v1  }
0x4d8: {  	[tilespmem:$0x18090] =	vst v1  }
0x4d9: {  	[tilespmem:$0x180A0] =	vst v1  }
0x4da: {  	[tilespmem:$0x180B0] =	vst v1  }
0x4db: {  	[tilespmem:$0x180C0] =	vst v1  }
0x4dc: {  	[tilespmem:$0x180D0] =	vst v1  }
0x4dd: {  	[tilespmem:$0x180E0] =	vst v1  }
0x4de: {  	s0 =	simm.s32 $0x40;
	[tilespmem:$0x180F0] =	vst v1  }
0x4df: {  	v4 =	vld [tilespmem:s0+$0x30]  }
0x4e0: {  	v5 =	vld [tilespmem:s0+$0xFFFFFFD0]  }
0x4e1: {  	v6 =	vld [tilespmem:s0+$0xFFFFFFE0]  }
0x4e2: {  	v7 =	vld [tilespmem:s0+$0xFFFFFFF0]  }
0x4e3: {  	v8 =	vld [tilespmem:s0+$0x0]  }
0x4e4: {  	v4 =	vshrl.u32 v4, $0x17  }
0x4e5: {  	v5 =	vshrl.u32 v5, $0x17;
	v4 =	vand.u32 $0xFF, v4  }
0x4e6: {  	v61 =	vld [tilespmem:s0+$0x10];
	v6 =	vshrl.u32 v6, $0x17;
	v5 =	vand.u32 $0xFF, v5  }
0x4e7: {  	v62 =	vld [tilespmem:s0+$0x20];
	v7 =	vshrl.u32 v7, $0x17;
	v6 =	vand.u32 $0xFF, v6  }
0x4e8: {  	v63 =	vld [tilespmem:s0+$0xFFFFFFC0];
	v8 =	vshrl.u32 v8, $0x17;
	v7 =	vand.u32 $0xFF, v7  }
0x4e9: {  	v8 =	vand.u32 $0xFF, v8  }
0x4ea: {  	[tilespmem:v4+s16+$0x0] =	vst.idx.add.s32.msk $0xffff, v2  }
0x4eb: {  	[tilespmem:v5+s16+$0x0] =	vst.idx.add.s32.msk $0xffff, v2  }
0x4ec: {  	[tilespmem:v6+s16+$0x0] =	vst.idx.add.s32.msk $0xffff, v2  }
0x4ed: {  	v4 =	vshrl.u32 v61, $0x17;
	v5 =	vshrl.u32 v62, $0x17;
	v6 =	vshrl.u32 v63, $0x17;
	[tilespmem:v7+s16+$0x0] =	vst.idx.add.s32.msk $0xffff, v2  }
0x4ee: {  	s23 =	simm.s32 $0xC0;
	s0 =	simm.s32 $0x0;
	[tilespmem:v8+s16+$0x0] =	vst.idx.add.s32.msk $0xffff, v2;
	v4 =	vand.u32 $0xFF, v4;
	v5 =	vand.u32 $0xFF, v5;
	v6 =	vand.u32 $0xFF, v6  }
.LBB2_118:
0x4ef: {  	v7 =	vld [tilespmem:s23+$0x30];
	s0 =	sadd.s32 $0x8, s0  }
0x4f0: {  	v8 =	vld [tilespmem:s23+$0xFFFFFFD0];
	p0 =	slt.u32 s0, $0x7F8  }
0x4f1: {  	v9 =	vld [tilespmem:s23+$0xFFFFFFE0]  }
0x4f2: {  	v10 =	vld [tilespmem:s23+$0xFFFFFFF0]  }
0x4f3: {  	v11 =	vld [tilespmem:s23+$0x0]  }
0x4f4: {  	v12 =	vld [tilespmem:s23+$0x10];
	v7 =	vshrl.u32 v7, $0x17  }
0x4f5: {  	v8 =	vshrl.u32 v8, $0x17;
	v13 =	vld [tilespmem:s23+$0x20];
	v7 =	vand.u32 $0xFF, v7  }
0x4f6: {  	v14 =	vld [tilespmem:s23+$0xFFFFFFC0];
	v8 =	vand.u32 $0xFF, v8;
	v9 =	vshrl.u32 v9, $0x17  }
0x4f7: {  	v9 =	vand.u32 $0xFF, v9;
	v10 =	vshrl.u32 v10, $0x17;
	[tilespmem:v6+s16+$0x0] =	vst.idx.add.s32.msk $0xffff, v2  }
0x4f8: {  	v10 =	vand.u32 $0xFF, v10;
	v6 =	vshrl.u32 v11, $0x17;
	[tilespmem:v4+s16+$0x0] =	vst.idx.add.s32.msk $0xffff, v2  }
0x4f9: {  	v11 =	vand.u32 $0xFF, v6;
	v4 =	vshrl.u32 v12, $0x17;
	[tilespmem:v5+s16+$0x0] =	vst.idx.add.s32.msk $0xffff, v2  }
.Ltmp70:
0x4fa: {  	v4 =	vand.u32 $0xFF, v4;
	v5 =	vshrl.u32 v13, $0x17;
	[tilespmem:v7+s16+$0x0] =	vst.idx.add.s32.msk $0xffff, v2;
	(pc) =	sbr.rel @p0 .LBB2_118-.Ltmp70, $4  }
0x4fb: {  	v6 =	vshrl.u32 v14, $0x17;
	[tilespmem:v8+s16+$0x0] =	vst.idx.add.s32.msk $0xffff, v2;
	v5 =	vand.u32 $0xFF, v5  }
0x4fc: {  	v6 =	vand.u32 $0xFF, v6;
	[tilespmem:v9+s16+$0x0] =	vst.idx.add.s32.msk $0xffff, v2  }
0x4fd: {  	[tilespmem:v10+s16+$0x0] =	vst.idx.add.s32.msk $0xffff, v2  }
0x4fe: {  	s23 =	sadd.s32 $0x80, s23;
	[tilespmem:v11+s16+$0x0] =	vst.idx.add.s32.msk $0xffff, v2  }
0x4ff: {  	_ =	sdelay $0x3  }
0x500: {  	[tilespmem:v6+s16+$0x0] =	vst.idx.add.s32.msk $0xffff, v2  }
0x501: {  	[tilespmem:v4+s16+$0x0] =	vst.idx.add.s32.msk $0xffff, v2  }
0x502: {  	[tilespmem:v5+s16+$0x0] =	vst.idx.add.s32.msk $0xffff, v2;
	v4 =	vimm.s32 $0x0  }
0x503: {  	s3 =	simm.s32 $0xF0;
	[tilespmem:$0x18280] =	vst v4  }
0x504: {  	v5 =	vld [tilespmem:s3+$0x18000];
	_ =	sdelay $0x4  }
0x505: {  	v5 =	vperm.xlane v5, v3;
	_ =	sdelay $0x1  }
0x506: {  	(xrf0) =	vadd.scan.msk.s32 $0xffff, v5  }
0x507: {  	s0 =	simm.s32 $0xE0  }
0x508: {  	v5 =	vld [tilespmem:s0+$0x18000];
	_ =	sdelay $0x3  }
0x509: {  	v6, _, _ =	vpop (xrf0)  }
0x50a: {  	v5 =	vperm.xlane v5, v3;
	v6 =	vperm.xlane v6, v3  }
0x50b: {  	s1 =	simm.s32 $0x0  }
0x50c: {  	(xrf0) =	vadd.scan.msk.s32 $0xffff, v5;
	v5 =	vadd.s32 s1, v6  }
0x50d: {  	(v2sf) =	vpush v5, $0x0;
	_ =	sdelay $0x9  }
0x50e: {  	vm0 =	vgt.s32 v5, $0x100  }
0x50f: {  	v6 =	vmpcnt.ones.xlane vm0;
	_ =	sdelay $0x1  }
0x510: {  	s1 =	simm.s32 $0x340;
	[tilespmem:s3+$0x18180] =	vst v5;
	s3 =	simm.s32 $0x300;
	v4 =	vadd.s32 v4, v6;
	v5, _, _ =	vpop (xrf0)  }
.LBB2_120:
0x511: {  	p0 =	sne.s32 s3, $0x0;
	v5 =	vperm.xlane v5, v3  }
0x512: {  	s4 =	spop (v2sf)  }
0x513: {  	s5 =	sshra.s32 s1, $0x2;
	s1 =	smov.u32 s3;
	v5 =	vadd.s32 s4, v5  }
0x514: {  	v6 =	vld [tilespmem:s5+$0x18000];
	[tilespmem:s0+$0x18180] =	vst v5;
	vm0 =	vgt.s32 v5, $0x100;
	(v2sf) =	vpush v5, $0x0;
	s0 =	smov.u32 s5  }
0x515: {  	v5 =	vmpcnt.ones.xlane vm0;
	_ =	sdelay $0x1  }
0x516: {  	v4 =	vadd.s32 v4, v5;
	_ =	sdelay $0x1  }
0x517: {  	v5 =	vperm.xlane v6, v3;
	_ =	sdelay $0x1  }
0x518: {  	(xrf0) =	vadd.scan.msk.s32 $0xffff, v5;
	_ =	sdelay $0x1  }
.Ltmp71:
0x519: {  	(pc) =	sbr.rel @p0 .LBB2_120-.Ltmp71, $2  }
0x51a: {  	_ =	sdelay $0x2  }
0x51b: {  	s3 =	sadd.s32 $0xFFFFFFC0, s3;
	v5, _, _ =	vpop (xrf0)  }
0x51c: {  	v5 =	vperm.xlane v5, v3  }
0x51d: {  	s3 =	spop (v2sf)  }
0x51e: {  	s1 =	sshra.s32 s1, $0x2;
	v5 =	vadd.s32 s3, v5  }
0x51f: {  	v6 =	vld [tilespmem:s1+$0x18000];
	(v2sf) =	vpush v5, $0x0;
	_ =	sdelay $0x4  }
0x520: {  	v6 =	vperm.xlane v6, v3;
	_ =	sdelay $0x1  }
0x521: {  	(xrf0) =	vadd.scan.msk.s32 $0xffff, v6;
	_ =	sdelay $0x5  }
0x522: {  	v6, _, _ =	vpop (xrf0)  }
0x523: {  	v6 =	vperm.xlane v6, v3  }
0x524: {  	s26 =	spop (v2sf)  }
0x525: {  	vm0 =	vgt.s32 v5, $0x100;
	v6 =	vadd.s32 s26, v6  }
0x526: {  	v7 =	vmpcnt.ones.xlane vm0;
	vm0 =	vgt.s32 v6, $0x100  }
0x527: {  	v8 =	vmpcnt.ones.xlane vm0  }
0x528: {  	v4 =	vadd.s32 v4, v7  }
0x529: {  	(v2sf) =	vpush v6, $0x0;
	v4 =	vadd.s32 v4, v8  }
0x52a: {  	(v2sf) =	vpush v4, $0x0;
	_ =	sdelay $0x8  }
0x52b: {  	[tilespmem:s0+$0x18180] =	vst v5  }
0x52c: {  	s28 =	simm.s32 $0x40;
	[tilespmem:s1+$0x18180] =	vst v6  }
0x52d: {  	v5 =	vld [tilespmem:s28+$0x20]  }
0x52e: {  	v9 =	vld [tilespmem:s28+$0x0]  }
0x52f: {  	v12 =	vld [tilespmem:s28+$0xFFFFFFC0]  }
0x530: {  	v13 =	vld [tilespmem:s28+$0xFFFFFFD0];
	s30 =	spop (v2sf)  }
0x531: {  	v14 =	vld [tilespmem:s28+$0xFFFFFFE0];
	s1 =	spop (v2sf)  }
0x532: {  	v6 =	vld [tilespmem:s28+$0x30];
	v11 =	vbroadcast v4, $0x0;
	s29 =	sadd.s32 $0xFFFFFFFF, s1  }
0x533: {  	v15 =	vlaneseq.u32;
	v10 =	vld [tilespmem:s28+$0xFFFFFFF0];
	s1 =	sshll.u32 s29, $0x17  }
0x534: {  	s31 =	simm.s32 $0xC0;
	v7 =	vld [tilespmem:s28+$0x10];
	v5 =	vand.u32 $0x7FFFFFFF, v5;
	v12 =	vand.u32 $0x7FFFFFFF, v12;
	v4 =	vmov s1  }
0x535: {  	v18 =	vld [tilespmem:s31+$0x20];
	v21 =	vand.u32 $0x7FFFFFFF, v9;
	v9 =	vand.u32 $0x7FFFFFFF, v13;
	vm1 =	vge.s32 v12, v4  }
0x536: {  	v22 =	vld [tilespmem:s31+$0x10];
	v16 =	vand.u32 $0x7FFFFFFF, v14;
	vm2 =	vge.s32 v9, v4;
	v13 =	vsel vm1, $0x10, v1  }
0x537: {  	v23 =	vld [tilespmem:s31+$0x0];
	vm3 =	vge.s32 v16, v4;
	v14 =	vadd.s32 v15, v13;
	v13 =	vsel vm2, $0x10, v1  }
0x538: {  	v8 =	vand.u32 $0x7FFFFFFF, v6;
	v6 =	vld.idx.msk [tilespmem:v11+s17+$0x0], $0xffff;
	v11 =	vand.u32 $0x7FFFFFFF, v10;
	v19 =	vadd.s32 v14, v13  }
0x539: {  	v7 =	vand.u32 $0x7FFFFFFF, v7;
	v10 =	vld [tilespmem:s31+$0x30];
	vm4 =	vge.s32 v11, v4;
	v13 =	vsel vm3, $0x10, v1  }
0x53a: {  	v25 =	vld [tilespmem:s31+$0xFFFFFFC0];
	vm5 =	vge.s32 v21, v4;
	v24 =	vadd.s32 v19, v13;
	v13 =	vsel vm4, $0x10, v1  }
0x53b: {  	v17 =	vld [tilespmem:s31+$0xFFFFFFF0];
	vm0 =	vge.s32 v7, v4;
	v26 =	vadd.s32 v24, v13;
	v13 =	vsel vm5, $0x10, v1;
	[tilespmem:v15+s18+$0x0] =	vst.idx.msk vm1, v12  }
0x53c: {  	v20 =	vld [tilespmem:s31+$0xFFFFFFD0];
	v13 =	vadd.s32 v26, v13;
	v12 =	vsel vm0, $0x10, v1;
	vm1 =	vge.s32 v5, v4;
	[tilespmem:v14+s18+$0x0] =	vst.idx.msk vm2, v9  }
0x53d: {  	v14 =	vadd.s32 v13, v12;
	v9 =	vsel vm1, $0x10, v1;
	vm2 =	vge.s32 v8, v4;
	[tilespmem:v19+s18+$0x0] =	vst.idx.msk vm3, v16;
	v19 =	vld [tilespmem:s31+$0xFFFFFFE0]  }
0x53e: {  	v10 =	vand.u32 $0x7FFFFFFF, v10;
	v15 =	vadd.s32 v14, v9  }
0x53f: {  	v12 =	vand.u32 $0x7FFFFFFF, v25;
	v9 =	vsel vm2, $0x10, v1;
	v16 =	vand.u32 $0x7FFFFFFF, v18;
	[tilespmem:v24+s18+$0x0] =	vst.idx.msk vm4, v11  }
0x540: {  	s23 =	simm.s32 $0x8;
	s0 =	simm.s32 $0x140;
	v18 =	vand.u32 $0x7FFFFFFF, v22;
	v11 =	vadd.s32 v15, v9;
	v9 =	vand.u32 $0x7FFFFFFF, v23;
	[tilespmem:v26+s18+$0x0] =	vst.idx.msk vm5, v21  }
.LBB2_122:
0x541: {  	v21 =	vld [tilespmem:s0+$0x30];
	vm3 =	vge.s32 v12, v4;
	v22 =	vand.u32 $0x7FFFFFFF, v20;
	v23 =	vand.u32 $0x7FFFFFFF, v17;
	[tilespmem:v13+s18+$0x0] =	vst.idx.msk vm0, v7;
	v7 =	vmovc v18  }
0x542: {  	s23 =	sadd.s32 $0x8, s23;
	v18 =	vld [tilespmem:s0+$0x20];
	v13 =	vsel vm3, $0x10, v1;
	vm4 =	vge.s32 v22, v4;
	v24 =	vand.u32 $0x7FFFFFFF, v19;
	[tilespmem:v14+s18+$0x0] =	vst.idx.msk vm1, v5;
	v5 =	vmovc v16  }
0x543: {  	p0 =	slt.u32 s23, $0x7F8;
	v25 =	vld [tilespmem:s0+$0x10];
	v14 =	vadd.s32 v11, v13;
	v13 =	vsel vm4, $0x10, v1;
	vm5 =	vge.s32 v24, v4;
	[tilespmem:v15+s18+$0x0] =	vst.idx.msk vm2, v8  }
0x544: {  	vm6 =	vge.s32 v23, v4;
	v8 =	vmovc v10;
	v26 =	vld [tilespmem:s0+$0x0];
	v15 =	vadd.s32 v14, v13;
	v13 =	vsel vm5, $0x10, v1  }
0x545: {  	vm7 =	vge.s32 v9, v4;
	v10 =	vsel vm6, $0x10, v1;
	v17 =	vld [tilespmem:s0+$0xFFFFFFF0];
	v27 =	vadd.s32 v15, v13  }
0x546: {  	vm0 =	vge.s32 v7, v4;
	v28 =	vld [tilespmem:s0+$0xFFFFFFC0];
	v29 =	vadd.s32 v27, v10;
	v10 =	vsel vm7, $0x10, v1  }
.Ltmp72:
0x547: {  	vm1 =	vge.s32 v5, v4;
	v20 =	vld [tilespmem:s0+$0xFFFFFFD0];
	[tilespmem:v11+s18+$0x0] =	vst.idx.msk vm3, v12;
	v13 =	vadd.s32 v29, v10;
	v10 =	vsel vm0, $0x10, v1;
	(pc) =	sbr.rel @p0 .LBB2_122-.Ltmp72, $4  }
0x548: {  	vm2 =	vge.s32 v8, v4;
	v19 =	vld [tilespmem:s0+$0xFFFFFFE0];
	[tilespmem:v14+s18+$0x0] =	vst.idx.msk vm4, v22;
	v14 =	vadd.s32 v13, v10;
	v10 =	vsel vm1, $0x10, v1  }
0x549: {  	v11 =	vsel vm2, $0x10, v1;
	[tilespmem:v15+s18+$0x0] =	vst.idx.msk vm5, v24;
	v15 =	vadd.s32 v14, v10  }
0x54a: {  	v16 =	vand.u32 $0x7FFFFFFF, v18;
	v10 =	vand.u32 $0x7FFFFFFF, v21;
	[tilespmem:v27+s18+$0x0] =	vst.idx.msk vm6, v23;
	v11 =	vadd.s32 v15, v11  }
0x54b: {  	v18 =	vand.u32 $0x7FFFFFFF, v25;
	s0 =	sadd.s32 $0x80, s0;
	v12 =	vand.u32 $0x7FFFFFFF, v28;
	[tilespmem:v29+s18+$0x0] =	vst.idx.msk vm7, v9;
	v9 =	vand.u32 $0x7FFFFFFF, v26  }
0x54c: {  	vm3 =	vge.s32 v12, v4;
	v20 =	vand.u32 $0x7FFFFFFF, v20;
	v17 =	vand.u32 $0x7FFFFFFF, v17  }
0x54d: {  	v21 =	vsel vm3, $0x10, v1;
	vm4 =	vge.s32 v20, v4;
	v19 =	vand.u32 $0x7FFFFFFF, v19  }
0x54e: {  	v21 =	vadd.s32 v11, v21;
	v22 =	vsel vm4, $0x10, v1;
	vm5 =	vge.s32 v19, v4  }
0x54f: {  	vm6 =	vge.s32 v17, v4;
	v22 =	vadd.s32 v21, v22;
	v23 =	vsel vm5, $0x10, v1  }
0x550: {  	vm7 =	vge.s32 v9, v4;
	v24 =	vsel vm6, $0x10, v1;
	v23 =	vadd.s32 v22, v23  }
0x551: {  	vm8 =	vge.s32 v18, v4;
	v25 =	vsel vm7, $0x10, v1;
	v24 =	vadd.s32 v23, v24  }
0x552: {  	vm9 =	vge.s32 v16, v4;
	v26 =	vsel vm8, $0x10, v1;
	v25 =	vadd.s32 v24, v25  }
0x553: {  	vm10 =	vge.s32 v10, v4;
	v27 =	vsel vm9, $0x10, v1;
	v26 =	vadd.s32 v25, v26  }
0x554: {  	v4 =	vsel vm10, $0x10, v1;
	v27 =	vadd.s32 v26, v27  }
0x555: {  	v4 =	vadd.s32 v27, v4  }
0x556: {  	v4 =	vadd.s32 v0, v4  }
0x557: {  	v4 =	vshrl.u32 v4, $0x4  }
0x558: {  	v28 =	vor.u32 $0x80000000, v4  }
0x559: {  	(xrf0) =	vmax.scan.msk.u32 $0xffff, v28;
	_ =	sdelay $0x5  }
0x55a: {  	[tilespmem:v14+s18+$0x0] =	vst.idx.msk vm1, v5;
	(v2sf) =	vpush v6, $0x0;
	v5, _, _ =	vpop (xrf0)  }
0x55b: {  	[tilespmem:v13+s18+$0x0] =	vst.idx.msk vm0, v7;
	(v2sf) =	vpush v5, $0xF  }
0x55c: {  	[tilespmem:v15+s18+$0x0] =	vst.idx.msk vm2, v8  }
0x55d: {  	[tilespmem:v11+s18+$0x0] =	vst.idx.msk vm3, v12  }
0x55e: {  	[tilespmem:v21+s18+$0x0] =	vst.idx.msk vm4, v20  }
0x55f: {  	[tilespmem:v22+s18+$0x0] =	vst.idx.msk vm5, v19  }
0x560: {  	[tilespmem:v23+s18+$0x0] =	vst.idx.msk vm6, v17  }
0x561: {  	[tilespmem:v24+s18+$0x0] =	vst.idx.msk vm7, v9  }
0x562: {  	[tilespmem:v25+s18+$0x0] =	vst.idx.msk vm8, v18  }
0x563: {  	[tilespmem:v26+s18+$0x0] =	vst.idx.msk vm9, v16  }
0x564: {  	[tilespmem:v27+s18+$0x0] =	vst.idx.msk vm10, v10  }
0x565: {  	[tilespmem:$0x18000] =	vst v1  }
0x566: {  	[tilespmem:$0x18010] =	vst v1  }
0x567: {  	[tilespmem:$0x18020] =	vst v1  }
0x568: {  	[tilespmem:$0x18030] =	vst v1  }
0x569: {  	[tilespmem:$0x18040] =	vst v1;
	s30 =	spop (v2sf)  }
0x56a: {  	[tilespmem:$0x18050] =	vst v1;
	s25 =	spop (v2sf)  }
0x56b: {  	[tilespmem:$0x18060] =	vst v1;
	s23 =	sxor.u32 $0x80000000, s25  }
0x56c: {  	[tilespmem:$0x18070] =	vst v1;
	s0 =	sshrl.u32 s23, $0x1F  }
0x56d: {  	[tilespmem:$0x18080] =	vst v1;
	s0 =	sadd.s32 s0, s23  }
0x56e: {  	[tilespmem:$0x18090] =	vst v1;
	s24 =	sand.u32 $0xFFFFFFFE, s0  }
0x56f: {  	[tilespmem:$0x180A0] =	vst v1;
	p0 =	slt.s32 s24, $0x1  }
.Ltmp73:
0x570: {  	[tilespmem:$0x180B0] =	vst v1;
	(pc) =	sbr.rel @p0 .LBB2_140-.Ltmp73, $4  }
0x571: {  	[tilespmem:$0x180C0] =	vst v1  }
0x572: {  	[tilespmem:$0x180D0] =	vst v1  }
0x573: {  	[tilespmem:$0x180E0] =	vst v1  }
0x574: {  	[tilespmem:$0x180F0] =	vst v1;
	v5 =	vmov s29  }
0x575: {  	p3 =	sgt.s32 s24, $0x2  }
.Ltmp74:
0x576: {  	_ = 	snop;
	(pc) =	sbr.rel @!p3 .LBB2_125-.Ltmp74, $4  }
0x577: {  	_ = 	snop  }
0x578: {  	s3 =	simm.s32 $0x10010  }
0x579: {  	s0 =	simm.s32 $0x0;
	v11 =	vld [tilespmem:s3+$0x0]  }
0x57a: {  	s1 =	simm.s32 $0x2;
	p1 =	por $0x0, $0x0;
	p2 =	por $0x0, $0x0;
	v6 =	vld [tilespmem:s3+$0xFFFFFFF0]  }
0x57b: {  	_ = 	snop  }
0x57c: {  	p3 =	sgt.s32 s24, $0x4  }
.Ltmp75:
0x57d: {  	_ = 	snop;
	(pc) =	sbr.rel @!p3 .LBB2_149-.Ltmp75, $4  }
0x57e: {  	vm0 =	vgt.s32 v4, s0;
	s4 =	simm.s32 $0x1  }
0x57f: {  	s3 =	simm.s32 $0x10030;
	vm2 =	vgt.s32 v4, s4;
	v8 =	vshrl.u32 v6, $0xF;
	v6 =	vshrl.u32 v6, $0x17  }
0x580: {  	v9 =	vld [tilespmem:s3+$0x0];
	vm1 =	veq.s32 v6, v5;
	v10 =	vand.u32 $0xFF, v8;
	v8 =	vshrl.u32 v11, $0x17  }
0x581: {  	s0 =	simm.s32 $0x4;
	p1 =	por $0x1, $0x1;
	v7 =	vshrl.u32 v11, $0xF;
	v6 =	vld [tilespmem:s3+$0xFFFFFFF0];
	vm1 =	vmand vm0, vm1;
	vm4 =	veq.s32 v8, v5  }
0x582: {  	_ =	sdelay $0x1  }
0x583: {  	p3 =	sgt.s32 s24, $0x6  }
.Ltmp76:
0x584: {  	vm0 =	vmand vm2, vm4;
	(pc) =	sbr.rel @!p3 .LBB2_151-.Ltmp76, $4  }
0x585: {  	v8 =	vand.u32 $0xFF, v7;
	vm2 =	vgt.s32 v4, s1  }
0x586: {  	s3 =	simm.s32 $0x10050;
	[tilespmem:v10+s16+$0x0] =	vst.idx.add.s32.msk vm1, v2;
	v7 =	vshrl.u32 v9, $0xF;
	v9 =	vshrl.u32 v9, $0x17;
	v13 =	vshrl.u32 v6, $0x17  }
0x587: {  	s4 =	simm.s32 $0x3;
	v11 =	vld [tilespmem:s3+$0x0];
	v12 =	vshrl.u32 v6, $0xF;
	vm4 =	veq.s32 v9, v5;
	vm3 =	veq.s32 v13, v5  }
0x588: {  	s1 =	simm.s32 $0x6;
	p2 =	por $0x1, $0x1;
	v6 =	vld [tilespmem:s3+$0xFFFFFFF0];
	v12 =	vand.u32 $0xFF, v12;
	vm3 =	vmand vm2, vm3;
	vm2 =	vgt.s32 v4, s4  }
.LBB2_152:
0x589: {  	s4 =	smov.u32 s1;
	s1 =	sadd.s32 $0x2, s1  }
0x58a: {  	[tilespmem:v8+s16+$0x0] =	vst.idx.add.s32.msk vm0, v2;
	vm0 =	vmand vm2, vm4;
	p3 =	slt.s32 s1, s24  }
.Ltmp77:
0x58b: {  	v8 =	vand.u32 $0xFF, v7;
	(pc) =	sbr.rel @p3 .LBB2_152-.Ltmp77, $4  }
0x58c: {  	s3 =	sadd.s32 $0x20, s3;
	v7 =	vshrl.u32 v11, $0xF;
	v9 =	vmov v11  }
0x58d: {  	vm1 =	vgt.s32 v4, s0;
	v11 =	vld [tilespmem:s3+$0x0];
	v10 =	vshrl.u32 v6, $0xF;
	v13 =	vshrl.u32 v6, $0x17  }
0x58e: {  	s5 =	sadd.s32 $0x1, s0;
	s0 =	smov.u32 s4;
	v9 =	vshrl.u32 v9, $0x17;
	v6 =	vld [tilespmem:s3+$0xFFFFFFF0];
	vm5 =	veq.s32 v13, v5;
	v10 =	vand.u32 $0xFF, v10  }
0x58f: {  	vm2 =	vgt.s32 v4, s5;
	vm4 =	veq.s32 v9, v5;
	[tilespmem:v12+s16+$0x0] =	vst.idx.add.s32.msk vm3, v2;
	vm3 =	vmand vm1, vm5;
	v12 =	vmovc v10  }
0x590: {  	_ =	sdelay $0x1  }
0x591: {  	s1 =	smov.u32 s0;
	vm1 =	vmmov vm3;
	v10 =	vmov v12;
	v9 =	vmov v11  }
.LBB2_154:
0x592: {  	vm2 =	vmand @p1 vm2, vm4;
	v7 =	vand.u32 @p1 $0xFF, v7;
	v11 =	vshrl.u32 v6, $0x17  }
0x593: {  	v6 =	vshrl.u32 v6, $0xF;
	vm3 =	vgt.s32 v4, s1;
	s0 =	sadd.s32 $0x1, s1;
	v62 =	vshrl.u32 v9, $0x17  }
0x594: {  	vm14 =	veq.s32 v11, v5;
	vm2 =	vmmov @p1 vm2;
	vm15 =	vgt.s32 v4, s0  }
0x595: {  	vm5 =	veq.s32 v62, v5;
	v7 =	vpsel p1, v7, v0;
	vm3 =	vmand vm3, vm14  }
0x596: {  	v63 =	vshrl.u32 v9, $0xF;
	v6 =	vand.u32 $0xFF, v6;
	vm4 =	vmand vm15, vm5  }
0x597: {  	v9 =	vand.u32 $0xFF, v63  }
0x598: {  	[tilespmem:v8+s16+$0x0] =	vst.idx.add.s32.msk @p2 vm0, v2  }
0x599: {  	[tilespmem:v10+s16+$0x0] =	vst.idx.add.s32.msk @p1 vm1, v2  }
0x59a: {  	[tilespmem:v7+s16+$0x0] =	vst.idx.add.s32.msk @p1 vm2, v2  }
0x59b: {  	[tilespmem:v6+s16+$0x0] =	vst.idx.add.s32.msk vm3, v2  }
0x59c: {  	[tilespmem:v9+s16+$0x0] =	vst.idx.add.s32.msk vm4, v2  }
.LBB2_140:
0x59d: {  	p1 =	sge.s32 s24, s23  }
.Ltmp78:
0x59e: {  	_ = 	snop;
	(pc) =	sbr.rel @p1 .LBB2_143-.Ltmp78, $4  }
0x59f: {  	_ = 	snop  }
0x5a0: {  	s28 =	ssub.s32 s23, s24  }
0x5a1: {  	s0 =	sshll.u32 s25, $0x6;
	s1 =	sshll.u32 s28, $0x6  }
0x5a2: {  	s25 =	ssub.s32 $0x0, s28;
	s26 =	ssub.s32 s0, s1  }
0x5a3: {  	s1 =	sshra.s32 s26, $0x2  }
0x5a4: {  	s0 =	ssub.s32 $0x0, s28;
	s1 =	sadd.s32 $0x10000, s1  }
.LBB2_142:
0x5a5: {  	v6 =	vld [tilespmem:s1+$0x0];
	_ =	sdelay $0x4  }
0x5a6: {  	s3 =	sadd.s32 s0, s23;
	v7 =	vshrl.u32 v6, $0x17  }
0x5a7: {  	vm0 =	vgt.s32 v4, s3;
	vm1 =	veq.s32 v7, v5  }
0x5a8: {  	s0 =	sadd.s32 $0x1, s0;
	v6 =	vshrl.u32 v6, $0xF;
	vm0 =	vmand vm0, vm1  }
0x5a9: {  	p2 =	seq.s32 s0, $0x0;
	v6 =	vand.u32 $0xFF, v6  }
.Ltmp79:
0x5aa: {  	_ = 	snop;
	(pc) =	sbr.rel @!p2 .LBB2_142-.Ltmp79, $2  }
0x5ab: {  	_ =	sdelay $0x2  }
0x5ac: {  	s1 =	sadd.s32 $0x10, s1;
	[tilespmem:v6+s16+$0x0] =	vst.idx.add.s32.msk vm0, v2  }
.LBB2_143:
0x5ad: {  	v6 =	vimm.s32 $0x0  }
0x5ae: {  	s3 =	simm.s32 $0xF0;
	[tilespmem:$0x18280] =	vst v6  }
0x5af: {  	v5 =	vld [tilespmem:s3+$0x18000];
	_ =	sdelay $0x4  }
0x5b0: {  	v5 =	vperm.xlane v5, v3;
	_ =	sdelay $0x1  }
0x5b1: {  	(xrf0) =	vadd.scan.msk.s32 $0xffff, v5;
	_ =	sdelay $0x5  }
0x5b2: {  	v7, _, _ =	vpop (xrf0)  }
0x5b3: {  	v7 =	vperm.xlane v7, v3  }
0x5b4: {  	s1 =	simm.s32 $0x0  }
0x5b5: {  	s0 =	simm.s32 $0xE0;
	v7 =	vadd.s32 s1, v7  }
0x5b6: {  	v5 =	vld [tilespmem:s0+$0x18000];
	(v2sf) =	vpush v7, $0x0;
	_ =	sdelay $0x4  }
0x5b7: {  	v5 =	vperm.xlane v5, v3;
	_ =	sdelay $0x1  }
0x5b8: {  	(xrf0) =	vadd.scan.msk.s32 $0xffff, v5  }
0x5b9: {  	s30 =	ssub.s32 $0x101, s30  }
0x5ba: {  	v5 =	vmov s30  }
0x5bb: {  	vm0 =	vge.s32 v7, v5  }
0x5bc: {  	v8 =	vmpcnt.ones.xlane vm0;
	_ =	sdelay $0x1  }
0x5bd: {  	s1 =	simm.s32 $0x340;
	[tilespmem:s3+$0x18180] =	vst v7;
	s3 =	simm.s32 $0x300;
	v6 =	vadd.s32 v6, v8;
	v7, _, _ =	vpop (xrf0)  }
.LBB2_144:
0x5be: {  	p2 =	sne.s32 s3, $0x0;
	v7 =	vperm.xlane v7, v3  }
0x5bf: {  	s4 =	spop (v2sf)  }
0x5c0: {  	s5 =	sshra.s32 s1, $0x2;
	s1 =	smov.u32 s3;
	v7 =	vadd.s32 s4, v7  }
0x5c1: {  	v8 =	vld [tilespmem:s5+$0x18000];
	[tilespmem:s0+$0x18180] =	vst v7;
	vm0 =	vge.s32 v7, v5;
	(v2sf) =	vpush v7, $0x0;
	s0 =	smov.u32 s5  }
0x5c2: {  	v7 =	vmpcnt.ones.xlane vm0;
	_ =	sdelay $0x1  }
0x5c3: {  	v6 =	vadd.s32 v6, v7;
	_ =	sdelay $0x1  }
0x5c4: {  	v7 =	vperm.xlane v8, v3;
	_ =	sdelay $0x1  }
0x5c5: {  	(xrf0) =	vadd.scan.msk.s32 $0xffff, v7;
	_ =	sdelay $0x1  }
.Ltmp80:
0x5c6: {  	(pc) =	sbr.rel @p2 .LBB2_144-.Ltmp80, $2  }
0x5c7: {  	_ =	sdelay $0x2  }
0x5c8: {  	s3 =	sadd.s32 $0xFFFFFFC0, s3;
	v7, _, _ =	vpop (xrf0)  }
0x5c9: {  	v7 =	vperm.xlane v7, v3  }
0x5ca: {  	s3 =	spop (v2sf)  }
0x5cb: {  	s1 =	sshra.s32 s1, $0x2;
	v7 =	vadd.s32 s3, v7  }
0x5cc: {  	v8 =	vld [tilespmem:s1+$0x18000];
	(v2sf) =	vpush v7, $0x0;
	_ =	sdelay $0x4  }
0x5cd: {  	v8 =	vperm.xlane v8, v3;
	_ =	sdelay $0x1  }
0x5ce: {  	(xrf0) =	vadd.scan.msk.s32 $0xffff, v8;
	_ =	sdelay $0x5  }
0x5cf: {  	v8, _, _ =	vpop (xrf0)  }
0x5d0: {  	v8 =	vperm.xlane v8, v3  }
0x5d1: {  	s5 =	spop (v2sf)  }
0x5d2: {  	vm0 =	vge.s32 v7, v5;
	v8 =	vadd.s32 s5, v8  }
0x5d3: {  	v9 =	vmpcnt.ones.xlane vm0;
	vm15 =	vge.s32 v8, v5  }
0x5d4: {  	v5 =	vmpcnt.ones.xlane vm15  }
0x5d5: {  	v6 =	vadd.s32 v6, v9  }
0x5d6: {  	v5 =	vadd.s32 v6, v5  }
0x5d7: {  	v6 =	vbroadcast v5, $0x0;
	_ =	sdelay $0x3  }
0x5d8: {  	[tilespmem:s0+$0x18180] =	vst v7  }
0x5d9: {  	[tilespmem:s1+$0x18180] =	vst v8  }
0x5da: {  	v6 =	vld.idx.msk [tilespmem:v6+s17+$0x0], $0xffff  }
0x5db: {  	(v2sf) =	vpush v8, $0x0  }
0x5dc: {  	(v2sf) =	vpush v5, $0x0;
	_ =	sdelay $0x2  }
0x5dd: {  	[tilespmem:$0x18000] =	vst v1;
	(v2sf) =	vpush v6, $0x0  }
0x5de: {  	[tilespmem:$0x18010] =	vst v1  }
0x5df: {  	[tilespmem:$0x18020] =	vst v1  }
0x5e0: {  	[tilespmem:$0x18030] =	vst v1  }
0x5e1: {  	[tilespmem:$0x18040] =	vst v1  }
0x5e2: {  	[tilespmem:$0x18050] =	vst v1  }
0x5e3: {  	[tilespmem:$0x18060] =	vst v1  }
0x5e4: {  	[tilespmem:$0x18070] =	vst v1  }
0x5e5: {  	[tilespmem:$0x18080] =	vst v1  }
0x5e6: {  	[tilespmem:$0x18090] =	vst v1  }
0x5e7: {  	[tilespmem:$0x180A0] =	vst v1  }
.Ltmp81:
0x5e8: {  	[tilespmem:$0x180B0] =	vst v1;
	s4 =	spop (v2sf);
	(pc) =	sbr.rel @p0 .LBB2_155-.Ltmp81, $4  }
0x5e9: {  	s5 =	sshll.u32 s29, $0x8;
	[tilespmem:$0x180C0] =	vst v1;
	s0 =	spop (v2sf)  }
0x5ea: {  	[tilespmem:$0x180D0] =	vst v1;
	s0 =	sadd.s32 s0, s5  }
0x5eb: {  	[tilespmem:$0x180E0] =	vst v1;
	s29 =	sadd.s32 $0xFFFFFFFF, s0  }
0x5ec: {  	[tilespmem:$0x180F0] =	vst v1;
	v5 =	vmov s29;
	s31 =	spop (v2sf)  }
0x5ed: {  	p4 =	sgt.s32 s24, $0x2  }
.Ltmp82:
0x5ee: {  	_ = 	snop;
	(pc) =	sbr.rel @!p4 .LBB2_147-.Ltmp82, $4  }
0x5ef: {  	_ = 	snop  }
0x5f0: {  	s3 =	simm.s32 $0x10010  }
0x5f1: {  	s0 =	simm.s32 $0x0;
	v11 =	vld [tilespmem:s3+$0x0]  }
0x5f2: {  	s1 =	simm.s32 $0x2;
	p2 =	por $0x0, $0x0;
	p3 =	por $0x0, $0x0;
	v6 =	vld [tilespmem:s3+$0xFFFFFFF0]  }
0x5f3: {  	_ = 	snop  }
0x5f4: {  	p4 =	sgt.s32 s24, $0x4  }
.Ltmp83:
0x5f5: {  	_ = 	snop;
	(pc) =	sbr.rel @!p4 .LBB2_164-.Ltmp83, $4  }
0x5f6: {  	vm0 =	vgt.s32 v4, s0;
	s4 =	simm.s32 $0x1  }
0x5f7: {  	s3 =	simm.s32 $0x10030;
	vm2 =	vgt.s32 v4, s4;
	v8 =	vshrl.u32 v6, $0x7;
	v6 =	vshrl.u32 v6, $0xF  }
0x5f8: {  	v9 =	vld [tilespmem:s3+$0x0];
	vm1 =	veq.s32 v6, v5;
	v10 =	vand.u32 $0xFF, v8;
	v8 =	vshrl.u32 v11, $0xF  }
0x5f9: {  	s0 =	simm.s32 $0x4;
	p2 =	por $0x1, $0x1;
	v7 =	vshrl.u32 v11, $0x7;
	v6 =	vld [tilespmem:s3+$0xFFFFFFF0];
	vm1 =	vmand vm0, vm1;
	vm4 =	veq.s32 v8, v5  }
0x5fa: {  	_ =	sdelay $0x1  }
0x5fb: {  	p4 =	sgt.s32 s24, $0x6  }
.Ltmp84:
0x5fc: {  	vm0 =	vmand vm2, vm4;
	(pc) =	sbr.rel @!p4 .LBB2_166-.Ltmp84, $4  }
0x5fd: {  	v8 =	vand.u32 $0xFF, v7;
	vm2 =	vgt.s32 v4, s1  }
0x5fe: {  	s3 =	simm.s32 $0x10050;
	[tilespmem:v10+s16+$0x0] =	vst.idx.add.s32.msk vm1, v2;
	v7 =	vshrl.u32 v9, $0x7;
	v9 =	vshrl.u32 v9, $0xF;
	v13 =	vshrl.u32 v6, $0xF  }
0x5ff: {  	s4 =	simm.s32 $0x3;
	v11 =	vld [tilespmem:s3+$0x0];
	v12 =	vshrl.u32 v6, $0x7;
	vm4 =	veq.s32 v9, v5;
	vm3 =	veq.s32 v13, v5  }
0x600: {  	s1 =	simm.s32 $0x6;
	p3 =	por $0x1, $0x1;
	v6 =	vld [tilespmem:s3+$0xFFFFFFF0];
	v12 =	vand.u32 $0xFF, v12;
	vm3 =	vmand vm2, vm3;
	vm2 =	vgt.s32 v4, s4  }
.LBB2_167:
0x601: {  	s4 =	smov.u32 s1;
	s1 =	sadd.s32 $0x2, s1  }
0x602: {  	[tilespmem:v8+s16+$0x0] =	vst.idx.add.s32.msk vm0, v2;
	vm0 =	vmand vm2, vm4;
	p4 =	slt.s32 s1, s24  }
.Ltmp85:
0x603: {  	v8 =	vand.u32 $0xFF, v7;
	(pc) =	sbr.rel @p4 .LBB2_167-.Ltmp85, $4  }
0x604: {  	s3 =	sadd.s32 $0x20, s3;
	v7 =	vshrl.u32 v11, $0x7;
	v9 =	vmov v11  }
0x605: {  	vm1 =	vgt.s32 v4, s0;
	v11 =	vld [tilespmem:s3+$0x0];
	v10 =	vshrl.u32 v6, $0x7;
	v13 =	vshrl.u32 v6, $0xF  }
0x606: {  	s5 =	sadd.s32 $0x1, s0;
	s0 =	smov.u32 s4;
	v9 =	vshrl.u32 v9, $0xF;
	v6 =	vld [tilespmem:s3+$0xFFFFFFF0];
	vm5 =	veq.s32 v13, v5;
	v10 =	vand.u32 $0xFF, v10  }
0x607: {  	vm2 =	vgt.s32 v4, s5;
	vm4 =	veq.s32 v9, v5;
	[tilespmem:v12+s16+$0x0] =	vst.idx.add.s32.msk vm3, v2;
	vm3 =	vmand vm1, vm5;
	v12 =	vmovc v10  }
0x608: {  	_ =	sdelay $0x1  }
0x609: {  	s1 =	smov.u32 s0;
	vm1 =	vmmov vm3;
	v10 =	vmov v12;
	v9 =	vmov v11  }
.LBB2_169:
0x60a: {  	vm2 =	vmand @p2 vm2, vm4;
	v7 =	vand.u32 @p2 $0xFF, v7;
	v11 =	vshrl.u32 v6, $0xF  }
0x60b: {  	v6 =	vshrl.u32 v6, $0x7;
	vm3 =	vgt.s32 v4, s1;
	s0 =	sadd.s32 $0x1, s1;
	v62 =	vshrl.u32 v9, $0xF  }
0x60c: {  	vm14 =	veq.s32 v11, v5;
	vm2 =	vmmov @p2 vm2;
	vm15 =	vgt.s32 v4, s0  }
0x60d: {  	vm5 =	veq.s32 v62, v5;
	v7 =	vpsel p2, v7, v0;
	vm3 =	vmand vm3, vm14  }
0x60e: {  	v63 =	vshrl.u32 v9, $0x7;
	v6 =	vand.u32 $0xFF, v6;
	vm4 =	vmand vm15, vm5  }
0x60f: {  	v9 =	vand.u32 $0xFF, v63  }
0x610: {  	[tilespmem:v8+s16+$0x0] =	vst.idx.add.s32.msk @p3 vm0, v2  }
0x611: {  	[tilespmem:v10+s16+$0x0] =	vst.idx.add.s32.msk @p2 vm1, v2  }
0x612: {  	[tilespmem:v7+s16+$0x0] =	vst.idx.add.s32.msk @p2 vm2, v2  }
0x613: {  	[tilespmem:v6+s16+$0x0] =	vst.idx.add.s32.msk vm3, v2  }
0x614: {  	[tilespmem:v9+s16+$0x0] =	vst.idx.add.s32.msk vm4, v2  }
.LBB2_155:
.Ltmp86:
0x615: {  	(pc) =	sbr.rel @p1 .LBB2_158-.Ltmp86, $1  }
0x616: {  	_ =	sdelay $0x3  }
0x617: {  	s1 =	sshra.s32 s26, $0x2  }
0x618: {  	s0 =	ssub.s32 $0x0, s28;
	s1 =	sadd.s32 $0x10000, s1  }
.LBB2_157:
0x619: {  	v6 =	vld [tilespmem:s1+$0x0];
	_ =	sdelay $0x4  }
0x61a: {  	s3 =	sadd.s32 s0, s23;
	v7 =	vshrl.u32 v6, $0xF  }
0x61b: {  	vm0 =	vgt.s32 v4, s3;
	vm1 =	veq.s32 v7, v5  }
0x61c: {  	s0 =	sadd.s32 $0x1, s0;
	v6 =	vshrl.u32 v6, $0x7;
	vm0 =	vmand vm0, vm1  }
0x61d: {  	p2 =	seq.s32 s0, $0x0;
	v6 =	vand.u32 $0xFF, v6  }
.Ltmp87:
0x61e: {  	_ = 	snop;
	(pc) =	sbr.rel @!p2 .LBB2_157-.Ltmp87, $2  }
0x61f: {  	_ =	sdelay $0x2  }
0x620: {  	s1 =	sadd.s32 $0x10, s1;
	[tilespmem:v6+s16+$0x0] =	vst.idx.add.s32.msk vm0, v2  }
.LBB2_158:
0x621: {  	v6 =	vimm.s32 $0x0  }
0x622: {  	s3 =	simm.s32 $0xF0;
	[tilespmem:$0x18280] =	vst v6  }
0x623: {  	v5 =	vld [tilespmem:s3+$0x18000];
	_ =	sdelay $0x4  }
0x624: {  	v5 =	vperm.xlane v5, v3;
	_ =	sdelay $0x1  }
0x625: {  	(xrf0) =	vadd.scan.msk.s32 $0xffff, v5;
	_ =	sdelay $0x5  }
0x626: {  	v7, _, _ =	vpop (xrf0)  }
0x627: {  	v7 =	vperm.xlane v7, v3  }
0x628: {  	s1 =	simm.s32 $0x0  }
0x629: {  	s0 =	simm.s32 $0xE0;
	v7 =	vadd.s32 s1, v7  }
0x62a: {  	v5 =	vld [tilespmem:s0+$0x18000];
	(v2sf) =	vpush v7, $0x0;
	_ =	sdelay $0x4  }
0x62b: {  	v5 =	vperm.xlane v5, v3;
	_ =	sdelay $0x1  }
0x62c: {  	(xrf0) =	vadd.scan.msk.s32 $0xffff, v5  }
0x62d: {  	s30 =	ssub.s32 s30, s31  }
0x62e: {  	v5 =	vmov s30  }
0x62f: {  	vm0 =	vge.s32 v7, v5  }
0x630: {  	v8 =	vmpcnt.ones.xlane vm0;
	_ =	sdelay $0x1  }
0x631: {  	s1 =	simm.s32 $0x340;
	[tilespmem:s3+$0x18180] =	vst v7;
	s3 =	simm.s32 $0x300;
	v6 =	vadd.s32 v6, v8;
	v7, _, _ =	vpop (xrf0)  }
.LBB2_159:
0x632: {  	p2 =	sne.s32 s3, $0x0;
	v7 =	vperm.xlane v7, v3  }
0x633: {  	s4 =	spop (v2sf)  }
0x634: {  	s5 =	sshra.s32 s1, $0x2;
	s1 =	smov.u32 s3;
	v7 =	vadd.s32 s4, v7  }
0x635: {  	v8 =	vld [tilespmem:s5+$0x18000];
	[tilespmem:s0+$0x18180] =	vst v7;
	vm0 =	vge.s32 v7, v5;
	(v2sf) =	vpush v7, $0x0;
	s0 =	smov.u32 s5  }
0x636: {  	v7 =	vmpcnt.ones.xlane vm0;
	_ =	sdelay $0x1  }
0x637: {  	v6 =	vadd.s32 v6, v7;
	_ =	sdelay $0x1  }
0x638: {  	v7 =	vperm.xlane v8, v3;
	_ =	sdelay $0x1  }
0x639: {  	(xrf0) =	vadd.scan.msk.s32 $0xffff, v7;
	_ =	sdelay $0x1  }
.Ltmp88:
0x63a: {  	(pc) =	sbr.rel @p2 .LBB2_159-.Ltmp88, $2  }
0x63b: {  	_ =	sdelay $0x2  }
0x63c: {  	s3 =	sadd.s32 $0xFFFFFFC0, s3;
	v7, _, _ =	vpop (xrf0)  }
0x63d: {  	v7 =	vperm.xlane v7, v3  }
0x63e: {  	s3 =	spop (v2sf)  }
0x63f: {  	s1 =	sshra.s32 s1, $0x2;
	v7 =	vadd.s32 s3, v7  }
0x640: {  	v8 =	vld [tilespmem:s1+$0x18000];
	(v2sf) =	vpush v7, $0x0;
	_ =	sdelay $0x4  }
0x641: {  	v8 =	vperm.xlane v8, v3;
	_ =	sdelay $0x1  }
0x642: {  	(xrf0) =	vadd.scan.msk.s32 $0xffff, v8;
	_ =	sdelay $0x5  }
0x643: {  	v8, _, _ =	vpop (xrf0)  }
0x644: {  	v8 =	vperm.xlane v8, v3  }
0x645: {  	s5 =	spop (v2sf)  }
0x646: {  	vm0 =	vge.s32 v7, v5;
	v8 =	vadd.s32 s5, v8  }
0x647: {  	v9 =	vmpcnt.ones.xlane vm0;
	vm15 =	vge.s32 v8, v5  }
0x648: {  	v5 =	vmpcnt.ones.xlane vm15  }
0x649: {  	v6 =	vadd.s32 v6, v9  }
0x64a: {  	v5 =	vadd.s32 v6, v5  }
0x64b: {  	v6 =	vbroadcast v5, $0x0;
	_ =	sdelay $0x3  }
0x64c: {  	[tilespmem:s0+$0x18180] =	vst v7  }
0x64d: {  	[tilespmem:s1+$0x18180] =	vst v8  }
0x64e: {  	v6 =	vld.idx.msk [tilespmem:v6+s17+$0x0], $0xffff  }
0x64f: {  	(v2sf) =	vpush v8, $0x0  }
0x650: {  	(v2sf) =	vpush v5, $0x0;
	_ =	sdelay $0x2  }
0x651: {  	[tilespmem:$0x18000] =	vst v1;
	(v2sf) =	vpush v6, $0x0  }
0x652: {  	[tilespmem:$0x18010] =	vst v1  }
0x653: {  	[tilespmem:$0x18020] =	vst v1  }
0x654: {  	[tilespmem:$0x18030] =	vst v1  }
0x655: {  	[tilespmem:$0x18040] =	vst v1  }
0x656: {  	[tilespmem:$0x18050] =	vst v1  }
0x657: {  	[tilespmem:$0x18060] =	vst v1  }
0x658: {  	[tilespmem:$0x18070] =	vst v1  }
0x659: {  	[tilespmem:$0x18080] =	vst v1  }
0x65a: {  	[tilespmem:$0x18090] =	vst v1  }
0x65b: {  	[tilespmem:$0x180A0] =	vst v1  }
.Ltmp89:
0x65c: {  	[tilespmem:$0x180B0] =	vst v1;
	s4 =	spop (v2sf);
	(pc) =	sbr.rel @p0 .LBB2_170-.Ltmp89, $4  }
0x65d: {  	s5 =	sshll.u32 s29, $0x8;
	[tilespmem:$0x180C0] =	vst v1;
	s0 =	spop (v2sf)  }
0x65e: {  	[tilespmem:$0x180D0] =	vst v1;
	s0 =	sadd.s32 s0, s5  }
0x65f: {  	[tilespmem:$0x180E0] =	vst v1;
	s29 =	sadd.s32 $0xFFFFFFFF, s0  }
0x660: {  	[tilespmem:$0x180F0] =	vst v1;
	v5 =	vmov s29;
	s31 =	spop (v2sf)  }
0x661: {  	p4 =	sgt.s32 s24, $0x2  }
.Ltmp90:
0x662: {  	_ = 	snop;
	(pc) =	sbr.rel @!p4 .LBB2_162-.Ltmp90, $4  }
0x663: {  	_ = 	snop  }
0x664: {  	s3 =	simm.s32 $0x10010  }
0x665: {  	s0 =	simm.s32 $0x0;
	v10 =	vld [tilespmem:s3+$0x0]  }
0x666: {  	s1 =	simm.s32 $0x2;
	p2 =	por $0x0, $0x0;
	p3 =	por $0x0, $0x0;
	v6 =	vld [tilespmem:s3+$0xFFFFFFF0]  }
0x667: {  	_ = 	snop  }
0x668: {  	p4 =	sgt.s32 s24, $0x4  }
.Ltmp91:
0x669: {  	_ = 	snop;
	(pc) =	sbr.rel @!p4 .LBB2_192-.Ltmp91, $4  }
0x66a: {  	s3 =	simm.s32 $0x10030  }
0x66b: {  	v7 =	vld [tilespmem:s3+$0x0];
	v9 =	vand.u32 $0x7F, v6;
	v6 =	vshrl.u32 v6, $0x7  }
0x66c: {  	vm0 =	vgt.s32 v4, s0;
	s4 =	simm.s32 $0x1;
	v8 =	vshrl.u32 v10, $0x7;
	vm1 =	veq.s32 v6, v5  }
0x66d: {  	s0 =	simm.s32 $0x4;
	p2 =	por $0x1, $0x1;
	vm2 =	vgt.s32 v4, s4;
	vm3 =	veq.s32 v8, v5;
	v6 =	vld [tilespmem:s3+$0xFFFFFFF0];
	vm1 =	vmand vm0, vm1  }
0x66e: {  	_ =	sdelay $0x1  }
0x66f: {  	p4 =	sgt.s32 s24, $0x6  }
.Ltmp92:
0x670: {  	vm0 =	vmand vm2, vm3;
	(pc) =	sbr.rel @!p4 .LBB2_194-.Ltmp92, $4  }
0x671: {  	v8 =	vand.u32 $0x7F, v10  }
0x672: {  	s3 =	simm.s32 $0x10050;
	vm2 =	vgt.s32 v4, s1;
	[tilespmem:v9+s16+$0x0] =	vst.idx.add.s32.msk vm1, v2;
	v10 =	vshrl.u32 v6, $0x7  }
0x673: {  	s4 =	simm.s32 $0x3;
	v12 =	vld [tilespmem:s3+$0x0];
	v11 =	vand.u32 $0x7F, v6;
	vm3 =	veq.s32 v10, v5;
	v10 =	vshrl.u32 v7, $0x7  }
0x674: {  	s1 =	simm.s32 $0x6;
	p3 =	por $0x1, $0x1;
	v6 =	vld [tilespmem:s3+$0xFFFFFFF0];
	vm4 =	vmand vm2, vm3;
	vm2 =	vgt.s32 v4, s4;
	vm3 =	veq.s32 v10, v5  }
.LBB2_195:
0x675: {  	s4 =	smov.u32 s1;
	s1 =	sadd.s32 $0x2, s1  }
0x676: {  	[tilespmem:v8+s16+$0x0] =	vst.idx.add.s32.msk vm0, v2;
	vm0 =	vmand vm2, vm3;
	p4 =	slt.s32 s1, s24  }
.Ltmp93:
0x677: {  	v8 =	vand.u32 $0x7F, v7;
	(pc) =	sbr.rel @p4 .LBB2_195-.Ltmp93, $4  }
0x678: {  	s3 =	sadd.s32 $0x20, s3;
	v7 =	vmov v12  }
0x679: {  	v12 =	vld [tilespmem:s3+$0x0];
	v9 =	vand.u32 $0x7F, v6;
	v10 =	vshrl.u32 v6, $0x7  }
0x67a: {  	vm1 =	vgt.s32 v4, s0;
	s5 =	sadd.s32 $0x1, s0;
	s0 =	smov.u32 s4;
	v6 =	vld [tilespmem:s3+$0xFFFFFFF0];
	vm5 =	veq.s32 v10, v5;
	v10 =	vshrl.u32 v7, $0x7  }
0x67b: {  	vm2 =	vgt.s32 v4, s5;
	vm3 =	veq.s32 v10, v5;
	[tilespmem:v11+s16+$0x0] =	vst.idx.add.s32.msk vm4, v2;
	vm4 =	vmand vm1, vm5;
	v11 =	vmovc v9  }
0x67c: {  	_ =	sdelay $0x1  }
0x67d: {  	v10 =	vmovc v7;
	s1 =	smov.u32 s0;
	vm1 =	vmmov vm4;
	v9 =	vmov v11;
	v7 =	vmov v12  }
.LBB2_197:
0x67e: {  	v11 =	vshrl.u32 v6, $0x7;
	v12 =	vshrl.u32 v7, $0x7  }
0x67f: {  	vm2 =	vmand @p2 vm2, vm3;
	v10 =	vand.u32 @p2 $0x7F, v10;
	vm14 =	vgt.s32 v4, s1  }
0x680: {  	s0 =	sadd.s32 $0x1, s1;
	vm4 =	veq.s32 v11, v5;
	vm5 =	veq.s32 v12, v5;
	vm2 =	vmmov @p2 vm2  }
0x681: {  	vm15 =	vgt.s32 v4, s0;
	v10 =	vpsel p2, v10, v0;
	vm3 =	vmand vm14, vm4  }
0x682: {  	v6 =	vand.u32 $0x7F, v6;
	vm4 =	vmand vm15, vm5  }
0x683: {  	v7 =	vand.u32 $0x7F, v7  }
0x684: {  	[tilespmem:v8+s16+$0x0] =	vst.idx.add.s32.msk @p3 vm0, v2  }
0x685: {  	[tilespmem:v9+s16+$0x0] =	vst.idx.add.s32.msk @p2 vm1, v2  }
0x686: {  	[tilespmem:v10+s16+$0x0] =	vst.idx.add.s32.msk @p2 vm2, v2  }
0x687: {  	[tilespmem:v6+s16+$0x0] =	vst.idx.add.s32.msk vm3, v2  }
0x688: {  	[tilespmem:v7+s16+$0x0] =	vst.idx.add.s32.msk vm4, v2  }
.LBB2_170:
.Ltmp94:
0x689: {  	(pc) =	sbr.rel @p1 .LBB2_173-.Ltmp94, $1  }
0x68a: {  	_ =	sdelay $0x3  }
0x68b: {  	s1 =	sshra.s32 s26, $0x2  }
0x68c: {  	s0 =	ssub.s32 $0x0, s28;
	s1 =	sadd.s32 $0x10000, s1  }
.LBB2_172:
0x68d: {  	v6 =	vld [tilespmem:s1+$0x0];
	_ =	sdelay $0x4  }
0x68e: {  	s3 =	sadd.s32 s0, s23;
	v7 =	vshrl.u32 v6, $0x7  }
0x68f: {  	vm0 =	vgt.s32 v4, s3;
	vm1 =	veq.s32 v7, v5  }
0x690: {  	s0 =	sadd.s32 $0x1, s0;
	vm0 =	vmand vm0, vm1  }
0x691: {  	p2 =	seq.s32 s0, $0x0;
	v6 =	vand.u32 $0x7F, v6  }
.Ltmp95:
0x692: {  	_ = 	snop;
	(pc) =	sbr.rel @!p2 .LBB2_172-.Ltmp95, $2  }
0x693: {  	_ =	sdelay $0x2  }
0x694: {  	s1 =	sadd.s32 $0x10, s1;
	[tilespmem:v6+s16+$0x0] =	vst.idx.add.s32.msk vm0, v2  }
.LBB2_173:
0x695: {  	v6 =	vimm.s32 $0x0  }
0x696: {  	s3 =	simm.s32 $0x70;
	[tilespmem:$0x18200] =	vst v6  }
0x697: {  	v5 =	vld [tilespmem:s3+$0x18000];
	_ =	sdelay $0x4  }
0x698: {  	v5 =	vperm.xlane v5, v3;
	_ =	sdelay $0x1  }
0x699: {  	(xrf0) =	vadd.scan.msk.s32 $0xffff, v5;
	_ =	sdelay $0x5  }
0x69a: {  	v7, _, _ =	vpop (xrf0)  }
0x69b: {  	v7 =	vperm.xlane v7, v3  }
0x69c: {  	s1 =	simm.s32 $0x0  }
0x69d: {  	s0 =	simm.s32 $0x60;
	v7 =	vadd.s32 s1, v7  }
0x69e: {  	v5 =	vld [tilespmem:s0+$0x18000];
	(v2sf) =	vpush v7, $0x0;
	_ =	sdelay $0x4  }
0x69f: {  	v5 =	vperm.xlane v5, v3;
	_ =	sdelay $0x1  }
0x6a0: {  	(xrf0) =	vadd.scan.msk.s32 $0xffff, v5  }
0x6a1: {  	s28 =	ssub.s32 s30, s31  }
0x6a2: {  	v5 =	vmov s28  }
0x6a3: {  	vm0 =	vge.s32 v7, v5  }
0x6a4: {  	v8 =	vmpcnt.ones.xlane vm0;
	_ =	sdelay $0x1  }
0x6a5: {  	s1 =	simm.s32 $0x140;
	[tilespmem:s3+$0x18180] =	vst v7;
	s3 =	simm.s32 $0x100;
	v6 =	vadd.s32 v6, v8;
	v7, _, _ =	vpop (xrf0)  }
.LBB2_174:
0x6a6: {  	p2 =	sne.s32 s3, $0x0;
	v7 =	vperm.xlane v7, v3  }
0x6a7: {  	s4 =	spop (v2sf)  }
0x6a8: {  	s5 =	sshra.s32 s1, $0x2;
	s1 =	smov.u32 s3;
	v7 =	vadd.s32 s4, v7  }
0x6a9: {  	v8 =	vld [tilespmem:s5+$0x18000];
	[tilespmem:s0+$0x18180] =	vst v7;
	vm0 =	vge.s32 v7, v5;
	(v2sf) =	vpush v7, $0x0;
	s0 =	smov.u32 s5  }
0x6aa: {  	v7 =	vmpcnt.ones.xlane vm0;
	_ =	sdelay $0x1  }
0x6ab: {  	v6 =	vadd.s32 v6, v7;
	_ =	sdelay $0x1  }
0x6ac: {  	v7 =	vperm.xlane v8, v3;
	_ =	sdelay $0x1  }
0x6ad: {  	(xrf0) =	vadd.scan.msk.s32 $0xffff, v7;
	_ =	sdelay $0x1  }
.Ltmp96:
0x6ae: {  	(pc) =	sbr.rel @p2 .LBB2_174-.Ltmp96, $2  }
0x6af: {  	_ =	sdelay $0x2  }
0x6b0: {  	s3 =	sadd.s32 $0xFFFFFFC0, s3;
	v7, _, _ =	vpop (xrf0)  }
0x6b1: {  	v7 =	vperm.xlane v7, v3  }
0x6b2: {  	s3 =	spop (v2sf)  }
0x6b3: {  	s1 =	sshra.s32 s1, $0x2;
	v7 =	vadd.s32 s3, v7  }
0x6b4: {  	v8 =	vld [tilespmem:s1+$0x18000];
	(v2sf) =	vpush v7, $0x0;
	_ =	sdelay $0x4  }
0x6b5: {  	v8 =	vperm.xlane v8, v3;
	_ =	sdelay $0x1  }
0x6b6: {  	(xrf0) =	vadd.scan.msk.s32 $0xffff, v8;
	_ =	sdelay $0x5  }
0x6b7: {  	v8, _, _ =	vpop (xrf0)  }
0x6b8: {  	v8 =	vperm.xlane v8, v3  }
0x6b9: {  	s4 =	spop (v2sf)  }
0x6ba: {  	vm0 =	vge.s32 v7, v5;
	v8 =	vadd.s32 s4, v8  }
0x6bb: {  	v9 =	vmpcnt.ones.xlane vm0;
	vm15 =	vge.s32 v8, v5  }
0x6bc: {  	v5 =	vmpcnt.ones.xlane vm15  }
0x6bd: {  	v6 =	vadd.s32 v6, v9  }
0x6be: {  	v5 =	vadd.s32 v6, v5  }
0x6bf: {  	v6 =	vbroadcast v5, $0x0;
	_ =	sdelay $0x3  }
0x6c0: {  	[tilespmem:s0+$0x18180] =	vst v7  }
0x6c1: {  	[tilespmem:s1+$0x18180] =	vst v8  }
0x6c2: {  	v6 =	vld.idx.msk [tilespmem:v6+s17+$0x0], $0xffff  }
0x6c3: {  	(v2sf) =	vpush v8, $0x0  }
0x6c4: {  	(v2sf) =	vpush v5, $0x0;
	_ =	sdelay $0x2  }
0x6c5: {  	(v2sf) =	vpush v6, $0x0;
	_ =	sdelay $0xa  }
.Ltmp97:
0x6c6: {  	s5 =	spop (v2sf);
	(pc) =	sbr.rel @p0 .LBB2_176-.Ltmp97, $4  }
0x6c7: {  	s31 =	sshll.u32 s29, $0x7;
	s0 =	spop (v2sf)  }
0x6c8: {  	s0 =	sadd.s32 s0, s31  }
0x6c9: {  	s29 =	sadd.s32 $0xFFFFFFFF, s0  }
0x6ca: {  	v5 =	vmov s29;
	s30 =	spop (v2sf)  }
0x6cb: {  	p2 =	sgt.s32 s24, $0x2  }
.Ltmp98:
0x6cc: {  	_ = 	snop;
	(pc) =	sbr.rel @!p2 .LBB2_199-.Ltmp98, $4  }
0x6cd: {  	_ = 	snop  }
0x6ce: {  	s3 =	simm.s32 $0x10010  }
0x6cf: {  	v8 =	vld [tilespmem:s3+$0xFFFFFFF0]  }
0x6d0: {  	s1 =	simm.s32 $0x0;
	v6 =	vimm.s32 $0x7FFFFFFF;
	s0 =	simm.s32 $0x2;
	p0 =	por $0x0, $0x0;
	v7 =	vld [tilespmem:s3+$0x0]  }
0x6d1: {  	_ =	sdelay $0x1  }
0x6d2: {  	p2 =	sgt.s32 s24, $0x4  }
.Ltmp99:
0x6d3: {  	vm0 =	vgt.s32 v4, s1;
	vm1 =	vgt.s32 v8, v5;
	vm2 =	vlt.s32 v6, v8;
	(pc) =	sbr.rel @!p2 .LBB2_201-.Ltmp99, $4  }
0x6d4: {  	s1 =	simm.s32 $0x10030;
	vm0 =	vmand vm0, vm1;
	v8 =	vsel vm2, v6, v8  }
0x6d5: {  	s3 =	simm.s32 $0x1;
	v9 =	vsel vm0, v8, v6;
	v8 =	vld [tilespmem:s1+$0xFFFFFFF0]  }
0x6d6: {  	vm1 =	vgt.s32 v7, v5;
	vm0 =	vgt.s32 v4, s3;
	vm2 =	vlt.s32 v9, v7  }
0x6d7: {  	p0 =	por $0x1, $0x1;
	v10 =	vld [tilespmem:s1+$0x0];
	s3 =	simm.s32 $0x4;
	vm0 =	vmand vm0, vm1;
	v11 =	vsel vm2, v9, v7  }
.LBB2_202:
0x6d8: {  	s4 =	smov.u32 s3;
	s3 =	sadd.s32 $0x2, s3  }
0x6d9: {  	v7 =	vsel vm0, v11, v9;
	p2 =	slt.s32 s3, s24  }
.Ltmp100:
0x6da: {  	vm0 =	vgt.s32 v4, s0;
	s1 =	sadd.s32 $0x20, s1;
	vm1 =	vgt.s32 v8, v5;
	vm2 =	vlt.s32 v7, v8;
	(pc) =	sbr.rel @p2 .LBB2_202-.Ltmp100, $4  }
0x6db: {  	vm0 =	vmand vm0, vm1;
	v9 =	vsel vm2, v7, v8;
	v8 =	vld [tilespmem:s1+$0xFFFFFFF0]  }
0x6dc: {  	s5 =	sadd.s32 $0x1, s0;
	s0 =	smov.u32 s4;
	v9 =	vsel vm0, v9, v7  }
0x6dd: {  	vm0 =	vgt.s32 v4, s5;
	vm1 =	vgt.s32 v10, v5;
	vm2 =	vlt.s32 v9, v10  }
0x6de: {  	vm0 =	vmand vm0, vm1;
	v11 =	vsel vm2, v9, v10;
	v10 =	vld [tilespmem:s1+$0x0]  }
0x6df: {  	_ =	sdelay $0x3  }
0x6e0: {  	s1 =	smov.u32 s0;
	v7 =	vmov v10  }
.LBB2_204:
0x6e1: {  	v9 =	vsel @p0 vm0, v11, v9  }
0x6e2: {  	v6 =	vpsel p0, v9, v6  }
0x6e3: {  	vm12 =	vgt.s32 v4, s1;
	vm1 =	vgt.s32 v8, v5;
	vm2 =	vlt.s32 v6, v8  }
.Ltmp101:
0x6e4: {  	vm0 =	vmand vm12, vm1;
	v8 =	vsel vm2, v6, v8;
	(pc) =	sbr.rel .LBB2_177-.Ltmp101, $4  }
0x6e5: {  	s0 =	sadd.s32 $0x1, s1;
	v6 =	vsel vm0, v8, v6  }
0x6e6: {  	vm14 =	vgt.s32 v7, v5;
	vm13 =	vgt.s32 v4, s0;
	vm15 =	vlt.s32 v6, v7  }
0x6e7: {  	vm0 =	vmand vm13, vm14;
	v7 =	vsel vm15, v6, v7  }
0x6e8: {  	v6 =	vsel vm0, v7, v6  }
.LBB2_176:
0x6e9: {  	v6 =	vimm.s32 $0x7FFFFFFF  }
.LBB2_177:
.Ltmp102:
0x6ea: {  	(pc) =	sbr.rel @p1 .LBB2_180-.Ltmp102, $1  }
0x6eb: {  	_ =	sdelay $0x3  }
0x6ec: {  	s0 =	sshra.s32 s26, $0x2  }
0x6ed: {  	v7 =	vbroadcast v5, $0x0;
	s0 =	sadd.s32 $0x10000, s0  }
.LBB2_179:
0x6ee: {  	v8 =	vld [tilespmem:s0+$0x0];
	_ =	sdelay $0x2  }
0x6ef: {  	s1 =	sadd.s32 s25, s23;
	s25 =	sadd.s32 $0x1, s25  }
0x6f0: {  	p0 =	seq.s32 s25, $0x0  }
.Ltmp103:
0x6f1: {  	vm0 =	vgt.s32 v4, s1;
	vm1 =	vgt.s32 v8, v7;
	(pc) =	sbr.rel @!p0 .LBB2_179-.Ltmp103, $4  }
0x6f2: {  	vm0 =	vmand vm0, vm1  }
0x6f3: {  	v8 =	vnsel vm0, $0x7FFFFFFF, v8  }
0x6f4: {  	vm0 =	vlt.s32 v6, v8  }
0x6f5: {  	s0 =	sadd.s32 $0x10, s0;
	v6 =	vsel vm0, v6, v8  }
.LBB2_180:
0x6f6: {  	v4 =	vxor.u32 $0x80000000, v6  }
0x6f7: {  	(xrf0) =	vmin.scan.msk.u32 $0xffff, v4;
	_ =	sdelay $0x5  }
0x6f8: {  	v4, _, _ =	vpop (xrf0)  }
0x6f9: {  	(v2sf) =	vpush v4, $0xF;
	_ =	sdelay $0xe  }
0x6fa: {  	s0 =	ssub.s32 s28, s30;
	s1 =	spop (v2sf)  }
0x6fb: {  	p0 =	seq.s32 s0, $0x1;
	s0 =	sxor.u32 $0x80000000, s1  }
0x6fc: {  	s29 =	smov.u32 @p0 s0  }
0x6fd: {  	s23 =	simm.s32 $0x40;
	v4 =	vmov s29  }
0x6fe: {  	v12 =	vld [tilespmem:s23+$0x30];
	v4 =	vsub.f32 v4, v5  }
0x6ff: {  	v8 =	vld [tilespmem:s23+$0xFFFFFFD0]  }
0x700: {  	v10 =	vld [tilespmem:s23+$0xFFFFFFE0];
	v4 =	vmul.f32 $7.812500000e-03, v4;
	_ =	sdelay $0x1  }
0x701: {  	v7 =	vld [tilespmem:s23+$0x0];
	v4 =	vadd.f32 v5, v4  }
0x702: {  	v5 =	vld [tilespmem:s23+$0xFFFFFFF0]  }
0x703: {  	v6 =	vld [tilespmem:s23+$0x10];
	v11 =	vand.u32 $0x7FFFFFFF, v12;
	v4 =	vbroadcast v4, $0x0  }
0x704: {  	v13 =	vand.u32 $0x7FFFFFFF, v8;
	v9 =	vand.u32 $0x80000000, v8;
	v8 =	vld [tilespmem:s23+$0x20];
	v15 =	vand.u32 $0x7FFFFFFF, v10  }
0x705: {  	v10 =	vand.u32 $0x80000000, v10;
	v12 =	vand.u32 $0x80000000, v12;
	v14 =	vsub.f32 v11, v4;
	v11 =	vld [tilespmem:s23+$0xFFFFFFC0]  }
0x706: {  	v13 =	vsub.f32 v13, v4;
	v17 =	vsub.f32 v15, v4;
	v15 =	vand.u32 $0x7FFFFFFF, v7  }
0x707: {  	v16 =	vand.u32 $0x7FFFFFFF, v5;
	v19 =	vsub.f32 v15, v4;
	v14 =	vmax.f32 v14, $0.0e+00  }
0x708: {  	v16 =	vsub.f32 v16, v4;
	v18 =	vor.u32 v14, v12;
	v14 =	vand.u32 $0x7FFFFFFF, v6  }
0x709: {  	v12 =	vmax.f32 v13, $0.0e+00;
	v13 =	vand.u32 $0x7FFFFFFF, v8;
	v15 =	vsub.f32 v14, v4  }
0x70a: {  	v14 =	vmax.f32 v17, $0.0e+00;
	v17 =	vsub.f32 v13, v4;
	v20 =	vand.u32 $0x7FFFFFFF, v11  }
0x70b: {  	s24 =	simm.s32 $0x0;
	s25 =	simm.s32 $0xC0;
	[tilespmem:s23+$0x30] =	vst v18;
	v16 =	vmax.f32 v16, $0.0e+00;
	v13 =	vmax.f32 v19, $0.0e+00;
	v18 =	vsub.f32 v20, v4  }
.LBB2_181:
0x70c: {  	v19 =	vld [tilespmem:s25+$0x30];
	s24 =	sadd.s32 $0x8, s24;
	v11 =	vand.u32 $0x80000000, v11;
	v15 =	vmax.f32 v15, $0.0e+00;
	v17 =	vmax.f32 v17, $0.0e+00  }
0x70d: {  	v21 =	vand.u32 $0x80000000, v5;
	v22 =	vand.u32 $0x80000000, v7;
	v20 =	vld [tilespmem:s25+$0xFFFFFFD0];
	p0 =	slt.u32 s24, $0x7F8;
	v18 =	vmax.f32 v18, $0.0e+00  }
0x70e: {  	v6 =	vand.u32 $0x80000000, v6;
	v8 =	vand.u32 $0x80000000, v8;
	v23 =	vld [tilespmem:s25+$0xFFFFFFE0];
	v7 =	vor.u32 v18, v11  }
0x70f: {  	v9 =	vor.u32 v12, v9;
	v10 =	vor.u32 v14, v10;
	v11 =	vor.u32 v16, v21;
	v5 =	vld [tilespmem:s25+$0xFFFFFFF0];
	[tilespmem:s23+$0xFFFFFFC0] =	vst v7  }
0x710: {  	v12 =	vor.u32 v13, v22;
	v13 =	vor.u32 v15, v6;
	v14 =	vor.u32 v17, v8;
	v7 =	vld [tilespmem:s25+$0x0];
	[tilespmem:s23+$0xFFFFFFD0] =	vst v9  }
0x711: {  	v6 =	vld [tilespmem:s25+$0x10];
	v15 =	vand.u32 $0x7FFFFFFF, v19;
	[tilespmem:s23+$0xFFFFFFE0] =	vst v10  }
0x712: {  	v10 =	vand.u32 $0x7FFFFFFF, v20;
	v9 =	vand.u32 $0x80000000, v20;
	v8 =	vld [tilespmem:s25+$0x20];
	v15 =	vsub.f32 v15, v4;
	[tilespmem:s23+$0xFFFFFFF0] =	vst v11  }
0x713: {  	v11 =	vld [tilespmem:s25+$0xFFFFFFC0];
	v16 =	vsub.f32 v10, v4;
	v17 =	vand.u32 $0x7FFFFFFF, v23;
	v10 =	vand.u32 $0x80000000, v23;
	[tilespmem:s23+$0x0] =	vst v12  }
0x714: {  	v18 =	vand.u32 $0x80000000, v19;
	v12 =	vand.u32 $0x7FFFFFFF, v5;
	v15 =	vmax.f32 v15, $0.0e+00;
	[tilespmem:s23+$0x10] =	vst v13  }
.Ltmp104:
0x715: {  	v13 =	vsub.f32 v17, v4;
	v17 =	vand.u32 $0x7FFFFFFF, v7;
	v15 =	vor.u32 v15, v18;
	[tilespmem:s23+$0x20] =	vst v14;
	s23 =	smov.u32 s25;
	(pc) =	sbr.rel @p0 .LBB2_181-.Ltmp104, $4  }
0x716: {  	v19 =	vsub.f32 v12, v4;
	v20 =	vsub.f32 v17, v4;
	v14 =	vand.u32 $0x7FFFFFFF, v6;
	[tilespmem:s25+$0x30] =	vst v15  }
0x717: {  	v12 =	vmax.f32 v16, $0.0e+00;
	v15 =	vsub.f32 v14, v4;
	v16 =	vand.u32 $0x7FFFFFFF, v8  }
0x718: {  	v14 =	vmax.f32 v13, $0.0e+00;
	v18 =	vand.u32 $0x7FFFFFFF, v11;
	v17 =	vsub.f32 v16, v4  }
0x719: {  	s25 =	sadd.s32 $0x80, s25;
	v16 =	vmax.f32 v19, $0.0e+00;
	v13 =	vmax.f32 v20, $0.0e+00;
	v18 =	vsub.f32 v18, v4  }
0x71a: {  	_ = 	snop  }
0x71b: {  	v4 =	vand.u32 $0x80000000, v11;
	v60 =	vor.u32 v14, v10;
	v59 =	vmax.f32 v18, $0.0e+00  }
0x71c: {  	[tilespmem:s23+$0xFFFFFFE0] =	vst v60;
	v4 =	vor.u32 v59, v4  }
0x71d: {  	v5 =	vand.u32 $0x80000000, v5;
	[tilespmem:s23+$0xFFFFFFC0] =	vst v4;
	v4 =	vor.u32 v12, v9  }
0x71e: {  	v5 =	vor.u32 v16, v5;
	[tilespmem:s23+$0xFFFFFFD0] =	vst v4;
	v4 =	vand.u32 $0x80000000, v7  }
0x71f: {  	v6 =	vand.u32 $0x80000000, v6;
	[tilespmem:s23+$0xFFFFFFF0] =	vst v5;
	v7 =	vmax.f32 v15, $0.0e+00;
	v4 =	vor.u32 v13, v4  }
0x720: {  	v8 =	vand.u32 $0x80000000, v8;
	v5 =	vmax.f32 v17, $0.0e+00;
	v6 =	vor.u32 v7, v6;
	[tilespmem:s23+$0x0] =	vst v4  }
0x721: {  	v4 =	vor.u32 v5, v8;
	[tilespmem:s23+$0x10] =	vst v6  }
0x722: {  	[tilespmem:s23+$0x20] =	vst v4  }
0x723: {  	[hbm4b:s9+s12] =	stream.strided.scatter [tilespmem:s2], [sflag:$0x3], $0x8000, s13, s12, $0x38;
	[tilespmem:$0x18300] =	vst v63  }
0x724: {  	_ =	swait.ge [sflag:s20], $0x8000  }
0x725: {  	[sflag:s20] =	ssyncset.done $0x0  }
0x726: {  	[sflag:s20] =	ssyncadd.s32 $0xFFFF8000  }
0x727: {  	[tilespmem:$0x18000] =	vst v1  }
0x728: {  	[tilespmem:$0x18010] =	vst v1  }
0x729: {  	[tilespmem:$0x18020] =	vst v1  }
0x72a: {  	[tilespmem:$0x18030] =	vst v1  }
0x72b: {  	[tilespmem:$0x18040] =	vst v1  }
0x72c: {  	[tilespmem:$0x18050] =	vst v1  }
0x72d: {  	[tilespmem:$0x18060] =	vst v1  }
0x72e: {  	[tilespmem:$0x18070] =	vst v1  }
0x72f: {  	[tilespmem:$0x18080] =	vst v1  }
0x730: {  	[tilespmem:$0x18090] =	vst v1  }
0x731: {  	[tilespmem:$0x180A0] =	vst v1  }
0x732: {  	[tilespmem:$0x180B0] =	vst v1  }
0x733: {  	[tilespmem:$0x180C0] =	vst v1  }
0x734: {  	[tilespmem:$0x180D0] =	vst v1  }
0x735: {  	[tilespmem:$0x180E0] =	vst v1  }
0x736: {  	s0 =	simm.s32 $0x8040;
	[tilespmem:$0x180F0] =	vst v1  }
0x737: {  	v4 =	vld [tilespmem:s0+$0x30]  }
0x738: {  	v5 =	vld [tilespmem:s0+$0xFFFFFFD0]  }
0x739: {  	v6 =	vld [tilespmem:s0+$0xFFFFFFE0]  }
0x73a: {  	v7 =	vld [tilespmem:s0+$0xFFFFFFF0]  }
0x73b: {  	v8 =	vld [tilespmem:s0+$0x0]  }
0x73c: {  	v4 =	vshrl.u32 v4, $0x17  }
0x73d: {  	v5 =	vshrl.u32 v5, $0x17;
	v4 =	vand.u32 $0xFF, v4  }
0x73e: {  	v61 =	vld [tilespmem:s0+$0x10];
	v6 =	vshrl.u32 v6, $0x17;
	v5 =	vand.u32 $0xFF, v5  }
0x73f: {  	v62 =	vld [tilespmem:s0+$0x20];
	v7 =	vshrl.u32 v7, $0x17;
	v6 =	vand.u32 $0xFF, v6  }
0x740: {  	v63 =	vld [tilespmem:s0+$0xFFFFFFC0];
	v8 =	vshrl.u32 v8, $0x17;
	v7 =	vand.u32 $0xFF, v7  }
0x741: {  	v8 =	vand.u32 $0xFF, v8  }
0x742: {  	[tilespmem:v4+s16+$0x0] =	vst.idx.add.s32.msk $0xffff, v2  }
0x743: {  	[tilespmem:v5+s16+$0x0] =	vst.idx.add.s32.msk $0xffff, v2  }
0x744: {  	[tilespmem:v6+s16+$0x0] =	vst.idx.add.s32.msk $0xffff, v2  }
0x745: {  	v4 =	vshrl.u32 v61, $0x17;
	v5 =	vshrl.u32 v62, $0x17;
	v6 =	vshrl.u32 v63, $0x17;
	[tilespmem:v7+s16+$0x0] =	vst.idx.add.s32.msk $0xffff, v2  }
0x746: {  	s23 =	simm.s32 $0x80C0;
	s0 =	simm.s32 $0x0;
	[tilespmem:v8+s16+$0x0] =	vst.idx.add.s32.msk $0xffff, v2;
	v4 =	vand.u32 $0xFF, v4;
	v5 =	vand.u32 $0xFF, v5;
	v6 =	vand.u32 $0xFF, v6  }
.LBB2_183:
0x747: {  	v7 =	vld [tilespmem:s23+$0x30];
	s0 =	sadd.s32 $0x8, s0  }
0x748: {  	v8 =	vld [tilespmem:s23+$0xFFFFFFD0];
	p0 =	slt.u32 s0, $0x7F8  }
0x749: {  	v9 =	vld [tilespmem:s23+$0xFFFFFFE0]  }
0x74a: {  	v10 =	vld [tilespmem:s23+$0xFFFFFFF0]  }
0x74b: {  	v11 =	vld [tilespmem:s23+$0x0]  }
0x74c: {  	v12 =	vld [tilespmem:s23+$0x10];
	v7 =	vshrl.u32 v7, $0x17  }
0x74d: {  	v8 =	vshrl.u32 v8, $0x17;
	v13 =	vld [tilespmem:s23+$0x20];
	v7 =	vand.u32 $0xFF, v7  }
0x74e: {  	v14 =	vld [tilespmem:s23+$0xFFFFFFC0];
	v8 =	vand.u32 $0xFF, v8;
	v9 =	vshrl.u32 v9, $0x17  }
0x74f: {  	v9 =	vand.u32 $0xFF, v9;
	v10 =	vshrl.u32 v10, $0x17;
	[tilespmem:v6+s16+$0x0] =	vst.idx.add.s32.msk $0xffff, v2  }
0x750: {  	v10 =	vand.u32 $0xFF, v10;
	v6 =	vshrl.u32 v11, $0x17;
	[tilespmem:v4+s16+$0x0] =	vst.idx.add.s32.msk $0xffff, v2  }
0x751: {  	v11 =	vand.u32 $0xFF, v6;
	v4 =	vshrl.u32 v12, $0x17;
	[tilespmem:v5+s16+$0x0] =	vst.idx.add.s32.msk $0xffff, v2  }
.Ltmp105:
0x752: {  	v4 =	vand.u32 $0xFF, v4;
	v5 =	vshrl.u32 v13, $0x17;
	[tilespmem:v7+s16+$0x0] =	vst.idx.add.s32.msk $0xffff, v2;
	(pc) =	sbr.rel @p0 .LBB2_183-.Ltmp105, $4  }
0x753: {  	v6 =	vshrl.u32 v14, $0x17;
	[tilespmem:v8+s16+$0x0] =	vst.idx.add.s32.msk $0xffff, v2;
	v5 =	vand.u32 $0xFF, v5  }
0x754: {  	v6 =	vand.u32 $0xFF, v6;
	[tilespmem:v9+s16+$0x0] =	vst.idx.add.s32.msk $0xffff, v2  }
0x755: {  	[tilespmem:v10+s16+$0x0] =	vst.idx.add.s32.msk $0xffff, v2  }
0x756: {  	s23 =	sadd.s32 $0x80, s23;
	[tilespmem:v11+s16+$0x0] =	vst.idx.add.s32.msk $0xffff, v2  }
0x757: {  	_ =	sdelay $0x3  }
0x758: {  	[tilespmem:v6+s16+$0x0] =	vst.idx.add.s32.msk $0xffff, v2  }
0x759: {  	[tilespmem:v4+s16+$0x0] =	vst.idx.add.s32.msk $0xffff, v2  }
0x75a: {  	[tilespmem:v5+s16+$0x0] =	vst.idx.add.s32.msk $0xffff, v2;
	v4 =	vimm.s32 $0x0  }
0x75b: {  	s3 =	simm.s32 $0xF0;
	[tilespmem:$0x18280] =	vst v4  }
0x75c: {  	v5 =	vld [tilespmem:s3+$0x18000];
	_ =	sdelay $0x4  }
0x75d: {  	v5 =	vperm.xlane v5, v3;
	_ =	sdelay $0x1  }
0x75e: {  	(xrf0) =	vadd.scan.msk.s32 $0xffff, v5  }
0x75f: {  	s0 =	simm.s32 $0xE0  }
0x760: {  	v5 =	vld [tilespmem:s0+$0x18000];
	_ =	sdelay $0x3  }
0x761: {  	v6, _, _ =	vpop (xrf0)  }
0x762: {  	v5 =	vperm.xlane v5, v3;
	v6 =	vperm.xlane v6, v3  }
0x763: {  	s1 =	simm.s32 $0x0  }
0x764: {  	(xrf0) =	vadd.scan.msk.s32 $0xffff, v5;
	v5 =	vadd.s32 s1, v6  }
0x765: {  	(v2sf) =	vpush v5, $0x0;
	_ =	sdelay $0x9  }
0x766: {  	vm0 =	vgt.s32 v5, $0x100  }
0x767: {  	v6 =	vmpcnt.ones.xlane vm0;
	_ =	sdelay $0x1  }
0x768: {  	s1 =	simm.s32 $0x340;
	[tilespmem:s3+$0x18180] =	vst v5;
	s3 =	simm.s32 $0x300;
	v4 =	vadd.s32 v4, v6;
	v5, _, _ =	vpop (xrf0)  }
.LBB2_185:
0x769: {  	p0 =	sne.s32 s3, $0x0;
	v5 =	vperm.xlane v5, v3  }
0x76a: {  	s4 =	spop (v2sf)  }
0x76b: {  	s5 =	sshra.s32 s1, $0x2;
	s1 =	smov.u32 s3;
	v5 =	vadd.s32 s4, v5  }
0x76c: {  	v6 =	vld [tilespmem:s5+$0x18000];
	[tilespmem:s0+$0x18180] =	vst v5;
	vm0 =	vgt.s32 v5, $0x100;
	(v2sf) =	vpush v5, $0x0;
	s0 =	smov.u32 s5  }
0x76d: {  	v5 =	vmpcnt.ones.xlane vm0;
	_ =	sdelay $0x1  }
0x76e: {  	v4 =	vadd.s32 v4, v5;
	_ =	sdelay $0x1  }
0x76f: {  	v5 =	vperm.xlane v6, v3;
	_ =	sdelay $0x1  }
0x770: {  	(xrf0) =	vadd.scan.msk.s32 $0xffff, v5;
	_ =	sdelay $0x1  }
.Ltmp106:
0x771: {  	(pc) =	sbr.rel @p0 .LBB2_185-.Ltmp106, $2  }
0x772: {  	_ =	sdelay $0x2  }
0x773: {  	s3 =	sadd.s32 $0xFFFFFFC0, s3;
	v5, _, _ =	vpop (xrf0)  }
0x774: {  	v5 =	vperm.xlane v5, v3  }
0x775: {  	s3 =	spop (v2sf)  }
0x776: {  	s1 =	sshra.s32 s1, $0x2;
	v5 =	vadd.s32 s3, v5  }
0x777: {  	v6 =	vld [tilespmem:s1+$0x18000];
	(v2sf) =	vpush v5, $0x0;
	_ =	sdelay $0x4  }
0x778: {  	v6 =	vperm.xlane v6, v3;
	_ =	sdelay $0x1  }
0x779: {  	(xrf0) =	vadd.scan.msk.s32 $0xffff, v6;
	_ =	sdelay $0x5  }
0x77a: {  	v6, _, _ =	vpop (xrf0)  }
0x77b: {  	v6 =	vperm.xlane v6, v3  }
0x77c: {  	s26 =	spop (v2sf)  }
0x77d: {  	vm0 =	vgt.s32 v5, $0x100;
	v6 =	vadd.s32 s26, v6  }
0x77e: {  	v7 =	vmpcnt.ones.xlane vm0;
	vm0 =	vgt.s32 v6, $0x100  }
0x77f: {  	v8 =	vmpcnt.ones.xlane vm0  }
0x780: {  	v4 =	vadd.s32 v4, v7  }
0x781: {  	(v2sf) =	vpush v6, $0x0;
	v4 =	vadd.s32 v4, v8  }
0x782: {  	(v2sf) =	vpush v4, $0x0;
	_ =	sdelay $0x8  }
0x783: {  	[tilespmem:s0+$0x18180] =	vst v5  }
0x784: {  	s28 =	simm.s32 $0x8040;
	[tilespmem:s1+$0x18180] =	vst v6  }
0x785: {  	v5 =	vld [tilespmem:s28+$0x20]  }
0x786: {  	v9 =	vld [tilespmem:s28+$0x0]  }
0x787: {  	v12 =	vld [tilespmem:s28+$0xFFFFFFC0]  }
0x788: {  	v13 =	vld [tilespmem:s28+$0xFFFFFFD0];
	s30 =	spop (v2sf)  }
0x789: {  	v14 =	vld [tilespmem:s28+$0xFFFFFFE0];
	s1 =	spop (v2sf)  }
0x78a: {  	v6 =	vld [tilespmem:s28+$0x30];
	v11 =	vbroadcast v4, $0x0;
	s29 =	sadd.s32 $0xFFFFFFFF, s1  }
0x78b: {  	v15 =	vlaneseq.u32;
	v10 =	vld [tilespmem:s28+$0xFFFFFFF0];
	s1 =	sshll.u32 s29, $0x17  }
0x78c: {  	s31 =	simm.s32 $0x80C0;
	v7 =	vld [tilespmem:s28+$0x10];
	v5 =	vand.u32 $0x7FFFFFFF, v5;
	v12 =	vand.u32 $0x7FFFFFFF, v12;
	v4 =	vmov s1  }
0x78d: {  	v18 =	vld [tilespmem:s31+$0x20];
	v21 =	vand.u32 $0x7FFFFFFF, v9;
	v9 =	vand.u32 $0x7FFFFFFF, v13;
	vm1 =	vge.s32 v12, v4  }
0x78e: {  	v22 =	vld [tilespmem:s31+$0x10];
	v16 =	vand.u32 $0x7FFFFFFF, v14;
	vm2 =	vge.s32 v9, v4;
	v13 =	vsel vm1, $0x10, v1  }
0x78f: {  	v23 =	vld [tilespmem:s31+$0x0];
	vm3 =	vge.s32 v16, v4;
	v14 =	vadd.s32 v15, v13;
	v13 =	vsel vm2, $0x10, v1  }
0x790: {  	v8 =	vand.u32 $0x7FFFFFFF, v6;
	v6 =	vld.idx.msk [tilespmem:v11+s17+$0x0], $0xffff;
	v11 =	vand.u32 $0x7FFFFFFF, v10;
	v19 =	vadd.s32 v14, v13  }
0x791: {  	v7 =	vand.u32 $0x7FFFFFFF, v7;
	v10 =	vld [tilespmem:s31+$0x30];
	vm4 =	vge.s32 v11, v4;
	v13 =	vsel vm3, $0x10, v1  }
0x792: {  	v25 =	vld [tilespmem:s31+$0xFFFFFFC0];
	vm5 =	vge.s32 v21, v4;
	v24 =	vadd.s32 v19, v13;
	v13 =	vsel vm4, $0x10, v1  }
0x793: {  	v17 =	vld [tilespmem:s31+$0xFFFFFFF0];
	vm0 =	vge.s32 v7, v4;
	v26 =	vadd.s32 v24, v13;
	v13 =	vsel vm5, $0x10, v1;
	[tilespmem:v15+s18+$0x0] =	vst.idx.msk vm1, v12  }
0x794: {  	v20 =	vld [tilespmem:s31+$0xFFFFFFD0];
	v13 =	vadd.s32 v26, v13;
	v12 =	vsel vm0, $0x10, v1;
	vm1 =	vge.s32 v5, v4;
	[tilespmem:v14+s18+$0x0] =	vst.idx.msk vm2, v9  }
0x795: {  	v14 =	vadd.s32 v13, v12;
	v9 =	vsel vm1, $0x10, v1;
	vm2 =	vge.s32 v8, v4;
	[tilespmem:v19+s18+$0x0] =	vst.idx.msk vm3, v16;
	v19 =	vld [tilespmem:s31+$0xFFFFFFE0]  }
0x796: {  	v10 =	vand.u32 $0x7FFFFFFF, v10;
	v15 =	vadd.s32 v14, v9  }
0x797: {  	v12 =	vand.u32 $0x7FFFFFFF, v25;
	v9 =	vsel vm2, $0x10, v1;
	v16 =	vand.u32 $0x7FFFFFFF, v18;
	[tilespmem:v24+s18+$0x0] =	vst.idx.msk vm4, v11  }
0x798: {  	s23 =	simm.s32 $0x8;
	s0 =	simm.s32 $0x8140;
	v18 =	vand.u32 $0x7FFFFFFF, v22;
	v11 =	vadd.s32 v15, v9;
	v9 =	vand.u32 $0x7FFFFFFF, v23;
	[tilespmem:v26+s18+$0x0] =	vst.idx.msk vm5, v21  }
.LBB2_187:
0x799: {  	v21 =	vld [tilespmem:s0+$0x30];
	vm3 =	vge.s32 v12, v4;
	v22 =	vand.u32 $0x7FFFFFFF, v20;
	v23 =	vand.u32 $0x7FFFFFFF, v17;
	[tilespmem:v13+s18+$0x0] =	vst.idx.msk vm0, v7;
	v7 =	vmovc v18  }
0x79a: {  	s23 =	sadd.s32 $0x8, s23;
	v18 =	vld [tilespmem:s0+$0x20];
	v13 =	vsel vm3, $0x10, v1;
	vm4 =	vge.s32 v22, v4;
	v24 =	vand.u32 $0x7FFFFFFF, v19;
	[tilespmem:v14+s18+$0x0] =	vst.idx.msk vm1, v5;
	v5 =	vmovc v16  }
0x79b: {  	p0 =	slt.u32 s23, $0x7F8;
	v25 =	vld [tilespmem:s0+$0x10];
	v14 =	vadd.s32 v11, v13;
	v13 =	vsel vm4, $0x10, v1;
	vm5 =	vge.s32 v24, v4;
	[tilespmem:v15+s18+$0x0] =	vst.idx.msk vm2, v8  }
0x79c: {  	vm6 =	vge.s32 v23, v4;
	v8 =	vmovc v10;
	v26 =	vld [tilespmem:s0+$0x0];
	v15 =	vadd.s32 v14, v13;
	v13 =	vsel vm5, $0x10, v1  }
0x79d: {  	vm7 =	vge.s32 v9, v4;
	v10 =	vsel vm6, $0x10, v1;
	v17 =	vld [tilespmem:s0+$0xFFFFFFF0];
	v27 =	vadd.s32 v15, v13  }
0x79e: {  	vm0 =	vge.s32 v7, v4;
	v28 =	vld [tilespmem:s0+$0xFFFFFFC0];
	v29 =	vadd.s32 v27, v10;
	v10 =	vsel vm7, $0x10, v1  }
.Ltmp107:
0x79f: {  	vm1 =	vge.s32 v5, v4;
	v20 =	vld [tilespmem:s0+$0xFFFFFFD0];
	[tilespmem:v11+s18+$0x0] =	vst.idx.msk vm3, v12;
	v13 =	vadd.s32 v29, v10;
	v10 =	vsel vm0, $0x10, v1;
	(pc) =	sbr.rel @p0 .LBB2_187-.Ltmp107, $4  }
0x7a0: {  	vm2 =	vge.s32 v8, v4;
	v19 =	vld [tilespmem:s0+$0xFFFFFFE0];
	[tilespmem:v14+s18+$0x0] =	vst.idx.msk vm4, v22;
	v14 =	vadd.s32 v13, v10;
	v10 =	vsel vm1, $0x10, v1  }
0x7a1: {  	v11 =	vsel vm2, $0x10, v1;
	[tilespmem:v15+s18+$0x0] =	vst.idx.msk vm5, v24;
	v15 =	vadd.s32 v14, v10  }
0x7a2: {  	v16 =	vand.u32 $0x7FFFFFFF, v18;
	v10 =	vand.u32 $0x7FFFFFFF, v21;
	[tilespmem:v27+s18+$0x0] =	vst.idx.msk vm6, v23;
	v11 =	vadd.s32 v15, v11  }
0x7a3: {  	v18 =	vand.u32 $0x7FFFFFFF, v25;
	s0 =	sadd.s32 $0x80, s0;
	v12 =	vand.u32 $0x7FFFFFFF, v28;
	[tilespmem:v29+s18+$0x0] =	vst.idx.msk vm7, v9;
	v9 =	vand.u32 $0x7FFFFFFF, v26  }
0x7a4: {  	vm3 =	vge.s32 v12, v4;
	v20 =	vand.u32 $0x7FFFFFFF, v20;
	v17 =	vand.u32 $0x7FFFFFFF, v17  }
0x7a5: {  	v21 =	vsel vm3, $0x10, v1;
	vm4 =	vge.s32 v20, v4;
	v19 =	vand.u32 $0x7FFFFFFF, v19  }
0x7a6: {  	v21 =	vadd.s32 v11, v21;
	v22 =	vsel vm4, $0x10, v1;
	vm5 =	vge.s32 v19, v4  }
0x7a7: {  	vm6 =	vge.s32 v17, v4;
	v22 =	vadd.s32 v21, v22;
	v23 =	vsel vm5, $0x10, v1  }
0x7a8: {  	vm7 =	vge.s32 v9, v4;
	v24 =	vsel vm6, $0x10, v1;
	v23 =	vadd.s32 v22, v23  }
0x7a9: {  	vm8 =	vge.s32 v18, v4;
	v25 =	vsel vm7, $0x10, v1;
	v24 =	vadd.s32 v23, v24  }
0x7aa: {  	vm9 =	vge.s32 v16, v4;
	v26 =	vsel vm8, $0x10, v1;
	v25 =	vadd.s32 v24, v25  }
0x7ab: {  	vm10 =	vge.s32 v10, v4;
	v27 =	vsel vm9, $0x10, v1;
	v26 =	vadd.s32 v25, v26  }
0x7ac: {  	v4 =	vsel vm10, $0x10, v1;
	v27 =	vadd.s32 v26, v27  }
0x7ad: {  	v4 =	vadd.s32 v27, v4  }
0x7ae: {  	v4 =	vadd.s32 v0, v4  }
0x7af: {  	v4 =	vshrl.u32 v4, $0x4  }
0x7b0: {  	v28 =	vor.u32 $0x80000000, v4  }
0x7b1: {  	(xrf0) =	vmax.scan.msk.u32 $0xffff, v28;
	_ =	sdelay $0x5  }
0x7b2: {  	[tilespmem:v14+s18+$0x0] =	vst.idx.msk vm1, v5;
	(v2sf) =	vpush v6, $0x0;
	v5, _, _ =	vpop (xrf0)  }
0x7b3: {  	[tilespmem:v13+s18+$0x0] =	vst.idx.msk vm0, v7;
	(v2sf) =	vpush v5, $0xF  }
0x7b4: {  	[tilespmem:v15+s18+$0x0] =	vst.idx.msk vm2, v8  }
0x7b5: {  	[tilespmem:v11+s18+$0x0] =	vst.idx.msk vm3, v12  }
0x7b6: {  	[tilespmem:v21+s18+$0x0] =	vst.idx.msk vm4, v20  }
0x7b7: {  	[tilespmem:v22+s18+$0x0] =	vst.idx.msk vm5, v19  }
0x7b8: {  	[tilespmem:v23+s18+$0x0] =	vst.idx.msk vm6, v17  }
0x7b9: {  	[tilespmem:v24+s18+$0x0] =	vst.idx.msk vm7, v9  }
0x7ba: {  	[tilespmem:v25+s18+$0x0] =	vst.idx.msk vm8, v18  }
0x7bb: {  	[tilespmem:v26+s18+$0x0] =	vst.idx.msk vm9, v16  }
0x7bc: {  	[tilespmem:v27+s18+$0x0] =	vst.idx.msk vm10, v10  }
0x7bd: {  	[tilespmem:$0x18000] =	vst v1  }
0x7be: {  	[tilespmem:$0x18010] =	vst v1  }
0x7bf: {  	[tilespmem:$0x18020] =	vst v1  }
0x7c0: {  	[tilespmem:$0x18030] =	vst v1  }
0x7c1: {  	[tilespmem:$0x18040] =	vst v1;
	s30 =	spop (v2sf)  }
0x7c2: {  	[tilespmem:$0x18050] =	vst v1;
	s25 =	spop (v2sf)  }
0x7c3: {  	[tilespmem:$0x18060] =	vst v1;
	s23 =	sxor.u32 $0x80000000, s25  }
0x7c4: {  	[tilespmem:$0x18070] =	vst v1;
	s0 =	sshrl.u32 s23, $0x1F  }
0x7c5: {  	[tilespmem:$0x18080] =	vst v1;
	s0 =	sadd.s32 s0, s23  }
0x7c6: {  	[tilespmem:$0x18090] =	vst v1;
	s24 =	sand.u32 $0xFFFFFFFE, s0  }
0x7c7: {  	[tilespmem:$0x180A0] =	vst v1;
	p0 =	slt.s32 s24, $0x1  }
.Ltmp108:
0x7c8: {  	[tilespmem:$0x180B0] =	vst v1;
	(pc) =	sbr.rel @p0 .LBB2_205-.Ltmp108, $4  }
0x7c9: {  	[tilespmem:$0x180C0] =	vst v1  }
0x7ca: {  	[tilespmem:$0x180D0] =	vst v1  }
0x7cb: {  	[tilespmem:$0x180E0] =	vst v1  }
0x7cc: {  	[tilespmem:$0x180F0] =	vst v1;
	v5 =	vmov s29  }
0x7cd: {  	p3 =	sgt.s32 s24, $0x2  }
.Ltmp109:
0x7ce: {  	_ = 	snop;
	(pc) =	sbr.rel @!p3 .LBB2_190-.Ltmp109, $4  }
0x7cf: {  	_ = 	snop  }
0x7d0: {  	s3 =	simm.s32 $0x10010  }
0x7d1: {  	s0 =	simm.s32 $0x0;
	v11 =	vld [tilespmem:s3+$0x0]  }
0x7d2: {  	s1 =	simm.s32 $0x2;
	p1 =	por $0x0, $0x0;
	p2 =	por $0x0, $0x0;
	v6 =	vld [tilespmem:s3+$0xFFFFFFF0]  }
0x7d3: {  	_ = 	snop  }
0x7d4: {  	p3 =	sgt.s32 s24, $0x4  }
.Ltmp110:
0x7d5: {  	_ = 	snop;
	(pc) =	sbr.rel @!p3 .LBB2_214-.Ltmp110, $4  }
0x7d6: {  	vm0 =	vgt.s32 v4, s0;
	s4 =	simm.s32 $0x1  }
0x7d7: {  	s3 =	simm.s32 $0x10030;
	vm2 =	vgt.s32 v4, s4;
	v8 =	vshrl.u32 v6, $0xF;
	v6 =	vshrl.u32 v6, $0x17  }
0x7d8: {  	v9 =	vld [tilespmem:s3+$0x0];
	vm1 =	veq.s32 v6, v5;
	v10 =	vand.u32 $0xFF, v8;
	v8 =	vshrl.u32 v11, $0x17  }
0x7d9: {  	s0 =	simm.s32 $0x4;
	p1 =	por $0x1, $0x1;
	v7 =	vshrl.u32 v11, $0xF;
	v6 =	vld [tilespmem:s3+$0xFFFFFFF0];
	vm1 =	vmand vm0, vm1;
	vm4 =	veq.s32 v8, v5  }
0x7da: {  	_ =	sdelay $0x1  }
0x7db: {  	p3 =	sgt.s32 s24, $0x6  }
.Ltmp111:
0x7dc: {  	vm0 =	vmand vm2, vm4;
	(pc) =	sbr.rel @!p3 .LBB2_216-.Ltmp111, $4  }
0x7dd: {  	v8 =	vand.u32 $0xFF, v7;
	vm2 =	vgt.s32 v4, s1  }
0x7de: {  	s3 =	simm.s32 $0x10050;
	[tilespmem:v10+s16+$0x0] =	vst.idx.add.s32.msk vm1, v2;
	v7 =	vshrl.u32 v9, $0xF;
	v9 =	vshrl.u32 v9, $0x17;
	v13 =	vshrl.u32 v6, $0x17  }
0x7df: {  	s4 =	simm.s32 $0x3;
	v11 =	vld [tilespmem:s3+$0x0];
	v12 =	vshrl.u32 v6, $0xF;
	vm4 =	veq.s32 v9, v5;
	vm3 =	veq.s32 v13, v5  }
0x7e0: {  	s1 =	simm.s32 $0x6;
	p2 =	por $0x1, $0x1;
	v6 =	vld [tilespmem:s3+$0xFFFFFFF0];
	v12 =	vand.u32 $0xFF, v12;
	vm3 =	vmand vm2, vm3;
	vm2 =	vgt.s32 v4, s4  }
.LBB2_217:
0x7e1: {  	s4 =	smov.u32 s1;
	s1 =	sadd.s32 $0x2, s1  }
0x7e2: {  	[tilespmem:v8+s16+$0x0] =	vst.idx.add.s32.msk vm0, v2;
	vm0 =	vmand vm2, vm4;
	p3 =	slt.s32 s1, s24  }
.Ltmp112:
0x7e3: {  	v8 =	vand.u32 $0xFF, v7;
	(pc) =	sbr.rel @p3 .LBB2_217-.Ltmp112, $4  }
0x7e4: {  	s3 =	sadd.s32 $0x20, s3;
	v7 =	vshrl.u32 v11, $0xF;
	v9 =	vmov v11  }
0x7e5: {  	vm1 =	vgt.s32 v4, s0;
	v11 =	vld [tilespmem:s3+$0x0];
	v10 =	vshrl.u32 v6, $0xF;
	v13 =	vshrl.u32 v6, $0x17  }
0x7e6: {  	s5 =	sadd.s32 $0x1, s0;
	s0 =	smov.u32 s4;
	v9 =	vshrl.u32 v9, $0x17;
	v6 =	vld [tilespmem:s3+$0xFFFFFFF0];
	vm5 =	veq.s32 v13, v5;
	v10 =	vand.u32 $0xFF, v10  }
0x7e7: {  	vm2 =	vgt.s32 v4, s5;
	vm4 =	veq.s32 v9, v5;
	[tilespmem:v12+s16+$0x0] =	vst.idx.add.s32.msk vm3, v2;
	vm3 =	vmand vm1, vm5;
	v12 =	vmovc v10  }
0x7e8: {  	_ =	sdelay $0x1  }
0x7e9: {  	s1 =	smov.u32 s0;
	vm1 =	vmmov vm3;
	v10 =	vmov v12;
	v9 =	vmov v11  }
.LBB2_219:
0x7ea: {  	vm2 =	vmand @p1 vm2, vm4;
	v7 =	vand.u32 @p1 $0xFF, v7;
	v11 =	vshrl.u32 v6, $0x17  }
0x7eb: {  	v6 =	vshrl.u32 v6, $0xF;
	vm3 =	vgt.s32 v4, s1;
	s0 =	sadd.s32 $0x1, s1;
	v62 =	vshrl.u32 v9, $0x17  }
0x7ec: {  	vm14 =	veq.s32 v11, v5;
	vm2 =	vmmov @p1 vm2;
	vm15 =	vgt.s32 v4, s0  }
0x7ed: {  	vm5 =	veq.s32 v62, v5;
	v7 =	vpsel p1, v7, v0;
	vm3 =	vmand vm3, vm14  }
0x7ee: {  	v63 =	vshrl.u32 v9, $0xF;
	v6 =	vand.u32 $0xFF, v6;
	vm4 =	vmand vm15, vm5  }
0x7ef: {  	v9 =	vand.u32 $0xFF, v63  }
0x7f0: {  	[tilespmem:v8+s16+$0x0] =	vst.idx.add.s32.msk @p2 vm0, v2  }
0x7f1: {  	[tilespmem:v10+s16+$0x0] =	vst.idx.add.s32.msk @p1 vm1, v2  }
0x7f2: {  	[tilespmem:v7+s16+$0x0] =	vst.idx.add.s32.msk @p1 vm2, v2  }
0x7f3: {  	[tilespmem:v6+s16+$0x0] =	vst.idx.add.s32.msk vm3, v2  }
0x7f4: {  	[tilespmem:v9+s16+$0x0] =	vst.idx.add.s32.msk vm4, v2  }
.LBB2_205:
0x7f5: {  	p1 =	sge.s32 s24, s23  }
.Ltmp113:
0x7f6: {  	_ = 	snop;
	(pc) =	sbr.rel @p1 .LBB2_208-.Ltmp113, $4  }
0x7f7: {  	_ = 	snop  }
0x7f8: {  	s28 =	ssub.s32 s23, s24  }
0x7f9: {  	s0 =	sshll.u32 s25, $0x6;
	s1 =	sshll.u32 s28, $0x6  }
0x7fa: {  	s25 =	ssub.s32 $0x0, s28;
	s26 =	ssub.s32 s0, s1  }
0x7fb: {  	s1 =	sshra.s32 s26, $0x2  }
0x7fc: {  	s0 =	ssub.s32 $0x0, s28;
	s1 =	sadd.s32 $0x10000, s1  }
.LBB2_207:
0x7fd: {  	v6 =	vld [tilespmem:s1+$0x0];
	_ =	sdelay $0x4  }
0x7fe: {  	s3 =	sadd.s32 s0, s23;
	v7 =	vshrl.u32 v6, $0x17  }
0x7ff: {  	vm0 =	vgt.s32 v4, s3;
	vm1 =	veq.s32 v7, v5  }
0x800: {  	s0 =	sadd.s32 $0x1, s0;
	v6 =	vshrl.u32 v6, $0xF;
	vm0 =	vmand vm0, vm1  }
0x801: {  	p2 =	seq.s32 s0, $0x0;
	v6 =	vand.u32 $0xFF, v6  }
.Ltmp114:
0x802: {  	_ = 	snop;
	(pc) =	sbr.rel @!p2 .LBB2_207-.Ltmp114, $2  }
0x803: {  	_ =	sdelay $0x2  }
0x804: {  	s1 =	sadd.s32 $0x10, s1;
	[tilespmem:v6+s16+$0x0] =	vst.idx.add.s32.msk vm0, v2  }
.LBB2_208:
0x805: {  	v6 =	vimm.s32 $0x0  }
0x806: {  	s3 =	simm.s32 $0xF0;
	[tilespmem:$0x18280] =	vst v6  }
0x807: {  	v5 =	vld [tilespmem:s3+$0x18000];
	_ =	sdelay $0x4  }
0x808: {  	v5 =	vperm.xlane v5, v3;
	_ =	sdelay $0x1  }
0x809: {  	(xrf0) =	vadd.scan.msk.s32 $0xffff, v5;
	_ =	sdelay $0x5  }
0x80a: {  	v7, _, _ =	vpop (xrf0)  }
0x80b: {  	v7 =	vperm.xlane v7, v3  }
0x80c: {  	s1 =	simm.s32 $0x0  }
0x80d: {  	s0 =	simm.s32 $0xE0;
	v7 =	vadd.s32 s1, v7  }
0x80e: {  	v5 =	vld [tilespmem:s0+$0x18000];
	(v2sf) =	vpush v7, $0x0;
	_ =	sdelay $0x4  }
0x80f: {  	v5 =	vperm.xlane v5, v3;
	_ =	sdelay $0x1  }
0x810: {  	(xrf0) =	vadd.scan.msk.s32 $0xffff, v5  }
0x811: {  	s30 =	ssub.s32 $0x101, s30  }
0x812: {  	v5 =	vmov s30  }
0x813: {  	vm0 =	vge.s32 v7, v5  }
0x814: {  	v8 =	vmpcnt.ones.xlane vm0;
	_ =	sdelay $0x1  }
0x815: {  	s1 =	simm.s32 $0x340;
	[tilespmem:s3+$0x18180] =	vst v7;
	s3 =	simm.s32 $0x300;
	v6 =	vadd.s32 v6, v8;
	v7, _, _ =	vpop (xrf0)  }
.LBB2_209:
0x816: {  	p2 =	sne.s32 s3, $0x0;
	v7 =	vperm.xlane v7, v3  }
0x817: {  	s4 =	spop (v2sf)  }
0x818: {  	s5 =	sshra.s32 s1, $0x2;
	s1 =	smov.u32 s3;
	v7 =	vadd.s32 s4, v7  }
0x819: {  	v8 =	vld [tilespmem:s5+$0x18000];
	[tilespmem:s0+$0x18180] =	vst v7;
	vm0 =	vge.s32 v7, v5;
	(v2sf) =	vpush v7, $0x0;
	s0 =	smov.u32 s5  }
0x81a: {  	v7 =	vmpcnt.ones.xlane vm0;
	_ =	sdelay $0x1  }
0x81b: {  	v6 =	vadd.s32 v6, v7;
	_ =	sdelay $0x1  }
0x81c: {  	v7 =	vperm.xlane v8, v3;
	_ =	sdelay $0x1  }
0x81d: {  	(xrf0) =	vadd.scan.msk.s32 $0xffff, v7;
	_ =	sdelay $0x1  }
.Ltmp115:
0x81e: {  	(pc) =	sbr.rel @p2 .LBB2_209-.Ltmp115, $2  }
0x81f: {  	_ =	sdelay $0x2  }
0x820: {  	s3 =	sadd.s32 $0xFFFFFFC0, s3;
	v7, _, _ =	vpop (xrf0)  }
0x821: {  	v7 =	vperm.xlane v7, v3  }
0x822: {  	s3 =	spop (v2sf)  }
0x823: {  	s1 =	sshra.s32 s1, $0x2;
	v7 =	vadd.s32 s3, v7  }
0x824: {  	v8 =	vld [tilespmem:s1+$0x18000];
	(v2sf) =	vpush v7, $0x0;
	_ =	sdelay $0x4  }
0x825: {  	v8 =	vperm.xlane v8, v3;
	_ =	sdelay $0x1  }
0x826: {  	(xrf0) =	vadd.scan.msk.s32 $0xffff, v8;
	_ =	sdelay $0x5  }
0x827: {  	v8, _, _ =	vpop (xrf0)  }
0x828: {  	v8 =	vperm.xlane v8, v3  }
0x829: {  	s5 =	spop (v2sf)  }
0x82a: {  	vm0 =	vge.s32 v7, v5;
	v8 =	vadd.s32 s5, v8  }
0x82b: {  	v9 =	vmpcnt.ones.xlane vm0;
	vm15 =	vge.s32 v8, v5  }
0x82c: {  	v5 =	vmpcnt.ones.xlane vm15  }
0x82d: {  	v6 =	vadd.s32 v6, v9  }
0x82e: {  	v5 =	vadd.s32 v6, v5  }
0x82f: {  	v6 =	vbroadcast v5, $0x0;
	_ =	sdelay $0x3  }
0x830: {  	[tilespmem:s0+$0x18180] =	vst v7  }
0x831: {  	[tilespmem:s1+$0x18180] =	vst v8  }
0x832: {  	v6 =	vld.idx.msk [tilespmem:v6+s17+$0x0], $0xffff  }
0x833: {  	(v2sf) =	vpush v8, $0x0  }
0x834: {  	(v2sf) =	vpush v5, $0x0;
	_ =	sdelay $0x2  }
0x835: {  	[tilespmem:$0x18000] =	vst v1;
	(v2sf) =	vpush v6, $0x0  }
0x836: {  	[tilespmem:$0x18010] =	vst v1  }
0x837: {  	[tilespmem:$0x18020] =	vst v1  }
0x838: {  	[tilespmem:$0x18030] =	vst v1  }
0x839: {  	[tilespmem:$0x18040] =	vst v1  }
0x83a: {  	[tilespmem:$0x18050] =	vst v1  }
0x83b: {  	[tilespmem:$0x18060] =	vst v1  }
0x83c: {  	[tilespmem:$0x18070] =	vst v1  }
0x83d: {  	[tilespmem:$0x18080] =	vst v1  }
0x83e: {  	[tilespmem:$0x18090] =	vst v1  }
0x83f: {  	[tilespmem:$0x180A0] =	vst v1  }
.Ltmp116:
0x840: {  	[tilespmem:$0x180B0] =	vst v1;
	s4 =	spop (v2sf);
	(pc) =	sbr.rel @p0 .LBB2_220-.Ltmp116, $4  }
0x841: {  	s5 =	sshll.u32 s29, $0x8;
	[tilespmem:$0x180C0] =	vst v1;
	s0 =	spop (v2sf)  }
0x842: {  	[tilespmem:$0x180D0] =	vst v1;
	s0 =	sadd.s32 s0, s5  }
0x843: {  	[tilespmem:$0x180E0] =	vst v1;
	s29 =	sadd.s32 $0xFFFFFFFF, s0  }
0x844: {  	[tilespmem:$0x180F0] =	vst v1;
	v5 =	vmov s29;
	s31 =	spop (v2sf)  }
0x845: {  	p4 =	sgt.s32 s24, $0x2  }
.Ltmp117:
0x846: {  	_ = 	snop;
	(pc) =	sbr.rel @!p4 .LBB2_212-.Ltmp117, $4  }
0x847: {  	_ = 	snop  }
0x848: {  	s3 =	simm.s32 $0x10010  }
0x849: {  	s0 =	simm.s32 $0x0;
	v11 =	vld [tilespmem:s3+$0x0]  }
0x84a: {  	s1 =	simm.s32 $0x2;
	p2 =	por $0x0, $0x0;
	p3 =	por $0x0, $0x0;
	v6 =	vld [tilespmem:s3+$0xFFFFFFF0]  }
0x84b: {  	_ = 	snop  }
0x84c: {  	p4 =	sgt.s32 s24, $0x4  }
.Ltmp118:
0x84d: {  	_ = 	snop;
	(pc) =	sbr.rel @!p4 .LBB2_229-.Ltmp118, $4  }
0x84e: {  	vm0 =	vgt.s32 v4, s0;
	s4 =	simm.s32 $0x1  }
0x84f: {  	s3 =	simm.s32 $0x10030;
	vm2 =	vgt.s32 v4, s4;
	v8 =	vshrl.u32 v6, $0x7;
	v6 =	vshrl.u32 v6, $0xF  }
0x850: {  	v9 =	vld [tilespmem:s3+$0x0];
	vm1 =	veq.s32 v6, v5;
	v10 =	vand.u32 $0xFF, v8;
	v8 =	vshrl.u32 v11, $0xF  }
0x851: {  	s0 =	simm.s32 $0x4;
	p2 =	por $0x1, $0x1;
	v7 =	vshrl.u32 v11, $0x7;
	v6 =	vld [tilespmem:s3+$0xFFFFFFF0];
	vm1 =	vmand vm0, vm1;
	vm4 =	veq.s32 v8, v5  }
0x852: {  	_ =	sdelay $0x1  }
0x853: {  	p4 =	sgt.s32 s24, $0x6  }
.Ltmp119:
0x854: {  	vm0 =	vmand vm2, vm4;
	(pc) =	sbr.rel @!p4 .LBB2_231-.Ltmp119, $4  }
0x855: {  	v8 =	vand.u32 $0xFF, v7;
	vm2 =	vgt.s32 v4, s1  }
0x856: {  	s3 =	simm.s32 $0x10050;
	[tilespmem:v10+s16+$0x0] =	vst.idx.add.s32.msk vm1, v2;
	v7 =	vshrl.u32 v9, $0x7;
	v9 =	vshrl.u32 v9, $0xF;
	v13 =	vshrl.u32 v6, $0xF  }
0x857: {  	s4 =	simm.s32 $0x3;
	v11 =	vld [tilespmem:s3+$0x0];
	v12 =	vshrl.u32 v6, $0x7;
	vm4 =	veq.s32 v9, v5;
	vm3 =	veq.s32 v13, v5  }
0x858: {  	s1 =	simm.s32 $0x6;
	p3 =	por $0x1, $0x1;
	v6 =	vld [tilespmem:s3+$0xFFFFFFF0];
	v12 =	vand.u32 $0xFF, v12;
	vm3 =	vmand vm2, vm3;
	vm2 =	vgt.s32 v4, s4  }
.LBB2_232:
0x859: {  	s4 =	smov.u32 s1;
	s1 =	sadd.s32 $0x2, s1  }
0x85a: {  	[tilespmem:v8+s16+$0x0] =	vst.idx.add.s32.msk vm0, v2;
	vm0 =	vmand vm2, vm4;
	p4 =	slt.s32 s1, s24  }
.Ltmp120:
0x85b: {  	v8 =	vand.u32 $0xFF, v7;
	(pc) =	sbr.rel @p4 .LBB2_232-.Ltmp120, $4  }
0x85c: {  	s3 =	sadd.s32 $0x20, s3;
	v7 =	vshrl.u32 v11, $0x7;
	v9 =	vmov v11  }
0x85d: {  	vm1 =	vgt.s32 v4, s0;
	v11 =	vld [tilespmem:s3+$0x0];
	v10 =	vshrl.u32 v6, $0x7;
	v13 =	vshrl.u32 v6, $0xF  }
0x85e: {  	s5 =	sadd.s32 $0x1, s0;
	s0 =	smov.u32 s4;
	v9 =	vshrl.u32 v9, $0xF;
	v6 =	vld [tilespmem:s3+$0xFFFFFFF0];
	vm5 =	veq.s32 v13, v5;
	v10 =	vand.u32 $0xFF, v10  }
0x85f: {  	vm2 =	vgt.s32 v4, s5;
	vm4 =	veq.s32 v9, v5;
	[tilespmem:v12+s16+$0x0] =	vst.idx.add.s32.msk vm3, v2;
	vm3 =	vmand vm1, vm5;
	v12 =	vmovc v10  }
0x860: {  	_ =	sdelay $0x1  }
0x861: {  	s1 =	smov.u32 s0;
	vm1 =	vmmov vm3;
	v10 =	vmov v12;
	v9 =	vmov v11  }
.LBB2_234:
0x862: {  	vm2 =	vmand @p2 vm2, vm4;
	v7 =	vand.u32 @p2 $0xFF, v7;
	v11 =	vshrl.u32 v6, $0xF  }
0x863: {  	v6 =	vshrl.u32 v6, $0x7;
	vm3 =	vgt.s32 v4, s1;
	s0 =	sadd.s32 $0x1, s1;
	v62 =	vshrl.u32 v9, $0xF  }
0x864: {  	vm14 =	veq.s32 v11, v5;
	vm2 =	vmmov @p2 vm2;
	vm15 =	vgt.s32 v4, s0  }
0x865: {  	vm5 =	veq.s32 v62, v5;
	v7 =	vpsel p2, v7, v0;
	vm3 =	vmand vm3, vm14  }
0x866: {  	v63 =	vshrl.u32 v9, $0x7;
	v6 =	vand.u32 $0xFF, v6;
	vm4 =	vmand vm15, vm5  }
0x867: {  	v9 =	vand.u32 $0xFF, v63  }
0x868: {  	[tilespmem:v8+s16+$0x0] =	vst.idx.add.s32.msk @p3 vm0, v2  }
0x869: {  	[tilespmem:v10+s16+$0x0] =	vst.idx.add.s32.msk @p2 vm1, v2  }
0x86a: {  	[tilespmem:v7+s16+$0x0] =	vst.idx.add.s32.msk @p2 vm2, v2  }
0x86b: {  	[tilespmem:v6+s16+$0x0] =	vst.idx.add.s32.msk vm3, v2  }
0x86c: {  	[tilespmem:v9+s16+$0x0] =	vst.idx.add.s32.msk vm4, v2  }
.LBB2_220:
.Ltmp121:
0x86d: {  	(pc) =	sbr.rel @p1 .LBB2_223-.Ltmp121, $1  }
0x86e: {  	_ =	sdelay $0x3  }
0x86f: {  	s1 =	sshra.s32 s26, $0x2  }
0x870: {  	s0 =	ssub.s32 $0x0, s28;
	s1 =	sadd.s32 $0x10000, s1  }
.LBB2_222:
0x871: {  	v6 =	vld [tilespmem:s1+$0x0];
	_ =	sdelay $0x4  }
0x872: {  	s3 =	sadd.s32 s0, s23;
	v7 =	vshrl.u32 v6, $0xF  }
0x873: {  	vm0 =	vgt.s32 v4, s3;
	vm1 =	veq.s32 v7, v5  }
0x874: {  	s0 =	sadd.s32 $0x1, s0;
	v6 =	vshrl.u32 v6, $0x7;
	vm0 =	vmand vm0, vm1  }
0x875: {  	p2 =	seq.s32 s0, $0x0;
	v6 =	vand.u32 $0xFF, v6  }
.Ltmp122:
0x876: {  	_ = 	snop;
	(pc) =	sbr.rel @!p2 .LBB2_222-.Ltmp122, $2  }
0x877: {  	_ =	sdelay $0x2  }
0x878: {  	s1 =	sadd.s32 $0x10, s1;
	[tilespmem:v6+s16+$0x0] =	vst.idx.add.s32.msk vm0, v2  }
.LBB2_223:
0x879: {  	v6 =	vimm.s32 $0x0  }
0x87a: {  	s3 =	simm.s32 $0xF0;
	[tilespmem:$0x18280] =	vst v6  }
0x87b: {  	v5 =	vld [tilespmem:s3+$0x18000];
	_ =	sdelay $0x4  }
0x87c: {  	v5 =	vperm.xlane v5, v3;
	_ =	sdelay $0x1  }
0x87d: {  	(xrf0) =	vadd.scan.msk.s32 $0xffff, v5;
	_ =	sdelay $0x5  }
0x87e: {  	v7, _, _ =	vpop (xrf0)  }
0x87f: {  	v7 =	vperm.xlane v7, v3  }
0x880: {  	s1 =	simm.s32 $0x0  }
0x881: {  	s0 =	simm.s32 $0xE0;
	v7 =	vadd.s32 s1, v7  }
0x882: {  	v5 =	vld [tilespmem:s0+$0x18000];
	(v2sf) =	vpush v7, $0x0;
	_ =	sdelay $0x4  }
0x883: {  	v5 =	vperm.xlane v5, v3;
	_ =	sdelay $0x1  }
0x884: {  	(xrf0) =	vadd.scan.msk.s32 $0xffff, v5  }
0x885: {  	s30 =	ssub.s32 s30, s31  }
0x886: {  	v5 =	vmov s30  }
0x887: {  	vm0 =	vge.s32 v7, v5  }
0x888: {  	v8 =	vmpcnt.ones.xlane vm0;
	_ =	sdelay $0x1  }
0x889: {  	s1 =	simm.s32 $0x340;
	[tilespmem:s3+$0x18180] =	vst v7;
	s3 =	simm.s32 $0x300;
	v6 =	vadd.s32 v6, v8;
	v7, _, _ =	vpop (xrf0)  }
.LBB2_224:
0x88a: {  	p2 =	sne.s32 s3, $0x0;
	v7 =	vperm.xlane v7, v3  }
0x88b: {  	s4 =	spop (v2sf)  }
0x88c: {  	s5 =	sshra.s32 s1, $0x2;
	s1 =	smov.u32 s3;
	v7 =	vadd.s32 s4, v7  }
0x88d: {  	v8 =	vld [tilespmem:s5+$0x18000];
	[tilespmem:s0+$0x18180] =	vst v7;
	vm0 =	vge.s32 v7, v5;
	(v2sf) =	vpush v7, $0x0;
	s0 =	smov.u32 s5  }
0x88e: {  	v7 =	vmpcnt.ones.xlane vm0;
	_ =	sdelay $0x1  }
0x88f: {  	v6 =	vadd.s32 v6, v7;
	_ =	sdelay $0x1  }
0x890: {  	v7 =	vperm.xlane v8, v3;
	_ =	sdelay $0x1  }
0x891: {  	(xrf0) =	vadd.scan.msk.s32 $0xffff, v7;
	_ =	sdelay $0x1  }
.Ltmp123:
0x892: {  	(pc) =	sbr.rel @p2 .LBB2_224-.Ltmp123, $2  }
0x893: {  	_ =	sdelay $0x2  }
0x894: {  	s3 =	sadd.s32 $0xFFFFFFC0, s3;
	v7, _, _ =	vpop (xrf0)  }
0x895: {  	v7 =	vperm.xlane v7, v3  }
0x896: {  	s3 =	spop (v2sf)  }
0x897: {  	s1 =	sshra.s32 s1, $0x2;
	v7 =	vadd.s32 s3, v7  }
0x898: {  	v8 =	vld [tilespmem:s1+$0x18000];
	(v2sf) =	vpush v7, $0x0;
	_ =	sdelay $0x4  }
0x899: {  	v8 =	vperm.xlane v8, v3;
	_ =	sdelay $0x1  }
0x89a: {  	(xrf0) =	vadd.scan.msk.s32 $0xffff, v8;
	_ =	sdelay $0x5  }
0x89b: {  	v8, _, _ =	vpop (xrf0)  }
0x89c: {  	v8 =	vperm.xlane v8, v3  }
0x89d: {  	s5 =	spop (v2sf)  }
0x89e: {  	vm0 =	vge.s32 v7, v5;
	v8 =	vadd.s32 s5, v8  }
0x89f: {  	v9 =	vmpcnt.ones.xlane vm0;
	vm15 =	vge.s32 v8, v5  }
0x8a0: {  	v5 =	vmpcnt.ones.xlane vm15  }
0x8a1: {  	v6 =	vadd.s32 v6, v9  }
0x8a2: {  	v5 =	vadd.s32 v6, v5  }
0x8a3: {  	v6 =	vbroadcast v5, $0x0;
	_ =	sdelay $0x3  }
0x8a4: {  	[tilespmem:s0+$0x18180] =	vst v7  }
0x8a5: {  	[tilespmem:s1+$0x18180] =	vst v8  }
0x8a6: {  	v6 =	vld.idx.msk [tilespmem:v6+s17+$0x0], $0xffff  }
0x8a7: {  	(v2sf) =	vpush v8, $0x0  }
0x8a8: {  	(v2sf) =	vpush v5, $0x0;
	_ =	sdelay $0x2  }
0x8a9: {  	[tilespmem:$0x18000] =	vst v1;
	(v2sf) =	vpush v6, $0x0  }
0x8aa: {  	[tilespmem:$0x18010] =	vst v1  }
0x8ab: {  	[tilespmem:$0x18020] =	vst v1  }
0x8ac: {  	[tilespmem:$0x18030] =	vst v1  }
0x8ad: {  	[tilespmem:$0x18040] =	vst v1  }
0x8ae: {  	[tilespmem:$0x18050] =	vst v1  }
0x8af: {  	[tilespmem:$0x18060] =	vst v1  }
0x8b0: {  	[tilespmem:$0x18070] =	vst v1  }
0x8b1: {  	[tilespmem:$0x18080] =	vst v1  }
0x8b2: {  	[tilespmem:$0x18090] =	vst v1  }
0x8b3: {  	[tilespmem:$0x180A0] =	vst v1  }
.Ltmp124:
0x8b4: {  	[tilespmem:$0x180B0] =	vst v1;
	s4 =	spop (v2sf);
	(pc) =	sbr.rel @p0 .LBB2_235-.Ltmp124, $4  }
0x8b5: {  	s5 =	sshll.u32 s29, $0x8;
	[tilespmem:$0x180C0] =	vst v1;
	s0 =	spop (v2sf)  }
0x8b6: {  	[tilespmem:$0x180D0] =	vst v1;
	s0 =	sadd.s32 s0, s5  }
0x8b7: {  	[tilespmem:$0x180E0] =	vst v1;
	s29 =	sadd.s32 $0xFFFFFFFF, s0  }
0x8b8: {  	[tilespmem:$0x180F0] =	vst v1;
	v5 =	vmov s29;
	s31 =	spop (v2sf)  }
0x8b9: {  	p4 =	sgt.s32 s24, $0x2  }
.Ltmp125:
0x8ba: {  	_ = 	snop;
	(pc) =	sbr.rel @!p4 .LBB2_227-.Ltmp125, $4  }
0x8bb: {  	_ = 	snop  }
0x8bc: {  	s3 =	simm.s32 $0x10010  }
0x8bd: {  	s0 =	simm.s32 $0x0;
	v10 =	vld [tilespmem:s3+$0x0]  }
0x8be: {  	s1 =	simm.s32 $0x2;
	p2 =	por $0x0, $0x0;
	p3 =	por $0x0, $0x0;
	v6 =	vld [tilespmem:s3+$0xFFFFFFF0]  }
0x8bf: {  	_ = 	snop  }
0x8c0: {  	p4 =	sgt.s32 s24, $0x4  }
.Ltmp126:
0x8c1: {  	_ = 	snop;
	(pc) =	sbr.rel @!p4 .LBB2_250-.Ltmp126, $4  }
0x8c2: {  	s3 =	simm.s32 $0x10030  }
0x8c3: {  	v7 =	vld [tilespmem:s3+$0x0];
	v9 =	vand.u32 $0x7F, v6;
	v6 =	vshrl.u32 v6, $0x7  }
0x8c4: {  	vm0 =	vgt.s32 v4, s0;
	s4 =	simm.s32 $0x1;
	v8 =	vshrl.u32 v10, $0x7;
	vm1 =	veq.s32 v6, v5  }
0x8c5: {  	s0 =	simm.s32 $0x4;
	p2 =	por $0x1, $0x1;
	vm2 =	vgt.s32 v4, s4;
	vm3 =	veq.s32 v8, v5;
	v6 =	vld [tilespmem:s3+$0xFFFFFFF0];
	vm1 =	vmand vm0, vm1  }
0x8c6: {  	_ =	sdelay $0x1  }
0x8c7: {  	p4 =	sgt.s32 s24, $0x6  }
.Ltmp127:
0x8c8: {  	vm0 =	vmand vm2, vm3;
	(pc) =	sbr.rel @!p4 .LBB2_252-.Ltmp127, $4  }
0x8c9: {  	v8 =	vand.u32 $0x7F, v10  }
0x8ca: {  	s3 =	simm.s32 $0x10050;
	vm2 =	vgt.s32 v4, s1;
	[tilespmem:v9+s16+$0x0] =	vst.idx.add.s32.msk vm1, v2;
	v10 =	vshrl.u32 v6, $0x7  }
0x8cb: {  	s4 =	simm.s32 $0x3;
	v12 =	vld [tilespmem:s3+$0x0];
	v11 =	vand.u32 $0x7F, v6;
	vm3 =	veq.s32 v10, v5;
	v10 =	vshrl.u32 v7, $0x7  }
0x8cc: {  	s1 =	simm.s32 $0x6;
	p3 =	por $0x1, $0x1;
	v6 =	vld [tilespmem:s3+$0xFFFFFFF0];
	vm4 =	vmand vm2, vm3;
	vm2 =	vgt.s32 v4, s4;
	vm3 =	veq.s32 v10, v5  }
.LBB2_253:
0x8cd: {  	s4 =	smov.u32 s1;
	s1 =	sadd.s32 $0x2, s1  }
0x8ce: {  	[tilespmem:v8+s16+$0x0] =	vst.idx.add.s32.msk vm0, v2;
	vm0 =	vmand vm2, vm3;
	p4 =	slt.s32 s1, s24  }
.Ltmp128:
0x8cf: {  	v8 =	vand.u32 $0x7F, v7;
	(pc) =	sbr.rel @p4 .LBB2_253-.Ltmp128, $4  }
0x8d0: {  	s3 =	sadd.s32 $0x20, s3;
	v7 =	vmov v12  }
0x8d1: {  	v12 =	vld [tilespmem:s3+$0x0];
	v9 =	vand.u32 $0x7F, v6;
	v10 =	vshrl.u32 v6, $0x7  }
0x8d2: {  	vm1 =	vgt.s32 v4, s0;
	s5 =	sadd.s32 $0x1, s0;
	s0 =	smov.u32 s4;
	v6 =	vld [tilespmem:s3+$0xFFFFFFF0];
	vm5 =	veq.s32 v10, v5;
	v10 =	vshrl.u32 v7, $0x7  }
0x8d3: {  	vm2 =	vgt.s32 v4, s5;
	vm3 =	veq.s32 v10, v5;
	[tilespmem:v11+s16+$0x0] =	vst.idx.add.s32.msk vm4, v2;
	vm4 =	vmand vm1, vm5;
	v11 =	vmovc v9  }
0x8d4: {  	_ =	sdelay $0x1  }
0x8d5: {  	v10 =	vmovc v7;
	s1 =	smov.u32 s0;
	vm1 =	vmmov vm4;
	v9 =	vmov v11;
	v7 =	vmov v12  }
.LBB2_255:
0x8d6: {  	v11 =	vshrl.u32 v6, $0x7;
	v12 =	vshrl.u32 v7, $0x7  }
0x8d7: {  	vm2 =	vmand @p2 vm2, vm3;
	v10 =	vand.u32 @p2 $0x7F, v10;
	vm14 =	vgt.s32 v4, s1  }
0x8d8: {  	s0 =	sadd.s32 $0x1, s1;
	vm4 =	veq.s32 v11, v5;
	vm5 =	veq.s32 v12, v5;
	vm2 =	vmmov @p2 vm2  }
0x8d9: {  	vm15 =	vgt.s32 v4, s0;
	v10 =	vpsel p2, v10, v0;
	vm3 =	vmand vm14, vm4  }
0x8da: {  	v6 =	vand.u32 $0x7F, v6;
	vm4 =	vmand vm15, vm5  }
0x8db: {  	v7 =	vand.u32 $0x7F, v7  }
0x8dc: {  	[tilespmem:v8+s16+$0x0] =	vst.idx.add.s32.msk @p3 vm0, v2  }
0x8dd: {  	[tilespmem:v9+s16+$0x0] =	vst.idx.add.s32.msk @p2 vm1, v2  }
0x8de: {  	[tilespmem:v10+s16+$0x0] =	vst.idx.add.s32.msk @p2 vm2, v2  }
0x8df: {  	[tilespmem:v6+s16+$0x0] =	vst.idx.add.s32.msk vm3, v2  }
0x8e0: {  	[tilespmem:v7+s16+$0x0] =	vst.idx.add.s32.msk vm4, v2  }
.LBB2_235:
.Ltmp129:
0x8e1: {  	(pc) =	sbr.rel @p1 .LBB2_238-.Ltmp129, $1  }
0x8e2: {  	_ =	sdelay $0x3  }
0x8e3: {  	s1 =	sshra.s32 s26, $0x2  }
0x8e4: {  	s0 =	ssub.s32 $0x0, s28;
	s1 =	sadd.s32 $0x10000, s1  }
.LBB2_237:
0x8e5: {  	v6 =	vld [tilespmem:s1+$0x0];
	_ =	sdelay $0x4  }
0x8e6: {  	s3 =	sadd.s32 s0, s23;
	v7 =	vshrl.u32 v6, $0x7  }
0x8e7: {  	vm0 =	vgt.s32 v4, s3;
	vm1 =	veq.s32 v7, v5  }
0x8e8: {  	s0 =	sadd.s32 $0x1, s0;
	vm0 =	vmand vm0, vm1  }
0x8e9: {  	p2 =	seq.s32 s0, $0x0;
	v6 =	vand.u32 $0x7F, v6  }
.Ltmp130:
0x8ea: {  	_ = 	snop;
	(pc) =	sbr.rel @!p2 .LBB2_237-.Ltmp130, $2  }
0x8eb: {  	_ =	sdelay $0x2  }
0x8ec: {  	s1 =	sadd.s32 $0x10, s1;
	[tilespmem:v6+s16+$0x0] =	vst.idx.add.s32.msk vm0, v2  }
.LBB2_238:
0x8ed: {  	v6 =	vimm.s32 $0x0  }
0x8ee: {  	s3 =	simm.s32 $0x70;
	[tilespmem:$0x18200] =	vst v6  }
0x8ef: {  	v5 =	vld [tilespmem:s3+$0x18000];
	_ =	sdelay $0x4  }
0x8f0: {  	v5 =	vperm.xlane v5, v3;
	_ =	sdelay $0x1  }
0x8f1: {  	(xrf0) =	vadd.scan.msk.s32 $0xffff, v5;
	_ =	sdelay $0x5  }
0x8f2: {  	v7, _, _ =	vpop (xrf0)  }
0x8f3: {  	v7 =	vperm.xlane v7, v3  }
0x8f4: {  	s1 =	simm.s32 $0x0  }
0x8f5: {  	s0 =	simm.s32 $0x60;
	v7 =	vadd.s32 s1, v7  }
0x8f6: {  	v5 =	vld [tilespmem:s0+$0x18000];
	(v2sf) =	vpush v7, $0x0;
	_ =	sdelay $0x4  }
0x8f7: {  	v5 =	vperm.xlane v5, v3;
	_ =	sdelay $0x1  }
0x8f8: {  	(xrf0) =	vadd.scan.msk.s32 $0xffff, v5  }
0x8f9: {  	s28 =	ssub.s32 s30, s31  }
0x8fa: {  	v5 =	vmov s28  }
0x8fb: {  	vm0 =	vge.s32 v7, v5  }
0x8fc: {  	v8 =	vmpcnt.ones.xlane vm0;
	_ =	sdelay $0x1  }
0x8fd: {  	s1 =	simm.s32 $0x140;
	[tilespmem:s3+$0x18180] =	vst v7;
	s3 =	simm.s32 $0x100;
	v6 =	vadd.s32 v6, v8;
	v7, _, _ =	vpop (xrf0)  }
.LBB2_239:
0x8fe: {  	p2 =	sne.s32 s3, $0x0;
	v7 =	vperm.xlane v7, v3  }
0x8ff: {  	s4 =	spop (v2sf)  }
0x900: {  	s5 =	sshra.s32 s1, $0x2;
	s1 =	smov.u32 s3;
	v7 =	vadd.s32 s4, v7  }
0x901: {  	v8 =	vld [tilespmem:s5+$0x18000];
	[tilespmem:s0+$0x18180] =	vst v7;
	vm0 =	vge.s32 v7, v5;
	(v2sf) =	vpush v7, $0x0;
	s0 =	smov.u32 s5  }
0x902: {  	v7 =	vmpcnt.ones.xlane vm0;
	_ =	sdelay $0x1  }
0x903: {  	v6 =	vadd.s32 v6, v7;
	_ =	sdelay $0x1  }
0x904: {  	v7 =	vperm.xlane v8, v3;
	_ =	sdelay $0x1  }
0x905: {  	(xrf0) =	vadd.scan.msk.s32 $0xffff, v7;
	_ =	sdelay $0x1  }
.Ltmp131:
0x906: {  	(pc) =	sbr.rel @p2 .LBB2_239-.Ltmp131, $2  }
0x907: {  	_ =	sdelay $0x2  }
0x908: {  	s3 =	sadd.s32 $0xFFFFFFC0, s3;
	v7, _, _ =	vpop (xrf0)  }
0x909: {  	v7 =	vperm.xlane v7, v3  }
0x90a: {  	s3 =	spop (v2sf)  }
0x90b: {  	s1 =	sshra.s32 s1, $0x2;
	v7 =	vadd.s32 s3, v7  }
0x90c: {  	v8 =	vld [tilespmem:s1+$0x18000];
	(v2sf) =	vpush v7, $0x0;
	_ =	sdelay $0x4  }
0x90d: {  	v8 =	vperm.xlane v8, v3;
	_ =	sdelay $0x1  }
0x90e: {  	(xrf0) =	vadd.scan.msk.s32 $0xffff, v8;
	_ =	sdelay $0x5  }
0x90f: {  	v8, _, _ =	vpop (xrf0)  }
0x910: {  	v8 =	vperm.xlane v8, v3  }
0x911: {  	s4 =	spop (v2sf)  }
0x912: {  	vm0 =	vge.s32 v7, v5;
	v8 =	vadd.s32 s4, v8  }
0x913: {  	v9 =	vmpcnt.ones.xlane vm0;
	vm15 =	vge.s32 v8, v5  }
0x914: {  	v5 =	vmpcnt.ones.xlane vm15  }
0x915: {  	v6 =	vadd.s32 v6, v9  }
0x916: {  	v5 =	vadd.s32 v6, v5  }
0x917: {  	v6 =	vbroadcast v5, $0x0;
	_ =	sdelay $0x3  }
0x918: {  	[tilespmem:s0+$0x18180] =	vst v7  }
0x919: {  	[tilespmem:s1+$0x18180] =	vst v8  }
0x91a: {  	v6 =	vld.idx.msk [tilespmem:v6+s17+$0x0], $0xffff  }
0x91b: {  	(v2sf) =	vpush v8, $0x0  }
0x91c: {  	(v2sf) =	vpush v5, $0x0;
	_ =	sdelay $0x2  }
0x91d: {  	(v2sf) =	vpush v6, $0x0;
	_ =	sdelay $0xa  }
.Ltmp132:
0x91e: {  	s5 =	spop (v2sf);
	(pc) =	sbr.rel @p0 .LBB2_241-.Ltmp132, $4  }
0x91f: {  	s31 =	sshll.u32 s29, $0x7;
	s0 =	spop (v2sf)  }
0x920: {  	s0 =	sadd.s32 s0, s31  }
0x921: {  	s29 =	sadd.s32 $0xFFFFFFFF, s0  }
0x922: {  	v5 =	vmov s29;
	s30 =	spop (v2sf)  }
0x923: {  	p2 =	sgt.s32 s24, $0x2  }
.Ltmp133:
0x924: {  	_ = 	snop;
	(pc) =	sbr.rel @!p2 .LBB2_257-.Ltmp133, $4  }
0x925: {  	_ = 	snop  }
0x926: {  	s3 =	simm.s32 $0x10010  }
0x927: {  	v8 =	vld [tilespmem:s3+$0xFFFFFFF0]  }
0x928: {  	s1 =	simm.s32 $0x0;
	v6 =	vimm.s32 $0x7FFFFFFF;
	s0 =	simm.s32 $0x2;
	p0 =	por $0x0, $0x0;
	v7 =	vld [tilespmem:s3+$0x0]  }
0x929: {  	_ =	sdelay $0x1  }
0x92a: {  	p2 =	sgt.s32 s24, $0x4  }
.Ltmp134:
0x92b: {  	vm0 =	vgt.s32 v4, s1;
	vm1 =	vgt.s32 v8, v5;
	vm2 =	vlt.s32 v6, v8;
	(pc) =	sbr.rel @!p2 .LBB2_259-.Ltmp134, $4  }
0x92c: {  	s1 =	simm.s32 $0x10030;
	vm0 =	vmand vm0, vm1;
	v8 =	vsel vm2, v6, v8  }
0x92d: {  	s3 =	simm.s32 $0x1;
	v9 =	vsel vm0, v8, v6;
	v8 =	vld [tilespmem:s1+$0xFFFFFFF0]  }
0x92e: {  	vm1 =	vgt.s32 v7, v5;
	vm0 =	vgt.s32 v4, s3;
	vm2 =	vlt.s32 v9, v7  }
0x92f: {  	p0 =	por $0x1, $0x1;
	v10 =	vld [tilespmem:s1+$0x0];
	s3 =	simm.s32 $0x4;
	vm0 =	vmand vm0, vm1;
	v11 =	vsel vm2, v9, v7  }
.LBB2_260:
0x930: {  	s4 =	smov.u32 s3;
	s3 =	sadd.s32 $0x2, s3  }
0x931: {  	v7 =	vsel vm0, v11, v9;
	p2 =	slt.s32 s3, s24  }
.Ltmp135:
0x932: {  	vm0 =	vgt.s32 v4, s0;
	s1 =	sadd.s32 $0x20, s1;
	vm1 =	vgt.s32 v8, v5;
	vm2 =	vlt.s32 v7, v8;
	(pc) =	sbr.rel @p2 .LBB2_260-.Ltmp135, $4  }
0x933: {  	vm0 =	vmand vm0, vm1;
	v9 =	vsel vm2, v7, v8;
	v8 =	vld [tilespmem:s1+$0xFFFFFFF0]  }
0x934: {  	s5 =	sadd.s32 $0x1, s0;
	s0 =	smov.u32 s4;
	v9 =	vsel vm0, v9, v7  }
0x935: {  	vm0 =	vgt.s32 v4, s5;
	vm1 =	vgt.s32 v10, v5;
	vm2 =	vlt.s32 v9, v10  }
0x936: {  	vm0 =	vmand vm0, vm1;
	v11 =	vsel vm2, v9, v10;
	v10 =	vld [tilespmem:s1+$0x0]  }
0x937: {  	_ =	sdelay $0x3  }
0x938: {  	s1 =	smov.u32 s0;
	v7 =	vmov v10  }
.LBB2_262:
0x939: {  	v9 =	vsel @p0 vm0, v11, v9  }
0x93a: {  	v6 =	vpsel p0, v9, v6  }
0x93b: {  	vm12 =	vgt.s32 v4, s1;
	vm1 =	vgt.s32 v8, v5;
	vm2 =	vlt.s32 v6, v8  }
.Ltmp136:
0x93c: {  	vm0 =	vmand vm12, vm1;
	v8 =	vsel vm2, v6, v8;
	(pc) =	sbr.rel .LBB2_242-.Ltmp136, $4  }
0x93d: {  	s0 =	sadd.s32 $0x1, s1;
	v6 =	vsel vm0, v8, v6  }
0x93e: {  	vm14 =	vgt.s32 v7, v5;
	vm13 =	vgt.s32 v4, s0;
	vm15 =	vlt.s32 v6, v7  }
0x93f: {  	vm0 =	vmand vm13, vm14;
	v7 =	vsel vm15, v6, v7  }
0x940: {  	v6 =	vsel vm0, v7, v6  }
.LBB2_241:
0x941: {  	v6 =	vimm.s32 $0x7FFFFFFF  }
.LBB2_242:
.Ltmp137:
0x942: {  	(pc) =	sbr.rel @p1 .LBB2_245-.Ltmp137, $1  }
0x943: {  	_ =	sdelay $0x3  }
0x944: {  	s0 =	sshra.s32 s26, $0x2  }
0x945: {  	v7 =	vbroadcast v5, $0x0;
	s0 =	sadd.s32 $0x10000, s0  }
.LBB2_244:
0x946: {  	v8 =	vld [tilespmem:s0+$0x0];
	_ =	sdelay $0x2  }
0x947: {  	s1 =	sadd.s32 s25, s23;
	s25 =	sadd.s32 $0x1, s25  }
0x948: {  	p0 =	seq.s32 s25, $0x0  }
.Ltmp138:
0x949: {  	vm0 =	vgt.s32 v4, s1;
	vm1 =	vgt.s32 v8, v7;
	(pc) =	sbr.rel @!p0 .LBB2_244-.Ltmp138, $4  }
0x94a: {  	vm0 =	vmand vm0, vm1  }
0x94b: {  	v8 =	vnsel vm0, $0x7FFFFFFF, v8  }
0x94c: {  	vm0 =	vlt.s32 v6, v8  }
0x94d: {  	s0 =	sadd.s32 $0x10, s0;
	v6 =	vsel vm0, v6, v8  }
.LBB2_245:
0x94e: {  	v4 =	vxor.u32 $0x80000000, v6  }
0x94f: {  	(xrf0) =	vmin.scan.msk.u32 $0xffff, v4;
	_ =	sdelay $0x5  }
0x950: {  	v4, _, _ =	vpop (xrf0)  }
0x951: {  	(v2sf) =	vpush v4, $0xF;
	_ =	sdelay $0xe  }
0x952: {  	s0 =	ssub.s32 s28, s30;
	s1 =	spop (v2sf)  }
0x953: {  	p0 =	seq.s32 s0, $0x1;
	s0 =	sxor.u32 $0x80000000, s1  }
0x954: {  	s29 =	smov.u32 @p0 s0  }
0x955: {  	s23 =	simm.s32 $0x8040;
	v4 =	vmov s29  }
0x956: {  	v12 =	vld [tilespmem:s23+$0x30];
	v4 =	vsub.f32 v4, v5  }
0x957: {  	v8 =	vld [tilespmem:s23+$0xFFFFFFD0]  }
0x958: {  	v10 =	vld [tilespmem:s23+$0xFFFFFFE0];
	v4 =	vmul.f32 $7.812500000e-03, v4;
	_ =	sdelay $0x1  }
0x959: {  	v7 =	vld [tilespmem:s23+$0x0];
	v4 =	vadd.f32 v5, v4  }
0x95a: {  	v5 =	vld [tilespmem:s23+$0xFFFFFFF0]  }
0x95b: {  	v6 =	vld [tilespmem:s23+$0x10];
	v11 =	vand.u32 $0x7FFFFFFF, v12;
	v4 =	vbroadcast v4, $0x0  }
0x95c: {  	v13 =	vand.u32 $0x7FFFFFFF, v8;
	v9 =	vand.u32 $0x80000000, v8;
	v8 =	vld [tilespmem:s23+$0x20];
	v15 =	vand.u32 $0x7FFFFFFF, v10  }
0x95d: {  	v10 =	vand.u32 $0x80000000, v10;
	v12 =	vand.u32 $0x80000000, v12;
	v14 =	vsub.f32 v11, v4;
	v11 =	vld [tilespmem:s23+$0xFFFFFFC0]  }
0x95e: {  	v13 =	vsub.f32 v13, v4;
	v17 =	vsub.f32 v15, v4;
	v15 =	vand.u32 $0x7FFFFFFF, v7  }
0x95f: {  	v16 =	vand.u32 $0x7FFFFFFF, v5;
	v19 =	vsub.f32 v15, v4;
	v14 =	vmax.f32 v14, $0.0e+00  }
0x960: {  	v16 =	vsub.f32 v16, v4;
	v18 =	vor.u32 v14, v12;
	v14 =	vand.u32 $0x7FFFFFFF, v6  }
0x961: {  	v12 =	vmax.f32 v13, $0.0e+00;
	v13 =	vand.u32 $0x7FFFFFFF, v8;
	v15 =	vsub.f32 v14, v4  }
0x962: {  	v14 =	vmax.f32 v17, $0.0e+00;
	v17 =	vsub.f32 v13, v4;
	v20 =	vand.u32 $0x7FFFFFFF, v11  }
0x963: {  	s24 =	simm.s32 $0x0;
	s25 =	simm.s32 $0x80C0;
	[tilespmem:s23+$0x30] =	vst v18;
	v16 =	vmax.f32 v16, $0.0e+00;
	v13 =	vmax.f32 v19, $0.0e+00;
	v18 =	vsub.f32 v20, v4  }
.LBB2_246:
0x964: {  	v19 =	vld [tilespmem:s25+$0x30];
	s24 =	sadd.s32 $0x8, s24;
	v11 =	vand.u32 $0x80000000, v11;
	v15 =	vmax.f32 v15, $0.0e+00;
	v17 =	vmax.f32 v17, $0.0e+00  }
0x965: {  	v21 =	vand.u32 $0x80000000, v5;
	v22 =	vand.u32 $0x80000000, v7;
	v20 =	vld [tilespmem:s25+$0xFFFFFFD0];
	p0 =	slt.u32 s24, $0x7F8;
	v18 =	vmax.f32 v18, $0.0e+00  }
0x966: {  	v6 =	vand.u32 $0x80000000, v6;
	v8 =	vand.u32 $0x80000000, v8;
	v23 =	vld [tilespmem:s25+$0xFFFFFFE0];
	v7 =	vor.u32 v18, v11  }
0x967: {  	v9 =	vor.u32 v12, v9;
	v10 =	vor.u32 v14, v10;
	v11 =	vor.u32 v16, v21;
	v5 =	vld [tilespmem:s25+$0xFFFFFFF0];
	[tilespmem:s23+$0xFFFFFFC0] =	vst v7  }
0x968: {  	v12 =	vor.u32 v13, v22;
	v13 =	vor.u32 v15, v6;
	v14 =	vor.u32 v17, v8;
	v7 =	vld [tilespmem:s25+$0x0];
	[tilespmem:s23+$0xFFFFFFD0] =	vst v9  }
0x969: {  	v6 =	vld [tilespmem:s25+$0x10];
	v15 =	vand.u32 $0x7FFFFFFF, v19;
	[tilespmem:s23+$0xFFFFFFE0] =	vst v10  }
0x96a: {  	v10 =	vand.u32 $0x7FFFFFFF, v20;
	v9 =	vand.u32 $0x80000000, v20;
	v8 =	vld [tilespmem:s25+$0x20];
	v15 =	vsub.f32 v15, v4;
	[tilespmem:s23+$0xFFFFFFF0] =	vst v11  }
0x96b: {  	v11 =	vld [tilespmem:s25+$0xFFFFFFC0];
	v16 =	vsub.f32 v10, v4;
	v17 =	vand.u32 $0x7FFFFFFF, v23;
	v10 =	vand.u32 $0x80000000, v23;
	[tilespmem:s23+$0x0] =	vst v12  }
0x96c: {  	v18 =	vand.u32 $0x80000000, v19;
	v12 =	vand.u32 $0x7FFFFFFF, v5;
	v15 =	vmax.f32 v15, $0.0e+00;
	[tilespmem:s23+$0x10] =	vst v13  }
.Ltmp139:
0x96d: {  	v13 =	vsub.f32 v17, v4;
	v17 =	vand.u32 $0x7FFFFFFF, v7;
	v15 =	vor.u32 v15, v18;
	[tilespmem:s23+$0x20] =	vst v14;
	s23 =	smov.u32 s25;
	(pc) =	sbr.rel @p0 .LBB2_246-.Ltmp139, $4  }
0x96e: {  	v19 =	vsub.f32 v12, v4;
	v20 =	vsub.f32 v17, v4;
	v14 =	vand.u32 $0x7FFFFFFF, v6;
	[tilespmem:s25+$0x30] =	vst v15  }
0x96f: {  	v12 =	vmax.f32 v16, $0.0e+00;
	v15 =	vsub.f32 v14, v4;
	v16 =	vand.u32 $0x7FFFFFFF, v8  }
0x970: {  	v14 =	vmax.f32 v13, $0.0e+00;
	v18 =	vand.u32 $0x7FFFFFFF, v11;
	v17 =	vsub.f32 v16, v4  }
0x971: {  	s25 =	sadd.s32 $0x80, s25;
	v16 =	vmax.f32 v19, $0.0e+00;
	v13 =	vmax.f32 v20, $0.0e+00;
	v18 =	vsub.f32 v18, v4  }
0x972: {  	v5 =	vand.u32 $0x80000000, v5;
	v62 =	vor.u32 v14, v10  }
0x973: {  	v4 =	vand.u32 $0x80000000, v11;
	v61 =	vmax.f32 v18, $0.0e+00;
	v5 =	vor.u32 v16, v5;
	[tilespmem:s23+$0xFFFFFFE0] =	vst v62  }
0x974: {  	v4 =	vor.u32 v61, v4;
	[tilespmem:s23+$0xFFFFFFF0] =	vst v5  }
0x975: {  	v63 =	vmax.f32 v15, $0.0e+00;
	v6 =	vand.u32 $0x80000000, v6;
	[tilespmem:s23+$0xFFFFFFC0] =	vst v4;
	v4 =	vor.u32 v12, v9  }
0x976: {  	v6 =	vor.u32 v63, v6;
	[tilespmem:s23+$0xFFFFFFD0] =	vst v4;
	v4 =	vand.u32 $0x80000000, v7  }
0x977: {  	v8 =	vand.u32 $0x80000000, v8;
	v5 =	vmax.f32 v17, $0.0e+00;
	[tilespmem:s23+$0x10] =	vst v6;
	v4 =	vor.u32 v13, v4  }
0x978: {  	[tilespmem:s23+$0x0] =	vst v4;
	v4 =	vor.u32 v5, v8  }
0x979: {  	s22 =	sadd.s32 $0x1, s22;
	[tilespmem:s23+$0x20] =	vst v4  }
0x97a: {  	[hbm4b:s10+s12] =	stream.strided.scatter [tilespmem:s14], [sflag:$0x4], $0x8000, s13, s12, $0x38;
	[tilespmem:$0x18300] =	vst v63  }
0x97b: {  	p0 =	sne.s32 s22, s11;
	_ =	swait.ge [sflag:s19], $0x8000  }
.Ltmp140:
0x97c: {  	[sflag:s19] =	ssyncset.done $0x0;
	(pc) =	sbr.rel @p0 .LBB2_1-.Ltmp140, $4  }
.Ltmp141:
0x97d: {  	[sflag:s19] =	ssyncadd.s32 $0xFFFF8000;
	(pc) =	sbr.rel @!p0 .LBB2_248-.Ltmp141, $4  }
0x97e: {  	_ =	swait.ge [sflag:s21], $0x8000  }
0x97f: {  	[sflag:s21] =	ssyncset.done $0x0  }
0x980: {  	[sflag:s21] =	ssyncadd.s32 $0xFFFF8000  }
0x981: {  	_ = 	snop  }
.LBB2_9:
.Ltmp142:
0x982: {  	(pc) =	sbr.rel .LBB2_24-.Ltmp142, $2  }
0x983: {  	_ =	sdelay $0x2  }
0x984: {  	s1 =	simm.s32 $0x0;
	v9 =	vmov v11  }
.LBB2_17:
.Ltmp143:
0x985: {  	(pc) =	sbr.rel .LBB2_39-.Ltmp143, $2  }
0x986: {  	_ =	sdelay $0x2  }
0x987: {  	s1 =	simm.s32 $0x0;
	v9 =	vmov v11  }
.LBB2_32:
.Ltmp144:
0x988: {  	(pc) =	sbr.rel .LBB2_67-.Ltmp144, $2  }
0x989: {  	_ =	sdelay $0x2  }
0x98a: {  	s1 =	simm.s32 $0x0;
	v7 =	vmov v10  }
.LBB2_69:
.Ltmp145:
0x98b: {  	(pc) =	sbr.rel .LBB2_74-.Ltmp145, $2  }
0x98c: {  	_ =	sdelay $0x2  }
0x98d: {  	_ = 	snop  }
.LBB2_60:
.Ltmp146:
0x98e: {  	(pc) =	sbr.rel .LBB2_89-.Ltmp146, $2  }
0x98f: {  	_ =	sdelay $0x2  }
0x990: {  	s1 =	simm.s32 $0x0;
	v9 =	vmov v11  }
.LBB2_82:
.Ltmp147:
0x991: {  	(pc) =	sbr.rel .LBB2_104-.Ltmp147, $2  }
0x992: {  	_ =	sdelay $0x2  }
0x993: {  	s1 =	simm.s32 $0x0;
	v9 =	vmov v11  }
.LBB2_97:
.Ltmp148:
0x994: {  	(pc) =	sbr.rel .LBB2_132-.Ltmp148, $2  }
0x995: {  	_ =	sdelay $0x2  }
0x996: {  	s1 =	simm.s32 $0x0;
	v7 =	vmov v10  }
.LBB2_134:
.Ltmp149:
0x997: {  	(pc) =	sbr.rel .LBB2_139-.Ltmp149, $2  }
0x998: {  	_ =	sdelay $0x2  }
0x999: {  	_ = 	snop  }
.LBB2_125:
.Ltmp150:
0x99a: {  	(pc) =	sbr.rel .LBB2_154-.Ltmp150, $2  }
0x99b: {  	_ =	sdelay $0x2  }
0x99c: {  	s1 =	simm.s32 $0x0;
	v9 =	vmov v11  }
.LBB2_147:
.Ltmp151:
0x99d: {  	(pc) =	sbr.rel .LBB2_169-.Ltmp151, $2  }
0x99e: {  	_ =	sdelay $0x2  }
0x99f: {  	s1 =	simm.s32 $0x0;
	v9 =	vmov v11  }
.LBB2_162:
.Ltmp152:
0x9a0: {  	(pc) =	sbr.rel .LBB2_197-.Ltmp152, $2  }
0x9a1: {  	_ =	sdelay $0x2  }
0x9a2: {  	s1 =	simm.s32 $0x0;
	v7 =	vmov v10  }
.LBB2_199:
.Ltmp153:
0x9a3: {  	(pc) =	sbr.rel .LBB2_204-.Ltmp153, $2  }
0x9a4: {  	_ =	sdelay $0x2  }
0x9a5: {  	_ = 	snop  }
.LBB2_190:
.Ltmp154:
0x9a6: {  	(pc) =	sbr.rel .LBB2_219-.Ltmp154, $2  }
0x9a7: {  	_ =	sdelay $0x2  }
0x9a8: {  	s1 =	simm.s32 $0x0;
	v9 =	vmov v11  }
.LBB2_212:
.Ltmp155:
0x9a9: {  	(pc) =	sbr.rel .LBB2_234-.Ltmp155, $2  }
0x9aa: {  	_ =	sdelay $0x2  }
0x9ab: {  	s1 =	simm.s32 $0x0;
	v9 =	vmov v11  }
.LBB2_227:
.Ltmp156:
0x9ac: {  	(pc) =	sbr.rel .LBB2_255-.Ltmp156, $2  }
0x9ad: {  	_ =	sdelay $0x2  }
0x9ae: {  	s1 =	simm.s32 $0x0;
	v7 =	vmov v10  }
.LBB2_257:
.Ltmp157:
0x9af: {  	(pc) =	sbr.rel .LBB2_262-.Ltmp157, $2  }
0x9b0: {  	_ =	sdelay $0x2  }
0x9b1: {  	_ = 	snop  }
.LBB2_19:
.Ltmp158:
0x9b2: {  	(pc) =	sbr.rel .LBB2_24-.Ltmp158, $2  }
0x9b3: {  	_ =	sdelay $0x2  }
0x9b4: {  	_ = 	snop  }
.LBB2_34:
.Ltmp159:
0x9b5: {  	(pc) =	sbr.rel .LBB2_39-.Ltmp159, $2  }
0x9b6: {  	_ =	sdelay $0x2  }
0x9b7: {  	_ = 	snop  }
.LBB2_62:
.Ltmp160:
0x9b8: {  	(pc) =	sbr.rel .LBB2_67-.Ltmp160, $2  }
0x9b9: {  	_ =	sdelay $0x2  }
0x9ba: {  	_ = 	snop  }
.LBB2_71:
.Ltmp161:
0x9bb: {  	_ = 	snop;
	(pc) =	sbr.rel .LBB2_74-.Ltmp161, $2  }
0x9bc: {  	_ =	sdelay $0x2  }
0x9bd: {  	s1 =	simm.s32 $0x2;
	v7 =	vmov v10  }
.LBB2_84:
.Ltmp162:
0x9be: {  	(pc) =	sbr.rel .LBB2_89-.Ltmp162, $2  }
0x9bf: {  	_ =	sdelay $0x2  }
0x9c0: {  	_ = 	snop  }
.LBB2_99:
.Ltmp163:
0x9c1: {  	(pc) =	sbr.rel .LBB2_104-.Ltmp163, $2  }
0x9c2: {  	_ =	sdelay $0x2  }
0x9c3: {  	_ = 	snop  }
.LBB2_127:
.Ltmp164:
0x9c4: {  	(pc) =	sbr.rel .LBB2_132-.Ltmp164, $2  }
0x9c5: {  	_ =	sdelay $0x2  }
0x9c6: {  	_ = 	snop  }
.LBB2_136:
.Ltmp165:
0x9c7: {  	_ = 	snop;
	(pc) =	sbr.rel .LBB2_139-.Ltmp165, $2  }
0x9c8: {  	_ =	sdelay $0x2  }
0x9c9: {  	s1 =	simm.s32 $0x2;
	v7 =	vmov v10  }
.LBB2_149:
.Ltmp166:
0x9ca: {  	(pc) =	sbr.rel .LBB2_154-.Ltmp166, $2  }
0x9cb: {  	_ =	sdelay $0x2  }
0x9cc: {  	_ = 	snop  }
.LBB2_164:
.Ltmp167:
0x9cd: {  	(pc) =	sbr.rel .LBB2_169-.Ltmp167, $2  }
0x9ce: {  	_ =	sdelay $0x2  }
0x9cf: {  	_ = 	snop  }
.LBB2_192:
.Ltmp168:
0x9d0: {  	(pc) =	sbr.rel .LBB2_197-.Ltmp168, $2  }
0x9d1: {  	_ =	sdelay $0x2  }
0x9d2: {  	_ = 	snop  }
.LBB2_201:
.Ltmp169:
0x9d3: {  	_ = 	snop;
	(pc) =	sbr.rel .LBB2_204-.Ltmp169, $2  }
0x9d4: {  	_ =	sdelay $0x2  }
0x9d5: {  	s1 =	simm.s32 $0x2;
	v7 =	vmov v10  }
.LBB2_214:
.Ltmp170:
0x9d6: {  	(pc) =	sbr.rel .LBB2_219-.Ltmp170, $2  }
0x9d7: {  	_ =	sdelay $0x2  }
0x9d8: {  	_ = 	snop  }
.LBB2_229:
.Ltmp171:
0x9d9: {  	(pc) =	sbr.rel .LBB2_234-.Ltmp171, $2  }
0x9da: {  	_ =	sdelay $0x2  }
0x9db: {  	_ = 	snop  }
.LBB2_250:
.Ltmp172:
0x9dc: {  	(pc) =	sbr.rel .LBB2_255-.Ltmp172, $2  }
0x9dd: {  	_ =	sdelay $0x2  }
0x9de: {  	_ = 	snop  }
.LBB2_259:
.Ltmp173:
0x9df: {  	_ = 	snop;
	(pc) =	sbr.rel .LBB2_262-.Ltmp173, $2  }
0x9e0: {  	_ =	sdelay $0x2  }
0x9e1: {  	s1 =	simm.s32 $0x2;
	v7 =	vmov v10  }
.LBB2_21:
.Ltmp174:
0x9e2: {  	(pc) =	sbr.rel .LBB2_24-.Ltmp174, $2  }
0x9e3: {  	_ =	sdelay $0x2  }
0x9e4: {  	s1 =	simm.s32 $0x4;
	vm1 =	vmmov vm3;
	v10 =	vmov v12;
	v9 =	vmov v11  }
.LBB2_36:
.Ltmp175:
0x9e5: {  	(pc) =	sbr.rel .LBB2_39-.Ltmp175, $2  }
0x9e6: {  	_ =	sdelay $0x2  }
0x9e7: {  	s1 =	simm.s32 $0x4;
	vm1 =	vmmov vm3;
	v10 =	vmov v12;
	v9 =	vmov v11  }
.LBB2_64:
.Ltmp176:
0x9e8: {  	(pc) =	sbr.rel .LBB2_67-.Ltmp176, $2  }
0x9e9: {  	_ =	sdelay $0x2  }
0x9ea: {  	v10 =	vmovc v7;
	s1 =	simm.s32 $0x4;
	vm1 =	vmmov vm4;
	v9 =	vmov v11;
	v7 =	vmov v12  }
.LBB2_86:
.Ltmp177:
0x9eb: {  	(pc) =	sbr.rel .LBB2_89-.Ltmp177, $2  }
0x9ec: {  	_ =	sdelay $0x2  }
0x9ed: {  	s1 =	simm.s32 $0x4;
	vm1 =	vmmov vm3;
	v10 =	vmov v12;
	v9 =	vmov v11  }
.LBB2_101:
.Ltmp178:
0x9ee: {  	(pc) =	sbr.rel .LBB2_104-.Ltmp178, $2  }
0x9ef: {  	_ =	sdelay $0x2  }
0x9f0: {  	s1 =	simm.s32 $0x4;
	vm1 =	vmmov vm3;
	v10 =	vmov v12;
	v9 =	vmov v11  }
.LBB2_129:
.Ltmp179:
0x9f1: {  	(pc) =	sbr.rel .LBB2_132-.Ltmp179, $2  }
0x9f2: {  	_ =	sdelay $0x2  }
0x9f3: {  	v10 =	vmovc v7;
	s1 =	simm.s32 $0x4;
	vm1 =	vmmov vm4;
	v9 =	vmov v11;
	v7 =	vmov v12  }
.LBB2_151:
.Ltmp180:
0x9f4: {  	(pc) =	sbr.rel .LBB2_154-.Ltmp180, $2  }
0x9f5: {  	_ =	sdelay $0x2  }
0x9f6: {  	s1 =	simm.s32 $0x4;
	vm1 =	vmmov vm3;
	v10 =	vmov v12;
	v9 =	vmov v11  }
.LBB2_166:
.Ltmp181:
0x9f7: {  	(pc) =	sbr.rel .LBB2_169-.Ltmp181, $2  }
0x9f8: {  	_ =	sdelay $0x2  }
0x9f9: {  	s1 =	simm.s32 $0x4;
	vm1 =	vmmov vm3;
	v10 =	vmov v12;
	v9 =	vmov v11  }
.LBB2_194:
.Ltmp182:
0x9fa: {  	(pc) =	sbr.rel .LBB2_197-.Ltmp182, $2  }
0x9fb: {  	_ =	sdelay $0x2  }
0x9fc: {  	v10 =	vmovc v7;
	s1 =	simm.s32 $0x4;
	vm1 =	vmmov vm4;
	v9 =	vmov v11;
	v7 =	vmov v12  }
.LBB2_216:
.Ltmp183:
0x9fd: {  	(pc) =	sbr.rel .LBB2_219-.Ltmp183, $2  }
0x9fe: {  	_ =	sdelay $0x2  }
0x9ff: {  	s1 =	simm.s32 $0x4;
	vm1 =	vmmov vm3;
	v10 =	vmov v12;
	v9 =	vmov v11  }
.LBB2_231:
.Ltmp184:
0xa00: {  	(pc) =	sbr.rel .LBB2_234-.Ltmp184, $2  }
0xa01: {  	_ =	sdelay $0x2  }
0xa02: {  	s1 =	simm.s32 $0x4;
	vm1 =	vmmov vm3;
	v10 =	vmov v12;
	v9 =	vmov v11  }
.LBB2_252:
.Ltmp185:
0xa03: {  	(pc) =	sbr.rel .LBB2_255-.Ltmp185, $2  }
0xa04: {  	_ =	sdelay $0x2  }
0xa05: {  	v10 =	vmovc v7;
	s1 =	simm.s32 $0x4;
	vm1 =	vmmov vm4;
	v9 =	vmov v11;
	v7 =	vmov v12  }
.LBB2_248:
0xa06: {  	_ =	sfence.sel $0x180000  }
0xa07: {  	[bflag:$0x0] =	sbarrier.arrive $0xFFFF  }
0xa08: {  	_ =	strace $0x90000047  }
0xa09: {  	s0 =	stileid.u32;
	[bflag:$0x2] =	sbarrier.arrive $0xFFFF  }
0xa0a: {  	p0 =	sne.s32 s0, $0x0;
	s0 =	rddreg [dreg:$0x2]  }
0xa0b: {  	s0 =	sadd.s32 @!p0 $0x100000, s0  }
0xa0c: {  	[sflag:s0] =	ssyncadd.tile.s32 @!p0 $0x1;
	_ =	shalt  }
.Lfunc_end2:
_tile_overlayer_lowered:
.L_overlay_start_2:
0xa0d: {  	(tag) =	ssettag $0x2  }
0xa0e: {  	s0 =	rddreg [dreg:$0x0];
	s2 =	stileid.u32  }
0xa0f: {  	s1 =	rddreg [dreg:$0x1];
	p0 =	sne.s32 s2, $0x0  }
0xa10: {  	s3 =	rddreg [dreg:$0x2];
	[bflag:$0x3] =	sbarrier.arrive $0xFFFF;
	s2 =	simm.s32 @!p0 $0x1C05  }
0xa11: {  	[timem:s3], [sflag:s2] =	dma.local @!p0 [hbm:s0], s1  }
0xa12: {  	s0 =	simm.s32 @!p0 $0x5  }
0xa13: {  	_ =	swait.ge @!p0 [sflag:s0], s1  }
0xa14: {  	s1 =	ssub.s32 @!p0 $0x0, s1;
	[sflag:s0] =	ssyncset.done @!p0 $0x0  }
0xa15: {  	[sflag:s0] =	ssyncadd.s32 @!p0 s1  }
0xa16: {  	[bflag:$0x3] =	sbarrier.arrive $0xFFFF  }
0xa17: {  	_ =	shalt  }

</sc_bundles>
